<compile_context>
chip_gen: v7x
topology: tpu7x:2x2x1
jax: 0.10.2.dev20260603
libtpu: 0.0.44.dev20260713+nightly
codegen_flags: <defaults>
</compile_context>

<pallas_src>
import functools

import jax
import jax.numpy as jnp
import numpy as np
from jax.experimental import pallas as pl
from jax.experimental.pallas import tpu as pltpu

N = 10000
NP = 10240
E = 160000
IN_DIM = 256
H = 128
NH = 4
DH = 16
MAXC = 0.15

BM = 1000
NBLK = N // BM
BMA = 400
NQB = N // BMA



def _front_body(x_ref, wp_ref, bp_ref, w1_ref, hw_ref):
    h = jnp.maximum(
        jnp.dot(x_ref[...], wp_ref[...], preferred_element_type=jnp.float32)
        + bp_ref[...], 0.0)
    hw_ref[...] = jnp.dot(h, w1_ref[...], preferred_element_type=jnp.float32)


def _front(x, Wp, bp, W1):
    return pl.pallas_call(
        _front_body,
        grid=(NBLK,),
        in_specs=[
            pl.BlockSpec((BM, IN_DIM), lambda i: (i, 0)),
            pl.BlockSpec((IN_DIM, H), lambda i: (0, 0)),
            pl.BlockSpec((1, H), lambda i: (0, 0)),
            pl.BlockSpec((H, H), lambda i: (0, 0)),
        ],
        out_specs=pl.BlockSpec((BM, H), lambda i: (i, 0)),
        out_shape=jax.ShapeDtypeStruct((N, H), jnp.float32),
    )(x, Wp, bp.reshape(1, H), W1)


def _mm_body(x_ref, w_ref, b_ref, o_ref):
    o_ref[...] = jnp.dot(x_ref[...], w_ref[...],
                         preferred_element_type=jnp.float32) + b_ref[...]


def _matmul(x, W, b):
    din, dout = W.shape
    return pl.pallas_call(
        _mm_body,
        grid=(NBLK,),
        in_specs=[
            pl.BlockSpec((BM, din), lambda i: (i, 0)),
            pl.BlockSpec((din, dout), lambda i: (0, 0)),
            pl.BlockSpec((1, dout), lambda i: (0, 0)),
        ],
        out_specs=pl.BlockSpec((BM, dout), lambda i: (i, 0)),
        out_shape=jax.ShapeDtypeStruct((N, dout), jnp.float32),
    )(x, W, b.reshape(1, dout))


def _attn_body(q_ref, kv_ref, wo_ref, ob_ref, w1_ref, b1_ref, w2_ref, b2_ref,
               y_ref, s_buf):
    d = H // 2
    parts = []
    for h in range(NH):
        q = q_ref[:, h * DH:(h + 1) * DH] * 0.25

        def p1(j, m, h=h, q=q):
            k = kv_ref[pl.ds(j * 512, 512), d + h * DH:d + (h + 1) * DH]
            st = jax.lax.dot_general(k, q, (((1,), (1,)), ((), ())),
                                     preferred_element_type=jnp.float32)
            s_buf[pl.ds(j * 512, 512), :] = st
            return jnp.maximum(m, jnp.max(st, axis=0, keepdims=True))

        m = jax.lax.fori_loop(
            0, 19, p1, jnp.full((1, BMA), -jnp.inf, jnp.float32))
        kt = kv_ref[pl.ds(9728, 272), d + h * DH:d + (h + 1) * DH]
        st = jax.lax.dot_general(kt, q, (((1,), (1,)), ((), ())),
                                 preferred_element_type=jnp.float32)
        s_buf[pl.ds(9728, 272), :] = st
        m = jnp.maximum(m, jnp.max(st, axis=0, keepdims=True))
        s_buf[pl.ds(10000, 240), :] = jnp.zeros((240, BMA), jnp.float32)

        def p2(b, _, m=m):
            rows = pl.ds(b * 128, 128)
            s_buf[rows, :] = jnp.exp(s_buf[rows, :] - m)
            return 0

        jax.lax.fori_loop(0, 78, p2, 0)
        rows = pl.ds(9984, 16)
        s_buf[rows, :] = jnp.exp(s_buf[rows, :] - m)

        acc = [jnp.zeros((128, BMA), jnp.float32) for _ in range(2)]
        for t in range(5):
            ch = jnp.zeros((128, BMA), jnp.float32)
            for u in range(16):
                ch = ch + s_buf[pl.ds((16 * t + u) * 128, 128), :]
            acc[t % 2] = acc[t % 2] + ch
        a = acc[0] + acc[1]
        for dd in (64, 32, 16, 8, 4, 2, 1):
            a = a[:dd, :] + a[dd:2 * dd, :]
        l = a

        def p3a(j, _, l=l):
            rows = pl.ds(j * 512, 512)
            s_buf[rows, :] = s_buf[rows, :] * (1.0 / l)
            return 0

        jax.lax.fori_loop(0, 20, p3a, 0)

        def p3b(j, o, h=h):
            aa = s_buf[pl.ds(j * 1024, 1024), :]
            v = kv_ref[pl.ds(j * 1024, 1024),
                       2 * d + h * DH:2 * d + (h + 1) * DH]
            return o + jax.lax.dot_general(aa, v, (((0,), (0,)), ((), ())),
                                           preferred_element_type=jnp.float32)

        o = jax.lax.fori_loop(0, 10, p3b, jnp.zeros((BMA, DH), jnp.float32))
        parts.append(o)

    att = jnp.concatenate(parts, axis=1)
    o2 = jnp.dot(att, wo_ref[...], preferred_element_type=jnp.float32) \
        + ob_ref[...]
    t = jnp.maximum(
        jnp.dot(o2, w1_ref[...], preferred_element_type=jnp.float32)
        + b1_ref[...], 0.0)
    y_ref[...] = jnp.dot(t, w2_ref[...], preferred_element_type=jnp.float32) \
        + b2_ref[0, 0]


def _attention(qkv, qkv_pad, WoT, ob, Wh1, bh1, Wh2, bh2):
    d = H // 2
    return pl.pallas_call(
        _attn_body,
        grid=(NQB,),
        in_specs=[
            pl.BlockSpec((BMA, 3 * d), lambda i: (i, 0)),
            pl.BlockSpec((NP, 3 * d), lambda i: (0, 0)),
            pl.BlockSpec((d, d), lambda i: (0, 0)),
            pl.BlockSpec((1, d), lambda i: (0, 0)),
            pl.BlockSpec((d, H // 4), lambda i: (0, 0)),
            pl.BlockSpec((1, H // 4), lambda i: (0, 0)),
            pl.BlockSpec((H // 4, 1), lambda i: (0, 0)),
            pl.BlockSpec((1, 1), lambda i: (0, 0)),
        ],
        out_specs=pl.BlockSpec((BMA, 1), lambda i: (i, 0)),
        out_shape=jax.ShapeDtypeStruct((N, 1), jnp.float32),
        scratch_shapes=[pltpu.VMEM((NP, BMA), jnp.float32)],
    )(qkv, qkv_pad, WoT, ob.reshape(1, d), Wh1, bh1.reshape(1, H // 4), Wh2,
      bh2.reshape(1, 1))



def _gcn_agg(hw, b, src, dst, dinv, norm_e):
    s = jnp.concatenate([src, jnp.arange(N, dtype=src.dtype)])
    dd = jnp.concatenate([dst, jnp.arange(N, dtype=src.dtype)])
    out = jnp.zeros_like(hw).at[dd].add(hw[s] * norm_e)
    return out + b


def _bn_relu(x, g, be):
    m = jnp.mean(x, axis=0)
    v = jnp.mean((x - m) ** 2, axis=0)
    return jnp.maximum((x - m) / jnp.sqrt(v + 1e-5) * g + be, 0.0)



def kernel(x, edge_index, idm_baseline, Wp, bp, W1, b1, W2, b2, W3, b3, g1,
           be1, g2, be2, in_w, in_b, out_w, out_b, Wh1, bh1, Wh2, bh2):
    src, dst = edge_index[0], edge_index[1]
    loop = jnp.arange(N, dtype=src.dtype)
    s_all = jnp.concatenate([src, loop])
    d_all = jnp.concatenate([dst, loop])
    deg = jnp.zeros((N,), jnp.float32).at[d_all].add(1.0)
    dinv = jax.lax.rsqrt(jnp.maximum(deg, 1.0))
    norm_e = (dinv[s_all] * dinv[d_all])[:, None]

    hw1 = _front(x, Wp, bp, W1)
    h1 = _bn_relu(_gcn_agg(hw1, b1, src, dst, dinv, norm_e), g1, be1)

    hw2 = _matmul(h1, W2, b2 * 0)
    h2 = _bn_relu(_gcn_agg(hw2, b2, src, dst, dinv, norm_e), g2, be2) + h1

    hw3 = _matmul(h2, W3, b3 * 0)
    h3 = jnp.maximum(_gcn_agg(hw3, b3, src, dst, dinv, norm_e), 0.0)

    qkv = _matmul(h3, in_w.T, in_b)
    qkv_pad = jnp.pad(qkv, ((0, NP - N), (0, 0)))

    y = _attention(qkv, qkv_pad, out_w.T, out_b, Wh1, bh1, Wh2, bh2)

    c = jnp.tanh(y) * MAXC
    c = c - jnp.mean(c)
    base = idm_baseline[:, 0]
    fin = jnp.clip(base + c[:, 0], 0.0, 1.0)
    c = (fin - base)[:, None]
    return c - jnp.mean(c)

# --- scband reference (transcript-rebuilt; emitter-appended) ---
"""Pipeline reference for scband-accessibility-gnncorrector-18597208392408 (READ-ONLY COPY).

The authoritative reference and input builder live on the scoring server;
editing this copy changes nothing except your own understanding.
"""

import jax, jax.numpy as jnp
import numpy as np

N = 10000
E = 160000
IN_DIM = 256
H = 128
NH = 4
MAXC = 0.15


def _gcn(x, W, b, src, dst, n):
    h = x @ W
    loop = jnp.arange(n, dtype=src.dtype)
    s = jnp.concatenate([src, loop])
    d = jnp.concatenate([dst, loop])
    deg = jnp.zeros((n,), h.dtype).at[d].add(1.0)
    dinv = jax.lax.rsqrt(jnp.maximum(deg, 1.0))
    norm = (dinv[s] * dinv[d])[:, None]
    out = jnp.zeros((n, h.shape[1]), h.dtype).at[d].add(h[s] * norm)
    return out + b


def _bn(x, g, b):
    m = jnp.mean(x, axis=0)
    v = jnp.mean((x - m) ** 2, axis=0)
    return (x - m) / jnp.sqrt(v + 1e-5) * g + b


def _mha(x, in_w, in_b, out_w, out_b):
    n, d = x.shape
    qkv = x @ in_w.T + in_b
    q, k, v = jnp.split(qkv, 3, axis=-1)
    dh = d // NH
    q = q.reshape(n, NH, dh).transpose(1, 0, 2)
    k = k.reshape(n, NH, dh).transpose(1, 0, 2)
    v = v.reshape(n, NH, dh).transpose(1, 0, 2)
    a = jax.nn.softmax(jnp.einsum('hnd,hmd->hnm', q, k) / np.sqrt(dh), axis=-1)
    o = jnp.einsum('hnm,hmd->hnd', a, v).transpose(1, 0, 2).reshape(n, d)
    return o @ out_w.T + out_b


def _forward(x, idm, edge_index, Wp, bp, W1, b1, W2, b2, W3, b3, g1, be1, g2, be2, in_w, in_b, out_w, out_b, Wh1, bh1, Wh2, bh2):
    src, dst = edge_index[0], edge_index[1]
    n = x.shape[0]
    h = jax.nn.relu(x @ Wp + bp)
    h1 = jax.nn.relu(_bn(_gcn(h, W1, b1, src, dst, n), g1, be1))
    h2 = jax.nn.relu(_bn(_gcn(h1, W2, b2, src, dst, n), g2, be2)) + h1
    h3 = jax.nn.relu(_gcn(h2, W3, b3, src, dst, n))
    h3 = _mha(h3, in_w, in_b, out_w, out_b)
    c = jax.nn.relu(h3 @ Wh1 + bh1) @ Wh2 + bh2
    c = jnp.tanh(c) * MAXC
    c = c - jnp.mean(c)
    base = idm[:, 0]
    fin = jnp.clip(base + c[:, 0], 0.0, 1.0)
    c = (fin - base)[:, None]
    return c - jnp.mean(c)


def setup_inputs(seed: int = 0):
    key = jax.random.key(seed)
    ks = jax.random.split(key, 16)
    s_in = 1.0 / np.sqrt(IN_DIM)
    s_h = 1.0 / np.sqrt(H)
    s_a = 1.0 / np.sqrt(H // 2)
    inp = {
        'x': jax.random.normal(ks[0], (N, IN_DIM), jnp.float32),
        'edge_index': jax.random.randint(ks[1], (2, E), 0, N, dtype=jnp.int32),
        'idm_baseline': jax.random.uniform(ks[2], (N, 1), jnp.float32),
        'Wp': jax.random.normal(ks[3], (IN_DIM, H), jnp.float32) * s_in,
        'bp': jnp.zeros((H,), jnp.float32),
        'W1': jax.random.normal(ks[4], (H, H), jnp.float32) * s_h,
        'b1': jnp.zeros((H,), jnp.float32),
        'W2': jax.random.normal(ks[5], (H, H), jnp.float32) * s_h,
        'b2': jnp.zeros((H,), jnp.float32),
        'W3': jax.random.normal(ks[6], (H, H // 2), jnp.float32) * s_h,
        'b3': jnp.zeros((H // 2,), jnp.float32),
        'g1': jnp.ones((H,), jnp.float32),
        'be1': jnp.zeros((H,), jnp.float32),
        'g2': jnp.ones((H,), jnp.float32),
        'be2': jnp.zeros((H,), jnp.float32),
        'in_w': jax.random.normal(ks[7], (3 * (H // 2), H // 2), jnp.float32) * s_a,
        'in_b': jnp.zeros((3 * (H // 2),), jnp.float32),
        'out_w': jax.random.normal(ks[8], (H // 2, H // 2), jnp.float32) * s_a,
        'out_b': jnp.zeros((H // 2,), jnp.float32),
        'Wh1': jax.random.normal(ks[9], (H // 2, H // 4), jnp.float32) * s_a,
        'bh1': jnp.zeros((H // 4,), jnp.float32),
        'Wh2': jax.random.normal(ks[10], (H // 4, 1), jnp.float32) * (1.0 / np.sqrt(H // 4)),
        'bh2': jnp.zeros((1,), jnp.float32),
    }
    return inp


def reference(x, edge_index, idm_baseline, Wp, bp, W1, b1, W2, b2, W3, b3, g1, be1, g2, be2, in_w, in_b, out_w, out_b, Wh1, bh1, Wh2, bh2):
    return _forward(x, idm_baseline, edge_index, Wp, bp, W1, b1, W2, b2, W3, b3, g1, be1, g2, be2, in_w, in_b, out_w, out_b, Wh1, bh1, Wh2, bh2)

if __name__ == "__main__":
    import jax
    _d = setup_inputs()
    print(jax.jit(kernel)(*tuple(_d.values())))

</pallas_src>

<mosaic_0001>
module attributes {stable_mosaic.version = 14 : i64} {
  func.func @_front_body(%arg0: i32, %arg1: memref<1000x256xf32, #tpu.memory_space<vmem>>, %arg2: memref<256x128xf32, #tpu.memory_space<vmem>>, %arg3: memref<1x128xf32, #tpu.memory_space<vmem>>, %arg4: memref<128x128xf32, #tpu.memory_space<vmem>>, %arg5: memref<1000x128xf32, #tpu.memory_space<vmem>>) attributes {dimension_semantics = [#tpu.dimension_semantics<arbitrary>], iteration_bounds = array<i64: 10>, scalar_prefetch = 0 : i64, scratch_operands = 0 : i64, tpu.core_type = #tpu.core_type<tc>, window_params = [{transform_indices = @transform_0, window_bounds = array<i64: 1000, 256>}, {pipeline_mode = #tpu.pipeline_mode<synchronous>, transform_indices = @transform_1, window_bounds = array<i64: 256, 128>}, {pipeline_mode = #tpu.pipeline_mode<synchronous>, transform_indices = @transform_2, window_bounds = array<i64: 1, 128>}, {pipeline_mode = #tpu.pipeline_mode<synchronous>, transform_indices = @transform_3, window_bounds = array<i64: 128, 128>}, {transform_indices = @transform_4, window_bounds = array<i64: 1000, 128>}]} {
    %get3A = arith.constant 0 : index
    %get3A_0 = arith.constant 0 : index
    %get3A_1 = vector.load %arg1[%get3A, %get3A_0] : memref<1000x256xf32, #tpu.memory_space<vmem>>, vector<1000x256xf32>
    %get3A_2 = arith.constant 0 : index
    %get3A_3 = arith.constant 0 : index
    %get3A_4 = vector.load %arg2[%get3A_2, %get3A_3] : memref<256x128xf32, #tpu.memory_space<vmem>>, vector<256x128xf32>
    %dot_general3A = arith.constant dense<0.000000e+00> : vector<1000x128xf32>
    %dot_general3A_5 = tpu.matmul %get3A_1, %get3A_4, %dot_general3A {dimension_numbers = #tpu.dot_dimension_numbers<[1], [0], [0], [1], [0, 0, 1, 1], [], []>, transpose_lhs_hint = false} : vector<1000x256xf32>, vector<256x128xf32>, vector<1000x128xf32> -> vector<1000x128xf32>
    %get3A_6 = arith.constant 0 : index
    %get3A_7 = arith.constant 0 : index
    %get3A_8 = vector.load %arg3[%get3A_6, %get3A_7] : memref<1x128xf32, #tpu.memory_space<vmem>>, vector<1x128xf32>
    %add3A = vector.broadcast %get3A_8 : vector<1x128xf32> to vector<1000x128xf32>
    %add3A_9 = arith.addf %dot_general3A_5, %add3A : vector<1000x128xf32>
    %max3A = arith.constant 0.000000e+00 : f32
    %max3A_10 = vector.broadcast %max3A : f32 to vector<1000x128xf32>
    %max3A_11 = arith.maximumf %add3A_9, %max3A_10 : vector<1000x128xf32>
    %get3A_12 = arith.constant 0 : index
    %get3A_13 = arith.constant 0 : index
    %get3A_14 = vector.load %arg4[%get3A_12, %get3A_13] : memref<128x128xf32, #tpu.memory_space<vmem>>, vector<128x128xf32>
    %dot_general3A_15 = arith.constant dense<0.000000e+00> : vector<1000x128xf32>
    %dot_general3A_16 = tpu.matmul %max3A_11, %get3A_14, %dot_general3A_15 {dimension_numbers = #tpu.dot_dimension_numbers<[1], [0], [0], [1], [0, 0, 1, 1], [], []>, transpose_lhs_hint = false} : vector<1000x128xf32>, vector<128x128xf32>, vector<1000x128xf32> -> vector<1000x128xf32>
    %swap3A = arith.constant 0 : index
    %swap3A_17 = arith.constant 0 : index
    %swap3A_18 = vector.load %arg5[%swap3A, %swap3A_17] : memref<1000x128xf32, #tpu.memory_space<vmem>>, vector<1000x128xf32>
    tpu.vector_store %arg5[%swap3A, %swap3A_17], %dot_general3A_16 {strides = array<i32>} : memref<1000x128xf32, #tpu.memory_space<vmem>>, vector<1000x128xf32>,
    return
  }
  func.func @transform_0(%arg0: i32) -> (i32, i32) {
    %c0_i32 = arith.constant 0 : i32
    %c0_i32_0 = arith.constant 0 : i32
    return %arg0, %c0_i32 : i32, i32
  }
  func.func @transform_1(%arg0: i32) -> (i32, i32) {
    %c0_i32 = arith.constant 0 : i32
    %c0_i32_0 = arith.constant 0 : i32
    %c0_i32_1 = arith.constant 0 : i32
    return %c0_i32, %c0_i32_0 : i32, i32
  }
  func.func @transform_2(%arg0: i32) -> (i32, i32) {
    %c0_i32 = arith.constant 0 : i32
    %c0_i32_0 = arith.constant 0 : i32
    %c0_i32_1 = arith.constant 0 : i32
    return %c0_i32, %c0_i32_0 : i32, i32
  }
  func.func @transform_3(%arg0: i32) -> (i32, i32) {
    %c0_i32 = arith.constant 0 : i32
    %c0_i32_0 = arith.constant 0 : i32
    %c0_i32_1 = arith.constant 0 : i32
    return %c0_i32, %c0_i32_0 : i32, i32
  }
  func.func @transform_4(%arg0: i32) -> (i32, i32) {
    %c0_i32 = arith.constant 0 : i32
    %c0_i32_0 = arith.constant 0 : i32
    return %arg0, %c0_i32 : i32, i32
  }
}

module attributes {stable_mosaic.version = 14 : i64} {
  func.func @_mm_body(%arg0: i32, %arg1: memref<1000x128xf32, #tpu.memory_space<vmem>>, %arg2: memref<128x128xf32, #tpu.memory_space<vmem>>, %arg3: memref<1x128xf32, #tpu.memory_space<vmem>>, %arg4: memref<1000x128xf32, #tpu.memory_space<vmem>>) attributes {dimension_semantics = [#tpu.dimension_semantics<arbitrary>], iteration_bounds = array<i64: 10>, scalar_prefetch = 0 : i64, scratch_operands = 0 : i64, tpu.core_type = #tpu.core_type<tc>, window_params = [{transform_indices = @transform_0, window_bounds = array<i64: 1000, 128>}, {pipeline_mode = #tpu.pipeline_mode<synchronous>, transform_indices = @transform_1, window_bounds = array<i64: 128, 128>}, {pipeline_mode = #tpu.pipeline_mode<synchronous>, transform_indices = @transform_2, window_bounds = array<i64: 1, 128>}, {transform_indices = @transform_3, window_bounds = array<i64: 1000, 128>}]} {
    %get3A = arith.constant 0 : index
    %get3A_0 = arith.constant 0 : index
    %get3A_1 = vector.load %arg1[%get3A, %get3A_0] : memref<1000x128xf32, #tpu.memory_space<vmem>>, vector<1000x128xf32>
    %get3A_2 = arith.constant 0 : index
    %get3A_3 = arith.constant 0 : index
    %get3A_4 = vector.load %arg2[%get3A_2, %get3A_3] : memref<128x128xf32, #tpu.memory_space<vmem>>, vector<128x128xf32>
    %dot_general3A = arith.constant dense<0.000000e+00> : vector<1000x128xf32>
    %dot_general3A_5 = tpu.matmul %get3A_1, %get3A_4, %dot_general3A {dimension_numbers = #tpu.dot_dimension_numbers<[1], [0], [0], [1], [0, 0, 1, 1], [], []>, transpose_lhs_hint = false} : vector<1000x128xf32>, vector<128x128xf32>, vector<1000x128xf32> -> vector<1000x128xf32>
    %get3A_6 = arith.constant 0 : index
    %get3A_7 = arith.constant 0 : index
    %get3A_8 = vector.load %arg3[%get3A_6, %get3A_7] : memref<1x128xf32, #tpu.memory_space<vmem>>, vector<1x128xf32>
    %add3A = vector.broadcast %get3A_8 : vector<1x128xf32> to vector<1000x128xf32>
    %add3A_9 = arith.addf %dot_general3A_5, %add3A : vector<1000x128xf32>
    %swap3A = arith.constant 0 : index
    %swap3A_10 = arith.constant 0 : index
    %swap3A_11 = vector.load %arg4[%swap3A, %swap3A_10] : memref<1000x128xf32, #tpu.memory_space<vmem>>, vector<1000x128xf32>
    tpu.vector_store %arg4[%swap3A, %swap3A_10], %add3A_9 {strides = array<i32>} : memref<1000x128xf32, #tpu.memory_space<vmem>>, vector<1000x128xf32>,
    return
  }
  func.func @transform_0(%arg0: i32) -> (i32, i32) {
    %c0_i32 = arith.constant 0 : i32
    %c0_i32_0 = arith.constant 0 : i32
    return %arg0, %c0_i32 : i32, i32
  }
  func.func @transform_1(%arg0: i32) -> (i32, i32) {
    %c0_i32 = arith.constant 0 : i32
    %c0_i32_0 = arith.constant 0 : i32
    %c0_i32_1 = arith.constant 0 : i32
    return %c0_i32, %c0_i32_0 : i32, i32
  }
  func.func @transform_2(%arg0: i32) -> (i32, i32) {
    %c0_i32 = arith.constant 0 : i32
    %c0_i32_0 = arith.constant 0 : i32
    %c0_i32_1 = arith.constant 0 : i32
    return %c0_i32, %c0_i32_0 : i32, i32
  }
  func.func @transform_3(%arg0: i32) -> (i32, i32) {
    %c0_i32 = arith.constant 0 : i32
    %c0_i32_0 = arith.constant 0 : i32
    return %arg0, %c0_i32 : i32, i32
  }
}

module attributes {stable_mosaic.version = 14 : i64} {
  func.func @_mm_body(%arg0: i32, %arg1: memref<1000x128xf32, #tpu.memory_space<vmem>>, %arg2: memref<128x64xf32, #tpu.memory_space<vmem>>, %arg3: memref<1x64xf32, #tpu.memory_space<vmem>>, %arg4: memref<1000x64xf32, #tpu.memory_space<vmem>>) attributes {dimension_semantics = [#tpu.dimension_semantics<arbitrary>], iteration_bounds = array<i64: 10>, scalar_prefetch = 0 : i64, scratch_operands = 0 : i64, tpu.core_type = #tpu.core_type<tc>, window_params = [{transform_indices = @transform_0, window_bounds = array<i64: 1000, 128>}, {pipeline_mode = #tpu.pipeline_mode<synchronous>, transform_indices = @transform_1, window_bounds = array<i64: 128, 64>}, {pipeline_mode = #tpu.pipeline_mode<synchronous>, transform_indices = @transform_2, window_bounds = array<i64: 1, 64>}, {transform_indices = @transform_3, window_bounds = array<i64: 1000, 64>}]} {
    %get3A = arith.constant 0 : index
    %get3A_0 = arith.constant 0 : index
    %get3A_1 = vector.load %arg1[%get3A, %get3A_0] : memref<1000x128xf32, #tpu.memory_space<vmem>>, vector<1000x128xf32>
    %get3A_2 = arith.constant 0 : index
    %get3A_3 = arith.constant 0 : index
    %get3A_4 = vector.load %arg2[%get3A_2, %get3A_3] : memref<128x64xf32, #tpu.memory_space<vmem>>, vector<128x64xf32>
    %dot_general3A = arith.constant dense<0.000000e+00> : vector<1000x64xf32>
    %dot_general3A_5 = tpu.matmul %get3A_1, %get3A_4, %dot_general3A {dimension_numbers = #tpu.dot_dimension_numbers<[1], [0], [0], [1], [0, 0, 1, 1], [], []>, transpose_lhs_hint = false} : vector<1000x128xf32>, vector<128x64xf32>, vector<1000x64xf32> -> vector<1000x64xf32>
    %get3A_6 = arith.constant 0 : index
    %get3A_7 = arith.constant 0 : index
    %get3A_8 = vector.load %arg3[%get3A_6, %get3A_7] : memref<1x64xf32, #tpu.memory_space<vmem>>, vector<1x64xf32>
    %add3A = vector.broadcast %get3A_8 : vector<1x64xf32> to vector<1000x64xf32>
    %add3A_9 = arith.addf %dot_general3A_5, %add3A : vector<1000x64xf32>
    %swap3A = arith.constant 0 : index
    %swap3A_10 = arith.constant 0 : index
    %swap3A_11 = vector.load %arg4[%swap3A, %swap3A_10] : memref<1000x64xf32, #tpu.memory_space<vmem>>, vector<1000x64xf32>
    tpu.vector_store %arg4[%swap3A, %swap3A_10], %add3A_9 {strides = array<i32>} : memref<1000x64xf32, #tpu.memory_space<vmem>>, vector<1000x64xf32>,
    return
  }
  func.func @transform_0(%arg0: i32) -> (i32, i32) {
    %c0_i32 = arith.constant 0 : i32
    %c0_i32_0 = arith.constant 0 : i32
    return %arg0, %c0_i32 : i32, i32
  }
  func.func @transform_1(%arg0: i32) -> (i32, i32) {
    %c0_i32 = arith.constant 0 : i32
    %c0_i32_0 = arith.constant 0 : i32
    %c0_i32_1 = arith.constant 0 : i32
    return %c0_i32, %c0_i32_0 : i32, i32
  }
  func.func @transform_2(%arg0: i32) -> (i32, i32) {
    %c0_i32 = arith.constant 0 : i32
    %c0_i32_0 = arith.constant 0 : i32
    %c0_i32_1 = arith.constant 0 : i32
    return %c0_i32, %c0_i32_0 : i32, i32
  }
  func.func @transform_3(%arg0: i32) -> (i32, i32) {
    %c0_i32 = arith.constant 0 : i32
    %c0_i32_0 = arith.constant 0 : i32
    return %arg0, %c0_i32 : i32, i32
  }
}

module attributes {stable_mosaic.version = 14 : i64} {
  func.func @_mm_body(%arg0: i32, %arg1: memref<1000x64xf32, #tpu.memory_space<vmem>>, %arg2: memref<64x192xf32, #tpu.memory_space<vmem>>, %arg3: memref<1x192xf32, #tpu.memory_space<vmem>>, %arg4: memref<1000x192xf32, #tpu.memory_space<vmem>>) attributes {dimension_semantics = [#tpu.dimension_semantics<arbitrary>], iteration_bounds = array<i64: 10>, scalar_prefetch = 0 : i64, scratch_operands = 0 : i64, tpu.core_type = #tpu.core_type<tc>, window_params = [{transform_indices = @transform_0, window_bounds = array<i64: 1000, 64>}, {pipeline_mode = #tpu.pipeline_mode<synchronous>, transform_indices = @transform_1, window_bounds = array<i64: 64, 192>}, {pipeline_mode = #tpu.pipeline_mode<synchronous>, transform_indices = @transform_2, window_bounds = array<i64: 1, 192>}, {transform_indices = @transform_3, window_bounds = array<i64: 1000, 192>}]} {
    %get3A = arith.constant 0 : index
    %get3A_0 = arith.constant 0 : index
    %get3A_1 = vector.load %arg1[%get3A, %get3A_0] : memref<1000x64xf32, #tpu.memory_space<vmem>>, vector<1000x64xf32>
    %get3A_2 = arith.constant 0 : index
    %get3A_3 = arith.constant 0 : index
    %get3A_4 = vector.load %arg2[%get3A_2, %get3A_3] : memref<64x192xf32, #tpu.memory_space<vmem>>, vector<64x192xf32>
    %dot_general3A = arith.constant dense<0.000000e+00> : vector<1000x192xf32>
    %dot_general3A_5 = tpu.matmul %get3A_1, %get3A_4, %dot_general3A {dimension_numbers = #tpu.dot_dimension_numbers<[1], [0], [0], [1], [0, 0, 1, 1], [], []>, transpose_lhs_hint = false} : vector<1000x64xf32>, vector<64x192xf32>, vector<1000x192xf32> -> vector<1000x192xf32>
    %get3A_6 = arith.constant 0 : index
    %get3A_7 = arith.constant 0 : index
    %get3A_8 = vector.load %arg3[%get3A_6, %get3A_7] : memref<1x192xf32, #tpu.memory_space<vmem>>, vector<1x192xf32>
    %add3A = vector.broadcast %get3A_8 : vector<1x192xf32> to vector<1000x192xf32>
    %add3A_9 = arith.addf %dot_general3A_5, %add3A : vector<1000x192xf32>
    %swap3A = arith.constant 0 : index
    %swap3A_10 = arith.constant 0 : index
    %swap3A_11 = vector.load %arg4[%swap3A, %swap3A_10] : memref<1000x192xf32, #tpu.memory_space<vmem>>, vector<1000x192xf32>
    tpu.vector_store %arg4[%swap3A, %swap3A_10], %add3A_9 {strides = array<i32>} : memref<1000x192xf32, #tpu.memory_space<vmem>>, vector<1000x192xf32>,
    return
  }
  func.func @transform_0(%arg0: i32) -> (i32, i32) {
    %c0_i32 = arith.constant 0 : i32
    %c0_i32_0 = arith.constant 0 : i32
    return %arg0, %c0_i32 : i32, i32
  }
  func.func @transform_1(%arg0: i32) -> (i32, i32) {
    %c0_i32 = arith.constant 0 : i32
    %c0_i32_0 = arith.constant 0 : i32
    %c0_i32_1 = arith.constant 0 : i32
    return %c0_i32, %c0_i32_0 : i32, i32
  }
  func.func @transform_2(%arg0: i32) -> (i32, i32) {
    %c0_i32 = arith.constant 0 : i32
    %c0_i32_0 = arith.constant 0 : i32
    %c0_i32_1 = arith.constant 0 : i32
    return %c0_i32, %c0_i32_0 : i32, i32
  }
  func.func @transform_3(%arg0: i32) -> (i32, i32) {
    %c0_i32 = arith.constant 0 : i32
    %c0_i32_0 = arith.constant 0 : i32
    return %arg0, %c0_i32 : i32, i32
  }
}

module attributes {stable_mosaic.version = 14 : i64} {
  func.func @_attn_body(%arg0: i32, %arg1: memref<400x192xf32, #tpu.memory_space<vmem>>, %arg2: memref<10240x192xf32, #tpu.memory_space<vmem>>, %arg3: memref<64x64xf32, #tpu.memory_space<vmem>>, %arg4: memref<1x64xf32, #tpu.memory_space<vmem>>, %arg5: memref<64x32xf32, #tpu.memory_space<vmem>>, %arg6: memref<1x32xf32, #tpu.memory_space<vmem>>, %arg7: memref<32x1xf32, #tpu.memory_space<vmem>>, %arg8: memref<1x1xf32, #tpu.memory_space<vmem>>, %arg9: memref<400x1xf32, #tpu.memory_space<vmem>>, %arg10: memref<10240x400xf32, #tpu.memory_space<vmem>>) attributes {dimension_semantics = [#tpu.dimension_semantics<arbitrary>], iteration_bounds = array<i64: 25>, scalar_prefetch = 0 : i64, scratch_operands = 1 : i64, tpu.core_type = #tpu.core_type<tc>, window_params = [{transform_indices = @transform_0, window_bounds = array<i64: 400, 192>}, {pipeline_mode = #tpu.pipeline_mode<synchronous>, transform_indices = @transform_1, window_bounds = array<i64: 10240, 192>}, {pipeline_mode = #tpu.pipeline_mode<synchronous>, transform_indices = @transform_2, window_bounds = array<i64: 64, 64>}, {pipeline_mode = #tpu.pipeline_mode<synchronous>, transform_indices = @transform_3, window_bounds = array<i64: 1, 64>}, {pipeline_mode = #tpu.pipeline_mode<synchronous>, transform_indices = @transform_4, window_bounds = array<i64: 64, 32>}, {pipeline_mode = #tpu.pipeline_mode<synchronous>, transform_indices = @transform_5, window_bounds = array<i64: 1, 32>}, {pipeline_mode = #tpu.pipeline_mode<synchronous>, transform_indices = @transform_6, window_bounds = array<i64: 32, 1>}, {pipeline_mode = #tpu.pipeline_mode<synchronous>, transform_indices = @transform_7, window_bounds = array<i64: 1, 1>}, {transform_indices = @transform_8, window_bounds = array<i64: 400, 1>}]} {
    %get3A = arith.constant 0 : index
    %get3A_0 = arith.constant 0 : index
    %get3A_1 = vector.load %arg1[%get3A, %get3A_0] : memref<400x192xf32, #tpu.memory_space<vmem>>, vector<400x16xf32>
    %mul3A = arith.constant 2.500000e-01 : f32
    %mul3A_2 = vector.broadcast %mul3A : f32 to vector<400x16xf32>
    %mul3A_3 = arith.mulf %get3A_1, %mul3A_2 : vector<400x16xf32>
    %broadcast_in_dim3A = arith.constant 0xFF800000 : f32
    %broadcast_in_dim3A_4 = vector.broadcast %broadcast_in_dim3A : f32 to vector<1x400xf32>
    %scan3A = arith.constant 0 : i32
    %scan3A_5 = arith.constant 19 : i32
    %scan3A_6 = arith.addi %scan3A, %scan3A_5 : i32
    %scan3A_7 = arith.constant 1 : i32
    %scan3A_8 = scf.for %scan3A_1701 = %scan3A to %scan3A_6 step %scan3A_7 iter_args(%scan3A_1702 = %broadcast_in_dim3A_4) -> (vector<1x400xf32>)  : i32 {
      %mul3A_1703 = arith.constant 512 : i32
      %mul3A_1704 = arith.muli %scan3A_1701, %mul3A_1703 : i32
      %get3A_1705 = arith.index_cast %mul3A_1704 : i32 to index
      %get3A_1706 = arith.constant 64 : index
      %get3A_1707 = vector.load %arg2[%get3A_1705, %get3A_1706] : memref<10240x192xf32, #tpu.memory_space<vmem>>, vector<512x16xf32>
      %dot_general3A_1708 = arith.constant dense<0.000000e+00> : vector<512x400xf32>
      %dot_general3A_1709 = tpu.matmul %get3A_1707, %mul3A_3, %dot_general3A_1708 {dimension_numbers = #tpu.dot_dimension_numbers<[1], [1], [0], [0], [0, 0, 1, 0], [], []>, transpose_lhs_hint = false} : vector<512x16xf32>, vector<400x16xf32>, vector<512x400xf32> -> vector<512x400xf32>
      %mul3A_1710 = arith.constant 512 : i32
      %mul3A_1711 = arith.muli %scan3A_1701, %mul3A_1710 : i32
      %swap3A_1712 = arith.index_cast %mul3A_1711 : i32 to index
      %swap3A_1713 = arith.constant 0 : index
      %swap3A_1714 = vector.load %arg10[%swap3A_1712, %swap3A_1713] : memref<10240x400xf32, #tpu.memory_space<vmem>>, vector<512x400xf32>
      tpu.vector_store %arg10[%swap3A_1712, %swap3A_1713], %dot_general3A_1709 {strides = array<i32>} : memref<10240x400xf32, #tpu.memory_space<vmem>>, vector<512x400xf32>,
      %reduce_max3A_1715 = arith.constant dense<0xFF800000> : vector<400xf32>
      %reduce_max3A_1716 = vector.multi_reduction <maximumf>, %dot_general3A_1709, %reduce_max3A_1715 [0] : vector<512x400xf32> to vector<400xf32>
      %broadcast_in_dim3A_1717 = vector.shape_cast %reduce_max3A_1716 : vector<400xf32> to vector<1x400xf32>
      %max3A_1718 = arith.maximumf %scan3A_1702, %broadcast_in_dim3A_1717 : vector<1x400xf32>
      scf.yield %max3A_1718 : vector<1x400xf32>
    }
    %scan3A_9 = arith.constant 19 : i32
    %get3A_10 = arith.constant 9728 : index
    %get3A_11 = arith.constant 64 : index
    %get3A_12 = vector.load %arg2[%get3A_10, %get3A_11] : memref<10240x192xf32, #tpu.memory_space<vmem>>, vector<272x16xf32>
    %dot_general3A = arith.constant dense<0.000000e+00> : vector<272x400xf32>
    %dot_general3A_13 = tpu.matmul %get3A_12, %mul3A_3, %dot_general3A {dimension_numbers = #tpu.dot_dimension_numbers<[1], [1], [0], [0], [0, 0, 1, 0], [], []>, transpose_lhs_hint = false} : vector<272x16xf32>, vector<400x16xf32>, vector<272x400xf32> -> vector<272x400xf32>
    %swap3A = arith.constant 9728 : index
    %swap3A_14 = arith.constant 0 : index
    %swap3A_15 = vector.load %arg10[%swap3A, %swap3A_14] : memref<10240x400xf32, #tpu.memory_space<vmem>>, vector<272x400xf32>
    tpu.vector_store %arg10[%swap3A, %swap3A_14], %dot_general3A_13 {strides = array<i32>} : memref<10240x400xf32, #tpu.memory_space<vmem>>, vector<272x400xf32>,
    %reduce_max3A = arith.constant dense<0xFF800000> : vector<400xf32>
    %reduce_max3A_16 = vector.multi_reduction <maximumf>, %dot_general3A_13, %reduce_max3A [0] : vector<272x400xf32> to vector<400xf32>
    %broadcast_in_dim3A_17 = vector.shape_cast %reduce_max3A_16 : vector<400xf32> to vector<1x400xf32>
    %max3A = arith.maximumf %scan3A_8, %broadcast_in_dim3A_17 : vector<1x400xf32>
    %broadcast_in_dim3A_18 = arith.constant 0.000000e+00 : f32
    %broadcast_in_dim3A_19 = vector.broadcast %broadcast_in_dim3A_18 : f32 to vector<240x400xf32>
    %swap3A_20 = arith.constant 10000 : index
    %swap3A_21 = arith.constant 0 : index
    %swap3A_22 = vector.load %arg10[%swap3A_20, %swap3A_21] : memref<10240x400xf32, #tpu.memory_space<vmem>>, vector<240x400xf32>
    tpu.vector_store %arg10[%swap3A_20, %swap3A_21], %broadcast_in_dim3A_19 {strides = array<i32>} : memref<10240x400xf32, #tpu.memory_space<vmem>>, vector<240x400xf32>,
    %scan3A_23 = arith.constant 0 : i32
    %scan3A_24 = arith.constant 78 : i32
    %scan3A_25 = arith.addi %scan3A_23, %scan3A_24 : i32
    %scan3A_26 = arith.constant 1 : i32
    scf.for %scan3A_1701 = %scan3A_23 to %scan3A_25 step %scan3A_26  : i32 {
      %mul3A_1702 = arith.constant 128 : i32
      %mul3A_1703 = arith.muli %scan3A_1701, %mul3A_1702 : i32
      %get3A_1704 = arith.index_cast %mul3A_1703 : i32 to index
      %get3A_1705 = arith.constant 0 : index
      %get3A_1706 = vector.load %arg10[%get3A_1704, %get3A_1705] : memref<10240x400xf32, #tpu.memory_space<vmem>>, vector<128x400xf32>
      %sub3A_1707 = vector.broadcast %max3A : vector<1x400xf32> to vector<128x400xf32>
      %sub3A_1708 = arith.subf %get3A_1706, %sub3A_1707 : vector<128x400xf32>
      %exp3A_1709 = math.exp %sub3A_1708 : vector<128x400xf32>
      %swap3A_1710 = arith.index_cast %mul3A_1703 : i32 to index
      %swap3A_1711 = arith.constant 0 : index
      %swap3A_1712 = vector.load %arg10[%swap3A_1710, %swap3A_1711] : memref<10240x400xf32, #tpu.memory_space<vmem>>, vector<128x400xf32>
      tpu.vector_store %arg10[%swap3A_1710, %swap3A_1711], %exp3A_1709 {strides = array<i32>} : memref<10240x400xf32, #tpu.memory_space<vmem>>, vector<128x400xf32>,
    }
    %scan3A_27 = arith.constant 78 : i32
    %get3A_28 = arith.constant 9984 : index
    %get3A_29 = arith.constant 0 : index
    %get3A_30 = vector.load %arg10[%get3A_28, %get3A_29] : memref<10240x400xf32, #tpu.memory_space<vmem>>, vector<16x400xf32>
    %sub3A = vector.broadcast %max3A : vector<1x400xf32> to vector<16x400xf32>
    %sub3A_31 = arith.subf %get3A_30, %sub3A : vector<16x400xf32>
    %exp3A = math.exp %sub3A_31 : vector<16x400xf32>
    %swap3A_32 = arith.constant 9984 : index
    %swap3A_33 = arith.constant 0 : index
    %swap3A_34 = vector.load %arg10[%swap3A_32, %swap3A_33] : memref<10240x400xf32, #tpu.memory_space<vmem>>, vector<16x400xf32>
    tpu.vector_store %arg10[%swap3A_32, %swap3A_33], %exp3A {strides = array<i32>} : memref<10240x400xf32, #tpu.memory_space<vmem>>, vector<16x400xf32>,
    %broadcast_in_dim3A_35 = arith.constant 0.000000e+00 : f32
    %broadcast_in_dim3A_36 = vector.broadcast %broadcast_in_dim3A_35 : f32 to vector<128x400xf32>
    %broadcast_in_dim3A_37 = arith.constant 0.000000e+00 : f32
    %broadcast_in_dim3A_38 = vector.broadcast %broadcast_in_dim3A_37 : f32 to vector<128x400xf32>
    %broadcast_in_dim3A_39 = arith.constant 0.000000e+00 : f32
    %broadcast_in_dim3A_40 = vector.broadcast %broadcast_in_dim3A_39 : f32 to vector<128x400xf32>
    %get3A_41 = arith.constant 0 : index
    %get3A_42 = arith.constant 0 : index
    %get3A_43 = vector.load %arg10[%get3A_41, %get3A_42] : memref<10240x400xf32, #tpu.memory_space<vmem>>, vector<128x400xf32>
    %add3A = arith.addf %broadcast_in_dim3A_40, %get3A_43 : vector<128x400xf32>
    %get3A_44 = arith.constant 128 : index
    %get3A_45 = arith.constant 0 : index
    %get3A_46 = vector.load %arg10[%get3A_44, %get3A_45] : memref<10240x400xf32, #tpu.memory_space<vmem>>, vector<128x400xf32>
    %add3A_47 = arith.addf %add3A, %get3A_46 : vector<128x400xf32>
    %get3A_48 = arith.constant 256 : index
    %get3A_49 = arith.constant 0 : index
    %get3A_50 = vector.load %arg10[%get3A_48, %get3A_49] : memref<10240x400xf32, #tpu.memory_space<vmem>>, vector<128x400xf32>
    %add3A_51 = arith.addf %add3A_47, %get3A_50 : vector<128x400xf32>
    %get3A_52 = arith.constant 384 : index
    %get3A_53 = arith.constant 0 : index
    %get3A_54 = vector.load %arg10[%get3A_52, %get3A_53] : memref<10240x400xf32, #tpu.memory_space<vmem>>, vector<128x400xf32>
    %add3A_55 = arith.addf %add3A_51, %get3A_54 : vector<128x400xf32>
    %get3A_56 = arith.constant 512 : index
    %get3A_57 = arith.constant 0 : index
    %get3A_58 = vector.load %arg10[%get3A_56, %get3A_57] : memref<10240x400xf32, #tpu.memory_space<vmem>>, vector<128x400xf32>
    %add3A_59 = arith.addf %add3A_55, %get3A_58 : vector<128x400xf32>
    %get3A_60 = arith.constant 640 : index
    %get3A_61 = arith.constant 0 : index
    %get3A_62 = vector.load %arg10[%get3A_60, %get3A_61] : memref<10240x400xf32, #tpu.memory_space<vmem>>, vector<128x400xf32>
    %add3A_63 = arith.addf %add3A_59, %get3A_62 : vector<128x400xf32>
    %get3A_64 = arith.constant 768 : index
    %get3A_65 = arith.constant 0 : index
    %get3A_66 = vector.load %arg10[%get3A_64, %get3A_65] : memref<10240x400xf32, #tpu.memory_space<vmem>>, vector<128x400xf32>
    %add3A_67 = arith.addf %add3A_63, %get3A_66 : vector<128x400xf32>
    %get3A_68 = arith.constant 896 : index
    %get3A_69 = arith.constant 0 : index
    %get3A_70 = vector.load %arg10[%get3A_68, %get3A_69] : memref<10240x400xf32, #tpu.memory_space<vmem>>, vector<128x400xf32>
    %add3A_71 = arith.addf %add3A_67, %get3A_70 : vector<128x400xf32>
    %get3A_72 = arith.constant 1024 : index
    %get3A_73 = arith.constant 0 : index
    %get3A_74 = vector.load %arg10[%get3A_72, %get3A_73] : memref<10240x400xf32, #tpu.memory_space<vmem>>, vector<128x400xf32>
    %add3A_75 = arith.addf %add3A_71, %get3A_74 : vector<128x400xf32>
    %get3A_76 = arith.constant 1152 : index
    %get3A_77 = arith.constant 0 : index
    %get3A_78 = vector.load %arg10[%get3A_76, %get3A_77] : memref<10240x400xf32, #tpu.memory_space<vmem>>, vector<128x400xf32>
    %add3A_79 = arith.addf %add3A_75, %get3A_78 : vector<128x400xf32>
    %get3A_80 = arith.constant 1280 : index
    %get3A_81 = arith.constant 0 : index
    %get3A_82 = vector.load %arg10[%get3A_80, %get3A_81] : memref<10240x400xf32, #tpu.memory_space<vmem>>, vector<128x400xf32>
    %add3A_83 = arith.addf %add3A_79, %get3A_82 : vector<128x400xf32>
    %get3A_84 = arith.constant 1408 : index
    %get3A_85 = arith.constant 0 : index
    %get3A_86 = vector.load %arg10[%get3A_84, %get3A_85] : memref<10240x400xf32, #tpu.memory_space<vmem>>, vector<128x400xf32>
    %add3A_87 = arith.addf %add3A_83, %get3A_86 : vector<128x400xf32>
    %get3A_88 = arith.constant 1536 : index
    %get3A_89 = arith.constant 0 : index
    %get3A_90 = vector.load %arg10[%get3A_88, %get3A_89] : memref<10240x400xf32, #tpu.memory_space<vmem>>, vector<128x400xf32>
    %add3A_91 = arith.addf %add3A_87, %get3A_90 : vector<128x400xf32>
    %get3A_92 = arith.constant 1664 : index
    %get3A_93 = arith.constant 0 : index
    %get3A_94 = vector.load %arg10[%get3A_92, %get3A_93] : memref<10240x400xf32, #tpu.memory_space<vmem>>, vector<128x400xf32>
    %add3A_95 = arith.addf %add3A_91, %get3A_94 : vector<128x400xf32>
    %get3A_96 = arith.constant 1792 : index
    %get3A_97 = arith.constant 0 : index
    %get3A_98 = vector.load %arg10[%get3A_96, %get3A_97] : memref<10240x400xf32, #tpu.memory_space<vmem>>, vector<128x400xf32>
    %add3A_99 = arith.addf %add3A_95, %get3A_98 : vector<128x400xf32>
    %get3A_100 = arith.constant 1920 : index
    %get3A_101 = arith.constant 0 : index
    %get3A_102 = vector.load %arg10[%get3A_100, %get3A_101] : memref<10240x400xf32, #tpu.memory_space<vmem>>, vector<128x400xf32>
    %add3A_103 = arith.addf %add3A_99, %get3A_102 : vector<128x400xf32>
    %add3A_104 = arith.addf %broadcast_in_dim3A_36, %add3A_103 : vector<128x400xf32>
    %broadcast_in_dim3A_105 = arith.constant 0.000000e+00 : f32
    %broadcast_in_dim3A_106 = vector.broadcast %broadcast_in_dim3A_105 : f32 to vector<128x400xf32>
    %get3A_107 = arith.constant 2048 : index
    %get3A_108 = arith.constant 0 : index
    %get3A_109 = vector.load %arg10[%get3A_107, %get3A_108] : memref<10240x400xf32, #tpu.memory_space<vmem>>, vector<128x400xf32>
    %add3A_110 = arith.addf %broadcast_in_dim3A_106, %get3A_109 : vector<128x400xf32>
    %get3A_111 = arith.constant 2176 : index
    %get3A_112 = arith.constant 0 : index
    %get3A_113 = vector.load %arg10[%get3A_111, %get3A_112] : memref<10240x400xf32, #tpu.memory_space<vmem>>, vector<128x400xf32>
    %add3A_114 = arith.addf %add3A_110, %get3A_113 : vector<128x400xf32>
    %get3A_115 = arith.constant 2304 : index
    %get3A_116 = arith.constant 0 : index
    %get3A_117 = vector.load %arg10[%get3A_115, %get3A_116] : memref<10240x400xf32, #tpu.memory_space<vmem>>, vector<128x400xf32>
    %add3A_118 = arith.addf %add3A_114, %get3A_117 : vector<128x400xf32>
    %get3A_119 = arith.constant 2432 : index
    %get3A_120 = arith.constant 0 : index
    %get3A_121 = vector.load %arg10[%get3A_119, %get3A_120] : memref<10240x400xf32, #tpu.memory_space<vmem>>, vector<128x400xf32>
    %add3A_122 = arith.addf %add3A_118, %get3A_121 : vector<128x400xf32>
    %get3A_123 = arith.constant 2560 : index
    %get3A_124 = arith.constant 0 : index
    %get3A_125 = vector.load %arg10[%get3A_123, %get3A_124] : memref<10240x400xf32, #tpu.memory_space<vmem>>, vector<128x400xf32>
    %add3A_126 = arith.addf %add3A_122, %get3A_125 : vector<128x400xf32>
    %get3A_127 = arith.constant 2688 : index
    %get3A_128 = arith.constant 0 : index
    %get3A_129 = vector.load %arg10[%get3A_127, %get3A_128] : memref<10240x400xf32, #tpu.memory_space<vmem>>, vector<128x400xf32>
    %add3A_130 = arith.addf %add3A_126, %get3A_129 : vector<128x400xf32>
    %get3A_131 = arith.constant 2816 : index
    %get3A_132 = arith.constant 0 : index
    %get3A_133 = vector.load %arg10[%get3A_131, %get3A_132] : memref<10240x400xf32, #tpu.memory_space<vmem>>, vector<128x400xf32>
    %add3A_134 = arith.addf %add3A_130, %get3A_133 : vector<128x400xf32>
    %get3A_135 = arith.constant 2944 : index
    %get3A_136 = arith.constant 0 : index
    %get3A_137 = vector.load %arg10[%get3A_135, %get3A_136] : memref<10240x400xf32, #tpu.memory_space<vmem>>, vector<128x400xf32>
    %add3A_138 = arith.addf %add3A_134, %get3A_137 : vector<128x400xf32>
    %get3A_139 = arith.constant 3072 : index
    %get3A_140 = arith.constant 0 : index
    %get3A_141 = vector.load %arg10[%get3A_139, %get3A_140] : memref<10240x400xf32, #tpu.memory_space<vmem>>, vector<128x400xf32>
    %add3A_142 = arith.addf %add3A_138, %get3A_141 : vector<128x400xf32>
    %get3A_143 = arith.constant 3200 : index
    %get3A_144 = arith.constant 0 : index
    %get3A_145 = vector.load %arg10[%get3A_143, %get3A_144] : memref<10240x400xf32, #tpu.memory_space<vmem>>, vector<128x400xf32>
    %add3A_146 = arith.addf %add3A_142, %get3A_145 : vector<128x400xf32>
    %get3A_147 = arith.constant 3328 : index
    %get3A_148 = arith.constant 0 : index
    %get3A_149 = vector.load %arg10[%get3A_147, %get3A_148] : memref<10240x400xf32, #tpu.memory_space<vmem>>, vector<128x400xf32>
    %add3A_150 = arith.addf %add3A_146, %get3A_149 : vector<128x400xf32>
    %get3A_151 = arith.constant 3456 : index
    %get3A_152 = arith.constant 0 : index
    %get3A_153 = vector.load %arg10[%get3A_151, %get3A_152] : memref<10240x400xf32, #tpu.memory_space<vmem>>, vector<128x400xf32>
    %add3A_154 = arith.addf %add3A_150, %get3A_153 : vector<128x400xf32>
    %get3A_155 = arith.constant 3584 : index
    %get3A_156 = arith.constant 0 : index
    %get3A_157 = vector.load %arg10[%get3A_155, %get3A_156] : memref<10240x400xf32, #tpu.memory_space<vmem>>, vector<128x400xf32>
    %add3A_158 = arith.addf %add3A_154, %get3A_157 : vector<128x400xf32>
    %get3A_159 = arith.constant 3712 : index
    %get3A_160 = arith.constant 0 : index
    %get3A_161 = vector.load %arg10[%get3A_159, %get3A_160] : memref<10240x400xf32, #tpu.memory_space<vmem>>, vector<128x400xf32>
    %add3A_162 = arith.addf %add3A_158, %get3A_161 : vector<128x400xf32>
    %get3A_163 = arith.constant 3840 : index
    %get3A_164 = arith.constant 0 : index
    %get3A_165 = vector.load %arg10[%get3A_163, %get3A_164] : memref<10240x400xf32, #tpu.memory_space<vmem>>, vector<128x400xf32>
    %add3A_166 = arith.addf %add3A_162, %get3A_165 : vector<128x400xf32>
    %get3A_167 = arith.constant 3968 : index
    %get3A_168 = arith.constant 0 : index
    %get3A_169 = vector.load %arg10[%get3A_167, %get3A_168] : memref<10240x400xf32, #tpu.memory_space<vmem>>, vector<128x400xf32>
    %add3A_170 = arith.addf %add3A_166, %get3A_169 : vector<128x400xf32>
    %add3A_171 = arith.addf %broadcast_in_dim3A_38, %add3A_170 : vector<128x400xf32>
    %broadcast_in_dim3A_172 = arith.constant 0.000000e+00 : f32
    %broadcast_in_dim3A_173 = vector.broadcast %broadcast_in_dim3A_172 : f32 to vector<128x400xf32>
    %get3A_174 = arith.constant 4096 : index
    %get3A_175 = arith.constant 0 : index
    %get3A_176 = vector.load %arg10[%get3A_174, %get3A_175] : memref<10240x400xf32, #tpu.memory_space<vmem>>, vector<128x400xf32>
    %add3A_177 = arith.addf %broadcast_in_dim3A_173, %get3A_176 : vector<128x400xf32>
    %get3A_178 = arith.constant 4224 : index
    %get3A_179 = arith.constant 0 : index
    %get3A_180 = vector.load %arg10[%get3A_178, %get3A_179] : memref<10240x400xf32, #tpu.memory_space<vmem>>, vector<128x400xf32>
    %add3A_181 = arith.addf %add3A_177, %get3A_180 : vector<128x400xf32>
    %get3A_182 = arith.constant 4352 : index
    %get3A_183 = arith.constant 0 : index
    %get3A_184 = vector.load %arg10[%get3A_182, %get3A_183] : memref<10240x400xf32, #tpu.memory_space<vmem>>, vector<128x400xf32>
    %add3A_185 = arith.addf %add3A_181, %get3A_184 : vector<128x400xf32>
    %get3A_186 = arith.constant 4480 : index
    %get3A_187 = arith.constant 0 : index
    %get3A_188 = vector.load %arg10[%get3A_186, %get3A_187] : memref<10240x400xf32, #tpu.memory_space<vmem>>, vector<128x400xf32>
    %add3A_189 = arith.addf %add3A_185, %get3A_188 : vector<128x400xf32>
    %get3A_190 = arith.constant 4608 : index
    %get3A_191 = arith.constant 0 : index
    %get3A_192 = vector.load %arg10[%get3A_190, %get3A_191] : memref<10240x400xf32, #tpu.memory_space<vmem>>, vector<128x400xf32>
    %add3A_193 = arith.addf %add3A_189, %get3A_192 : vector<128x400xf32>
    %get3A_194 = arith.constant 4736 : index
    %get3A_195 = arith.constant 0 : index
    %get3A_196 = vector.load %arg10[%get3A_194, %get3A_195] : memref<10240x400xf32, #tpu.memory_space<vmem>>, vector<128x400xf32>
    %add3A_197 = arith.addf %add3A_193, %get3A_196 : vector<128x400xf32>
    %get3A_198 = arith.constant 4864 : index
    %get3A_199 = arith.constant 0 : index
    %get3A_200 = vector.load %arg10[%get3A_198, %get3A_199] : memref<10240x400xf32, #tpu.memory_space<vmem>>, vector<128x400xf32>
    %add3A_201 = arith.addf %add3A_197, %get3A_200 : vector<128x400xf32>
    %get3A_202 = arith.constant 4992 : index
    %get3A_203 = arith.constant 0 : index
    %get3A_204 = vector.load %arg10[%get3A_202, %get3A_203] : memref<10240x400xf32, #tpu.memory_space<vmem>>, vector<128x400xf32>
    %add3A_205 = arith.addf %add3A_201, %get3A_204 : vector<128x400xf32>
    %get3A_206 = arith.constant 5120 : index
    %get3A_207 = arith.constant 0 : index
    %get3A_208 = vector.load %arg10[%get3A_206, %get3A_207] : memref<10240x400xf32, #tpu.memory_space<vmem>>, vector<128x400xf32>
    %add3A_209 = arith.addf %add3A_205, %get3A_208 : vector<128x400xf32>
    %get3A_210 = arith.constant 5248 : index
    %get3A_211 = arith.constant 0 : index
    %get3A_212 = vector.load %arg10[%get3A_210, %get3A_211] : memref<10240x400xf32, #tpu.memory_space<vmem>>, vector<128x400xf32>
    %add3A_213 = arith.addf %add3A_209, %get3A_212 : vector<128x400xf32>
    %get3A_214 = arith.constant 5376 : index
    %get3A_215 = arith.constant 0 : index
    %get3A_216 = vector.load %arg10[%get3A_214, %get3A_215] : memref<10240x400xf32, #tpu.memory_space<vmem>>, vector<128x400xf32>
    %add3A_217 = arith.addf %add3A_213, %get3A_216 : vector<128x400xf32>
    %get3A_218 = arith.constant 5504 : index
    %get3A_219 = arith.constant 0 : index
    %get3A_220 = vector.load %arg10[%get3A_218, %get3A_219] : memref<10240x400xf32, #tpu.memory_space<vmem>>, vector<128x400xf32>
    %add3A_221 = arith.addf %add3A_217, %get3A_220 : vector<128x400xf32>
    %get3A_222 = arith.constant 5632 : index
    %get3A_223 = arith.constant 0 : index
    %get3A_224 = vector.load %arg10[%get3A_222, %get3A_223] : memref<10240x400xf32, #tpu.memory_space<vmem>>, vector<128x400xf32>
    %add3A_225 = arith.addf %add3A_221, %get3A_224 : vector<128x400xf32>
    %get3A_226 = arith.constant 5760 : index
    %get3A_227 = arith.constant 0 : index
    %get3A_228 = vector.load %arg10[%get3A_226, %get3A_227] : memref<10240x400xf32, #tpu.memory_space<vmem>>, vector<128x400xf32>
    %add3A_229 = arith.addf %add3A_225, %get3A_228 : vector<128x400xf32>
    %get3A_230 = arith.constant 5888 : index
    %get3A_231 = arith.constant 0 : index
    %get3A_232 = vector.load %arg10[%get3A_230, %get3A_231] : memref<10240x400xf32, #tpu.memory_space<vmem>>, vector<128x400xf32>
    %add3A_233 = arith.addf %add3A_229, %get3A_232 : vector<128x400xf32>
    %get3A_234 = arith.constant 6016 : index
    %get3A_235 = arith.constant 0 : index
    %get3A_236 = vector.load %arg10[%get3A_234, %get3A_235] : memref<10240x400xf32, #tpu.memory_space<vmem>>, vector<128x400xf32>
    %add3A_237 = arith.addf %add3A_233, %get3A_236 : vector<128x400xf32>
    %add3A_238 = arith.addf %add3A_104, %add3A_237 : vector<128x400xf32>
    %broadcast_in_dim3A_239 = arith.constant 0.000000e+00 : f32
    %broadcast_in_dim3A_240 = vector.broadcast %broadcast_in_dim3A_239 : f32 to vector<128x400xf32>
    %get3A_241 = arith.constant 6144 : index
    %get3A_242 = arith.constant 0 : index
    %get3A_243 = vector.load %arg10[%get3A_241, %get3A_242] : memref<10240x400xf32, #tpu.memory_space<vmem>>, vector<128x400xf32>
    %add3A_244 = arith.addf %broadcast_in_dim3A_240, %get3A_243 : vector<128x400xf32>
    %get3A_245 = arith.constant 6272 : index
    %get3A_246 = arith.constant 0 : index
    %get3A_247 = vector.load %arg10[%get3A_245, %get3A_246] : memref<10240x400xf32, #tpu.memory_space<vmem>>, vector<128x400xf32>
    %add3A_248 = arith.addf %add3A_244, %get3A_247 : vector<128x400xf32>
    %get3A_249 = arith.constant 6400 : index
    %get3A_250 = arith.constant 0 : index
    %get3A_251 = vector.load %arg10[%get3A_249, %get3A_250] : memref<10240x400xf32, #tpu.memory_space<vmem>>, vector<128x400xf32>
    %add3A_252 = arith.addf %add3A_248, %get3A_251 : vector<128x400xf32>
    %get3A_253 = arith.constant 6528 : index
    %get3A_254 = arith.constant 0 : index
    %get3A_255 = vector.load %arg10[%get3A_253, %get3A_254] : memref<10240x400xf32, #tpu.memory_space<vmem>>, vector<128x400xf32>
    %add3A_256 = arith.addf %add3A_252, %get3A_255 : vector<128x400xf32>
    %get3A_257 = arith.constant 6656 : index
    %get3A_258 = arith.constant 0 : index
    %get3A_259 = vector.load %arg10[%get3A_257, %get3A_258] : memref<10240x400xf32, #tpu.memory_space<vmem>>, vector<128x400xf32>
    %add3A_260 = arith.addf %add3A_256, %get3A_259 : vector<128x400xf32>
    %get3A_261 = arith.constant 6784 : index
    %get3A_262 = arith.constant 0 : index
    %get3A_263 = vector.load %arg10[%get3A_261, %get3A_262] : memref<10240x400xf32, #tpu.memory_space<vmem>>, vector<128x400xf32>
    %add3A_264 = arith.addf %add3A_260, %get3A_263 : vector<128x400xf32>
    %get3A_265 = arith.constant 6912 : index
    %get3A_266 = arith.constant 0 : index
    %get3A_267 = vector.load %arg10[%get3A_265, %get3A_266] : memref<10240x400xf32, #tpu.memory_space<vmem>>, vector<128x400xf32>
    %add3A_268 = arith.addf %add3A_264, %get3A_267 : vector<128x400xf32>
    %get3A_269 = arith.constant 7040 : index
    %get3A_270 = arith.constant 0 : index
    %get3A_271 = vector.load %arg10[%get3A_269, %get3A_270] : memref<10240x400xf32, #tpu.memory_space<vmem>>, vector<128x400xf32>
    %add3A_272 = arith.addf %add3A_268, %get3A_271 : vector<128x400xf32>
    %get3A_273 = arith.constant 7168 : index
    %get3A_274 = arith.constant 0 : index
    %get3A_275 = vector.load %arg10[%get3A_273, %get3A_274] : memref<10240x400xf32, #tpu.memory_space<vmem>>, vector<128x400xf32>
    %add3A_276 = arith.addf %add3A_272, %get3A_275 : vector<128x400xf32>
    %get3A_277 = arith.constant 7296 : index
    %get3A_278 = arith.constant 0 : index
    %get3A_279 = vector.load %arg10[%get3A_277, %get3A_278] : memref<10240x400xf32, #tpu.memory_space<vmem>>, vector<128x400xf32>
    %add3A_280 = arith.addf %add3A_276, %get3A_279 : vector<128x400xf32>
    %get3A_281 = arith.constant 7424 : index
    %get3A_282 = arith.constant 0 : index
    %get3A_283 = vector.load %arg10[%get3A_281, %get3A_282] : memref<10240x400xf32, #tpu.memory_space<vmem>>, vector<128x400xf32>
    %add3A_284 = arith.addf %add3A_280, %get3A_283 : vector<128x400xf32>
    %get3A_285 = arith.constant 7552 : index
    %get3A_286 = arith.constant 0 : index
    %get3A_287 = vector.load %arg10[%get3A_285, %get3A_286] : memref<10240x400xf32, #tpu.memory_space<vmem>>, vector<128x400xf32>
    %add3A_288 = arith.addf %add3A_284, %get3A_287 : vector<128x400xf32>
    %get3A_289 = arith.constant 7680 : index
    %get3A_290 = arith.constant 0 : index
    %get3A_291 = vector.load %arg10[%get3A_289, %get3A_290] : memref<10240x400xf32, #tpu.memory_space<vmem>>, vector<128x400xf32>
    %add3A_292 = arith.addf %add3A_288, %get3A_291 : vector<128x400xf32>
    %get3A_293 = arith.constant 7808 : index
    %get3A_294 = arith.constant 0 : index
    %get3A_295 = vector.load %arg10[%get3A_293, %get3A_294] : memref<10240x400xf32, #tpu.memory_space<vmem>>, vector<128x400xf32>
    %add3A_296 = arith.addf %add3A_292, %get3A_295 : vector<128x400xf32>
    %get3A_297 = arith.constant 7936 : index
    %get3A_298 = arith.constant 0 : index
    %get3A_299 = vector.load %arg10[%get3A_297, %get3A_298] : memref<10240x400xf32, #tpu.memory_space<vmem>>, vector<128x400xf32>
    %add3A_300 = arith.addf %add3A_296, %get3A_299 : vector<128x400xf32>
    %get3A_301 = arith.constant 8064 : index
    %get3A_302 = arith.constant 0 : index
    %get3A_303 = vector.load %arg10[%get3A_301, %get3A_302] : memref<10240x400xf32, #tpu.memory_space<vmem>>, vector<128x400xf32>
    %add3A_304 = arith.addf %add3A_300, %get3A_303 : vector<128x400xf32>
    %add3A_305 = arith.addf %add3A_171, %add3A_304 : vector<128x400xf32>
    %broadcast_in_dim3A_306 = arith.constant 0.000000e+00 : f32
    %broadcast_in_dim3A_307 = vector.broadcast %broadcast_in_dim3A_306 : f32 to vector<128x400xf32>
    %get3A_308 = arith.constant 8192 : index
    %get3A_309 = arith.constant 0 : index
    %get3A_310 = vector.load %arg10[%get3A_308, %get3A_309] : memref<10240x400xf32, #tpu.memory_space<vmem>>, vector<128x400xf32>
    %add3A_311 = arith.addf %broadcast_in_dim3A_307, %get3A_310 : vector<128x400xf32>
    %get3A_312 = arith.constant 8320 : index
    %get3A_313 = arith.constant 0 : index
    %get3A_314 = vector.load %arg10[%get3A_312, %get3A_313] : memref<10240x400xf32, #tpu.memory_space<vmem>>, vector<128x400xf32>
    %add3A_315 = arith.addf %add3A_311, %get3A_314 : vector<128x400xf32>
    %get3A_316 = arith.constant 8448 : index
    %get3A_317 = arith.constant 0 : index
    %get3A_318 = vector.load %arg10[%get3A_316, %get3A_317] : memref<10240x400xf32, #tpu.memory_space<vmem>>, vector<128x400xf32>
    %add3A_319 = arith.addf %add3A_315, %get3A_318 : vector<128x400xf32>
    %get3A_320 = arith.constant 8576 : index
    %get3A_321 = arith.constant 0 : index
    %get3A_322 = vector.load %arg10[%get3A_320, %get3A_321] : memref<10240x400xf32, #tpu.memory_space<vmem>>, vector<128x400xf32>
    %add3A_323 = arith.addf %add3A_319, %get3A_322 : vector<128x400xf32>
    %get3A_324 = arith.constant 8704 : index
    %get3A_325 = arith.constant 0 : index
    %get3A_326 = vector.load %arg10[%get3A_324, %get3A_325] : memref<10240x400xf32, #tpu.memory_space<vmem>>, vector<128x400xf32>
    %add3A_327 = arith.addf %add3A_323, %get3A_326 : vector<128x400xf32>
    %get3A_328 = arith.constant 8832 : index
    %get3A_329 = arith.constant 0 : index
    %get3A_330 = vector.load %arg10[%get3A_328, %get3A_329] : memref<10240x400xf32, #tpu.memory_space<vmem>>, vector<128x400xf32>
    %add3A_331 = arith.addf %add3A_327, %get3A_330 : vector<128x400xf32>
    %get3A_332 = arith.constant 8960 : index
    %get3A_333 = arith.constant 0 : index
    %get3A_334 = vector.load %arg10[%get3A_332, %get3A_333] : memref<10240x400xf32, #tpu.memory_space<vmem>>, vector<128x400xf32>
    %add3A_335 = arith.addf %add3A_331, %get3A_334 : vector<128x400xf32>
    %get3A_336 = arith.constant 9088 : index
    %get3A_337 = arith.constant 0 : index
    %get3A_338 = vector.load %arg10[%get3A_336, %get3A_337] : memref<10240x400xf32, #tpu.memory_space<vmem>>, vector<128x400xf32>
    %add3A_339 = arith.addf %add3A_335, %get3A_338 : vector<128x400xf32>
    %get3A_340 = arith.constant 9216 : index
    %get3A_341 = arith.constant 0 : index
    %get3A_342 = vector.load %arg10[%get3A_340, %get3A_341] : memref<10240x400xf32, #tpu.memory_space<vmem>>, vector<128x400xf32>
    %add3A_343 = arith.addf %add3A_339, %get3A_342 : vector<128x400xf32>
    %get3A_344 = arith.constant 9344 : index
    %get3A_345 = arith.constant 0 : index
    %get3A_346 = vector.load %arg10[%get3A_344, %get3A_345] : memref<10240x400xf32, #tpu.memory_space<vmem>>, vector<128x400xf32>
    %add3A_347 = arith.addf %add3A_343, %get3A_346 : vector<128x400xf32>
    %get3A_348 = arith.constant 9472 : index
    %get3A_349 = arith.constant 0 : index
    %get3A_350 = vector.load %arg10[%get3A_348, %get3A_349] : memref<10240x400xf32, #tpu.memory_space<vmem>>, vector<128x400xf32>
    %add3A_351 = arith.addf %add3A_347, %get3A_350 : vector<128x400xf32>
    %get3A_352 = arith.constant 9600 : index
    %get3A_353 = arith.constant 0 : index
    %get3A_354 = vector.load %arg10[%get3A_352, %get3A_353] : memref<10240x400xf32, #tpu.memory_space<vmem>>, vector<128x400xf32>
    %add3A_355 = arith.addf %add3A_351, %get3A_354 : vector<128x400xf32>
    %get3A_356 = arith.constant 9728 : index
    %get3A_357 = arith.constant 0 : index
    %get3A_358 = vector.load %arg10[%get3A_356, %get3A_357] : memref<10240x400xf32, #tpu.memory_space<vmem>>, vector<128x400xf32>
    %add3A_359 = arith.addf %add3A_355, %get3A_358 : vector<128x400xf32>
    %get3A_360 = arith.constant 9856 : index
    %get3A_361 = arith.constant 0 : index
    %get3A_362 = vector.load %arg10[%get3A_360, %get3A_361] : memref<10240x400xf32, #tpu.memory_space<vmem>>, vector<128x400xf32>
    %add3A_363 = arith.addf %add3A_359, %get3A_362 : vector<128x400xf32>
    %get3A_364 = arith.constant 9984 : index
    %get3A_365 = arith.constant 0 : index
    %get3A_366 = vector.load %arg10[%get3A_364, %get3A_365] : memref<10240x400xf32, #tpu.memory_space<vmem>>, vector<128x400xf32>
    %add3A_367 = arith.addf %add3A_363, %get3A_366 : vector<128x400xf32>
    %get3A_368 = arith.constant 10112 : index
    %get3A_369 = arith.constant 0 : index
    %get3A_370 = vector.load %arg10[%get3A_368, %get3A_369] : memref<10240x400xf32, #tpu.memory_space<vmem>>, vector<128x400xf32>
    %add3A_371 = arith.addf %add3A_367, %get3A_370 : vector<128x400xf32>
    %add3A_372 = arith.addf %add3A_238, %add3A_371 : vector<128x400xf32>
    %add3A_373 = arith.addf %add3A_372, %add3A_305 : vector<128x400xf32>
    %slice3A = vector.extract_strided_slice %add3A_373 {offsets = [0, 0], sizes = [64, 400], strides = [1, 1]} : vector<128x400xf32> to vector<64x400xf32>
    %slice3A_374 = vector.extract_strided_slice %add3A_373 {offsets = [64, 0], sizes = [64, 400], strides = [1, 1]} : vector<128x400xf32> to vector<64x400xf32>
    %add3A_375 = arith.addf %slice3A, %slice3A_374 : vector<64x400xf32>
    %slice3A_376 = vector.extract_strided_slice %add3A_375 {offsets = [0, 0], sizes = [32, 400], strides = [1, 1]} : vector<64x400xf32> to vector<32x400xf32>
    %slice3A_377 = vector.extract_strided_slice %add3A_375 {offsets = [32, 0], sizes = [32, 400], strides = [1, 1]} : vector<64x400xf32> to vector<32x400xf32>
    %add3A_378 = arith.addf %slice3A_376, %slice3A_377 : vector<32x400xf32>
    %slice3A_379 = vector.extract_strided_slice %add3A_378 {offsets = [0, 0], sizes = [16, 400], strides = [1, 1]} : vector<32x400xf32> to vector<16x400xf32>
    %slice3A_380 = vector.extract_strided_slice %add3A_378 {offsets = [16, 0], sizes = [16, 400], strides = [1, 1]} : vector<32x400xf32> to vector<16x400xf32>
    %add3A_381 = arith.addf %slice3A_379, %slice3A_380 : vector<16x400xf32>
    %slice3A_382 = vector.extract_strided_slice %add3A_381 {offsets = [0, 0], sizes = [8, 400], strides = [1, 1]} : vector<16x400xf32> to vector<8x400xf32>
    %slice3A_383 = vector.extract_strided_slice %add3A_381 {offsets = [8, 0], sizes = [8, 400], strides = [1, 1]} : vector<16x400xf32> to vector<8x400xf32>
    %add3A_384 = arith.addf %slice3A_382, %slice3A_383 : vector<8x400xf32>
    %slice3A_385 = vector.extract_strided_slice %add3A_384 {offsets = [0, 0], sizes = [4, 400], strides = [1, 1]} : vector<8x400xf32> to vector<4x400xf32>
    %slice3A_386 = vector.extract_strided_slice %add3A_384 {offsets = [4, 0], sizes = [4, 400], strides = [1, 1]} : vector<8x400xf32> to vector<4x400xf32>
    %add3A_387 = arith.addf %slice3A_385, %slice3A_386 : vector<4x400xf32>
    %slice3A_388 = vector.extract_strided_slice %add3A_387 {offsets = [0, 0], sizes = [2, 400], strides = [1, 1]} : vector<4x400xf32> to vector<2x400xf32>
    %slice3A_389 = vector.extract_strided_slice %add3A_387 {offsets = [2, 0], sizes = [2, 400], strides = [1, 1]} : vector<4x400xf32> to vector<2x400xf32>
    %add3A_390 = arith.addf %slice3A_388, %slice3A_389 : vector<2x400xf32>
    %slice3A_391 = vector.extract_strided_slice %add3A_390 {offsets = [0, 0], sizes = [1, 400], strides = [1, 1]} : vector<2x400xf32> to vector<1x400xf32>
    %slice3A_392 = vector.extract_strided_slice %add3A_390 {offsets = [1, 0], sizes = [1, 400], strides = [1, 1]} : vector<2x400xf32> to vector<1x400xf32>
    %add3A_393 = arith.addf %slice3A_391, %slice3A_392 : vector<1x400xf32>
    %scan3A_394 = arith.constant 0 : i32
    %scan3A_395 = arith.constant 20 : i32
    %scan3A_396 = arith.addi %scan3A_394, %scan3A_395 : i32
    %scan3A_397 = arith.constant 1 : i32
    scf.for %scan3A_1701 = %scan3A_394 to %scan3A_396 step %scan3A_397  : i32 {
      %mul3A_1702 = arith.constant 512 : i32
      %mul3A_1703 = arith.muli %scan3A_1701, %mul3A_1702 : i32
      %get3A_1704 = arith.index_cast %mul3A_1703 : i32 to index
      %get3A_1705 = arith.constant 0 : index
      %get3A_1706 = vector.load %arg10[%get3A_1704, %get3A_1705] : memref<10240x400xf32, #tpu.memory_space<vmem>>, vector<512x400xf32>
      %div3A = arith.constant 1.000000e+00 : f32
      %div3A_1707 = vector.broadcast %div3A : f32 to vector<1x400xf32>
      %div3A_1708 = arith.divf %div3A_1707, %add3A_393 : vector<1x400xf32>
      %mul3A_1709 = vector.broadcast %div3A_1708 : vector<1x400xf32> to vector<512x400xf32>
      %mul3A_1710 = arith.mulf %get3A_1706, %mul3A_1709 : vector<512x400xf32>
      %swap3A_1711 = arith.index_cast %mul3A_1703 : i32 to index
      %swap3A_1712 = arith.constant 0 : index
      %swap3A_1713 = vector.load %arg10[%swap3A_1711, %swap3A_1712] : memref<10240x400xf32, #tpu.memory_space<vmem>>, vector<512x400xf32>
      tpu.vector_store %arg10[%swap3A_1711, %swap3A_1712], %mul3A_1710 {strides = array<i32>} : memref<10240x400xf32, #tpu.memory_space<vmem>>, vector<512x400xf32>,
    }
    %scan3A_398 = arith.constant 20 : i32
    %broadcast_in_dim3A_399 = arith.constant 0.000000e+00 : f32
    %broadcast_in_dim3A_400 = vector.broadcast %broadcast_in_dim3A_399 : f32 to vector<400x16xf32>
    %scan3A_401 = arith.constant 0 : i32
    %scan3A_402 = arith.constant 10 : i32
    %scan3A_403 = arith.addi %scan3A_401, %scan3A_402 : i32
    %scan3A_404 = arith.constant 1 : i32
    %scan3A_405 = scf.for %scan3A_1701 = %scan3A_401 to %scan3A_403 step %scan3A_404 iter_args(%scan3A_1702 = %broadcast_in_dim3A_400) -> (vector<400x16xf32>)  : i32 {
      %mul3A_1703 = arith.constant 1024 : i32
      %mul3A_1704 = arith.muli %scan3A_1701, %mul3A_1703 : i32
      %get3A_1705 = arith.index_cast %mul3A_1704 : i32 to index
      %get3A_1706 = arith.constant 0 : index
      %get3A_1707 = vector.load %arg10[%get3A_1705, %get3A_1706] : memref<10240x400xf32, #tpu.memory_space<vmem>>, vector<1024x400xf32>
      %mul3A_1708 = arith.constant 1024 : i32
      %mul3A_1709 = arith.muli %scan3A_1701, %mul3A_1708 : i32
      %get3A_1710 = arith.index_cast %mul3A_1709 : i32 to index
      %get3A_1711 = arith.constant 128 : index
      %get3A_1712 = vector.load %arg2[%get3A_1710, %get3A_1711] : memref<10240x192xf32, #tpu.memory_space<vmem>>, vector<1024x16xf32>
      %dot_general3A_1713 = arith.constant dense<0.000000e+00> : vector<400x16xf32>
      %dot_general3A_1714 = tpu.matmul %get3A_1707, %get3A_1712, %dot_general3A_1713 {dimension_numbers = #tpu.dot_dimension_numbers<[0], [0], [1], [1], [0, 1, 1, 1], [], []>, transpose_lhs_hint = false} : vector<1024x400xf32>, vector<1024x16xf32>, vector<400x16xf32> -> vector<400x16xf32>
      %add3A_1715 = arith.addf %scan3A_1702, %dot_general3A_1714 : vector<400x16xf32>
      scf.yield %add3A_1715 : vector<400x16xf32>
    }
    %scan3A_406 = arith.constant 10 : i32
    %get3A_407 = arith.constant 0 : index
    %get3A_408 = arith.constant 16 : index
    %get3A_409 = vector.load %arg1[%get3A_407, %get3A_408] : memref<400x192xf32, #tpu.memory_space<vmem>>, vector<400x16xf32>
    %mul3A_410 = arith.constant 2.500000e-01 : f32
    %mul3A_411 = vector.broadcast %mul3A_410 : f32 to vector<400x16xf32>
    %mul3A_412 = arith.mulf %get3A_409, %mul3A_411 : vector<400x16xf32>
    %broadcast_in_dim3A_413 = arith.constant 0xFF800000 : f32
    %broadcast_in_dim3A_414 = vector.broadcast %broadcast_in_dim3A_413 : f32 to vector<1x400xf32>
    %scan3A_415 = arith.constant 0 : i32
    %scan3A_416 = arith.constant 19 : i32
    %scan3A_417 = arith.addi %scan3A_415, %scan3A_416 : i32
    %scan3A_418 = arith.constant 1 : i32
    %scan3A_419 = scf.for %scan3A_1701 = %scan3A_415 to %scan3A_417 step %scan3A_418 iter_args(%scan3A_1702 = %broadcast_in_dim3A_414) -> (vector<1x400xf32>)  : i32 {
      %mul3A_1703 = arith.constant 512 : i32
      %mul3A_1704 = arith.muli %scan3A_1701, %mul3A_1703 : i32
      %get3A_1705 = arith.index_cast %mul3A_1704 : i32 to index
      %get3A_1706 = arith.constant 80 : index
      %get3A_1707 = vector.load %arg2[%get3A_1705, %get3A_1706] : memref<10240x192xf32, #tpu.memory_space<vmem>>, vector<512x16xf32>
      %dot_general3A_1708 = arith.constant dense<0.000000e+00> : vector<512x400xf32>
      %dot_general3A_1709 = tpu.matmul %get3A_1707, %mul3A_412, %dot_general3A_1708 {dimension_numbers = #tpu.dot_dimension_numbers<[1], [1], [0], [0], [0, 0, 1, 0], [], []>, transpose_lhs_hint = false} : vector<512x16xf32>, vector<400x16xf32>, vector<512x400xf32> -> vector<512x400xf32>
      %mul3A_1710 = arith.constant 512 : i32
      %mul3A_1711 = arith.muli %scan3A_1701, %mul3A_1710 : i32
      %swap3A_1712 = arith.index_cast %mul3A_1711 : i32 to index
      %swap3A_1713 = arith.constant 0 : index
      %swap3A_1714 = vector.load %arg10[%swap3A_1712, %swap3A_1713] : memref<10240x400xf32, #tpu.memory_space<vmem>>, vector<512x400xf32>
      tpu.vector_store %arg10[%swap3A_1712, %swap3A_1713], %dot_general3A_1709 {strides = array<i32>} : memref<10240x400xf32, #tpu.memory_space<vmem>>, vector<512x400xf32>,
      %reduce_max3A_1715 = arith.constant dense<0xFF800000> : vector<400xf32>
      %reduce_max3A_1716 = vector.multi_reduction <maximumf>, %dot_general3A_1709, %reduce_max3A_1715 [0] : vector<512x400xf32> to vector<400xf32>
      %broadcast_in_dim3A_1717 = vector.shape_cast %reduce_max3A_1716 : vector<400xf32> to vector<1x400xf32>
      %max3A_1718 = arith.maximumf %scan3A_1702, %broadcast_in_dim3A_1717 : vector<1x400xf32>
      scf.yield %max3A_1718 : vector<1x400xf32>
    }
    %scan3A_420 = arith.constant 19 : i32
    %get3A_421 = arith.constant 9728 : index
    %get3A_422 = arith.constant 80 : index
    %get3A_423 = vector.load %arg2[%get3A_421, %get3A_422] : memref<10240x192xf32, #tpu.memory_space<vmem>>, vector<272x16xf32>
    %dot_general3A_424 = arith.constant dense<0.000000e+00> : vector<272x400xf32>
    %dot_general3A_425 = tpu.matmul %get3A_423, %mul3A_412, %dot_general3A_424 {dimension_numbers = #tpu.dot_dimension_numbers<[1], [1], [0], [0], [0, 0, 1, 0], [], []>, transpose_lhs_hint = false} : vector<272x16xf32>, vector<400x16xf32>, vector<272x400xf32> -> vector<272x400xf32>
    %swap3A_426 = arith.constant 9728 : index
    %swap3A_427 = arith.constant 0 : index
    %swap3A_428 = vector.load %arg10[%swap3A_426, %swap3A_427] : memref<10240x400xf32, #tpu.memory_space<vmem>>, vector<272x400xf32>
    tpu.vector_store %arg10[%swap3A_426, %swap3A_427], %dot_general3A_425 {strides = array<i32>} : memref<10240x400xf32, #tpu.memory_space<vmem>>, vector<272x400xf32>,
    %reduce_max3A_429 = arith.constant dense<0xFF800000> : vector<400xf32>
    %reduce_max3A_430 = vector.multi_reduction <maximumf>, %dot_general3A_425, %reduce_max3A_429 [0] : vector<272x400xf32> to vector<400xf32>
    %broadcast_in_dim3A_431 = vector.shape_cast %reduce_max3A_430 : vector<400xf32> to vector<1x400xf32>
    %max3A_432 = arith.maximumf %scan3A_419, %broadcast_in_dim3A_431 : vector<1x400xf32>
    %broadcast_in_dim3A_433 = arith.constant 0.000000e+00 : f32
    %broadcast_in_dim3A_434 = vector.broadcast %broadcast_in_dim3A_433 : f32 to vector<240x400xf32>
    %swap3A_435 = arith.constant 10000 : index
    %swap3A_436 = arith.constant 0 : index
    %swap3A_437 = vector.load %arg10[%swap3A_435, %swap3A_436] : memref<10240x400xf32, #tpu.memory_space<vmem>>, vector<240x400xf32>
    tpu.vector_store %arg10[%swap3A_435, %swap3A_436], %broadcast_in_dim3A_434 {strides = array<i32>} : memref<10240x400xf32, #tpu.memory_space<vmem>>, vector<240x400xf32>,
    %scan3A_438 = arith.constant 0 : i32
    %scan3A_439 = arith.constant 78 : i32
    %scan3A_440 = arith.addi %scan3A_438, %scan3A_439 : i32
    %scan3A_441 = arith.constant 1 : i32
    scf.for %scan3A_1701 = %scan3A_438 to %scan3A_440 step %scan3A_441  : i32 {
      %mul3A_1702 = arith.constant 128 : i32
      %mul3A_1703 = arith.muli %scan3A_1701, %mul3A_1702 : i32
      %get3A_1704 = arith.index_cast %mul3A_1703 : i32 to index
      %get3A_1705 = arith.constant 0 : index
      %get3A_1706 = vector.load %arg10[%get3A_1704, %get3A_1705] : memref<10240x400xf32, #tpu.memory_space<vmem>>, vector<128x400xf32>
      %sub3A_1707 = vector.broadcast %max3A_432 : vector<1x400xf32> to vector<128x400xf32>
      %sub3A_1708 = arith.subf %get3A_1706, %sub3A_1707 : vector<128x400xf32>
      %exp3A_1709 = math.exp %sub3A_1708 : vector<128x400xf32>
      %swap3A_1710 = arith.index_cast %mul3A_1703 : i32 to index
      %swap3A_1711 = arith.constant 0 : index
      %swap3A_1712 = vector.load %arg10[%swap3A_1710, %swap3A_1711] : memref<10240x400xf32, #tpu.memory_space<vmem>>, vector<128x400xf32>
      tpu.vector_store %arg10[%swap3A_1710, %swap3A_1711], %exp3A_1709 {strides = array<i32>} : memref<10240x400xf32, #tpu.memory_space<vmem>>, vector<128x400xf32>,
    }
    %scan3A_442 = arith.constant 78 : i32
    %get3A_443 = arith.constant 9984 : index
    %get3A_444 = arith.constant 0 : index
    %get3A_445 = vector.load %arg10[%get3A_443, %get3A_444] : memref<10240x400xf32, #tpu.memory_space<vmem>>, vector<16x400xf32>
    %sub3A_446 = vector.broadcast %max3A_432 : vector<1x400xf32> to vector<16x400xf32>
    %sub3A_447 = arith.subf %get3A_445, %sub3A_446 : vector<16x400xf32>
    %exp3A_448 = math.exp %sub3A_447 : vector<16x400xf32>
    %swap3A_449 = arith.constant 9984 : index
    %swap3A_450 = arith.constant 0 : index
    %swap3A_451 = vector.load %arg10[%swap3A_449, %swap3A_450] : memref<10240x400xf32, #tpu.memory_space<vmem>>, vector<16x400xf32>
    tpu.vector_store %arg10[%swap3A_449, %swap3A_450], %exp3A_448 {strides = array<i32>} : memref<10240x400xf32, #tpu.memory_space<vmem>>, vector<16x400xf32>,
    %broadcast_in_dim3A_452 = arith.constant 0.000000e+00 : f32
    %broadcast_in_dim3A_453 = vector.broadcast %broadcast_in_dim3A_452 : f32 to vector<128x400xf32>
    %broadcast_in_dim3A_454 = arith.constant 0.000000e+00 : f32
    %broadcast_in_dim3A_455 = vector.broadcast %broadcast_in_dim3A_454 : f32 to vector<128x400xf32>
    %broadcast_in_dim3A_456 = arith.constant 0.000000e+00 : f32
    %broadcast_in_dim3A_457 = vector.broadcast %broadcast_in_dim3A_456 : f32 to vector<128x400xf32>
    %get3A_458 = arith.constant 0 : index
    %get3A_459 = arith.constant 0 : index
    %get3A_460 = vector.load %arg10[%get3A_458, %get3A_459] : memref<10240x400xf32, #tpu.memory_space<vmem>>, vector<128x400xf32>
    %add3A_461 = arith.addf %broadcast_in_dim3A_457, %get3A_460 : vector<128x400xf32>
    %get3A_462 = arith.constant 128 : index
    %get3A_463 = arith.constant 0 : index
    %get3A_464 = vector.load %arg10[%get3A_462, %get3A_463] : memref<10240x400xf32, #tpu.memory_space<vmem>>, vector<128x400xf32>
    %add3A_465 = arith.addf %add3A_461, %get3A_464 : vector<128x400xf32>
    %get3A_466 = arith.constant 256 : index
    %get3A_467 = arith.constant 0 : index
    %get3A_468 = vector.load %arg10[%get3A_466, %get3A_467] : memref<10240x400xf32, #tpu.memory_space<vmem>>, vector<128x400xf32>
    %add3A_469 = arith.addf %add3A_465, %get3A_468 : vector<128x400xf32>
    %get3A_470 = arith.constant 384 : index
    %get3A_471 = arith.constant 0 : index
    %get3A_472 = vector.load %arg10[%get3A_470, %get3A_471] : memref<10240x400xf32, #tpu.memory_space<vmem>>, vector<128x400xf32>
    %add3A_473 = arith.addf %add3A_469, %get3A_472 : vector<128x400xf32>
    %get3A_474 = arith.constant 512 : index
    %get3A_475 = arith.constant 0 : index
    %get3A_476 = vector.load %arg10[%get3A_474, %get3A_475] : memref<10240x400xf32, #tpu.memory_space<vmem>>, vector<128x400xf32>
    %add3A_477 = arith.addf %add3A_473, %get3A_476 : vector<128x400xf32>
    %get3A_478 = arith.constant 640 : index
    %get3A_479 = arith.constant 0 : index
    %get3A_480 = vector.load %arg10[%get3A_478, %get3A_479] : memref<10240x400xf32, #tpu.memory_space<vmem>>, vector<128x400xf32>
    %add3A_481 = arith.addf %add3A_477, %get3A_480 : vector<128x400xf32>
    %get3A_482 = arith.constant 768 : index
    %get3A_483 = arith.constant 0 : index
    %get3A_484 = vector.load %arg10[%get3A_482, %get3A_483] : memref<10240x400xf32, #tpu.memory_space<vmem>>, vector<128x400xf32>
    %add3A_485 = arith.addf %add3A_481, %get3A_484 : vector<128x400xf32>
    %get3A_486 = arith.constant 896 : index
    %get3A_487 = arith.constant 0 : index
    %get3A_488 = vector.load %arg10[%get3A_486, %get3A_487] : memref<10240x400xf32, #tpu.memory_space<vmem>>, vector<128x400xf32>
    %add3A_489 = arith.addf %add3A_485, %get3A_488 : vector<128x400xf32>
    %get3A_490 = arith.constant 1024 : index
    %get3A_491 = arith.constant 0 : index
    %get3A_492 = vector.load %arg10[%get3A_490, %get3A_491] : memref<10240x400xf32, #tpu.memory_space<vmem>>, vector<128x400xf32>
    %add3A_493 = arith.addf %add3A_489, %get3A_492 : vector<128x400xf32>
    %get3A_494 = arith.constant 1152 : index
    %get3A_495 = arith.constant 0 : index
    %get3A_496 = vector.load %arg10[%get3A_494, %get3A_495] : memref<10240x400xf32, #tpu.memory_space<vmem>>, vector<128x400xf32>
    %add3A_497 = arith.addf %add3A_493, %get3A_496 : vector<128x400xf32>
    %get3A_498 = arith.constant 1280 : index
    %get3A_499 = arith.constant 0 : index
    %get3A_500 = vector.load %arg10[%get3A_498, %get3A_499] : memref<10240x400xf32, #tpu.memory_space<vmem>>, vector<128x400xf32>
    %add3A_501 = arith.addf %add3A_497, %get3A_500 : vector<128x400xf32>
    %get3A_502 = arith.constant 1408 : index
    %get3A_503 = arith.constant 0 : index
    %get3A_504 = vector.load %arg10[%get3A_502, %get3A_503] : memref<10240x400xf32, #tpu.memory_space<vmem>>, vector<128x400xf32>
    %add3A_505 = arith.addf %add3A_501, %get3A_504 : vector<128x400xf32>
    %get3A_506 = arith.constant 1536 : index
    %get3A_507 = arith.constant 0 : index
    %get3A_508 = vector.load %arg10[%get3A_506, %get3A_507] : memref<10240x400xf32, #tpu.memory_space<vmem>>, vector<128x400xf32>
    %add3A_509 = arith.addf %add3A_505, %get3A_508 : vector<128x400xf32>
    %get3A_510 = arith.constant 1664 : index
    %get3A_511 = arith.constant 0 : index
    %get3A_512 = vector.load %arg10[%get3A_510, %get3A_511] : memref<10240x400xf32, #tpu.memory_space<vmem>>, vector<128x400xf32>
    %add3A_513 = arith.addf %add3A_509, %get3A_512 : vector<128x400xf32>
    %get3A_514 = arith.constant 1792 : index
    %get3A_515 = arith.constant 0 : index
    %get3A_516 = vector.load %arg10[%get3A_514, %get3A_515] : memref<10240x400xf32, #tpu.memory_space<vmem>>, vector<128x400xf32>
    %add3A_517 = arith.addf %add3A_513, %get3A_516 : vector<128x400xf32>
    %get3A_518 = arith.constant 1920 : index
    %get3A_519 = arith.constant 0 : index
    %get3A_520 = vector.load %arg10[%get3A_518, %get3A_519] : memref<10240x400xf32, #tpu.memory_space<vmem>>, vector<128x400xf32>
    %add3A_521 = arith.addf %add3A_517, %get3A_520 : vector<128x400xf32>
    %add3A_522 = arith.addf %broadcast_in_dim3A_453, %add3A_521 : vector<128x400xf32>
    %broadcast_in_dim3A_523 = arith.constant 0.000000e+00 : f32
    %broadcast_in_dim3A_524 = vector.broadcast %broadcast_in_dim3A_523 : f32 to vector<128x400xf32>
    %get3A_525 = arith.constant 2048 : index
    %get3A_526 = arith.constant 0 : index
    %get3A_527 = vector.load %arg10[%get3A_525, %get3A_526] : memref<10240x400xf32, #tpu.memory_space<vmem>>, vector<128x400xf32>
    %add3A_528 = arith.addf %broadcast_in_dim3A_524, %get3A_527 : vector<128x400xf32>
    %get3A_529 = arith.constant 2176 : index
    %get3A_530 = arith.constant 0 : index
    %get3A_531 = vector.load %arg10[%get3A_529, %get3A_530] : memref<10240x400xf32, #tpu.memory_space<vmem>>, vector<128x400xf32>
    %add3A_532 = arith.addf %add3A_528, %get3A_531 : vector<128x400xf32>
    %get3A_533 = arith.constant 2304 : index
    %get3A_534 = arith.constant 0 : index
    %get3A_535 = vector.load %arg10[%get3A_533, %get3A_534] : memref<10240x400xf32, #tpu.memory_space<vmem>>, vector<128x400xf32>
    %add3A_536 = arith.addf %add3A_532, %get3A_535 : vector<128x400xf32>
    %get3A_537 = arith.constant 2432 : index
    %get3A_538 = arith.constant 0 : index
    %get3A_539 = vector.load %arg10[%get3A_537, %get3A_538] : memref<10240x400xf32, #tpu.memory_space<vmem>>, vector<128x400xf32>
    %add3A_540 = arith.addf %add3A_536, %get3A_539 : vector<128x400xf32>
    %get3A_541 = arith.constant 2560 : index
    %get3A_542 = arith.constant 0 : index
    %get3A_543 = vector.load %arg10[%get3A_541, %get3A_542] : memref<10240x400xf32, #tpu.memory_space<vmem>>, vector<128x400xf32>
    %add3A_544 = arith.addf %add3A_540, %get3A_543 : vector<128x400xf32>
    %get3A_545 = arith.constant 2688 : index
    %get3A_546 = arith.constant 0 : index
    %get3A_547 = vector.load %arg10[%get3A_545, %get3A_546] : memref<10240x400xf32, #tpu.memory_space<vmem>>, vector<128x400xf32>
    %add3A_548 = arith.addf %add3A_544, %get3A_547 : vector<128x400xf32>
    %get3A_549 = arith.constant 2816 : index
    %get3A_550 = arith.constant 0 : index
    %get3A_551 = vector.load %arg10[%get3A_549, %get3A_550] : memref<10240x400xf32, #tpu.memory_space<vmem>>, vector<128x400xf32>
    %add3A_552 = arith.addf %add3A_548, %get3A_551 : vector<128x400xf32>
    %get3A_553 = arith.constant 2944 : index
    %get3A_554 = arith.constant 0 : index
    %get3A_555 = vector.load %arg10[%get3A_553, %get3A_554] : memref<10240x400xf32, #tpu.memory_space<vmem>>, vector<128x400xf32>
    %add3A_556 = arith.addf %add3A_552, %get3A_555 : vector<128x400xf32>
    %get3A_557 = arith.constant 3072 : index
    %get3A_558 = arith.constant 0 : index
    %get3A_559 = vector.load %arg10[%get3A_557, %get3A_558] : memref<10240x400xf32, #tpu.memory_space<vmem>>, vector<128x400xf32>
    %add3A_560 = arith.addf %add3A_556, %get3A_559 : vector<128x400xf32>
    %get3A_561 = arith.constant 3200 : index
    %get3A_562 = arith.constant 0 : index
    %get3A_563 = vector.load %arg10[%get3A_561, %get3A_562] : memref<10240x400xf32, #tpu.memory_space<vmem>>, vector<128x400xf32>
    %add3A_564 = arith.addf %add3A_560, %get3A_563 : vector<128x400xf32>
    %get3A_565 = arith.constant 3328 : index
    %get3A_566 = arith.constant 0 : index
    %get3A_567 = vector.load %arg10[%get3A_565, %get3A_566] : memref<10240x400xf32, #tpu.memory_space<vmem>>, vector<128x400xf32>
    %add3A_568 = arith.addf %add3A_564, %get3A_567 : vector<128x400xf32>
    %get3A_569 = arith.constant 3456 : index
    %get3A_570 = arith.constant 0 : index
    %get3A_571 = vector.load %arg10[%get3A_569, %get3A_570] : memref<10240x400xf32, #tpu.memory_space<vmem>>, vector<128x400xf32>
    %add3A_572 = arith.addf %add3A_568, %get3A_571 : vector<128x400xf32>
    %get3A_573 = arith.constant 3584 : index
    %get3A_574 = arith.constant 0 : index
    %get3A_575 = vector.load %arg10[%get3A_573, %get3A_574] : memref<10240x400xf32, #tpu.memory_space<vmem>>, vector<128x400xf32>
    %add3A_576 = arith.addf %add3A_572, %get3A_575 : vector<128x400xf32>
    %get3A_577 = arith.constant 3712 : index
    %get3A_578 = arith.constant 0 : index
    %get3A_579 = vector.load %arg10[%get3A_577, %get3A_578] : memref<10240x400xf32, #tpu.memory_space<vmem>>, vector<128x400xf32>
    %add3A_580 = arith.addf %add3A_576, %get3A_579 : vector<128x400xf32>
    %get3A_581 = arith.constant 3840 : index
    %get3A_582 = arith.constant 0 : index
    %get3A_583 = vector.load %arg10[%get3A_581, %get3A_582] : memref<10240x400xf32, #tpu.memory_space<vmem>>, vector<128x400xf32>
    %add3A_584 = arith.addf %add3A_580, %get3A_583 : vector<128x400xf32>
    %get3A_585 = arith.constant 3968 : index
    %get3A_586 = arith.constant 0 : index
    %get3A_587 = vector.load %arg10[%get3A_585, %get3A_586] : memref<10240x400xf32, #tpu.memory_space<vmem>>, vector<128x400xf32>
    %add3A_588 = arith.addf %add3A_584, %get3A_587 : vector<128x400xf32>
    %add3A_589 = arith.addf %broadcast_in_dim3A_455, %add3A_588 : vector<128x400xf32>
    %broadcast_in_dim3A_590 = arith.constant 0.000000e+00 : f32
    %broadcast_in_dim3A_591 = vector.broadcast %broadcast_in_dim3A_590 : f32 to vector<128x400xf32>
    %get3A_592 = arith.constant 4096 : index
    %get3A_593 = arith.constant 0 : index
    %get3A_594 = vector.load %arg10[%get3A_592, %get3A_593] : memref<10240x400xf32, #tpu.memory_space<vmem>>, vector<128x400xf32>
    %add3A_595 = arith.addf %broadcast_in_dim3A_591, %get3A_594 : vector<128x400xf32>
    %get3A_596 = arith.constant 4224 : index
    %get3A_597 = arith.constant 0 : index
    %get3A_598 = vector.load %arg10[%get3A_596, %get3A_597] : memref<10240x400xf32, #tpu.memory_space<vmem>>, vector<128x400xf32>
    %add3A_599 = arith.addf %add3A_595, %get3A_598 : vector<128x400xf32>
    %get3A_600 = arith.constant 4352 : index
    %get3A_601 = arith.constant 0 : index
    %get3A_602 = vector.load %arg10[%get3A_600, %get3A_601] : memref<10240x400xf32, #tpu.memory_space<vmem>>, vector<128x400xf32>
    %add3A_603 = arith.addf %add3A_599, %get3A_602 : vector<128x400xf32>
    %get3A_604 = arith.constant 4480 : index
    %get3A_605 = arith.constant 0 : index
    %get3A_606 = vector.load %arg10[%get3A_604, %get3A_605] : memref<10240x400xf32, #tpu.memory_space<vmem>>, vector<128x400xf32>
    %add3A_607 = arith.addf %add3A_603, %get3A_606 : vector<128x400xf32>
    %get3A_608 = arith.constant 4608 : index
    %get3A_609 = arith.constant 0 : index
    %get3A_610 = vector.load %arg10[%get3A_608, %get3A_609] : memref<10240x400xf32, #tpu.memory_space<vmem>>, vector<128x400xf32>
    %add3A_611 = arith.addf %add3A_607, %get3A_610 : vector<128x400xf32>
    %get3A_612 = arith.constant 4736 : index
    %get3A_613 = arith.constant 0 : index
    %get3A_614 = vector.load %arg10[%get3A_612, %get3A_613] : memref<10240x400xf32, #tpu.memory_space<vmem>>, vector<128x400xf32>
    %add3A_615 = arith.addf %add3A_611, %get3A_614 : vector<128x400xf32>
    %get3A_616 = arith.constant 4864 : index
    %get3A_617 = arith.constant 0 : index
    %get3A_618 = vector.load %arg10[%get3A_616, %get3A_617] : memref<10240x400xf32, #tpu.memory_space<vmem>>, vector<128x400xf32>
    %add3A_619 = arith.addf %add3A_615, %get3A_618 : vector<128x400xf32>
    %get3A_620 = arith.constant 4992 : index
    %get3A_621 = arith.constant 0 : index
    %get3A_622 = vector.load %arg10[%get3A_620, %get3A_621] : memref<10240x400xf32, #tpu.memory_space<vmem>>, vector<128x400xf32>
    %add3A_623 = arith.addf %add3A_619, %get3A_622 : vector<128x400xf32>
    %get3A_624 = arith.constant 5120 : index
    %get3A_625 = arith.constant 0 : index
    %get3A_626 = vector.load %arg10[%get3A_624, %get3A_625] : memref<10240x400xf32, #tpu.memory_space<vmem>>, vector<128x400xf32>
    %add3A_627 = arith.addf %add3A_623, %get3A_626 : vector<128x400xf32>
    %get3A_628 = arith.constant 5248 : index
    %get3A_629 = arith.constant 0 : index
    %get3A_630 = vector.load %arg10[%get3A_628, %get3A_629] : memref<10240x400xf32, #tpu.memory_space<vmem>>, vector<128x400xf32>
    %add3A_631 = arith.addf %add3A_627, %get3A_630 : vector<128x400xf32>
    %get3A_632 = arith.constant 5376 : index
    %get3A_633 = arith.constant 0 : index
    %get3A_634 = vector.load %arg10[%get3A_632, %get3A_633] : memref<10240x400xf32, #tpu.memory_space<vmem>>, vector<128x400xf32>
    %add3A_635 = arith.addf %add3A_631, %get3A_634 : vector<128x400xf32>
    %get3A_636 = arith.constant 5504 : index
    %get3A_637 = arith.constant 0 : index
    %get3A_638 = vector.load %arg10[%get3A_636, %get3A_637] : memref<10240x400xf32, #tpu.memory_space<vmem>>, vector<128x400xf32>
    %add3A_639 = arith.addf %add3A_635, %get3A_638 : vector<128x400xf32>
    %get3A_640 = arith.constant 5632 : index
    %get3A_641 = arith.constant 0 : index
    %get3A_642 = vector.load %arg10[%get3A_640, %get3A_641] : memref<10240x400xf32, #tpu.memory_space<vmem>>, vector<128x400xf32>
    %add3A_643 = arith.addf %add3A_639, %get3A_642 : vector<128x400xf32>
    %get3A_644 = arith.constant 5760 : index
    %get3A_645 = arith.constant 0 : index
    %get3A_646 = vector.load %arg10[%get3A_644, %get3A_645] : memref<10240x400xf32, #tpu.memory_space<vmem>>, vector<128x400xf32>
    %add3A_647 = arith.addf %add3A_643, %get3A_646 : vector<128x400xf32>
    %get3A_648 = arith.constant 5888 : index
    %get3A_649 = arith.constant 0 : index
    %get3A_650 = vector.load %arg10[%get3A_648, %get3A_649] : memref<10240x400xf32, #tpu.memory_space<vmem>>, vector<128x400xf32>
    %add3A_651 = arith.addf %add3A_647, %get3A_650 : vector<128x400xf32>
    %get3A_652 = arith.constant 6016 : index
    %get3A_653 = arith.constant 0 : index
    %get3A_654 = vector.load %arg10[%get3A_652, %get3A_653] : memref<10240x400xf32, #tpu.memory_space<vmem>>, vector<128x400xf32>
    %add3A_655 = arith.addf %add3A_651, %get3A_654 : vector<128x400xf32>
    %add3A_656 = arith.addf %add3A_522, %add3A_655 : vector<128x400xf32>
    %broadcast_in_dim3A_657 = arith.constant 0.000000e+00 : f32
    %broadcast_in_dim3A_658 = vector.broadcast %broadcast_in_dim3A_657 : f32 to vector<128x400xf32>
    %get3A_659 = arith.constant 6144 : index
    %get3A_660 = arith.constant 0 : index
    %get3A_661 = vector.load %arg10[%get3A_659, %get3A_660] : memref<10240x400xf32, #tpu.memory_space<vmem>>, vector<128x400xf32>
    %add3A_662 = arith.addf %broadcast_in_dim3A_658, %get3A_661 : vector<128x400xf32>
    %get3A_663 = arith.constant 6272 : index
    %get3A_664 = arith.constant 0 : index
    %get3A_665 = vector.load %arg10[%get3A_663, %get3A_664] : memref<10240x400xf32, #tpu.memory_space<vmem>>, vector<128x400xf32>
    %add3A_666 = arith.addf %add3A_662, %get3A_665 : vector<128x400xf32>
    %get3A_667 = arith.constant 6400 : index
    %get3A_668 = arith.constant 0 : index
    %get3A_669 = vector.load %arg10[%get3A_667, %get3A_668] : memref<10240x400xf32, #tpu.memory_space<vmem>>, vector<128x400xf32>
    %add3A_670 = arith.addf %add3A_666, %get3A_669 : vector<128x400xf32>
    %get3A_671 = arith.constant 6528 : index
    %get3A_672 = arith.constant 0 : index
    %get3A_673 = vector.load %arg10[%get3A_671, %get3A_672] : memref<10240x400xf32, #tpu.memory_space<vmem>>, vector<128x400xf32>
    %add3A_674 = arith.addf %add3A_670, %get3A_673 : vector<128x400xf32>
    %get3A_675 = arith.constant 6656 : index
    %get3A_676 = arith.constant 0 : index
    %get3A_677 = vector.load %arg10[%get3A_675, %get3A_676] : memref<10240x400xf32, #tpu.memory_space<vmem>>, vector<128x400xf32>
    %add3A_678 = arith.addf %add3A_674, %get3A_677 : vector<128x400xf32>
    %get3A_679 = arith.constant 6784 : index
    %get3A_680 = arith.constant 0 : index
    %get3A_681 = vector.load %arg10[%get3A_679, %get3A_680] : memref<10240x400xf32, #tpu.memory_space<vmem>>, vector<128x400xf32>
    %add3A_682 = arith.addf %add3A_678, %get3A_681 : vector<128x400xf32>
    %get3A_683 = arith.constant 6912 : index
    %get3A_684 = arith.constant 0 : index
    %get3A_685 = vector.load %arg10[%get3A_683, %get3A_684] : memref<10240x400xf32, #tpu.memory_space<vmem>>, vector<128x400xf32>
    %add3A_686 = arith.addf %add3A_682, %get3A_685 : vector<128x400xf32>
    %get3A_687 = arith.constant 7040 : index
    %get3A_688 = arith.constant 0 : index
    %get3A_689 = vector.load %arg10[%get3A_687, %get3A_688] : memref<10240x400xf32, #tpu.memory_space<vmem>>, vector<128x400xf32>
    %add3A_690 = arith.addf %add3A_686, %get3A_689 : vector<128x400xf32>
    %get3A_691 = arith.constant 7168 : index
    %get3A_692 = arith.constant 0 : index
    %get3A_693 = vector.load %arg10[%get3A_691, %get3A_692] : memref<10240x400xf32, #tpu.memory_space<vmem>>, vector<128x400xf32>
    %add3A_694 = arith.addf %add3A_690, %get3A_693 : vector<128x400xf32>
    %get3A_695 = arith.constant 7296 : index
    %get3A_696 = arith.constant 0 : index
    %get3A_697 = vector.load %arg10[%get3A_695, %get3A_696] : memref<10240x400xf32, #tpu.memory_space<vmem>>, vector<128x400xf32>
    %add3A_698 = arith.addf %add3A_694, %get3A_697 : vector<128x400xf32>
    %get3A_699 = arith.constant 7424 : index
    %get3A_700 = arith.constant 0 : index
    %get3A_701 = vector.load %arg10[%get3A_699, %get3A_700] : memref<10240x400xf32, #tpu.memory_space<vmem>>, vector<128x400xf32>
    %add3A_702 = arith.addf %add3A_698, %get3A_701 : vector<128x400xf32>
    %get3A_703 = arith.constant 7552 : index
    %get3A_704 = arith.constant 0 : index
    %get3A_705 = vector.load %arg10[%get3A_703, %get3A_704] : memref<10240x400xf32, #tpu.memory_space<vmem>>, vector<128x400xf32>
    %add3A_706 = arith.addf %add3A_702, %get3A_705 : vector<128x400xf32>
    %get3A_707 = arith.constant 7680 : index
    %get3A_708 = arith.constant 0 : index
    %get3A_709 = vector.load %arg10[%get3A_707, %get3A_708] : memref<10240x400xf32, #tpu.memory_space<vmem>>, vector<128x400xf32>
    %add3A_710 = arith.addf %add3A_706, %get3A_709 : vector<128x400xf32>
    %get3A_711 = arith.constant 7808 : index
    %get3A_712 = arith.constant 0 : index
    %get3A_713 = vector.load %arg10[%get3A_711, %get3A_712] : memref<10240x400xf32, #tpu.memory_space<vmem>>, vector<128x400xf32>
    %add3A_714 = arith.addf %add3A_710, %get3A_713 : vector<128x400xf32>
    %get3A_715 = arith.constant 7936 : index
    %get3A_716 = arith.constant 0 : index
    %get3A_717 = vector.load %arg10[%get3A_715, %get3A_716] : memref<10240x400xf32, #tpu.memory_space<vmem>>, vector<128x400xf32>
    %add3A_718 = arith.addf %add3A_714, %get3A_717 : vector<128x400xf32>
    %get3A_719 = arith.constant 8064 : index
    %get3A_720 = arith.constant 0 : index
    %get3A_721 = vector.load %arg10[%get3A_719, %get3A_720] : memref<10240x400xf32, #tpu.memory_space<vmem>>, vector<128x400xf32>
    %add3A_722 = arith.addf %add3A_718, %get3A_721 : vector<128x400xf32>
    %add3A_723 = arith.addf %add3A_589, %add3A_722 : vector<128x400xf32>
    %broadcast_in_dim3A_724 = arith.constant 0.000000e+00 : f32
    %broadcast_in_dim3A_725 = vector.broadcast %broadcast_in_dim3A_724 : f32 to vector<128x400xf32>
    %get3A_726 = arith.constant 8192 : index
    %get3A_727 = arith.constant 0 : index
    %get3A_728 = vector.load %arg10[%get3A_726, %get3A_727] : memref<10240x400xf32, #tpu.memory_space<vmem>>, vector<128x400xf32>
    %add3A_729 = arith.addf %broadcast_in_dim3A_725, %get3A_728 : vector<128x400xf32>
    %get3A_730 = arith.constant 8320 : index
    %get3A_731 = arith.constant 0 : index
    %get3A_732 = vector.load %arg10[%get3A_730, %get3A_731] : memref<10240x400xf32, #tpu.memory_space<vmem>>, vector<128x400xf32>
    %add3A_733 = arith.addf %add3A_729, %get3A_732 : vector<128x400xf32>
    %get3A_734 = arith.constant 8448 : index
    %get3A_735 = arith.constant 0 : index
    %get3A_736 = vector.load %arg10[%get3A_734, %get3A_735] : memref<10240x400xf32, #tpu.memory_space<vmem>>, vector<128x400xf32>
    %add3A_737 = arith.addf %add3A_733, %get3A_736 : vector<128x400xf32>
    %get3A_738 = arith.constant 8576 : index
    %get3A_739 = arith.constant 0 : index
    %get3A_740 = vector.load %arg10[%get3A_738, %get3A_739] : memref<10240x400xf32, #tpu.memory_space<vmem>>, vector<128x400xf32>
    %add3A_741 = arith.addf %add3A_737, %get3A_740 : vector<128x400xf32>
    %get3A_742 = arith.constant 8704 : index
    %get3A_743 = arith.constant 0 : index
    %get3A_744 = vector.load %arg10[%get3A_742, %get3A_743] : memref<10240x400xf32, #tpu.memory_space<vmem>>, vector<128x400xf32>
    %add3A_745 = arith.addf %add3A_741, %get3A_744 : vector<128x400xf32>
    %get3A_746 = arith.constant 8832 : index
    %get3A_747 = arith.constant 0 : index
    %get3A_748 = vector.load %arg10[%get3A_746, %get3A_747] : memref<10240x400xf32, #tpu.memory_space<vmem>>, vector<128x400xf32>
    %add3A_749 = arith.addf %add3A_745, %get3A_748 : vector<128x400xf32>
    %get3A_750 = arith.constant 8960 : index
    %get3A_751 = arith.constant 0 : index
    %get3A_752 = vector.load %arg10[%get3A_750, %get3A_751] : memref<10240x400xf32, #tpu.memory_space<vmem>>, vector<128x400xf32>
    %add3A_753 = arith.addf %add3A_749, %get3A_752 : vector<128x400xf32>
    %get3A_754 = arith.constant 9088 : index
    %get3A_755 = arith.constant 0 : index
    %get3A_756 = vector.load %arg10[%get3A_754, %get3A_755] : memref<10240x400xf32, #tpu.memory_space<vmem>>, vector<128x400xf32>
    %add3A_757 = arith.addf %add3A_753, %get3A_756 : vector<128x400xf32>
    %get3A_758 = arith.constant 9216 : index
    %get3A_759 = arith.constant 0 : index
    %get3A_760 = vector.load %arg10[%get3A_758, %get3A_759] : memref<10240x400xf32, #tpu.memory_space<vmem>>, vector<128x400xf32>
    %add3A_761 = arith.addf %add3A_757, %get3A_760 : vector<128x400xf32>
    %get3A_762 = arith.constant 9344 : index
    %get3A_763 = arith.constant 0 : index
    %get3A_764 = vector.load %arg10[%get3A_762, %get3A_763] : memref<10240x400xf32, #tpu.memory_space<vmem>>, vector<128x400xf32>
    %add3A_765 = arith.addf %add3A_761, %get3A_764 : vector<128x400xf32>
    %get3A_766 = arith.constant 9472 : index
    %get3A_767 = arith.constant 0 : index
    %get3A_768 = vector.load %arg10[%get3A_766, %get3A_767] : memref<10240x400xf32, #tpu.memory_space<vmem>>, vector<128x400xf32>
    %add3A_769 = arith.addf %add3A_765, %get3A_768 : vector<128x400xf32>
    %get3A_770 = arith.constant 9600 : index
    %get3A_771 = arith.constant 0 : index
    %get3A_772 = vector.load %arg10[%get3A_770, %get3A_771] : memref<10240x400xf32, #tpu.memory_space<vmem>>, vector<128x400xf32>
    %add3A_773 = arith.addf %add3A_769, %get3A_772 : vector<128x400xf32>
    %get3A_774 = arith.constant 9728 : index
    %get3A_775 = arith.constant 0 : index
    %get3A_776 = vector.load %arg10[%get3A_774, %get3A_775] : memref<10240x400xf32, #tpu.memory_space<vmem>>, vector<128x400xf32>
    %add3A_777 = arith.addf %add3A_773, %get3A_776 : vector<128x400xf32>
    %get3A_778 = arith.constant 9856 : index
    %get3A_779 = arith.constant 0 : index
    %get3A_780 = vector.load %arg10[%get3A_778, %get3A_779] : memref<10240x400xf32, #tpu.memory_space<vmem>>, vector<128x400xf32>
    %add3A_781 = arith.addf %add3A_777, %get3A_780 : vector<128x400xf32>
    %get3A_782 = arith.constant 9984 : index
    %get3A_783 = arith.constant 0 : index
    %get3A_784 = vector.load %arg10[%get3A_782, %get3A_783] : memref<10240x400xf32, #tpu.memory_space<vmem>>, vector<128x400xf32>
    %add3A_785 = arith.addf %add3A_781, %get3A_784 : vector<128x400xf32>
    %get3A_786 = arith.constant 10112 : index
    %get3A_787 = arith.constant 0 : index
    %get3A_788 = vector.load %arg10[%get3A_786, %get3A_787] : memref<10240x400xf32, #tpu.memory_space<vmem>>, vector<128x400xf32>
    %add3A_789 = arith.addf %add3A_785, %get3A_788 : vector<128x400xf32>
    %add3A_790 = arith.addf %add3A_656, %add3A_789 : vector<128x400xf32>
    %add3A_791 = arith.addf %add3A_790, %add3A_723 : vector<128x400xf32>
    %slice3A_792 = vector.extract_strided_slice %add3A_791 {offsets = [0, 0], sizes = [64, 400], strides = [1, 1]} : vector<128x400xf32> to vector<64x400xf32>
    %slice3A_793 = vector.extract_strided_slice %add3A_791 {offsets = [64, 0], sizes = [64, 400], strides = [1, 1]} : vector<128x400xf32> to vector<64x400xf32>
    %add3A_794 = arith.addf %slice3A_792, %slice3A_793 : vector<64x400xf32>
    %slice3A_795 = vector.extract_strided_slice %add3A_794 {offsets = [0, 0], sizes = [32, 400], strides = [1, 1]} : vector<64x400xf32> to vector<32x400xf32>
    %slice3A_796 = vector.extract_strided_slice %add3A_794 {offsets = [32, 0], sizes = [32, 400], strides = [1, 1]} : vector<64x400xf32> to vector<32x400xf32>
    %add3A_797 = arith.addf %slice3A_795, %slice3A_796 : vector<32x400xf32>
    %slice3A_798 = vector.extract_strided_slice %add3A_797 {offsets = [0, 0], sizes = [16, 400], strides = [1, 1]} : vector<32x400xf32> to vector<16x400xf32>
    %slice3A_799 = vector.extract_strided_slice %add3A_797 {offsets = [16, 0], sizes = [16, 400], strides = [1, 1]} : vector<32x400xf32> to vector<16x400xf32>
    %add3A_800 = arith.addf %slice3A_798, %slice3A_799 : vector<16x400xf32>
    %slice3A_801 = vector.extract_strided_slice %add3A_800 {offsets = [0, 0], sizes = [8, 400], strides = [1, 1]} : vector<16x400xf32> to vector<8x400xf32>
    %slice3A_802 = vector.extract_strided_slice %add3A_800 {offsets = [8, 0], sizes = [8, 400], strides = [1, 1]} : vector<16x400xf32> to vector<8x400xf32>
    %add3A_803 = arith.addf %slice3A_801, %slice3A_802 : vector<8x400xf32>
    %slice3A_804 = vector.extract_strided_slice %add3A_803 {offsets = [0, 0], sizes = [4, 400], strides = [1, 1]} : vector<8x400xf32> to vector<4x400xf32>
    %slice3A_805 = vector.extract_strided_slice %add3A_803 {offsets = [4, 0], sizes = [4, 400], strides = [1, 1]} : vector<8x400xf32> to vector<4x400xf32>
    %add3A_806 = arith.addf %slice3A_804, %slice3A_805 : vector<4x400xf32>
    %slice3A_807 = vector.extract_strided_slice %add3A_806 {offsets = [0, 0], sizes = [2, 400], strides = [1, 1]} : vector<4x400xf32> to vector<2x400xf32>
    %slice3A_808 = vector.extract_strided_slice %add3A_806 {offsets = [2, 0], sizes = [2, 400], strides = [1, 1]} : vector<4x400xf32> to vector<2x400xf32>
    %add3A_809 = arith.addf %slice3A_807, %slice3A_808 : vector<2x400xf32>
    %slice3A_810 = vector.extract_strided_slice %add3A_809 {offsets = [0, 0], sizes = [1, 400], strides = [1, 1]} : vector<2x400xf32> to vector<1x400xf32>
    %slice3A_811 = vector.extract_strided_slice %add3A_809 {offsets = [1, 0], sizes = [1, 400], strides = [1, 1]} : vector<2x400xf32> to vector<1x400xf32>
    %add3A_812 = arith.addf %slice3A_810, %slice3A_811 : vector<1x400xf32>
    %scan3A_813 = arith.constant 0 : i32
    %scan3A_814 = arith.constant 20 : i32
    %scan3A_815 = arith.addi %scan3A_813, %scan3A_814 : i32
    %scan3A_816 = arith.constant 1 : i32
    scf.for %scan3A_1701 = %scan3A_813 to %scan3A_815 step %scan3A_816  : i32 {
      %mul3A_1702 = arith.constant 512 : i32
      %mul3A_1703 = arith.muli %scan3A_1701, %mul3A_1702 : i32
      %get3A_1704 = arith.index_cast %mul3A_1703 : i32 to index
      %get3A_1705 = arith.constant 0 : index
      %get3A_1706 = vector.load %arg10[%get3A_1704, %get3A_1705] : memref<10240x400xf32, #tpu.memory_space<vmem>>, vector<512x400xf32>
      %div3A = arith.constant 1.000000e+00 : f32
      %div3A_1707 = vector.broadcast %div3A : f32 to vector<1x400xf32>
      %div3A_1708 = arith.divf %div3A_1707, %add3A_812 : vector<1x400xf32>
      %mul3A_1709 = vector.broadcast %div3A_1708 : vector<1x400xf32> to vector<512x400xf32>
      %mul3A_1710 = arith.mulf %get3A_1706, %mul3A_1709 : vector<512x400xf32>
      %swap3A_1711 = arith.index_cast %mul3A_1703 : i32 to index
      %swap3A_1712 = arith.constant 0 : index
      %swap3A_1713 = vector.load %arg10[%swap3A_1711, %swap3A_1712] : memref<10240x400xf32, #tpu.memory_space<vmem>>, vector<512x400xf32>
      tpu.vector_store %arg10[%swap3A_1711, %swap3A_1712], %mul3A_1710 {strides = array<i32>} : memref<10240x400xf32, #tpu.memory_space<vmem>>, vector<512x400xf32>,
    }
    %scan3A_817 = arith.constant 20 : i32
    %broadcast_in_dim3A_818 = arith.constant 0.000000e+00 : f32
    %broadcast_in_dim3A_819 = vector.broadcast %broadcast_in_dim3A_818 : f32 to vector<400x16xf32>
    %scan3A_820 = arith.constant 0 : i32
    %scan3A_821 = arith.constant 10 : i32
    %scan3A_822 = arith.addi %scan3A_820, %scan3A_821 : i32
    %scan3A_823 = arith.constant 1 : i32
    %scan3A_824 = scf.for %scan3A_1701 = %scan3A_820 to %scan3A_822 step %scan3A_823 iter_args(%scan3A_1702 = %broadcast_in_dim3A_819) -> (vector<400x16xf32>)  : i32 {
      %mul3A_1703 = arith.constant 1024 : i32
      %mul3A_1704 = arith.muli %scan3A_1701, %mul3A_1703 : i32
      %get3A_1705 = arith.index_cast %mul3A_1704 : i32 to index
      %get3A_1706 = arith.constant 0 : index
      %get3A_1707 = vector.load %arg10[%get3A_1705, %get3A_1706] : memref<10240x400xf32, #tpu.memory_space<vmem>>, vector<1024x400xf32>
      %mul3A_1708 = arith.constant 1024 : i32
      %mul3A_1709 = arith.muli %scan3A_1701, %mul3A_1708 : i32
      %get3A_1710 = arith.index_cast %mul3A_1709 : i32 to index
      %get3A_1711 = arith.constant 144 : index
      %get3A_1712 = vector.load %arg2[%get3A_1710, %get3A_1711] : memref<10240x192xf32, #tpu.memory_space<vmem>>, vector<1024x16xf32>
      %dot_general3A_1713 = arith.constant dense<0.000000e+00> : vector<400x16xf32>
      %dot_general3A_1714 = tpu.matmul %get3A_1707, %get3A_1712, %dot_general3A_1713 {dimension_numbers = #tpu.dot_dimension_numbers<[0], [0], [1], [1], [0, 1, 1, 1], [], []>, transpose_lhs_hint = false} : vector<1024x400xf32>, vector<1024x16xf32>, vector<400x16xf32> -> vector<400x16xf32>
      %add3A_1715 = arith.addf %scan3A_1702, %dot_general3A_1714 : vector<400x16xf32>
      scf.yield %add3A_1715 : vector<400x16xf32>
    }
    %scan3A_825 = arith.constant 10 : i32
    %get3A_826 = arith.constant 0 : index
    %get3A_827 = arith.constant 32 : index
    %get3A_828 = vector.load %arg1[%get3A_826, %get3A_827] : memref<400x192xf32, #tpu.memory_space<vmem>>, vector<400x16xf32>
    %mul3A_829 = arith.constant 2.500000e-01 : f32
    %mul3A_830 = vector.broadcast %mul3A_829 : f32 to vector<400x16xf32>
    %mul3A_831 = arith.mulf %get3A_828, %mul3A_830 : vector<400x16xf32>
    %broadcast_in_dim3A_832 = arith.constant 0xFF800000 : f32
    %broadcast_in_dim3A_833 = vector.broadcast %broadcast_in_dim3A_832 : f32 to vector<1x400xf32>
    %scan3A_834 = arith.constant 0 : i32
    %scan3A_835 = arith.constant 19 : i32
    %scan3A_836 = arith.addi %scan3A_834, %scan3A_835 : i32
    %scan3A_837 = arith.constant 1 : i32
    %scan3A_838 = scf.for %scan3A_1701 = %scan3A_834 to %scan3A_836 step %scan3A_837 iter_args(%scan3A_1702 = %broadcast_in_dim3A_833) -> (vector<1x400xf32>)  : i32 {
      %mul3A_1703 = arith.constant 512 : i32
      %mul3A_1704 = arith.muli %scan3A_1701, %mul3A_1703 : i32
      %get3A_1705 = arith.index_cast %mul3A_1704 : i32 to index
      %get3A_1706 = arith.constant 96 : index
      %get3A_1707 = vector.load %arg2[%get3A_1705, %get3A_1706] : memref<10240x192xf32, #tpu.memory_space<vmem>>, vector<512x16xf32>
      %dot_general3A_1708 = arith.constant dense<0.000000e+00> : vector<512x400xf32>
      %dot_general3A_1709 = tpu.matmul %get3A_1707, %mul3A_831, %dot_general3A_1708 {dimension_numbers = #tpu.dot_dimension_numbers<[1], [1], [0], [0], [0, 0, 1, 0], [], []>, transpose_lhs_hint = false} : vector<512x16xf32>, vector<400x16xf32>, vector<512x400xf32> -> vector<512x400xf32>
      %mul3A_1710 = arith.constant 512 : i32
      %mul3A_1711 = arith.muli %scan3A_1701, %mul3A_1710 : i32
      %swap3A_1712 = arith.index_cast %mul3A_1711 : i32 to index
      %swap3A_1713 = arith.constant 0 : index
      %swap3A_1714 = vector.load %arg10[%swap3A_1712, %swap3A_1713] : memref<10240x400xf32, #tpu.memory_space<vmem>>, vector<512x400xf32>
      tpu.vector_store %arg10[%swap3A_1712, %swap3A_1713], %dot_general3A_1709 {strides = array<i32>} : memref<10240x400xf32, #tpu.memory_space<vmem>>, vector<512x400xf32>,
      %reduce_max3A_1715 = arith.constant dense<0xFF800000> : vector<400xf32>
      %reduce_max3A_1716 = vector.multi_reduction <maximumf>, %dot_general3A_1709, %reduce_max3A_1715 [0] : vector<512x400xf32> to vector<400xf32>
      %broadcast_in_dim3A_1717 = vector.shape_cast %reduce_max3A_1716 : vector<400xf32> to vector<1x400xf32>
      %max3A_1718 = arith.maximumf %scan3A_1702, %broadcast_in_dim3A_1717 : vector<1x400xf32>
      scf.yield %max3A_1718 : vector<1x400xf32>
    }
    %scan3A_839 = arith.constant 19 : i32
    %get3A_840 = arith.constant 9728 : index
    %get3A_841 = arith.constant 96 : index
    %get3A_842 = vector.load %arg2[%get3A_840, %get3A_841] : memref<10240x192xf32, #tpu.memory_space<vmem>>, vector<272x16xf32>
    %dot_general3A_843 = arith.constant dense<0.000000e+00> : vector<272x400xf32>
    %dot_general3A_844 = tpu.matmul %get3A_842, %mul3A_831, %dot_general3A_843 {dimension_numbers = #tpu.dot_dimension_numbers<[1], [1], [0], [0], [0, 0, 1, 0], [], []>, transpose_lhs_hint = false} : vector<272x16xf32>, vector<400x16xf32>, vector<272x400xf32> -> vector<272x400xf32>
    %swap3A_845 = arith.constant 9728 : index
    %swap3A_846 = arith.constant 0 : index
    %swap3A_847 = vector.load %arg10[%swap3A_845, %swap3A_846] : memref<10240x400xf32, #tpu.memory_space<vmem>>, vector<272x400xf32>
    tpu.vector_store %arg10[%swap3A_845, %swap3A_846], %dot_general3A_844 {strides = array<i32>} : memref<10240x400xf32, #tpu.memory_space<vmem>>, vector<272x400xf32>,
    %reduce_max3A_848 = arith.constant dense<0xFF800000> : vector<400xf32>
    %reduce_max3A_849 = vector.multi_reduction <maximumf>, %dot_general3A_844, %reduce_max3A_848 [0] : vector<272x400xf32> to vector<400xf32>
    %broadcast_in_dim3A_850 = vector.shape_cast %reduce_max3A_849 : vector<400xf32> to vector<1x400xf32>
    %max3A_851 = arith.maximumf %scan3A_838, %broadcast_in_dim3A_850 : vector<1x400xf32>
    %broadcast_in_dim3A_852 = arith.constant 0.000000e+00 : f32
    %broadcast_in_dim3A_853 = vector.broadcast %broadcast_in_dim3A_852 : f32 to vector<240x400xf32>
    %swap3A_854 = arith.constant 10000 : index
    %swap3A_855 = arith.constant 0 : index
    %swap3A_856 = vector.load %arg10[%swap3A_854, %swap3A_855] : memref<10240x400xf32, #tpu.memory_space<vmem>>, vector<240x400xf32>
    tpu.vector_store %arg10[%swap3A_854, %swap3A_855], %broadcast_in_dim3A_853 {strides = array<i32>} : memref<10240x400xf32, #tpu.memory_space<vmem>>, vector<240x400xf32>,
    %scan3A_857 = arith.constant 0 : i32
    %scan3A_858 = arith.constant 78 : i32
    %scan3A_859 = arith.addi %scan3A_857, %scan3A_858 : i32
    %scan3A_860 = arith.constant 1 : i32
    scf.for %scan3A_1701 = %scan3A_857 to %scan3A_859 step %scan3A_860  : i32 {
      %mul3A_1702 = arith.constant 128 : i32
      %mul3A_1703 = arith.muli %scan3A_1701, %mul3A_1702 : i32
      %get3A_1704 = arith.index_cast %mul3A_1703 : i32 to index
      %get3A_1705 = arith.constant 0 : index
      %get3A_1706 = vector.load %arg10[%get3A_1704, %get3A_1705] : memref<10240x400xf32, #tpu.memory_space<vmem>>, vector<128x400xf32>
      %sub3A_1707 = vector.broadcast %max3A_851 : vector<1x400xf32> to vector<128x400xf32>
      %sub3A_1708 = arith.subf %get3A_1706, %sub3A_1707 : vector<128x400xf32>
      %exp3A_1709 = math.exp %sub3A_1708 : vector<128x400xf32>
      %swap3A_1710 = arith.index_cast %mul3A_1703 : i32 to index
      %swap3A_1711 = arith.constant 0 : index
      %swap3A_1712 = vector.load %arg10[%swap3A_1710, %swap3A_1711] : memref<10240x400xf32, #tpu.memory_space<vmem>>, vector<128x400xf32>
      tpu.vector_store %arg10[%swap3A_1710, %swap3A_1711], %exp3A_1709 {strides = array<i32>} : memref<10240x400xf32, #tpu.memory_space<vmem>>, vector<128x400xf32>,
    }
    %scan3A_861 = arith.constant 78 : i32
    %get3A_862 = arith.constant 9984 : index
    %get3A_863 = arith.constant 0 : index
    %get3A_864 = vector.load %arg10[%get3A_862, %get3A_863] : memref<10240x400xf32, #tpu.memory_space<vmem>>, vector<16x400xf32>
    %sub3A_865 = vector.broadcast %max3A_851 : vector<1x400xf32> to vector<16x400xf32>
    %sub3A_866 = arith.subf %get3A_864, %sub3A_865 : vector<16x400xf32>
    %exp3A_867 = math.exp %sub3A_866 : vector<16x400xf32>
    %swap3A_868 = arith.constant 9984 : index
    %swap3A_869 = arith.constant 0 : index
    %swap3A_870 = vector.load %arg10[%swap3A_868, %swap3A_869] : memref<10240x400xf32, #tpu.memory_space<vmem>>, vector<16x400xf32>
    tpu.vector_store %arg10[%swap3A_868, %swap3A_869], %exp3A_867 {strides = array<i32>} : memref<10240x400xf32, #tpu.memory_space<vmem>>, vector<16x400xf32>,
    %broadcast_in_dim3A_871 = arith.constant 0.000000e+00 : f32
    %broadcast_in_dim3A_872 = vector.broadcast %broadcast_in_dim3A_871 : f32 to vector<128x400xf32>
    %broadcast_in_dim3A_873 = arith.constant 0.000000e+00 : f32
    %broadcast_in_dim3A_874 = vector.broadcast %broadcast_in_dim3A_873 : f32 to vector<128x400xf32>
    %broadcast_in_dim3A_875 = arith.constant 0.000000e+00 : f32
    %broadcast_in_dim3A_876 = vector.broadcast %broadcast_in_dim3A_875 : f32 to vector<128x400xf32>
    %get3A_877 = arith.constant 0 : index
    %get3A_878 = arith.constant 0 : index
    %get3A_879 = vector.load %arg10[%get3A_877, %get3A_878] : memref<10240x400xf32, #tpu.memory_space<vmem>>, vector<128x400xf32>
    %add3A_880 = arith.addf %broadcast_in_dim3A_876, %get3A_879 : vector<128x400xf32>
    %get3A_881 = arith.constant 128 : index
    %get3A_882 = arith.constant 0 : index
    %get3A_883 = vector.load %arg10[%get3A_881, %get3A_882] : memref<10240x400xf32, #tpu.memory_space<vmem>>, vector<128x400xf32>
    %add3A_884 = arith.addf %add3A_880, %get3A_883 : vector<128x400xf32>
    %get3A_885 = arith.constant 256 : index
    %get3A_886 = arith.constant 0 : index
    %get3A_887 = vector.load %arg10[%get3A_885, %get3A_886] : memref<10240x400xf32, #tpu.memory_space<vmem>>, vector<128x400xf32>
    %add3A_888 = arith.addf %add3A_884, %get3A_887 : vector<128x400xf32>
    %get3A_889 = arith.constant 384 : index
    %get3A_890 = arith.constant 0 : index
    %get3A_891 = vector.load %arg10[%get3A_889, %get3A_890] : memref<10240x400xf32, #tpu.memory_space<vmem>>, vector<128x400xf32>
    %add3A_892 = arith.addf %add3A_888, %get3A_891 : vector<128x400xf32>
    %get3A_893 = arith.constant 512 : index
    %get3A_894 = arith.constant 0 : index
    %get3A_895 = vector.load %arg10[%get3A_893, %get3A_894] : memref<10240x400xf32, #tpu.memory_space<vmem>>, vector<128x400xf32>
    %add3A_896 = arith.addf %add3A_892, %get3A_895 : vector<128x400xf32>
    %get3A_897 = arith.constant 640 : index
    %get3A_898 = arith.constant 0 : index
    %get3A_899 = vector.load %arg10[%get3A_897, %get3A_898] : memref<10240x400xf32, #tpu.memory_space<vmem>>, vector<128x400xf32>
    %add3A_900 = arith.addf %add3A_896, %get3A_899 : vector<128x400xf32>
    %get3A_901 = arith.constant 768 : index
    %get3A_902 = arith.constant 0 : index
    %get3A_903 = vector.load %arg10[%get3A_901, %get3A_902] : memref<10240x400xf32, #tpu.memory_space<vmem>>, vector<128x400xf32>
    %add3A_904 = arith.addf %add3A_900, %get3A_903 : vector<128x400xf32>
    %get3A_905 = arith.constant 896 : index
    %get3A_906 = arith.constant 0 : index
    %get3A_907 = vector.load %arg10[%get3A_905, %get3A_906] : memref<10240x400xf32, #tpu.memory_space<vmem>>, vector<128x400xf32>
    %add3A_908 = arith.addf %add3A_904, %get3A_907 : vector<128x400xf32>
    %get3A_909 = arith.constant 1024 : index
    %get3A_910 = arith.constant 0 : index
    %get3A_911 = vector.load %arg10[%get3A_909, %get3A_910] : memref<10240x400xf32, #tpu.memory_space<vmem>>, vector<128x400xf32>
    %add3A_912 = arith.addf %add3A_908, %get3A_911 : vector<128x400xf32>
    %get3A_913 = arith.constant 1152 : index
    %get3A_914 = arith.constant 0 : index
    %get3A_915 = vector.load %arg10[%get3A_913, %get3A_914] : memref<10240x400xf32, #tpu.memory_space<vmem>>, vector<128x400xf32>
    %add3A_916 = arith.addf %add3A_912, %get3A_915 : vector<128x400xf32>
    %get3A_917 = arith.constant 1280 : index
    %get3A_918 = arith.constant 0 : index
    %get3A_919 = vector.load %arg10[%get3A_917, %get3A_918] : memref<10240x400xf32, #tpu.memory_space<vmem>>, vector<128x400xf32>
    %add3A_920 = arith.addf %add3A_916, %get3A_919 : vector<128x400xf32>
    %get3A_921 = arith.constant 1408 : index
    %get3A_922 = arith.constant 0 : index
    %get3A_923 = vector.load %arg10[%get3A_921, %get3A_922] : memref<10240x400xf32, #tpu.memory_space<vmem>>, vector<128x400xf32>
    %add3A_924 = arith.addf %add3A_920, %get3A_923 : vector<128x400xf32>
    %get3A_925 = arith.constant 1536 : index
    %get3A_926 = arith.constant 0 : index
    %get3A_927 = vector.load %arg10[%get3A_925, %get3A_926] : memref<10240x400xf32, #tpu.memory_space<vmem>>, vector<128x400xf32>
    %add3A_928 = arith.addf %add3A_924, %get3A_927 : vector<128x400xf32>
    %get3A_929 = arith.constant 1664 : index
    %get3A_930 = arith.constant 0 : index
    %get3A_931 = vector.load %arg10[%get3A_929, %get3A_930] : memref<10240x400xf32, #tpu.memory_space<vmem>>, vector<128x400xf32>
    %add3A_932 = arith.addf %add3A_928, %get3A_931 : vector<128x400xf32>
    %get3A_933 = arith.constant 1792 : index
    %get3A_934 = arith.constant 0 : index
    %get3A_935 = vector.load %arg10[%get3A_933, %get3A_934] : memref<10240x400xf32, #tpu.memory_space<vmem>>, vector<128x400xf32>
    %add3A_936 = arith.addf %add3A_932, %get3A_935 : vector<128x400xf32>
    %get3A_937 = arith.constant 1920 : index
    %get3A_938 = arith.constant 0 : index
    %get3A_939 = vector.load %arg10[%get3A_937, %get3A_938] : memref<10240x400xf32, #tpu.memory_space<vmem>>, vector<128x400xf32>
    %add3A_940 = arith.addf %add3A_936, %get3A_939 : vector<128x400xf32>
    %add3A_941 = arith.addf %broadcast_in_dim3A_872, %add3A_940 : vector<128x400xf32>
    %broadcast_in_dim3A_942 = arith.constant 0.000000e+00 : f32
    %broadcast_in_dim3A_943 = vector.broadcast %broadcast_in_dim3A_942 : f32 to vector<128x400xf32>
    %get3A_944 = arith.constant 2048 : index
    %get3A_945 = arith.constant 0 : index
    %get3A_946 = vector.load %arg10[%get3A_944, %get3A_945] : memref<10240x400xf32, #tpu.memory_space<vmem>>, vector<128x400xf32>
    %add3A_947 = arith.addf %broadcast_in_dim3A_943, %get3A_946 : vector<128x400xf32>
    %get3A_948 = arith.constant 2176 : index
    %get3A_949 = arith.constant 0 : index
    %get3A_950 = vector.load %arg10[%get3A_948, %get3A_949] : memref<10240x400xf32, #tpu.memory_space<vmem>>, vector<128x400xf32>
    %add3A_951 = arith.addf %add3A_947, %get3A_950 : vector<128x400xf32>
    %get3A_952 = arith.constant 2304 : index
    %get3A_953 = arith.constant 0 : index
    %get3A_954 = vector.load %arg10[%get3A_952, %get3A_953] : memref<10240x400xf32, #tpu.memory_space<vmem>>, vector<128x400xf32>
    %add3A_955 = arith.addf %add3A_951, %get3A_954 : vector<128x400xf32>
    %get3A_956 = arith.constant 2432 : index
    %get3A_957 = arith.constant 0 : index
    %get3A_958 = vector.load %arg10[%get3A_956, %get3A_957] : memref<10240x400xf32, #tpu.memory_space<vmem>>, vector<128x400xf32>
    %add3A_959 = arith.addf %add3A_955, %get3A_958 : vector<128x400xf32>
    %get3A_960 = arith.constant 2560 : index
    %get3A_961 = arith.constant 0 : index
    %get3A_962 = vector.load %arg10[%get3A_960, %get3A_961] : memref<10240x400xf32, #tpu.memory_space<vmem>>, vector<128x400xf32>
    %add3A_963 = arith.addf %add3A_959, %get3A_962 : vector<128x400xf32>
    %get3A_964 = arith.constant 2688 : index
    %get3A_965 = arith.constant 0 : index
    %get3A_966 = vector.load %arg10[%get3A_964, %get3A_965] : memref<10240x400xf32, #tpu.memory_space<vmem>>, vector<128x400xf32>
    %add3A_967 = arith.addf %add3A_963, %get3A_966 : vector<128x400xf32>
    %get3A_968 = arith.constant 2816 : index
    %get3A_969 = arith.constant 0 : index
    %get3A_970 = vector.load %arg10[%get3A_968, %get3A_969] : memref<10240x400xf32, #tpu.memory_space<vmem>>, vector<128x400xf32>
    %add3A_971 = arith.addf %add3A_967, %get3A_970 : vector<128x400xf32>
    %get3A_972 = arith.constant 2944 : index
    %get3A_973 = arith.constant 0 : index
    %get3A_974 = vector.load %arg10[%get3A_972, %get3A_973] : memref<10240x400xf32, #tpu.memory_space<vmem>>, vector<128x400xf32>
    %add3A_975 = arith.addf %add3A_971, %get3A_974 : vector<128x400xf32>
    %get3A_976 = arith.constant 3072 : index
    %get3A_977 = arith.constant 0 : index
    %get3A_978 = vector.load %arg10[%get3A_976, %get3A_977] : memref<10240x400xf32, #tpu.memory_space<vmem>>, vector<128x400xf32>
    %add3A_979 = arith.addf %add3A_975, %get3A_978 : vector<128x400xf32>
    %get3A_980 = arith.constant 3200 : index
    %get3A_981 = arith.constant 0 : index
    %get3A_982 = vector.load %arg10[%get3A_980, %get3A_981] : memref<10240x400xf32, #tpu.memory_space<vmem>>, vector<128x400xf32>
    %add3A_983 = arith.addf %add3A_979, %get3A_982 : vector<128x400xf32>
    %get3A_984 = arith.constant 3328 : index
    %get3A_985 = arith.constant 0 : index
    %get3A_986 = vector.load %arg10[%get3A_984, %get3A_985] : memref<10240x400xf32, #tpu.memory_space<vmem>>, vector<128x400xf32>
    %add3A_987 = arith.addf %add3A_983, %get3A_986 : vector<128x400xf32>
    %get3A_988 = arith.constant 3456 : index
    %get3A_989 = arith.constant 0 : index
    %get3A_990 = vector.load %arg10[%get3A_988, %get3A_989] : memref<10240x400xf32, #tpu.memory_space<vmem>>, vector<128x400xf32>
    %add3A_991 = arith.addf %add3A_987, %get3A_990 : vector<128x400xf32>
    %get3A_992 = arith.constant 3584 : index
    %get3A_993 = arith.constant 0 : index
    %get3A_994 = vector.load %arg10[%get3A_992, %get3A_993] : memref<10240x400xf32, #tpu.memory_space<vmem>>, vector<128x400xf32>
    %add3A_995 = arith.addf %add3A_991, %get3A_994 : vector<128x400xf32>
    %get3A_996 = arith.constant 3712 : index
    %get3A_997 = arith.constant 0 : index
    %get3A_998 = vector.load %arg10[%get3A_996, %get3A_997] : memref<10240x400xf32, #tpu.memory_space<vmem>>, vector<128x400xf32>
    %add3A_999 = arith.addf %add3A_995, %get3A_998 : vector<128x400xf32>
    %get3A_1000 = arith.constant 3840 : index
    %get3A_1001 = arith.constant 0 : index
    %get3A_1002 = vector.load %arg10[%get3A_1000, %get3A_1001] : memref<10240x400xf32, #tpu.memory_space<vmem>>, vector<128x400xf32>
    %add3A_1003 = arith.addf %add3A_999, %get3A_1002 : vector<128x400xf32>
    %get3A_1004 = arith.constant 3968 : index
    %get3A_1005 = arith.constant 0 : index
    %get3A_1006 = vector.load %arg10[%get3A_1004, %get3A_1005] : memref<10240x400xf32, #tpu.memory_space<vmem>>, vector<128x400xf32>
    %add3A_1007 = arith.addf %add3A_1003, %get3A_1006 : vector<128x400xf32>
    %add3A_1008 = arith.addf %broadcast_in_dim3A_874, %add3A_1007 : vector<128x400xf32>
    %broadcast_in_dim3A_1009 = arith.constant 0.000000e+00 : f32
    %broadcast_in_dim3A_1010 = vector.broadcast %broadcast_in_dim3A_1009 : f32 to vector<128x400xf32>
    %get3A_1011 = arith.constant 4096 : index
    %get3A_1012 = arith.constant 0 : index
    %get3A_1013 = vector.load %arg10[%get3A_1011, %get3A_1012] : memref<10240x400xf32, #tpu.memory_space<vmem>>, vector<128x400xf32>
    %add3A_1014 = arith.addf %broadcast_in_dim3A_1010, %get3A_1013 : vector<128x400xf32>
    %get3A_1015 = arith.constant 4224 : index
    %get3A_1016 = arith.constant 0 : index
    %get3A_1017 = vector.load %arg10[%get3A_1015, %get3A_1016] : memref<10240x400xf32, #tpu.memory_space<vmem>>, vector<128x400xf32>
    %add3A_1018 = arith.addf %add3A_1014, %get3A_1017 : vector<128x400xf32>
    %get3A_1019 = arith.constant 4352 : index
    %get3A_1020 = arith.constant 0 : index
    %get3A_1021 = vector.load %arg10[%get3A_1019, %get3A_1020] : memref<10240x400xf32, #tpu.memory_space<vmem>>, vector<128x400xf32>
    %add3A_1022 = arith.addf %add3A_1018, %get3A_1021 : vector<128x400xf32>
    %get3A_1023 = arith.constant 4480 : index
    %get3A_1024 = arith.constant 0 : index
    %get3A_1025 = vector.load %arg10[%get3A_1023, %get3A_1024] : memref<10240x400xf32, #tpu.memory_space<vmem>>, vector<128x400xf32>
    %add3A_1026 = arith.addf %add3A_1022, %get3A_1025 : vector<128x400xf32>
    %get3A_1027 = arith.constant 4608 : index
    %get3A_1028 = arith.constant 0 : index
    %get3A_1029 = vector.load %arg10[%get3A_1027, %get3A_1028] : memref<10240x400xf32, #tpu.memory_space<vmem>>, vector<128x400xf32>
    %add3A_1030 = arith.addf %add3A_1026, %get3A_1029 : vector<128x400xf32>
    %get3A_1031 = arith.constant 4736 : index
    %get3A_1032 = arith.constant 0 : index
    %get3A_1033 = vector.load %arg10[%get3A_1031, %get3A_1032] : memref<10240x400xf32, #tpu.memory_space<vmem>>, vector<128x400xf32>
    %add3A_1034 = arith.addf %add3A_1030, %get3A_1033 : vector<128x400xf32>
    %get3A_1035 = arith.constant 4864 : index
    %get3A_1036 = arith.constant 0 : index
    %get3A_1037 = vector.load %arg10[%get3A_1035, %get3A_1036] : memref<10240x400xf32, #tpu.memory_space<vmem>>, vector<128x400xf32>
    %add3A_1038 = arith.addf %add3A_1034, %get3A_1037 : vector<128x400xf32>
    %get3A_1039 = arith.constant 4992 : index
    %get3A_1040 = arith.constant 0 : index
    %get3A_1041 = vector.load %arg10[%get3A_1039, %get3A_1040] : memref<10240x400xf32, #tpu.memory_space<vmem>>, vector<128x400xf32>
    %add3A_1042 = arith.addf %add3A_1038, %get3A_1041 : vector<128x400xf32>
    %get3A_1043 = arith.constant 5120 : index
    %get3A_1044 = arith.constant 0 : index
    %get3A_1045 = vector.load %arg10[%get3A_1043, %get3A_1044] : memref<10240x400xf32, #tpu.memory_space<vmem>>, vector<128x400xf32>
    %add3A_1046 = arith.addf %add3A_1042, %get3A_1045 : vector<128x400xf32>
    %get3A_1047 = arith.constant 5248 : index
    %get3A_1048 = arith.constant 0 : index
    %get3A_1049 = vector.load %arg10[%get3A_1047, %get3A_1048] : memref<10240x400xf32, #tpu.memory_space<vmem>>, vector<128x400xf32>
    %add3A_1050 = arith.addf %add3A_1046, %get3A_1049 : vector<128x400xf32>
    %get3A_1051 = arith.constant 5376 : index
    %get3A_1052 = arith.constant 0 : index
    %get3A_1053 = vector.load %arg10[%get3A_1051, %get3A_1052] : memref<10240x400xf32, #tpu.memory_space<vmem>>, vector<128x400xf32>
    %add3A_1054 = arith.addf %add3A_1050, %get3A_1053 : vector<128x400xf32>
    %get3A_1055 = arith.constant 5504 : index
    %get3A_1056 = arith.constant 0 : index
    %get3A_1057 = vector.load %arg10[%get3A_1055, %get3A_1056] : memref<10240x400xf32, #tpu.memory_space<vmem>>, vector<128x400xf32>
    %add3A_1058 = arith.addf %add3A_1054, %get3A_1057 : vector<128x400xf32>
    %get3A_1059 = arith.constant 5632 : index
    %get3A_1060 = arith.constant 0 : index
    %get3A_1061 = vector.load %arg10[%get3A_1059, %get3A_1060] : memref<10240x400xf32, #tpu.memory_space<vmem>>, vector<128x400xf32>
    %add3A_1062 = arith.addf %add3A_1058, %get3A_1061 : vector<128x400xf32>
    %get3A_1063 = arith.constant 5760 : index
    %get3A_1064 = arith.constant 0 : index
    %get3A_1065 = vector.load %arg10[%get3A_1063, %get3A_1064] : memref<10240x400xf32, #tpu.memory_space<vmem>>, vector<128x400xf32>
    %add3A_1066 = arith.addf %add3A_1062, %get3A_1065 : vector<128x400xf32>
    %get3A_1067 = arith.constant 5888 : index
    %get3A_1068 = arith.constant 0 : index
    %get3A_1069 = vector.load %arg10[%get3A_1067, %get3A_1068] : memref<10240x400xf32, #tpu.memory_space<vmem>>, vector<128x400xf32>
    %add3A_1070 = arith.addf %add3A_1066, %get3A_1069 : vector<128x400xf32>
    %get3A_1071 = arith.constant 6016 : index
    %get3A_1072 = arith.constant 0 : index
    %get3A_1073 = vector.load %arg10[%get3A_1071, %get3A_1072] : memref<10240x400xf32, #tpu.memory_space<vmem>>, vector<128x400xf32>
    %add3A_1074 = arith.addf %add3A_1070, %get3A_1073 : vector<128x400xf32>
    %add3A_1075 = arith.addf %add3A_941, %add3A_1074 : vector<128x400xf32>
    %broadcast_in_dim3A_1076 = arith.constant 0.000000e+00 : f32
    %broadcast_in_dim3A_1077 = vector.broadcast %broadcast_in_dim3A_1076 : f32 to vector<128x400xf32>
    %get3A_1078 = arith.constant 6144 : index
    %get3A_1079 = arith.constant 0 : index
    %get3A_1080 = vector.load %arg10[%get3A_1078, %get3A_1079] : memref<10240x400xf32, #tpu.memory_space<vmem>>, vector<128x400xf32>
    %add3A_1081 = arith.addf %broadcast_in_dim3A_1077, %get3A_1080 : vector<128x400xf32>
    %get3A_1082 = arith.constant 6272 : index
    %get3A_1083 = arith.constant 0 : index
    %get3A_1084 = vector.load %arg10[%get3A_1082, %get3A_1083] : memref<10240x400xf32, #tpu.memory_space<vmem>>, vector<128x400xf32>
    %add3A_1085 = arith.addf %add3A_1081, %get3A_1084 : vector<128x400xf32>
    %get3A_1086 = arith.constant 6400 : index
    %get3A_1087 = arith.constant 0 : index
    %get3A_1088 = vector.load %arg10[%get3A_1086, %get3A_1087] : memref<10240x400xf32, #tpu.memory_space<vmem>>, vector<128x400xf32>
    %add3A_1089 = arith.addf %add3A_1085, %get3A_1088 : vector<128x400xf32>
    %get3A_1090 = arith.constant 6528 : index
    %get3A_1091 = arith.constant 0 : index
    %get3A_1092 = vector.load %arg10[%get3A_1090, %get3A_1091] : memref<10240x400xf32, #tpu.memory_space<vmem>>, vector<128x400xf32>
    %add3A_1093 = arith.addf %add3A_1089, %get3A_1092 : vector<128x400xf32>
    %get3A_1094 = arith.constant 6656 : index
    %get3A_1095 = arith.constant 0 : index
    %get3A_1096 = vector.load %arg10[%get3A_1094, %get3A_1095] : memref<10240x400xf32, #tpu.memory_space<vmem>>, vector<128x400xf32>
    %add3A_1097 = arith.addf %add3A_1093, %get3A_1096 : vector<128x400xf32>
    %get3A_1098 = arith.constant 6784 : index
    %get3A_1099 = arith.constant 0 : index
    %get3A_1100 = vector.load %arg10[%get3A_1098, %get3A_1099] : memref<10240x400xf32, #tpu.memory_space<vmem>>, vector<128x400xf32>
    %add3A_1101 = arith.addf %add3A_1097, %get3A_1100 : vector<128x400xf32>
    %get3A_1102 = arith.constant 6912 : index
    %get3A_1103 = arith.constant 0 : index
    %get3A_1104 = vector.load %arg10[%get3A_1102, %get3A_1103] : memref<10240x400xf32, #tpu.memory_space<vmem>>, vector<128x400xf32>
    %add3A_1105 = arith.addf %add3A_1101, %get3A_1104 : vector<128x400xf32>
    %get3A_1106 = arith.constant 7040 : index
    %get3A_1107 = arith.constant 0 : index
    %get3A_1108 = vector.load %arg10[%get3A_1106, %get3A_1107] : memref<10240x400xf32, #tpu.memory_space<vmem>>, vector<128x400xf32>
    %add3A_1109 = arith.addf %add3A_1105, %get3A_1108 : vector<128x400xf32>
    %get3A_1110 = arith.constant 7168 : index
    %get3A_1111 = arith.constant 0 : index
    %get3A_1112 = vector.load %arg10[%get3A_1110, %get3A_1111] : memref<10240x400xf32, #tpu.memory_space<vmem>>, vector<128x400xf32>
    %add3A_1113 = arith.addf %add3A_1109, %get3A_1112 : vector<128x400xf32>
    %get3A_1114 = arith.constant 7296 : index
    %get3A_1115 = arith.constant 0 : index
    %get3A_1116 = vector.load %arg10[%get3A_1114, %get3A_1115] : memref<10240x400xf32, #tpu.memory_space<vmem>>, vector<128x400xf32>
    %add3A_1117 = arith.addf %add3A_1113, %get3A_1116 : vector<128x400xf32>
    %get3A_1118 = arith.constant 7424 : index
    %get3A_1119 = arith.constant 0 : index
    %get3A_1120 = vector.load %arg10[%get3A_1118, %get3A_1119] : memref<10240x400xf32, #tpu.memory_space<vmem>>, vector<128x400xf32>
    %add3A_1121 = arith.addf %add3A_1117, %get3A_1120 : vector<128x400xf32>
    %get3A_1122 = arith.constant 7552 : index
    %get3A_1123 = arith.constant 0 : index
    %get3A_1124 = vector.load %arg10[%get3A_1122, %get3A_1123] : memref<10240x400xf32, #tpu.memory_space<vmem>>, vector<128x400xf32>
    %add3A_1125 = arith.addf %add3A_1121, %get3A_1124 : vector<128x400xf32>
    %get3A_1126 = arith.constant 7680 : index
    %get3A_1127 = arith.constant 0 : index
    %get3A_1128 = vector.load %arg10[%get3A_1126, %get3A_1127] : memref<10240x400xf32, #tpu.memory_space<vmem>>, vector<128x400xf32>
    %add3A_1129 = arith.addf %add3A_1125, %get3A_1128 : vector<128x400xf32>
    %get3A_1130 = arith.constant 7808 : index
    %get3A_1131 = arith.constant 0 : index
    %get3A_1132 = vector.load %arg10[%get3A_1130, %get3A_1131] : memref<10240x400xf32, #tpu.memory_space<vmem>>, vector<128x400xf32>
    %add3A_1133 = arith.addf %add3A_1129, %get3A_1132 : vector<128x400xf32>
    %get3A_1134 = arith.constant 7936 : index
    %get3A_1135 = arith.constant 0 : index
    %get3A_1136 = vector.load %arg10[%get3A_1134, %get3A_1135] : memref<10240x400xf32, #tpu.memory_space<vmem>>, vector<128x400xf32>
    %add3A_1137 = arith.addf %add3A_1133, %get3A_1136 : vector<128x400xf32>
    %get3A_1138 = arith.constant 8064 : index
    %get3A_1139 = arith.constant 0 : index
    %get3A_1140 = vector.load %arg10[%get3A_1138, %get3A_1139] : memref<10240x400xf32, #tpu.memory_space<vmem>>, vector<128x400xf32>
    %add3A_1141 = arith.addf %add3A_1137, %get3A_1140 : vector<128x400xf32>
    %add3A_1142 = arith.addf %add3A_1008, %add3A_1141 : vector<128x400xf32>
    %broadcast_in_dim3A_1143 = arith.constant 0.000000e+00 : f32
    %broadcast_in_dim3A_1144 = vector.broadcast %broadcast_in_dim3A_1143 : f32 to vector<128x400xf32>
    %get3A_1145 = arith.constant 8192 : index
    %get3A_1146 = arith.constant 0 : index
    %get3A_1147 = vector.load %arg10[%get3A_1145, %get3A_1146] : memref<10240x400xf32, #tpu.memory_space<vmem>>, vector<128x400xf32>
    %add3A_1148 = arith.addf %broadcast_in_dim3A_1144, %get3A_1147 : vector<128x400xf32>
    %get3A_1149 = arith.constant 8320 : index
    %get3A_1150 = arith.constant 0 : index
    %get3A_1151 = vector.load %arg10[%get3A_1149, %get3A_1150] : memref<10240x400xf32, #tpu.memory_space<vmem>>, vector<128x400xf32>
    %add3A_1152 = arith.addf %add3A_1148, %get3A_1151 : vector<128x400xf32>
    %get3A_1153 = arith.constant 8448 : index
    %get3A_1154 = arith.constant 0 : index
    %get3A_1155 = vector.load %arg10[%get3A_1153, %get3A_1154] : memref<10240x400xf32, #tpu.memory_space<vmem>>, vector<128x400xf32>
    %add3A_1156 = arith.addf %add3A_1152, %get3A_1155 : vector<128x400xf32>
    %get3A_1157 = arith.constant 8576 : index
    %get3A_1158 = arith.constant 0 : index
    %get3A_1159 = vector.load %arg10[%get3A_1157, %get3A_1158] : memref<10240x400xf32, #tpu.memory_space<vmem>>, vector<128x400xf32>
    %add3A_1160 = arith.addf %add3A_1156, %get3A_1159 : vector<128x400xf32>
    %get3A_1161 = arith.constant 8704 : index
    %get3A_1162 = arith.constant 0 : index
    %get3A_1163 = vector.load %arg10[%get3A_1161, %get3A_1162] : memref<10240x400xf32, #tpu.memory_space<vmem>>, vector<128x400xf32>
    %add3A_1164 = arith.addf %add3A_1160, %get3A_1163 : vector<128x400xf32>
    %get3A_1165 = arith.constant 8832 : index
    %get3A_1166 = arith.constant 0 : index
    %get3A_1167 = vector.load %arg10[%get3A_1165, %get3A_1166] : memref<10240x400xf32, #tpu.memory_space<vmem>>, vector<128x400xf32>
    %add3A_1168 = arith.addf %add3A_1164, %get3A_1167 : vector<128x400xf32>
    %get3A_1169 = arith.constant 8960 : index
    %get3A_1170 = arith.constant 0 : index
    %get3A_1171 = vector.load %arg10[%get3A_1169, %get3A_1170] : memref<10240x400xf32, #tpu.memory_space<vmem>>, vector<128x400xf32>
    %add3A_1172 = arith.addf %add3A_1168, %get3A_1171 : vector<128x400xf32>
    %get3A_1173 = arith.constant 9088 : index
    %get3A_1174 = arith.constant 0 : index
    %get3A_1175 = vector.load %arg10[%get3A_1173, %get3A_1174] : memref<10240x400xf32, #tpu.memory_space<vmem>>, vector<128x400xf32>
    %add3A_1176 = arith.addf %add3A_1172, %get3A_1175 : vector<128x400xf32>
    %get3A_1177 = arith.constant 9216 : index
    %get3A_1178 = arith.constant 0 : index
    %get3A_1179 = vector.load %arg10[%get3A_1177, %get3A_1178] : memref<10240x400xf32, #tpu.memory_space<vmem>>, vector<128x400xf32>
    %add3A_1180 = arith.addf %add3A_1176, %get3A_1179 : vector<128x400xf32>
    %get3A_1181 = arith.constant 9344 : index
    %get3A_1182 = arith.constant 0 : index
    %get3A_1183 = vector.load %arg10[%get3A_1181, %get3A_1182] : memref<10240x400xf32, #tpu.memory_space<vmem>>, vector<128x400xf32>
    %add3A_1184 = arith.addf %add3A_1180, %get3A_1183 : vector<128x400xf32>
    %get3A_1185 = arith.constant 9472 : index
    %get3A_1186 = arith.constant 0 : index
    %get3A_1187 = vector.load %arg10[%get3A_1185, %get3A_1186] : memref<10240x400xf32, #tpu.memory_space<vmem>>, vector<128x400xf32>
    %add3A_1188 = arith.addf %add3A_1184, %get3A_1187 : vector<128x400xf32>
    %get3A_1189 = arith.constant 9600 : index
    %get3A_1190 = arith.constant 0 : index
    %get3A_1191 = vector.load %arg10[%get3A_1189, %get3A_1190] : memref<10240x400xf32, #tpu.memory_space<vmem>>, vector<128x400xf32>
    %add3A_1192 = arith.addf %add3A_1188, %get3A_1191 : vector<128x400xf32>
    %get3A_1193 = arith.constant 9728 : index
    %get3A_1194 = arith.constant 0 : index
    %get3A_1195 = vector.load %arg10[%get3A_1193, %get3A_1194] : memref<10240x400xf32, #tpu.memory_space<vmem>>, vector<128x400xf32>
    %add3A_1196 = arith.addf %add3A_1192, %get3A_1195 : vector<128x400xf32>
    %get3A_1197 = arith.constant 9856 : index
    %get3A_1198 = arith.constant 0 : index
    %get3A_1199 = vector.load %arg10[%get3A_1197, %get3A_1198] : memref<10240x400xf32, #tpu.memory_space<vmem>>, vector<128x400xf32>
    %add3A_1200 = arith.addf %add3A_1196, %get3A_1199 : vector<128x400xf32>
    %get3A_1201 = arith.constant 9984 : index
    %get3A_1202 = arith.constant 0 : index
    %get3A_1203 = vector.load %arg10[%get3A_1201, %get3A_1202] : memref<10240x400xf32, #tpu.memory_space<vmem>>, vector<128x400xf32>
    %add3A_1204 = arith.addf %add3A_1200, %get3A_1203 : vector<128x400xf32>
    %get3A_1205 = arith.constant 10112 : index
    %get3A_1206 = arith.constant 0 : index
    %get3A_1207 = vector.load %arg10[%get3A_1205, %get3A_1206] : memref<10240x400xf32, #tpu.memory_space<vmem>>, vector<128x400xf32>
    %add3A_1208 = arith.addf %add3A_1204, %get3A_1207 : vector<128x400xf32>
    %add3A_1209 = arith.addf %add3A_1075, %add3A_1208 : vector<128x400xf32>
    %add3A_1210 = arith.addf %add3A_1209, %add3A_1142 : vector<128x400xf32>
    %slice3A_1211 = vector.extract_strided_slice %add3A_1210 {offsets = [0, 0], sizes = [64, 400], strides = [1, 1]} : vector<128x400xf32> to vector<64x400xf32>
    %slice3A_1212 = vector.extract_strided_slice %add3A_1210 {offsets = [64, 0], sizes = [64, 400], strides = [1, 1]} : vector<128x400xf32> to vector<64x400xf32>
    %add3A_1213 = arith.addf %slice3A_1211, %slice3A_1212 : vector<64x400xf32>
    %slice3A_1214 = vector.extract_strided_slice %add3A_1213 {offsets = [0, 0], sizes = [32, 400], strides = [1, 1]} : vector<64x400xf32> to vector<32x400xf32>
    %slice3A_1215 = vector.extract_strided_slice %add3A_1213 {offsets = [32, 0], sizes = [32, 400], strides = [1, 1]} : vector<64x400xf32> to vector<32x400xf32>
    %add3A_1216 = arith.addf %slice3A_1214, %slice3A_1215 : vector<32x400xf32>
    %slice3A_1217 = vector.extract_strided_slice %add3A_1216 {offsets = [0, 0], sizes = [16, 400], strides = [1, 1]} : vector<32x400xf32> to vector<16x400xf32>
    %slice3A_1218 = vector.extract_strided_slice %add3A_1216 {offsets = [16, 0], sizes = [16, 400], strides = [1, 1]} : vector<32x400xf32> to vector<16x400xf32>
    %add3A_1219 = arith.addf %slice3A_1217, %slice3A_1218 : vector<16x400xf32>
    %slice3A_1220 = vector.extract_strided_slice %add3A_1219 {offsets = [0, 0], sizes = [8, 400], strides = [1, 1]} : vector<16x400xf32> to vector<8x400xf32>
    %slice3A_1221 = vector.extract_strided_slice %add3A_1219 {offsets = [8, 0], sizes = [8, 400], strides = [1, 1]} : vector<16x400xf32> to vector<8x400xf32>
    %add3A_1222 = arith.addf %slice3A_1220, %slice3A_1221 : vector<8x400xf32>
    %slice3A_1223 = vector.extract_strided_slice %add3A_1222 {offsets = [0, 0], sizes = [4, 400], strides = [1, 1]} : vector<8x400xf32> to vector<4x400xf32>
    %slice3A_1224 = vector.extract_strided_slice %add3A_1222 {offsets = [4, 0], sizes = [4, 400], strides = [1, 1]} : vector<8x400xf32> to vector<4x400xf32>
    %add3A_1225 = arith.addf %slice3A_1223, %slice3A_1224 : vector<4x400xf32>
    %slice3A_1226 = vector.extract_strided_slice %add3A_1225 {offsets = [0, 0], sizes = [2, 400], strides = [1, 1]} : vector<4x400xf32> to vector<2x400xf32>
    %slice3A_1227 = vector.extract_strided_slice %add3A_1225 {offsets = [2, 0], sizes = [2, 400], strides = [1, 1]} : vector<4x400xf32> to vector<2x400xf32>
    %add3A_1228 = arith.addf %slice3A_1226, %slice3A_1227 : vector<2x400xf32>
    %slice3A_1229 = vector.extract_strided_slice %add3A_1228 {offsets = [0, 0], sizes = [1, 400], strides = [1, 1]} : vector<2x400xf32> to vector<1x400xf32>
    %slice3A_1230 = vector.extract_strided_slice %add3A_1228 {offsets = [1, 0], sizes = [1, 400], strides = [1, 1]} : vector<2x400xf32> to vector<1x400xf32>
    %add3A_1231 = arith.addf %slice3A_1229, %slice3A_1230 : vector<1x400xf32>
    %scan3A_1232 = arith.constant 0 : i32
    %scan3A_1233 = arith.constant 20 : i32
    %scan3A_1234 = arith.addi %scan3A_1232, %scan3A_1233 : i32
    %scan3A_1235 = arith.constant 1 : i32
    scf.for %scan3A_1701 = %scan3A_1232 to %scan3A_1234 step %scan3A_1235  : i32 {
      %mul3A_1702 = arith.constant 512 : i32
      %mul3A_1703 = arith.muli %scan3A_1701, %mul3A_1702 : i32
      %get3A_1704 = arith.index_cast %mul3A_1703 : i32 to index
      %get3A_1705 = arith.constant 0 : index
      %get3A_1706 = vector.load %arg10[%get3A_1704, %get3A_1705] : memref<10240x400xf32, #tpu.memory_space<vmem>>, vector<512x400xf32>
      %div3A = arith.constant 1.000000e+00 : f32
      %div3A_1707 = vector.broadcast %div3A : f32 to vector<1x400xf32>
      %div3A_1708 = arith.divf %div3A_1707, %add3A_1231 : vector<1x400xf32>
      %mul3A_1709 = vector.broadcast %div3A_1708 : vector<1x400xf32> to vector<512x400xf32>
      %mul3A_1710 = arith.mulf %get3A_1706, %mul3A_1709 : vector<512x400xf32>
      %swap3A_1711 = arith.index_cast %mul3A_1703 : i32 to index
      %swap3A_1712 = arith.constant 0 : index
      %swap3A_1713 = vector.load %arg10[%swap3A_1711, %swap3A_1712] : memref<10240x400xf32, #tpu.memory_space<vmem>>, vector<512x400xf32>
      tpu.vector_store %arg10[%swap3A_1711, %swap3A_1712], %mul3A_1710 {strides = array<i32>} : memref<10240x400xf32, #tpu.memory_space<vmem>>, vector<512x400xf32>,
    }
    %scan3A_1236 = arith.constant 20 : i32
    %broadcast_in_dim3A_1237 = arith.constant 0.000000e+00 : f32
    %broadcast_in_dim3A_1238 = vector.broadcast %broadcast_in_dim3A_1237 : f32 to vector<400x16xf32>
    %scan3A_1239 = arith.constant 0 : i32
    %scan3A_1240 = arith.constant 10 : i32
    %scan3A_1241 = arith.addi %scan3A_1239, %scan3A_1240 : i32
    %scan3A_1242 = arith.constant 1 : i32
    %scan3A_1243 = scf.for %scan3A_1701 = %scan3A_1239 to %scan3A_1241 step %scan3A_1242 iter_args(%scan3A_1702 = %broadcast_in_dim3A_1238) -> (vector<400x16xf32>)  : i32 {
      %mul3A_1703 = arith.constant 1024 : i32
      %mul3A_1704 = arith.muli %scan3A_1701, %mul3A_1703 : i32
      %get3A_1705 = arith.index_cast %mul3A_1704 : i32 to index
      %get3A_1706 = arith.constant 0 : index
      %get3A_1707 = vector.load %arg10[%get3A_1705, %get3A_1706] : memref<10240x400xf32, #tpu.memory_space<vmem>>, vector<1024x400xf32>
      %mul3A_1708 = arith.constant 1024 : i32
      %mul3A_1709 = arith.muli %scan3A_1701, %mul3A_1708 : i32
      %get3A_1710 = arith.index_cast %mul3A_1709 : i32 to index
      %get3A_1711 = arith.constant 160 : index
      %get3A_1712 = vector.load %arg2[%get3A_1710, %get3A_1711] : memref<10240x192xf32, #tpu.memory_space<vmem>>, vector<1024x16xf32>
      %dot_general3A_1713 = arith.constant dense<0.000000e+00> : vector<400x16xf32>
      %dot_general3A_1714 = tpu.matmul %get3A_1707, %get3A_1712, %dot_general3A_1713 {dimension_numbers = #tpu.dot_dimension_numbers<[0], [0], [1], [1], [0, 1, 1, 1], [], []>, transpose_lhs_hint = false} : vector<1024x400xf32>, vector<1024x16xf32>, vector<400x16xf32> -> vector<400x16xf32>
      %add3A_1715 = arith.addf %scan3A_1702, %dot_general3A_1714 : vector<400x16xf32>
      scf.yield %add3A_1715 : vector<400x16xf32>
    }
    %scan3A_1244 = arith.constant 10 : i32
    %get3A_1245 = arith.constant 0 : index
    %get3A_1246 = arith.constant 48 : index
    %get3A_1247 = vector.load %arg1[%get3A_1245, %get3A_1246] : memref<400x192xf32, #tpu.memory_space<vmem>>, vector<400x16xf32>
    %mul3A_1248 = arith.constant 2.500000e-01 : f32
    %mul3A_1249 = vector.broadcast %mul3A_1248 : f32 to vector<400x16xf32>
    %mul3A_1250 = arith.mulf %get3A_1247, %mul3A_1249 : vector<400x16xf32>
    %broadcast_in_dim3A_1251 = arith.constant 0xFF800000 : f32
    %broadcast_in_dim3A_1252 = vector.broadcast %broadcast_in_dim3A_1251 : f32 to vector<1x400xf32>
    %scan3A_1253 = arith.constant 0 : i32
    %scan3A_1254 = arith.constant 19 : i32
    %scan3A_1255 = arith.addi %scan3A_1253, %scan3A_1254 : i32
    %scan3A_1256 = arith.constant 1 : i32
    %scan3A_1257 = scf.for %scan3A_1701 = %scan3A_1253 to %scan3A_1255 step %scan3A_1256 iter_args(%scan3A_1702 = %broadcast_in_dim3A_1252) -> (vector<1x400xf32>)  : i32 {
      %mul3A_1703 = arith.constant 512 : i32
      %mul3A_1704 = arith.muli %scan3A_1701, %mul3A_1703 : i32
      %get3A_1705 = arith.index_cast %mul3A_1704 : i32 to index
      %get3A_1706 = arith.constant 112 : index
      %get3A_1707 = vector.load %arg2[%get3A_1705, %get3A_1706] : memref<10240x192xf32, #tpu.memory_space<vmem>>, vector<512x16xf32>
      %dot_general3A_1708 = arith.constant dense<0.000000e+00> : vector<512x400xf32>
      %dot_general3A_1709 = tpu.matmul %get3A_1707, %mul3A_1250, %dot_general3A_1708 {dimension_numbers = #tpu.dot_dimension_numbers<[1], [1], [0], [0], [0, 0, 1, 0], [], []>, transpose_lhs_hint = false} : vector<512x16xf32>, vector<400x16xf32>, vector<512x400xf32> -> vector<512x400xf32>
      %mul3A_1710 = arith.constant 512 : i32
      %mul3A_1711 = arith.muli %scan3A_1701, %mul3A_1710 : i32
      %swap3A_1712 = arith.index_cast %mul3A_1711 : i32 to index
      %swap3A_1713 = arith.constant 0 : index
      %swap3A_1714 = vector.load %arg10[%swap3A_1712, %swap3A_1713] : memref<10240x400xf32, #tpu.memory_space<vmem>>, vector<512x400xf32>
      tpu.vector_store %arg10[%swap3A_1712, %swap3A_1713], %dot_general3A_1709 {strides = array<i32>} : memref<10240x400xf32, #tpu.memory_space<vmem>>, vector<512x400xf32>,
      %reduce_max3A_1715 = arith.constant dense<0xFF800000> : vector<400xf32>
      %reduce_max3A_1716 = vector.multi_reduction <maximumf>, %dot_general3A_1709, %reduce_max3A_1715 [0] : vector<512x400xf32> to vector<400xf32>
      %broadcast_in_dim3A_1717 = vector.shape_cast %reduce_max3A_1716 : vector<400xf32> to vector<1x400xf32>
      %max3A_1718 = arith.maximumf %scan3A_1702, %broadcast_in_dim3A_1717 : vector<1x400xf32>
      scf.yield %max3A_1718 : vector<1x400xf32>
    }
    %scan3A_1258 = arith.constant 19 : i32
    %get3A_1259 = arith.constant 9728 : index
    %get3A_1260 = arith.constant 112 : index
    %get3A_1261 = vector.load %arg2[%get3A_1259, %get3A_1260] : memref<10240x192xf32, #tpu.memory_space<vmem>>, vector<272x16xf32>
    %dot_general3A_1262 = arith.constant dense<0.000000e+00> : vector<272x400xf32>
    %dot_general3A_1263 = tpu.matmul %get3A_1261, %mul3A_1250, %dot_general3A_1262 {dimension_numbers = #tpu.dot_dimension_numbers<[1], [1], [0], [0], [0, 0, 1, 0], [], []>, transpose_lhs_hint = false} : vector<272x16xf32>, vector<400x16xf32>, vector<272x400xf32> -> vector<272x400xf32>
    %swap3A_1264 = arith.constant 9728 : index
    %swap3A_1265 = arith.constant 0 : index
    %swap3A_1266 = vector.load %arg10[%swap3A_1264, %swap3A_1265] : memref<10240x400xf32, #tpu.memory_space<vmem>>, vector<272x400xf32>
    tpu.vector_store %arg10[%swap3A_1264, %swap3A_1265], %dot_general3A_1263 {strides = array<i32>} : memref<10240x400xf32, #tpu.memory_space<vmem>>, vector<272x400xf32>,
    %reduce_max3A_1267 = arith.constant dense<0xFF800000> : vector<400xf32>
    %reduce_max3A_1268 = vector.multi_reduction <maximumf>, %dot_general3A_1263, %reduce_max3A_1267 [0] : vector<272x400xf32> to vector<400xf32>
    %broadcast_in_dim3A_1269 = vector.shape_cast %reduce_max3A_1268 : vector<400xf32> to vector<1x400xf32>
    %max3A_1270 = arith.maximumf %scan3A_1257, %broadcast_in_dim3A_1269 : vector<1x400xf32>
    %broadcast_in_dim3A_1271 = arith.constant 0.000000e+00 : f32
    %broadcast_in_dim3A_1272 = vector.broadcast %broadcast_in_dim3A_1271 : f32 to vector<240x400xf32>
    %swap3A_1273 = arith.constant 10000 : index
    %swap3A_1274 = arith.constant 0 : index
    %swap3A_1275 = vector.load %arg10[%swap3A_1273, %swap3A_1274] : memref<10240x400xf32, #tpu.memory_space<vmem>>, vector<240x400xf32>
    tpu.vector_store %arg10[%swap3A_1273, %swap3A_1274], %broadcast_in_dim3A_1272 {strides = array<i32>} : memref<10240x400xf32, #tpu.memory_space<vmem>>, vector<240x400xf32>,
    %scan3A_1276 = arith.constant 0 : i32
    %scan3A_1277 = arith.constant 78 : i32
    %scan3A_1278 = arith.addi %scan3A_1276, %scan3A_1277 : i32
    %scan3A_1279 = arith.constant 1 : i32
    scf.for %scan3A_1701 = %scan3A_1276 to %scan3A_1278 step %scan3A_1279  : i32 {
      %mul3A_1702 = arith.constant 128 : i32
      %mul3A_1703 = arith.muli %scan3A_1701, %mul3A_1702 : i32
      %get3A_1704 = arith.index_cast %mul3A_1703 : i32 to index
      %get3A_1705 = arith.constant 0 : index
      %get3A_1706 = vector.load %arg10[%get3A_1704, %get3A_1705] : memref<10240x400xf32, #tpu.memory_space<vmem>>, vector<128x400xf32>
      %sub3A_1707 = vector.broadcast %max3A_1270 : vector<1x400xf32> to vector<128x400xf32>
      %sub3A_1708 = arith.subf %get3A_1706, %sub3A_1707 : vector<128x400xf32>
      %exp3A_1709 = math.exp %sub3A_1708 : vector<128x400xf32>
      %swap3A_1710 = arith.index_cast %mul3A_1703 : i32 to index
      %swap3A_1711 = arith.constant 0 : index
      %swap3A_1712 = vector.load %arg10[%swap3A_1710, %swap3A_1711] : memref<10240x400xf32, #tpu.memory_space<vmem>>, vector<128x400xf32>
      tpu.vector_store %arg10[%swap3A_1710, %swap3A_1711], %exp3A_1709 {strides = array<i32>} : memref<10240x400xf32, #tpu.memory_space<vmem>>, vector<128x400xf32>,
    }
    %scan3A_1280 = arith.constant 78 : i32
    %get3A_1281 = arith.constant 9984 : index
    %get3A_1282 = arith.constant 0 : index
    %get3A_1283 = vector.load %arg10[%get3A_1281, %get3A_1282] : memref<10240x400xf32, #tpu.memory_space<vmem>>, vector<16x400xf32>
    %sub3A_1284 = vector.broadcast %max3A_1270 : vector<1x400xf32> to vector<16x400xf32>
    %sub3A_1285 = arith.subf %get3A_1283, %sub3A_1284 : vector<16x400xf32>
    %exp3A_1286 = math.exp %sub3A_1285 : vector<16x400xf32>
    %swap3A_1287 = arith.constant 9984 : index
    %swap3A_1288 = arith.constant 0 : index
    %swap3A_1289 = vector.load %arg10[%swap3A_1287, %swap3A_1288] : memref<10240x400xf32, #tpu.memory_space<vmem>>, vector<16x400xf32>
    tpu.vector_store %arg10[%swap3A_1287, %swap3A_1288], %exp3A_1286 {strides = array<i32>} : memref<10240x400xf32, #tpu.memory_space<vmem>>, vector<16x400xf32>,
    %broadcast_in_dim3A_1290 = arith.constant 0.000000e+00 : f32
    %broadcast_in_dim3A_1291 = vector.broadcast %broadcast_in_dim3A_1290 : f32 to vector<128x400xf32>
    %broadcast_in_dim3A_1292 = arith.constant 0.000000e+00 : f32
    %broadcast_in_dim3A_1293 = vector.broadcast %broadcast_in_dim3A_1292 : f32 to vector<128x400xf32>
    %broadcast_in_dim3A_1294 = arith.constant 0.000000e+00 : f32
    %broadcast_in_dim3A_1295 = vector.broadcast %broadcast_in_dim3A_1294 : f32 to vector<128x400xf32>
    %get3A_1296 = arith.constant 0 : index
    %get3A_1297 = arith.constant 0 : index
    %get3A_1298 = vector.load %arg10[%get3A_1296, %get3A_1297] : memref<10240x400xf32, #tpu.memory_space<vmem>>, vector<128x400xf32>
    %add3A_1299 = arith.addf %broadcast_in_dim3A_1295, %get3A_1298 : vector<128x400xf32>
    %get3A_1300 = arith.constant 128 : index
    %get3A_1301 = arith.constant 0 : index
    %get3A_1302 = vector.load %arg10[%get3A_1300, %get3A_1301] : memref<10240x400xf32, #tpu.memory_space<vmem>>, vector<128x400xf32>
    %add3A_1303 = arith.addf %add3A_1299, %get3A_1302 : vector<128x400xf32>
    %get3A_1304 = arith.constant 256 : index
    %get3A_1305 = arith.constant 0 : index
    %get3A_1306 = vector.load %arg10[%get3A_1304, %get3A_1305] : memref<10240x400xf32, #tpu.memory_space<vmem>>, vector<128x400xf32>
    %add3A_1307 = arith.addf %add3A_1303, %get3A_1306 : vector<128x400xf32>
    %get3A_1308 = arith.constant 384 : index
    %get3A_1309 = arith.constant 0 : index
    %get3A_1310 = vector.load %arg10[%get3A_1308, %get3A_1309] : memref<10240x400xf32, #tpu.memory_space<vmem>>, vector<128x400xf32>
    %add3A_1311 = arith.addf %add3A_1307, %get3A_1310 : vector<128x400xf32>
    %get3A_1312 = arith.constant 512 : index
    %get3A_1313 = arith.constant 0 : index
    %get3A_1314 = vector.load %arg10[%get3A_1312, %get3A_1313] : memref<10240x400xf32, #tpu.memory_space<vmem>>, vector<128x400xf32>
    %add3A_1315 = arith.addf %add3A_1311, %get3A_1314 : vector<128x400xf32>
    %get3A_1316 = arith.constant 640 : index
    %get3A_1317 = arith.constant 0 : index
    %get3A_1318 = vector.load %arg10[%get3A_1316, %get3A_1317] : memref<10240x400xf32, #tpu.memory_space<vmem>>, vector<128x400xf32>
    %add3A_1319 = arith.addf %add3A_1315, %get3A_1318 : vector<128x400xf32>
    %get3A_1320 = arith.constant 768 : index
    %get3A_1321 = arith.constant 0 : index
    %get3A_1322 = vector.load %arg10[%get3A_1320, %get3A_1321] : memref<10240x400xf32, #tpu.memory_space<vmem>>, vector<128x400xf32>
    %add3A_1323 = arith.addf %add3A_1319, %get3A_1322 : vector<128x400xf32>
    %get3A_1324 = arith.constant 896 : index
    %get3A_1325 = arith.constant 0 : index
    %get3A_1326 = vector.load %arg10[%get3A_1324, %get3A_1325] : memref<10240x400xf32, #tpu.memory_space<vmem>>, vector<128x400xf32>
    %add3A_1327 = arith.addf %add3A_1323, %get3A_1326 : vector<128x400xf32>
    %get3A_1328 = arith.constant 1024 : index
    %get3A_1329 = arith.constant 0 : index
    %get3A_1330 = vector.load %arg10[%get3A_1328, %get3A_1329] : memref<10240x400xf32, #tpu.memory_space<vmem>>, vector<128x400xf32>
    %add3A_1331 = arith.addf %add3A_1327, %get3A_1330 : vector<128x400xf32>
    %get3A_1332 = arith.constant 1152 : index
    %get3A_1333 = arith.constant 0 : index
    %get3A_1334 = vector.load %arg10[%get3A_1332, %get3A_1333] : memref<10240x400xf32, #tpu.memory_space<vmem>>, vector<128x400xf32>
    %add3A_1335 = arith.addf %add3A_1331, %get3A_1334 : vector<128x400xf32>
    %get3A_1336 = arith.constant 1280 : index
    %get3A_1337 = arith.constant 0 : index
    %get3A_1338 = vector.load %arg10[%get3A_1336, %get3A_1337] : memref<10240x400xf32, #tpu.memory_space<vmem>>, vector<128x400xf32>
    %add3A_1339 = arith.addf %add3A_1335, %get3A_1338 : vector<128x400xf32>
    %get3A_1340 = arith.constant 1408 : index
    %get3A_1341 = arith.constant 0 : index
    %get3A_1342 = vector.load %arg10[%get3A_1340, %get3A_1341] : memref<10240x400xf32, #tpu.memory_space<vmem>>, vector<128x400xf32>
    %add3A_1343 = arith.addf %add3A_1339, %get3A_1342 : vector<128x400xf32>
    %get3A_1344 = arith.constant 1536 : index
    %get3A_1345 = arith.constant 0 : index
    %get3A_1346 = vector.load %arg10[%get3A_1344, %get3A_1345] : memref<10240x400xf32, #tpu.memory_space<vmem>>, vector<128x400xf32>
    %add3A_1347 = arith.addf %add3A_1343, %get3A_1346 : vector<128x400xf32>
    %get3A_1348 = arith.constant 1664 : index
    %get3A_1349 = arith.constant 0 : index
    %get3A_1350 = vector.load %arg10[%get3A_1348, %get3A_1349] : memref<10240x400xf32, #tpu.memory_space<vmem>>, vector<128x400xf32>
    %add3A_1351 = arith.addf %add3A_1347, %get3A_1350 : vector<128x400xf32>
    %get3A_1352 = arith.constant 1792 : index
    %get3A_1353 = arith.constant 0 : index
    %get3A_1354 = vector.load %arg10[%get3A_1352, %get3A_1353] : memref<10240x400xf32, #tpu.memory_space<vmem>>, vector<128x400xf32>
    %add3A_1355 = arith.addf %add3A_1351, %get3A_1354 : vector<128x400xf32>
    %get3A_1356 = arith.constant 1920 : index
    %get3A_1357 = arith.constant 0 : index
    %get3A_1358 = vector.load %arg10[%get3A_1356, %get3A_1357] : memref<10240x400xf32, #tpu.memory_space<vmem>>, vector<128x400xf32>
    %add3A_1359 = arith.addf %add3A_1355, %get3A_1358 : vector<128x400xf32>
    %add3A_1360 = arith.addf %broadcast_in_dim3A_1291, %add3A_1359 : vector<128x400xf32>
    %broadcast_in_dim3A_1361 = arith.constant 0.000000e+00 : f32
    %broadcast_in_dim3A_1362 = vector.broadcast %broadcast_in_dim3A_1361 : f32 to vector<128x400xf32>
    %get3A_1363 = arith.constant 2048 : index
    %get3A_1364 = arith.constant 0 : index
    %get3A_1365 = vector.load %arg10[%get3A_1363, %get3A_1364] : memref<10240x400xf32, #tpu.memory_space<vmem>>, vector<128x400xf32>
    %add3A_1366 = arith.addf %broadcast_in_dim3A_1362, %get3A_1365 : vector<128x400xf32>
    %get3A_1367 = arith.constant 2176 : index
    %get3A_1368 = arith.constant 0 : index
    %get3A_1369 = vector.load %arg10[%get3A_1367, %get3A_1368] : memref<10240x400xf32, #tpu.memory_space<vmem>>, vector<128x400xf32>
    %add3A_1370 = arith.addf %add3A_1366, %get3A_1369 : vector<128x400xf32>
    %get3A_1371 = arith.constant 2304 : index
    %get3A_1372 = arith.constant 0 : index
    %get3A_1373 = vector.load %arg10[%get3A_1371, %get3A_1372] : memref<10240x400xf32, #tpu.memory_space<vmem>>, vector<128x400xf32>
    %add3A_1374 = arith.addf %add3A_1370, %get3A_1373 : vector<128x400xf32>
    %get3A_1375 = arith.constant 2432 : index
    %get3A_1376 = arith.constant 0 : index
    %get3A_1377 = vector.load %arg10[%get3A_1375, %get3A_1376] : memref<10240x400xf32, #tpu.memory_space<vmem>>, vector<128x400xf32>
    %add3A_1378 = arith.addf %add3A_1374, %get3A_1377 : vector<128x400xf32>
    %get3A_1379 = arith.constant 2560 : index
    %get3A_1380 = arith.constant 0 : index
    %get3A_1381 = vector.load %arg10[%get3A_1379, %get3A_1380] : memref<10240x400xf32, #tpu.memory_space<vmem>>, vector<128x400xf32>
    %add3A_1382 = arith.addf %add3A_1378, %get3A_1381 : vector<128x400xf32>
    %get3A_1383 = arith.constant 2688 : index
    %get3A_1384 = arith.constant 0 : index
    %get3A_1385 = vector.load %arg10[%get3A_1383, %get3A_1384] : memref<10240x400xf32, #tpu.memory_space<vmem>>, vector<128x400xf32>
    %add3A_1386 = arith.addf %add3A_1382, %get3A_1385 : vector<128x400xf32>
    %get3A_1387 = arith.constant 2816 : index
    %get3A_1388 = arith.constant 0 : index
    %get3A_1389 = vector.load %arg10[%get3A_1387, %get3A_1388] : memref<10240x400xf32, #tpu.memory_space<vmem>>, vector<128x400xf32>
    %add3A_1390 = arith.addf %add3A_1386, %get3A_1389 : vector<128x400xf32>
    %get3A_1391 = arith.constant 2944 : index
    %get3A_1392 = arith.constant 0 : index
    %get3A_1393 = vector.load %arg10[%get3A_1391, %get3A_1392] : memref<10240x400xf32, #tpu.memory_space<vmem>>, vector<128x400xf32>
    %add3A_1394 = arith.addf %add3A_1390, %get3A_1393 : vector<128x400xf32>
    %get3A_1395 = arith.constant 3072 : index
    %get3A_1396 = arith.constant 0 : index
    %get3A_1397 = vector.load %arg10[%get3A_1395, %get3A_1396] : memref<10240x400xf32, #tpu.memory_space<vmem>>, vector<128x400xf32>
    %add3A_1398 = arith.addf %add3A_1394, %get3A_1397 : vector<128x400xf32>
    %get3A_1399 = arith.constant 3200 : index
    %get3A_1400 = arith.constant 0 : index
    %get3A_1401 = vector.load %arg10[%get3A_1399, %get3A_1400] : memref<10240x400xf32, #tpu.memory_space<vmem>>, vector<128x400xf32>
    %add3A_1402 = arith.addf %add3A_1398, %get3A_1401 : vector<128x400xf32>
    %get3A_1403 = arith.constant 3328 : index
    %get3A_1404 = arith.constant 0 : index
    %get3A_1405 = vector.load %arg10[%get3A_1403, %get3A_1404] : memref<10240x400xf32, #tpu.memory_space<vmem>>, vector<128x400xf32>
    %add3A_1406 = arith.addf %add3A_1402, %get3A_1405 : vector<128x400xf32>
    %get3A_1407 = arith.constant 3456 : index
    %get3A_1408 = arith.constant 0 : index
    %get3A_1409 = vector.load %arg10[%get3A_1407, %get3A_1408] : memref<10240x400xf32, #tpu.memory_space<vmem>>, vector<128x400xf32>
    %add3A_1410 = arith.addf %add3A_1406, %get3A_1409 : vector<128x400xf32>
    %get3A_1411 = arith.constant 3584 : index
    %get3A_1412 = arith.constant 0 : index
    %get3A_1413 = vector.load %arg10[%get3A_1411, %get3A_1412] : memref<10240x400xf32, #tpu.memory_space<vmem>>, vector<128x400xf32>
    %add3A_1414 = arith.addf %add3A_1410, %get3A_1413 : vector<128x400xf32>
    %get3A_1415 = arith.constant 3712 : index
    %get3A_1416 = arith.constant 0 : index
    %get3A_1417 = vector.load %arg10[%get3A_1415, %get3A_1416] : memref<10240x400xf32, #tpu.memory_space<vmem>>, vector<128x400xf32>
    %add3A_1418 = arith.addf %add3A_1414, %get3A_1417 : vector<128x400xf32>
    %get3A_1419 = arith.constant 3840 : index
    %get3A_1420 = arith.constant 0 : index
    %get3A_1421 = vector.load %arg10[%get3A_1419, %get3A_1420] : memref<10240x400xf32, #tpu.memory_space<vmem>>, vector<128x400xf32>
    %add3A_1422 = arith.addf %add3A_1418, %get3A_1421 : vector<128x400xf32>
    %get3A_1423 = arith.constant 3968 : index
    %get3A_1424 = arith.constant 0 : index
    %get3A_1425 = vector.load %arg10[%get3A_1423, %get3A_1424] : memref<10240x400xf32, #tpu.memory_space<vmem>>, vector<128x400xf32>
    %add3A_1426 = arith.addf %add3A_1422, %get3A_1425 : vector<128x400xf32>
    %add3A_1427 = arith.addf %broadcast_in_dim3A_1293, %add3A_1426 : vector<128x400xf32>
    %broadcast_in_dim3A_1428 = arith.constant 0.000000e+00 : f32
    %broadcast_in_dim3A_1429 = vector.broadcast %broadcast_in_dim3A_1428 : f32 to vector<128x400xf32>
    %get3A_1430 = arith.constant 4096 : index
    %get3A_1431 = arith.constant 0 : index
    %get3A_1432 = vector.load %arg10[%get3A_1430, %get3A_1431] : memref<10240x400xf32, #tpu.memory_space<vmem>>, vector<128x400xf32>
    %add3A_1433 = arith.addf %broadcast_in_dim3A_1429, %get3A_1432 : vector<128x400xf32>
    %get3A_1434 = arith.constant 4224 : index
    %get3A_1435 = arith.constant 0 : index
    %get3A_1436 = vector.load %arg10[%get3A_1434, %get3A_1435] : memref<10240x400xf32, #tpu.memory_space<vmem>>, vector<128x400xf32>
    %add3A_1437 = arith.addf %add3A_1433, %get3A_1436 : vector<128x400xf32>
    %get3A_1438 = arith.constant 4352 : index
    %get3A_1439 = arith.constant 0 : index
    %get3A_1440 = vector.load %arg10[%get3A_1438, %get3A_1439] : memref<10240x400xf32, #tpu.memory_space<vmem>>, vector<128x400xf32>
    %add3A_1441 = arith.addf %add3A_1437, %get3A_1440 : vector<128x400xf32>
    %get3A_1442 = arith.constant 4480 : index
    %get3A_1443 = arith.constant 0 : index
    %get3A_1444 = vector.load %arg10[%get3A_1442, %get3A_1443] : memref<10240x400xf32, #tpu.memory_space<vmem>>, vector<128x400xf32>
    %add3A_1445 = arith.addf %add3A_1441, %get3A_1444 : vector<128x400xf32>
    %get3A_1446 = arith.constant 4608 : index
    %get3A_1447 = arith.constant 0 : index
    %get3A_1448 = vector.load %arg10[%get3A_1446, %get3A_1447] : memref<10240x400xf32, #tpu.memory_space<vmem>>, vector<128x400xf32>
    %add3A_1449 = arith.addf %add3A_1445, %get3A_1448 : vector<128x400xf32>
    %get3A_1450 = arith.constant 4736 : index
    %get3A_1451 = arith.constant 0 : index
    %get3A_1452 = vector.load %arg10[%get3A_1450, %get3A_1451] : memref<10240x400xf32, #tpu.memory_space<vmem>>, vector<128x400xf32>
    %add3A_1453 = arith.addf %add3A_1449, %get3A_1452 : vector<128x400xf32>
    %get3A_1454 = arith.constant 4864 : index
    %get3A_1455 = arith.constant 0 : index
    %get3A_1456 = vector.load %arg10[%get3A_1454, %get3A_1455] : memref<10240x400xf32, #tpu.memory_space<vmem>>, vector<128x400xf32>
    %add3A_1457 = arith.addf %add3A_1453, %get3A_1456 : vector<128x400xf32>
    %get3A_1458 = arith.constant 4992 : index
    %get3A_1459 = arith.constant 0 : index
    %get3A_1460 = vector.load %arg10[%get3A_1458, %get3A_1459] : memref<10240x400xf32, #tpu.memory_space<vmem>>, vector<128x400xf32>
    %add3A_1461 = arith.addf %add3A_1457, %get3A_1460 : vector<128x400xf32>
    %get3A_1462 = arith.constant 5120 : index
    %get3A_1463 = arith.constant 0 : index
    %get3A_1464 = vector.load %arg10[%get3A_1462, %get3A_1463] : memref<10240x400xf32, #tpu.memory_space<vmem>>, vector<128x400xf32>
    %add3A_1465 = arith.addf %add3A_1461, %get3A_1464 : vector<128x400xf32>
    %get3A_1466 = arith.constant 5248 : index
    %get3A_1467 = arith.constant 0 : index
    %get3A_1468 = vector.load %arg10[%get3A_1466, %get3A_1467] : memref<10240x400xf32, #tpu.memory_space<vmem>>, vector<128x400xf32>
    %add3A_1469 = arith.addf %add3A_1465, %get3A_1468 : vector<128x400xf32>
    %get3A_1470 = arith.constant 5376 : index
    %get3A_1471 = arith.constant 0 : index
    %get3A_1472 = vector.load %arg10[%get3A_1470, %get3A_1471] : memref<10240x400xf32, #tpu.memory_space<vmem>>, vector<128x400xf32>
    %add3A_1473 = arith.addf %add3A_1469, %get3A_1472 : vector<128x400xf32>
    %get3A_1474 = arith.constant 5504 : index
    %get3A_1475 = arith.constant 0 : index
    %get3A_1476 = vector.load %arg10[%get3A_1474, %get3A_1475] : memref<10240x400xf32, #tpu.memory_space<vmem>>, vector<128x400xf32>
    %add3A_1477 = arith.addf %add3A_1473, %get3A_1476 : vector<128x400xf32>
    %get3A_1478 = arith.constant 5632 : index
    %get3A_1479 = arith.constant 0 : index
    %get3A_1480 = vector.load %arg10[%get3A_1478, %get3A_1479] : memref<10240x400xf32, #tpu.memory_space<vmem>>, vector<128x400xf32>
    %add3A_1481 = arith.addf %add3A_1477, %get3A_1480 : vector<128x400xf32>
    %get3A_1482 = arith.constant 5760 : index
    %get3A_1483 = arith.constant 0 : index
    %get3A_1484 = vector.load %arg10[%get3A_1482, %get3A_1483] : memref<10240x400xf32, #tpu.memory_space<vmem>>, vector<128x400xf32>
    %add3A_1485 = arith.addf %add3A_1481, %get3A_1484 : vector<128x400xf32>
    %get3A_1486 = arith.constant 5888 : index
    %get3A_1487 = arith.constant 0 : index
    %get3A_1488 = vector.load %arg10[%get3A_1486, %get3A_1487] : memref<10240x400xf32, #tpu.memory_space<vmem>>, vector<128x400xf32>
    %add3A_1489 = arith.addf %add3A_1485, %get3A_1488 : vector<128x400xf32>
    %get3A_1490 = arith.constant 6016 : index
    %get3A_1491 = arith.constant 0 : index
    %get3A_1492 = vector.load %arg10[%get3A_1490, %get3A_1491] : memref<10240x400xf32, #tpu.memory_space<vmem>>, vector<128x400xf32>
    %add3A_1493 = arith.addf %add3A_1489, %get3A_1492 : vector<128x400xf32>
    %add3A_1494 = arith.addf %add3A_1360, %add3A_1493 : vector<128x400xf32>
    %broadcast_in_dim3A_1495 = arith.constant 0.000000e+00 : f32
    %broadcast_in_dim3A_1496 = vector.broadcast %broadcast_in_dim3A_1495 : f32 to vector<128x400xf32>
    %get3A_1497 = arith.constant 6144 : index
    %get3A_1498 = arith.constant 0 : index
    %get3A_1499 = vector.load %arg10[%get3A_1497, %get3A_1498] : memref<10240x400xf32, #tpu.memory_space<vmem>>, vector<128x400xf32>
    %add3A_1500 = arith.addf %broadcast_in_dim3A_1496, %get3A_1499 : vector<128x400xf32>
    %get3A_1501 = arith.constant 6272 : index
    %get3A_1502 = arith.constant 0 : index
    %get3A_1503 = vector.load %arg10[%get3A_1501, %get3A_1502] : memref<10240x400xf32, #tpu.memory_space<vmem>>, vector<128x400xf32>
    %add3A_1504 = arith.addf %add3A_1500, %get3A_1503 : vector<128x400xf32>
    %get3A_1505 = arith.constant 6400 : index
    %get3A_1506 = arith.constant 0 : index
    %get3A_1507 = vector.load %arg10[%get3A_1505, %get3A_1506] : memref<10240x400xf32, #tpu.memory_space<vmem>>, vector<128x400xf32>
    %add3A_1508 = arith.addf %add3A_1504, %get3A_1507 : vector<128x400xf32>
    %get3A_1509 = arith.constant 6528 : index
    %get3A_1510 = arith.constant 0 : index
    %get3A_1511 = vector.load %arg10[%get3A_1509, %get3A_1510] : memref<10240x400xf32, #tpu.memory_space<vmem>>, vector<128x400xf32>
    %add3A_1512 = arith.addf %add3A_1508, %get3A_1511 : vector<128x400xf32>
    %get3A_1513 = arith.constant 6656 : index
    %get3A_1514 = arith.constant 0 : index
    %get3A_1515 = vector.load %arg10[%get3A_1513, %get3A_1514] : memref<10240x400xf32, #tpu.memory_space<vmem>>, vector<128x400xf32>
    %add3A_1516 = arith.addf %add3A_1512, %get3A_1515 : vector<128x400xf32>
    %get3A_1517 = arith.constant 6784 : index
    %get3A_1518 = arith.constant 0 : index
    %get3A_1519 = vector.load %arg10[%get3A_1517, %get3A_1518] : memref<10240x400xf32, #tpu.memory_space<vmem>>, vector<128x400xf32>
    %add3A_1520 = arith.addf %add3A_1516, %get3A_1519 : vector<128x400xf32>
    %get3A_1521 = arith.constant 6912 : index
    %get3A_1522 = arith.constant 0 : index
    %get3A_1523 = vector.load %arg10[%get3A_1521, %get3A_1522] : memref<10240x400xf32, #tpu.memory_space<vmem>>, vector<128x400xf32>
    %add3A_1524 = arith.addf %add3A_1520, %get3A_1523 : vector<128x400xf32>
    %get3A_1525 = arith.constant 7040 : index
    %get3A_1526 = arith.constant 0 : index
    %get3A_1527 = vector.load %arg10[%get3A_1525, %get3A_1526] : memref<10240x400xf32, #tpu.memory_space<vmem>>, vector<128x400xf32>
    %add3A_1528 = arith.addf %add3A_1524, %get3A_1527 : vector<128x400xf32>
    %get3A_1529 = arith.constant 7168 : index
    %get3A_1530 = arith.constant 0 : index
    %get3A_1531 = vector.load %arg10[%get3A_1529, %get3A_1530] : memref<10240x400xf32, #tpu.memory_space<vmem>>, vector<128x400xf32>
    %add3A_1532 = arith.addf %add3A_1528, %get3A_1531 : vector<128x400xf32>
    %get3A_1533 = arith.constant 7296 : index
    %get3A_1534 = arith.constant 0 : index
    %get3A_1535 = vector.load %arg10[%get3A_1533, %get3A_1534] : memref<10240x400xf32, #tpu.memory_space<vmem>>, vector<128x400xf32>
    %add3A_1536 = arith.addf %add3A_1532, %get3A_1535 : vector<128x400xf32>
    %get3A_1537 = arith.constant 7424 : index
    %get3A_1538 = arith.constant 0 : index
    %get3A_1539 = vector.load %arg10[%get3A_1537, %get3A_1538] : memref<10240x400xf32, #tpu.memory_space<vmem>>, vector<128x400xf32>
    %add3A_1540 = arith.addf %add3A_1536, %get3A_1539 : vector<128x400xf32>
    %get3A_1541 = arith.constant 7552 : index
    %get3A_1542 = arith.constant 0 : index
    %get3A_1543 = vector.load %arg10[%get3A_1541, %get3A_1542] : memref<10240x400xf32, #tpu.memory_space<vmem>>, vector<128x400xf32>
    %add3A_1544 = arith.addf %add3A_1540, %get3A_1543 : vector<128x400xf32>
    %get3A_1545 = arith.constant 7680 : index
    %get3A_1546 = arith.constant 0 : index
    %get3A_1547 = vector.load %arg10[%get3A_1545, %get3A_1546] : memref<10240x400xf32, #tpu.memory_space<vmem>>, vector<128x400xf32>
    %add3A_1548 = arith.addf %add3A_1544, %get3A_1547 : vector<128x400xf32>
    %get3A_1549 = arith.constant 7808 : index
    %get3A_1550 = arith.constant 0 : index
    %get3A_1551 = vector.load %arg10[%get3A_1549, %get3A_1550] : memref<10240x400xf32, #tpu.memory_space<vmem>>, vector<128x400xf32>
    %add3A_1552 = arith.addf %add3A_1548, %get3A_1551 : vector<128x400xf32>
    %get3A_1553 = arith.constant 7936 : index
    %get3A_1554 = arith.constant 0 : index
    %get3A_1555 = vector.load %arg10[%get3A_1553, %get3A_1554] : memref<10240x400xf32, #tpu.memory_space<vmem>>, vector<128x400xf32>
    %add3A_1556 = arith.addf %add3A_1552, %get3A_1555 : vector<128x400xf32>
    %get3A_1557 = arith.constant 8064 : index
    %get3A_1558 = arith.constant 0 : index
    %get3A_1559 = vector.load %arg10[%get3A_1557, %get3A_1558] : memref<10240x400xf32, #tpu.memory_space<vmem>>, vector<128x400xf32>
    %add3A_1560 = arith.addf %add3A_1556, %get3A_1559 : vector<128x400xf32>
    %add3A_1561 = arith.addf %add3A_1427, %add3A_1560 : vector<128x400xf32>
    %broadcast_in_dim3A_1562 = arith.constant 0.000000e+00 : f32
    %broadcast_in_dim3A_1563 = vector.broadcast %broadcast_in_dim3A_1562 : f32 to vector<128x400xf32>
    %get3A_1564 = arith.constant 8192 : index
    %get3A_1565 = arith.constant 0 : index
    %get3A_1566 = vector.load %arg10[%get3A_1564, %get3A_1565] : memref<10240x400xf32, #tpu.memory_space<vmem>>, vector<128x400xf32>
    %add3A_1567 = arith.addf %broadcast_in_dim3A_1563, %get3A_1566 : vector<128x400xf32>
    %get3A_1568 = arith.constant 8320 : index
    %get3A_1569 = arith.constant 0 : index
    %get3A_1570 = vector.load %arg10[%get3A_1568, %get3A_1569] : memref<10240x400xf32, #tpu.memory_space<vmem>>, vector<128x400xf32>
    %add3A_1571 = arith.addf %add3A_1567, %get3A_1570 : vector<128x400xf32>
    %get3A_1572 = arith.constant 8448 : index
    %get3A_1573 = arith.constant 0 : index
    %get3A_1574 = vector.load %arg10[%get3A_1572, %get3A_1573] : memref<10240x400xf32, #tpu.memory_space<vmem>>, vector<128x400xf32>
    %add3A_1575 = arith.addf %add3A_1571, %get3A_1574 : vector<128x400xf32>
    %get3A_1576 = arith.constant 8576 : index
    %get3A_1577 = arith.constant 0 : index
    %get3A_1578 = vector.load %arg10[%get3A_1576, %get3A_1577] : memref<10240x400xf32, #tpu.memory_space<vmem>>, vector<128x400xf32>
    %add3A_1579 = arith.addf %add3A_1575, %get3A_1578 : vector<128x400xf32>
    %get3A_1580 = arith.constant 8704 : index
    %get3A_1581 = arith.constant 0 : index
    %get3A_1582 = vector.load %arg10[%get3A_1580, %get3A_1581] : memref<10240x400xf32, #tpu.memory_space<vmem>>, vector<128x400xf32>
    %add3A_1583 = arith.addf %add3A_1579, %get3A_1582 : vector<128x400xf32>
    %get3A_1584 = arith.constant 8832 : index
    %get3A_1585 = arith.constant 0 : index
    %get3A_1586 = vector.load %arg10[%get3A_1584, %get3A_1585] : memref<10240x400xf32, #tpu.memory_space<vmem>>, vector<128x400xf32>
    %add3A_1587 = arith.addf %add3A_1583, %get3A_1586 : vector<128x400xf32>
    %get3A_1588 = arith.constant 8960 : index
    %get3A_1589 = arith.constant 0 : index
    %get3A_1590 = vector.load %arg10[%get3A_1588, %get3A_1589] : memref<10240x400xf32, #tpu.memory_space<vmem>>, vector<128x400xf32>
    %add3A_1591 = arith.addf %add3A_1587, %get3A_1590 : vector<128x400xf32>
    %get3A_1592 = arith.constant 9088 : index
    %get3A_1593 = arith.constant 0 : index
    %get3A_1594 = vector.load %arg10[%get3A_1592, %get3A_1593] : memref<10240x400xf32, #tpu.memory_space<vmem>>, vector<128x400xf32>
    %add3A_1595 = arith.addf %add3A_1591, %get3A_1594 : vector<128x400xf32>
    %get3A_1596 = arith.constant 9216 : index
    %get3A_1597 = arith.constant 0 : index
    %get3A_1598 = vector.load %arg10[%get3A_1596, %get3A_1597] : memref<10240x400xf32, #tpu.memory_space<vmem>>, vector<128x400xf32>
    %add3A_1599 = arith.addf %add3A_1595, %get3A_1598 : vector<128x400xf32>
    %get3A_1600 = arith.constant 9344 : index
    %get3A_1601 = arith.constant 0 : index
    %get3A_1602 = vector.load %arg10[%get3A_1600, %get3A_1601] : memref<10240x400xf32, #tpu.memory_space<vmem>>, vector<128x400xf32>
    %add3A_1603 = arith.addf %add3A_1599, %get3A_1602 : vector<128x400xf32>
    %get3A_1604 = arith.constant 9472 : index
    %get3A_1605 = arith.constant 0 : index
    %get3A_1606 = vector.load %arg10[%get3A_1604, %get3A_1605] : memref<10240x400xf32, #tpu.memory_space<vmem>>, vector<128x400xf32>
    %add3A_1607 = arith.addf %add3A_1603, %get3A_1606 : vector<128x400xf32>
    %get3A_1608 = arith.constant 9600 : index
    %get3A_1609 = arith.constant 0 : index
    %get3A_1610 = vector.load %arg10[%get3A_1608, %get3A_1609] : memref<10240x400xf32, #tpu.memory_space<vmem>>, vector<128x400xf32>
    %add3A_1611 = arith.addf %add3A_1607, %get3A_1610 : vector<128x400xf32>
    %get3A_1612 = arith.constant 9728 : index
    %get3A_1613 = arith.constant 0 : index
    %get3A_1614 = vector.load %arg10[%get3A_1612, %get3A_1613] : memref<10240x400xf32, #tpu.memory_space<vmem>>, vector<128x400xf32>
    %add3A_1615 = arith.addf %add3A_1611, %get3A_1614 : vector<128x400xf32>
    %get3A_1616 = arith.constant 9856 : index
    %get3A_1617 = arith.constant 0 : index
    %get3A_1618 = vector.load %arg10[%get3A_1616, %get3A_1617] : memref<10240x400xf32, #tpu.memory_space<vmem>>, vector<128x400xf32>
    %add3A_1619 = arith.addf %add3A_1615, %get3A_1618 : vector<128x400xf32>
    %get3A_1620 = arith.constant 9984 : index
    %get3A_1621 = arith.constant 0 : index
    %get3A_1622 = vector.load %arg10[%get3A_1620, %get3A_1621] : memref<10240x400xf32, #tpu.memory_space<vmem>>, vector<128x400xf32>
    %add3A_1623 = arith.addf %add3A_1619, %get3A_1622 : vector<128x400xf32>
    %get3A_1624 = arith.constant 10112 : index
    %get3A_1625 = arith.constant 0 : index
    %get3A_1626 = vector.load %arg10[%get3A_1624, %get3A_1625] : memref<10240x400xf32, #tpu.memory_space<vmem>>, vector<128x400xf32>
    %add3A_1627 = arith.addf %add3A_1623, %get3A_1626 : vector<128x400xf32>
    %add3A_1628 = arith.addf %add3A_1494, %add3A_1627 : vector<128x400xf32>
    %add3A_1629 = arith.addf %add3A_1628, %add3A_1561 : vector<128x400xf32>
    %slice3A_1630 = vector.extract_strided_slice %add3A_1629 {offsets = [0, 0], sizes = [64, 400], strides = [1, 1]} : vector<128x400xf32> to vector<64x400xf32>
    %slice3A_1631 = vector.extract_strided_slice %add3A_1629 {offsets = [64, 0], sizes = [64, 400], strides = [1, 1]} : vector<128x400xf32> to vector<64x400xf32>
    %add3A_1632 = arith.addf %slice3A_1630, %slice3A_1631 : vector<64x400xf32>
    %slice3A_1633 = vector.extract_strided_slice %add3A_1632 {offsets = [0, 0], sizes = [32, 400], strides = [1, 1]} : vector<64x400xf32> to vector<32x400xf32>
    %slice3A_1634 = vector.extract_strided_slice %add3A_1632 {offsets = [32, 0], sizes = [32, 400], strides = [1, 1]} : vector<64x400xf32> to vector<32x400xf32>
    %add3A_1635 = arith.addf %slice3A_1633, %slice3A_1634 : vector<32x400xf32>
    %slice3A_1636 = vector.extract_strided_slice %add3A_1635 {offsets = [0, 0], sizes = [16, 400], strides = [1, 1]} : vector<32x400xf32> to vector<16x400xf32>
    %slice3A_1637 = vector.extract_strided_slice %add3A_1635 {offsets = [16, 0], sizes = [16, 400], strides = [1, 1]} : vector<32x400xf32> to vector<16x400xf32>
    %add3A_1638 = arith.addf %slice3A_1636, %slice3A_1637 : vector<16x400xf32>
    %slice3A_1639 = vector.extract_strided_slice %add3A_1638 {offsets = [0, 0], sizes = [8, 400], strides = [1, 1]} : vector<16x400xf32> to vector<8x400xf32>
    %slice3A_1640 = vector.extract_strided_slice %add3A_1638 {offsets = [8, 0], sizes = [8, 400], strides = [1, 1]} : vector<16x400xf32> to vector<8x400xf32>
    %add3A_1641 = arith.addf %slice3A_1639, %slice3A_1640 : vector<8x400xf32>
    %slice3A_1642 = vector.extract_strided_slice %add3A_1641 {offsets = [0, 0], sizes = [4, 400], strides = [1, 1]} : vector<8x400xf32> to vector<4x400xf32>
    %slice3A_1643 = vector.extract_strided_slice %add3A_1641 {offsets = [4, 0], sizes = [4, 400], strides = [1, 1]} : vector<8x400xf32> to vector<4x400xf32>
    %add3A_1644 = arith.addf %slice3A_1642, %slice3A_1643 : vector<4x400xf32>
    %slice3A_1645 = vector.extract_strided_slice %add3A_1644 {offsets = [0, 0], sizes = [2, 400], strides = [1, 1]} : vector<4x400xf32> to vector<2x400xf32>
    %slice3A_1646 = vector.extract_strided_slice %add3A_1644 {offsets = [2, 0], sizes = [2, 400], strides = [1, 1]} : vector<4x400xf32> to vector<2x400xf32>
    %add3A_1647 = arith.addf %slice3A_1645, %slice3A_1646 : vector<2x400xf32>
    %slice3A_1648 = vector.extract_strided_slice %add3A_1647 {offsets = [0, 0], sizes = [1, 400], strides = [1, 1]} : vector<2x400xf32> to vector<1x400xf32>
    %slice3A_1649 = vector.extract_strided_slice %add3A_1647 {offsets = [1, 0], sizes = [1, 400], strides = [1, 1]} : vector<2x400xf32> to vector<1x400xf32>
    %add3A_1650 = arith.addf %slice3A_1648, %slice3A_1649 : vector<1x400xf32>
    %scan3A_1651 = arith.constant 0 : i32
    %scan3A_1652 = arith.constant 20 : i32
    %scan3A_1653 = arith.addi %scan3A_1651, %scan3A_1652 : i32
    %scan3A_1654 = arith.constant 1 : i32
    scf.for %scan3A_1701 = %scan3A_1651 to %scan3A_1653 step %scan3A_1654  : i32 {
      %mul3A_1702 = arith.constant 512 : i32
      %mul3A_1703 = arith.muli %scan3A_1701, %mul3A_1702 : i32
      %get3A_1704 = arith.index_cast %mul3A_1703 : i32 to index
      %get3A_1705 = arith.constant 0 : index
      %get3A_1706 = vector.load %arg10[%get3A_1704, %get3A_1705] : memref<10240x400xf32, #tpu.memory_space<vmem>>, vector<512x400xf32>
      %div3A = arith.constant 1.000000e+00 : f32
      %div3A_1707 = vector.broadcast %div3A : f32 to vector<1x400xf32>
      %div3A_1708 = arith.divf %div3A_1707, %add3A_1650 : vector<1x400xf32>
      %mul3A_1709 = vector.broadcast %div3A_1708 : vector<1x400xf32> to vector<512x400xf32>
      %mul3A_1710 = arith.mulf %get3A_1706, %mul3A_1709 : vector<512x400xf32>
      %swap3A_1711 = arith.index_cast %mul3A_1703 : i32 to index
      %swap3A_1712 = arith.constant 0 : index
      %swap3A_1713 = vector.load %arg10[%swap3A_1711, %swap3A_1712] : memref<10240x400xf32, #tpu.memory_space<vmem>>, vector<512x400xf32>
      tpu.vector_store %arg10[%swap3A_1711, %swap3A_1712], %mul3A_1710 {strides = array<i32>} : memref<10240x400xf32, #tpu.memory_space<vmem>>, vector<512x400xf32>,
    }
    %scan3A_1655 = arith.constant 20 : i32
    %broadcast_in_dim3A_1656 = arith.constant 0.000000e+00 : f32
    %broadcast_in_dim3A_1657 = vector.broadcast %broadcast_in_dim3A_1656 : f32 to vector<400x16xf32>
    %scan3A_1658 = arith.constant 0 : i32
    %scan3A_1659 = arith.constant 10 : i32
    %scan3A_1660 = arith.addi %scan3A_1658, %scan3A_1659 : i32
    %scan3A_1661 = arith.constant 1 : i32
    %scan3A_1662 = scf.for %scan3A_1701 = %scan3A_1658 to %scan3A_1660 step %scan3A_1661 iter_args(%scan3A_1702 = %broadcast_in_dim3A_1657) -> (vector<400x16xf32>)  : i32 {
      %mul3A_1703 = arith.constant 1024 : i32
      %mul3A_1704 = arith.muli %scan3A_1701, %mul3A_1703 : i32
      %get3A_1705 = arith.index_cast %mul3A_1704 : i32 to index
      %get3A_1706 = arith.constant 0 : index
      %get3A_1707 = vector.load %arg10[%get3A_1705, %get3A_1706] : memref<10240x400xf32, #tpu.memory_space<vmem>>, vector<1024x400xf32>
      %mul3A_1708 = arith.constant 1024 : i32
      %mul3A_1709 = arith.muli %scan3A_1701, %mul3A_1708 : i32
      %get3A_1710 = arith.index_cast %mul3A_1709 : i32 to index
      %get3A_1711 = arith.constant 176 : index
      %get3A_1712 = vector.load %arg2[%get3A_1710, %get3A_1711] : memref<10240x192xf32, #tpu.memory_space<vmem>>, vector<1024x16xf32>
      %dot_general3A_1713 = arith.constant dense<0.000000e+00> : vector<400x16xf32>
      %dot_general3A_1714 = tpu.matmul %get3A_1707, %get3A_1712, %dot_general3A_1713 {dimension_numbers = #tpu.dot_dimension_numbers<[0], [0], [1], [1], [0, 1, 1, 1], [], []>, transpose_lhs_hint = false} : vector<1024x400xf32>, vector<1024x16xf32>, vector<400x16xf32> -> vector<400x16xf32>
      %add3A_1715 = arith.addf %scan3A_1702, %dot_general3A_1714 : vector<400x16xf32>
      scf.yield %add3A_1715 : vector<400x16xf32>
    }
    %scan3A_1663 = arith.constant 10 : i32
    %concatenate3A = tpu.concatenate %scan3A_405, %scan3A_824, %scan3A_1243, %scan3A_1662 in 1 : vector<400x16xf32>, vector<400x16xf32>, vector<400x16xf32>, vector<400x16xf32> -> vector<400x64xf32>
    %get3A_1664 = arith.constant 0 : index
    %get3A_1665 = arith.constant 0 : index
    %get3A_1666 = vector.load %arg3[%get3A_1664, %get3A_1665] : memref<64x64xf32, #tpu.memory_space<vmem>>, vector<64x64xf32>
    %dot_general3A_1667 = arith.constant dense<0.000000e+00> : vector<400x64xf32>
    %dot_general3A_1668 = tpu.matmul %concatenate3A, %get3A_1666, %dot_general3A_1667 {dimension_numbers = #tpu.dot_dimension_numbers<[1], [0], [0], [1], [0, 0, 1, 1], [], []>, transpose_lhs_hint = false} : vector<400x64xf32>, vector<64x64xf32>, vector<400x64xf32> -> vector<400x64xf32>
    %get3A_1669 = arith.constant 0 : index
    %get3A_1670 = arith.constant 0 : index
    %get3A_1671 = vector.load %arg4[%get3A_1669, %get3A_1670] : memref<1x64xf32, #tpu.memory_space<vmem>>, vector<1x64xf32>
    %add3A_1672 = vector.broadcast %get3A_1671 : vector<1x64xf32> to vector<400x64xf32>
    %add3A_1673 = arith.addf %dot_general3A_1668, %add3A_1672 : vector<400x64xf32>
    %get3A_1674 = arith.constant 0 : index
    %get3A_1675 = arith.constant 0 : index
    %get3A_1676 = vector.load %arg5[%get3A_1674, %get3A_1675] : memref<64x32xf32, #tpu.memory_space<vmem>>, vector<64x32xf32>
    %dot_general3A_1677 = arith.constant dense<0.000000e+00> : vector<400x32xf32>
    %dot_general3A_1678 = tpu.matmul %add3A_1673, %get3A_1676, %dot_general3A_1677 {dimension_numbers = #tpu.dot_dimension_numbers<[1], [0], [0], [1], [0, 0, 1, 1], [], []>, transpose_lhs_hint = false} : vector<400x64xf32>, vector<64x32xf32>, vector<400x32xf32> -> vector<400x32xf32>
    %get3A_1679 = arith.constant 0 : index
    %get3A_1680 = arith.constant 0 : index
    %get3A_1681 = vector.load %arg6[%get3A_1679, %get3A_1680] : memref<1x32xf32, #tpu.memory_space<vmem>>, vector<1x32xf32>
    %add3A_1682 = vector.broadcast %get3A_1681 : vector<1x32xf32> to vector<400x32xf32>
    %add3A_1683 = arith.addf %dot_general3A_1678, %add3A_1682 : vector<400x32xf32>
    %max3A_1684 = arith.constant 0.000000e+00 : f32
    %max3A_1685 = vector.broadcast %max3A_1684 : f32 to vector<400x32xf32>
    %max3A_1686 = arith.maximumf %add3A_1683, %max3A_1685 : vector<400x32xf32>
    %get3A_1687 = arith.constant 0 : index
    %get3A_1688 = arith.constant 0 : index
    %get3A_1689 = vector.load %arg7[%get3A_1687, %get3A_1688] : memref<32x1xf32, #tpu.memory_space<vmem>>, vector<32x1xf32>
    %dot_general3A_1690 = arith.constant dense<0.000000e+00> : vector<400x1xf32>
    %dot_general3A_1691 = tpu.matmul %max3A_1686, %get3A_1689, %dot_general3A_1690 {dimension_numbers = #tpu.dot_dimension_numbers<[1], [0], [0], [1], [0, 0, 1, 1], [], []>, transpose_lhs_hint = false} : vector<400x32xf32>, vector<32x1xf32>, vector<400x1xf32> -> vector<400x1xf32>
    %get3A_1692 = arith.constant 0 : index
    %get3A_1693 = arith.constant 0 : index
    %get3A_1694 = vector.load %arg8[%get3A_1692, %get3A_1693] : memref<1x1xf32, #tpu.memory_space<vmem>>, vector<1x1xf32>
    %get3A_1695 = vector.extract %get3A_1694[0, 0] : f32 from vector<1x1xf32>
    %add3A_1696 = vector.broadcast %get3A_1695 : f32 to vector<400x1xf32>
    %add3A_1697 = arith.addf %dot_general3A_1691, %add3A_1696 : vector<400x1xf32>
    %swap3A_1698 = arith.constant 0 : index
    %swap3A_1699 = arith.constant 0 : index
    %swap3A_1700 = vector.load %arg9[%swap3A_1698, %swap3A_1699] : memref<400x1xf32, #tpu.memory_space<vmem>>, vector<400x1xf32>
    tpu.vector_store %arg9[%swap3A_1698, %swap3A_1699], %add3A_1697 {strides = array<i32>} : memref<400x1xf32, #tpu.memory_space<vmem>>, vector<400x1xf32>,
    return
  }
  func.func @transform_0(%arg0: i32) -> (i32, i32) {
    %c0_i32 = arith.constant 0 : i32
    %c0_i32_0 = arith.constant 0 : i32
    return %arg0, %c0_i32 : i32, i32
  }
  func.func @transform_1(%arg0: i32) -> (i32, i32) {
    %c0_i32 = arith.constant 0 : i32
    %c0_i32_0 = arith.constant 0 : i32
    %c0_i32_1 = arith.constant 0 : i32
    return %c0_i32, %c0_i32_0 : i32, i32
  }
  func.func @transform_2(%arg0: i32) -> (i32, i32) {
    %c0_i32 = arith.constant 0 : i32
    %c0_i32_0 = arith.constant 0 : i32
    %c0_i32_1 = arith.constant 0 : i32
    return %c0_i32, %c0_i32_0 : i32, i32
  }
  func.func @transform_3(%arg0: i32) -> (i32, i32) {
    %c0_i32 = arith.constant 0 : i32
    %c0_i32_0 = arith.constant 0 : i32
    %c0_i32_1 = arith.constant 0 : i32
    return %c0_i32, %c0_i32_0 : i32, i32
  }
  func.func @transform_4(%arg0: i32) -> (i32, i32) {
    %c0_i32 = arith.constant 0 : i32
    %c0_i32_0 = arith.constant 0 : i32
    %c0_i32_1 = arith.constant 0 : i32
    return %c0_i32, %c0_i32_0 : i32, i32
  }
  func.func @transform_5(%arg0: i32) -> (i32, i32) {
    %c0_i32 = arith.constant 0 : i32
    %c0_i32_0 = arith.constant 0 : i32
    %c0_i32_1 = arith.constant 0 : i32
    return %c0_i32, %c0_i32_0 : i32, i32
  }
  func.func @transform_6(%arg0: i32) -> (i32, i32) {
    %c0_i32 = arith.constant 0 : i32
    %c0_i32_0 = arith.constant 0 : i32
    %c0_i32_1 = arith.constant 0 : i32
    return %c0_i32, %c0_i32_0 : i32, i32
  }
  func.func @transform_7(%arg0: i32) -> (i32, i32) {
    %c0_i32 = arith.constant 0 : i32
    %c0_i32_0 = arith.constant 0 : i32
    %c0_i32_1 = arith.constant 0 : i32
    return %c0_i32, %c0_i32_0 : i32, i32
  }
  func.func @transform_8(%arg0: i32) -> (i32, i32) {
    %c0_i32 = arith.constant 0 : i32
    %c0_i32_0 = arith.constant 0 : i32
    return %arg0, %c0_i32 : i32, i32
  }
}

</mosaic_0001>

<sc_bundles>
// kernel: scatter_offload_async_start.1
scs
__scs_entry_jumppad:
0x0: {  	(pc) =	sbr.rel $0x88, $3  }
0x1: {  	(tag) =	ssettag $0x0;
	lr =	simm.s32 $0x1  }
0x2: {  	[smem:$0x3F8A] =	sst lr;
	_ =	strace $0xD0000000  }
0x3: {  	_ = 	snop  }
0x4: {  	_ = 	snop  }
0x5: {  	_ = 	snop  }
0x6: {  	_ = 	snop  }
0x7: {  	_ = 	snop  }
__scs_overlays_trampoline_lowered:
0x8: {  	[smem:$0x3F99] =	sst s0  }
0x9: {  	[smem:$0x3F9A] =	sst s1  }
0xa: {  	[smem:$0x3F9B] =	sst s2  }
0xb: {  	[smem:$0x3F9C] =	sst s3  }
0xc: {  	[smem:$0x3F9D] =	sst s4  }
0xd: {  	[smem:$0x3F9E] =	sst s5  }
0xe: {  	[smem:$0x3F9F] =	sst s6  }
0xf: {  	[smem:$0x3FA0] =	sst s7  }
0x10: {  	[smem:$0x3FA1] =	sst s8  }
0x11: {  	[smem:$0x3FA2] =	sst s9;
	s0 =	simm.s32 @!p0 $0x0  }
0x12: {  	s1 =	sld [smem:$0x3F88];
	s0 =	simm.s32 @p0 $0x1  }
0x13: {  	[smem:$0x3FA3] =	sst s0;
	s0 =	simm.s32 @!p1 $0x0  }
0x14: {  	s2 =	sld [smem:$0x3F87];
	s0 =	simm.s32 @p1 $0x1  }
0x15: {  	[smem:$0x3FA4] =	sst s0;
	s0 =	simm.s32 @!p2 $0x0  }
0x16: {  	s3 =	sld [smem:$0x3FDB];
	s0 =	simm.s32 @p2 $0x1  }
0x17: {  	s4 =	simm.s32 $0x1BF5;
	[smem:$0x3FA6] =	sst s0  }
0x18: {  	s0 =	sld [smem:$0x3F89];
	_ =	swait.ge [sflag:s4], $0x0  }
0x19: {  	s7 =	sld [smem:$0x3F8A]  }
0x1a: {  	s8 =	sadd.s32 $0xFFFFE003, lr  }
0x1b: {  	s9 =	sadd.s32 $0xFFFFFEF7, lr;
	s5 =	simm.s32 $0xFFFFFFFF;
	p2 =	slt.u32 s8, $0xFFFFF086  }
0x1c: {  	p1 =	slt.u32 s9, $0xF7A;
	s5 =	simm.s32 @!p2 $0x0  }
0x1d: {  	s5 =	simm.s32 @p1 $0x1;
	p0 =	seq.s32 s7, s2  }
0x1e: {  	s7 =	smul.u32 @!p0 $0xF7A, s2;
	p2 =	seq.s32 @!p0 s5, $0x0  }
0x1f: {  	s9 =	smul.u32 $0xF7A, s1;
	s8 =	simm.s32 @!p0 $0x1BF5;
	p2 =	por !p2, p0  }
0x20: {  	[sflag:s8] =	ssyncset.s32 @!p0 $0xFFFFF086;
	s6 =	sadd.s32 @!p0 s3, s7;
	s7 =	simm.s32 @!p0 $0x108  }
0x21: {  	s3 =	sadd.s32 s3, s9;
	s6 =	sadd.s32 @!p0 $0x88, s6;
	s7 =	simm.s32 @p2 $0x1082  }
0x22: {  	[simem:s7], [sflag:s8] =	dma.local @!p0 [hbm:s6], $0xF7A  }
0x23: {  	s9 =	sor.u32 $0xD0000000, s2;
	s6 =	simm.s32 $0x108;
	_ =	swait.ge @!p0 [sflag:s8], $0x0  }
0x24: {  	s3 =	sadd.s32 $0x88, s3;
	s6 =	simm.s32 @!p1 $0x1082;
	[sflag:s4] =	ssyncset.s32 $0xFFFFF086  }
0x25: {  	[simem:s6], [sflag:s4] =	dma.local [hbm:s3], $0xF7A  }
0x26: {  	[smem:$0x3F8A] =	sst s1;
	(tag) =	ssettag s2;
	_ =	strace s9  }
0x27: {  	s1 =	sld [smem:$0x3F9A]  }
0x28: {  	s2 =	sld [smem:$0x3F9B]  }
0x29: {  	s4 =	sld [smem:$0x3F9D]  }
0x2a: {  	p0 =	seq.s32 s5, $0x0;
	s5 =	sld [smem:$0x3F9E]  }
0x2b: {  	s6 =	sld [smem:$0x3F9F]  }
0x2c: {  	s7 =	sld [smem:$0x3FA0]  }
0x2d: {  	s3 =	simm.s32 $0x108;
	s8 =	sld [smem:$0x3FA1]  }
0x2e: {  	s3 =	simm.s32 @!p0 $0x1082;
	s9 =	sld [smem:$0x3FA2]  }
0x2f: {  	lr =	sadd.s32 s0, s3;
	s0 =	sld [smem:$0x3F99]  }
0x30: {  	s3 =	sld [smem:$0x3F9C]  }
0x31: {  	[smem:$0x3FA5] =	sst s10  }
0x32: {  	s10 =	sld [smem:$0x3FA3];
	_ =	sdelay $0x3  }
0x33: {  	p0 =	seq.s32 s10, $0x1;
	s10 =	sld [smem:$0x3FA5];
	_ =	sdelay $0x3  }
0x34: {  	[smem:$0x3FA5] =	sst s10  }
0x35: {  	s10 =	sld [smem:$0x3FA4];
	_ =	sdelay $0x3  }
0x36: {  	p1 =	seq.s32 s10, $0x1;
	s10 =	sld [smem:$0x3FA5];
	_ =	sdelay $0x3  }
0x37: {  	[smem:$0x3FA5] =	sst s10  }
0x38: {  	s10 =	sld [smem:$0x3FA6]  }
0x39: {  	_ = 	snop;
	(pc) =	sbr.ind lr, $3  }
0x3a: {  	_ = 	snop  }
0x3b: {  	_ = 	snop  }
0x3c: {  	p2 =	seq.s32 s10, $0x1;
	s10 =	sld [smem:$0x3FA5]  }
0x3d: {  	_ =	shalt  }
0x3e: {  	_ =	shalt  }
0x3f: {  	_ =	shalt  }
0x40: {  	_ =	shalt  }
0x41: {  	_ =	shalt  }
0x42: {  	_ =	shalt  }
0x43: {  	_ =	shalt  }
0x44: {  	_ =	shalt  }
0x45: {  	_ =	shalt  }
0x46: {  	_ =	shalt  }
0x47: {  	_ =	shalt  }
0x48: {  	_ =	shalt  }
0x49: {  	_ =	shalt  }
0x4a: {  	_ =	shalt  }
0x4b: {  	_ =	shalt  }
0x4c: {  	_ =	shalt  }
0x4d: {  	_ =	shalt  }
0x4e: {  	_ =	shalt  }
0x4f: {  	_ =	shalt  }
0x50: {  	_ =	shalt  }
0x51: {  	_ =	shalt  }
0x52: {  	_ =	shalt  }
0x53: {  	_ =	shalt  }
0x54: {  	_ =	shalt  }
0x55: {  	_ =	shalt  }
0x56: {  	_ =	shalt  }
0x57: {  	_ =	shalt  }
0x58: {  	_ =	shalt  }
0x59: {  	_ =	shalt  }
0x5a: {  	_ =	shalt  }
0x5b: {  	_ =	shalt  }
0x5c: {  	_ =	shalt  }
0x5d: {  	_ =	shalt  }
0x5e: {  	_ =	shalt  }
0x5f: {  	_ =	shalt  }
0x60: {  	_ =	shalt  }
0x61: {  	_ =	shalt  }
0x62: {  	_ =	shalt  }
0x63: {  	_ =	shalt  }
0x64: {  	_ =	shalt  }
0x65: {  	_ =	shalt  }
0x66: {  	_ =	shalt  }
0x67: {  	_ =	shalt  }
0x68: {  	_ =	shalt  }
0x69: {  	_ =	shalt  }
0x6a: {  	_ =	shalt  }
0x6b: {  	_ =	shalt  }
0x6c: {  	_ =	shalt  }
0x6d: {  	_ =	shalt  }
0x6e: {  	_ =	shalt  }
0x6f: {  	_ =	shalt  }
0x70: {  	_ =	shalt  }
0x71: {  	_ =	shalt  }
0x72: {  	_ =	shalt  }
0x73: {  	_ =	shalt  }
0x74: {  	_ =	shalt  }
0x75: {  	_ =	shalt  }
0x76: {  	_ =	shalt  }
0x77: {  	_ =	shalt  }
0x78: {  	_ =	shalt  }
0x79: {  	_ =	shalt  }
0x7a: {  	_ =	shalt  }
0x7b: {  	_ =	shalt  }
0x7c: {  	_ =	shalt  }
0x7d: {  	_ =	shalt  }
0x7e: {  	_ =	shalt  }
0x7f: {  	_ =	shalt  }
0x80: {  	_ =	shalt  }
0x81: {  	_ =	shalt  }
0x82: {  	_ =	shalt  }
0x83: {  	_ =	shalt  }
0x84: {  	_ =	shalt  }
0x85: {  	_ =	shalt  }
0x86: {  	_ =	shalt  }
0x87: {  	_ =	shalt  }
.Lfunc_end0:
.L_simem_size_0:
called_computation.1_lowered:
.L_overlay_start_0:
0x88: {  	s0 =	sld [smem:$0x3FD9]  }
0x89: {  	s1 =	sld [smem:$0x3FFE];
	_ =	sdelay $0x3  }
0x8a: {  	s0 =	sadd.s32 s1, s0  }
0x8b: {  	[smem:$0x3FB1] =	sst s0  }
0x8c: {  	_ = 	snop  }
0x8d: {  	(tm) =	ssettm $0x1  }
0x8e: {  	s15 =	sld [smem:$0x3FFB];
	_ =	sdelay $0x3  }
0x8f: {  	_ =	strace s15  }
0x90: {  	s0 =	sld [smem:$0x3FFC];
	_ =	sdelay $0x3  }
0x91: {  	_ =	strace s0  }
0x92: {  	s0 =	sld [smem:$0x3FFD];
	_ =	sdelay $0x3  }
0x93: {  	_ =	strace s0  }
0x94: {  	_ =	strace $0x8FFFFFFF  }
0x95: {  	s16 =	sld [smem:$0x3FDB];
	_ =	sdelay $0x1  }
0x96: {  	s17 =	simm.s32 $_scs_section_size  }
0x97: {  	s2 =	simm.s32 $_size__tile_overlayer_lowered;
	s3 =	simm.s32 $_tile_overlayer_lowered  }
0x98: {  	s20 =	simm.s32 $0x1BFF;
	s19 =	sshll.u32 s3, $0x1;
	s0 =	sadd.s32 s17, s16  }
0x99: {  	s4 =	simm.s32 $0x0;
	s18 =	sshll.u32 s2, $0x1;
	s2 =	sadd.s32 s19, s0  }
0x9a: {  	[timem:s4], [sflag:s20] =	dma.local [hbm:s2], s18  }
0x9b: {  	_ =	swait.ge [sflag:s20], s18  }
0x9c: {  	s1 =	ssub.s32 $0x0, s18;
	[sflag:s20] =	ssyncset.done $0x0  }
0x9d: {  	[sflag:s20] =	ssyncadd.s32 s1;
	_ =	sdelay $0x1  }
0x9e: {  	s21 =	simm.s32 $0x1B8B  }
0x9f: {  	_ =	swait.ge [sflag:s21], $0x1  }
0xa0: {  	[sflag:s21] =	ssyncset.done $0x0  }
0xa1: {  	s23 =	simm.s32 $0x1B8E;
	s22 =	sld [smem:$0x3FFE];
	[sflag:s21] =	ssyncadd.s32 $0xFFFFFFFF  }
0xa2: {  	s24 =	simm.s32 $execute0_lowered;
	[smem:$0x3FD2] =	sst s23  }
0xa3: {  	s2 =	sshll.u32 s24, $0x1;
	_ =	strace $0x80000049;
	[dreg:$0x1] =	wrdreg $0xFFFFFFFF  }
0xa4: {  	s25 =	simm.s32 $_size_execute0_lowered;
	s0 =	sadd.s32 s0, s2;
	[dreg:$0x0] =	wrdreg $0x0  }
0xa5: {  	s2 =	sshll.u32 s25, $0x1;
	[dreg:$0x2] =	wrdreg s0  }
0xa6: {  	[dreg:$0x3] =	wrdreg s2  }
0xa7: {  	[dreg:$0x4] =	wrdreg $0xC0  }
0xa8: {  	_ =	task [dreg:s4], $0x5FFFF  }
0xa9: {  	[dreg:$0x1] =	wrdreg $0xFFFFFFFF  }
0xaa: {  	[dreg:$0x0] =	wrdreg $0x60  }
0xab: {  	[dreg:$0x2] =	wrdreg s22  }
0xac: {  	[dreg:$0x3] =	wrdreg $0x9  }
0xad: {  	_ =	task.clear_ibuf [dreg:s4], $0x4FFFF;
	_ =	strace $0x90000049  }
0xae: {  	s26 =	simm.s32 $0x9;
	_ =	strace $0x8000004B  }
0xaf: {  	_ =	swait.ge [sflag:s26], $0x1  }
0xb0: {  	[sflag:s26] =	ssyncadd.s32 $0xFFFFFFFF  }
0xb1: {  	_ =	strace $0x9000004B  }
0xb2: {  	_ =	sfence  }
0xb3: {  	s28 =	sld [smem:$0x0];
	_ =	sdelay $0x1  }
0xb4: {  	s29 =	srdreg.scid  }
0xb5: {  	s30 =	sshll.u32 s29, $0xD;
	s31 =	sshrl.u32 s29, $0x2  }
0xb6: {  	s1 =	sand.u32 $0x1, s29;
	s2 =	sand.u32 $0x4000, s30;
	s0 =	sadd.s32 s31, s28  }
0xb7: {  	s1 =	sor.u32 s2, s1;
	s0 =	sshll.u32 s0, $0x11  }
0xb8: {  	s0 =	sor.u32 s0, s1  }
0xb9: {  	s0 =	sadd.s32 $0x8F2B, s0  }
0xba: {  	[sflag:s0] =	ssyncadd.remote.s32 $0x1  }
0xbb: {  	_ =	sfence.sel $0xFFFF  }
0xbc: {  	[dreg:$0x0] =	wrdreg $0xFFFFFFFF;
	(pc) =	sbr.abs _section_cstart, $3  }
0xbd: {  	[dreg:$0x1] =	wrdreg $0xFFFFFFFF  }
0xbe: {  	_ =	task.clear_ibuf [dreg:s4], $0x2FFFF;
	_ =	strace $0x9FFFFFFF  }
0xbf: {  	(tm) =	ssettm $0x7FFFFFFF  }
tec
execute0_lowered:
.L_overlay_start_1:
0x0: {  	(tag) =	ssettag $0x1  }
0x1: {  	s0 =	rddreg [dreg:$0x0];
	_ =	strace $0x8000004A;
	s1 =	simm.s32 $0x1  }
0x2: {  	s8 =	simm.s32 $0x108;
	v0 =	vimm.s32 $0x0;
	[sflag:s1] =	ssyncpa.u1 $0x0  }
0x3: {  	[tilespmem:s8+$0x70] =	vst v0  }
0x4: {  	[tilespmem:s8+$0x60] =	vst v0  }
0x5: {  	[tilespmem:s8+$0x50] =	vst v0  }
0x6: {  	[tilespmem:s8+$0x40] =	vst v0  }
0x7: {  	[tilespmem:s8+$0x30] =	vst v0  }
0x8: {  	s2 =	simm.s32 $0x40;
	s1 =	sadd.s32 $0x20C00, s0;
	[tilespmem:s8+$0x20] =	vst v0  }
0x9: {  	s3 =	sadd.s32 $0x16400, s0;
	s4 =	sadd.s32 $0x48400, s0;
	s5 =	sadd.s32 $0x1B800, s0;
	[tilespmem:s8+$0x10] =	vst v0  }
.LBB2_1:
0xa: {  	s2 =	sadd.s32 $0x40, s2;
	[tilespmem:s8+$0x0] =	vst v0;
	s8 =	sadd.s32 $0x80, s8  }
0xb: {  	p0 =	slt.u32 s2, $0x3C40;
	[tilespmem:s8+$0x70] =	vst v0  }
0xc: {  	[tilespmem:s8+$0x60] =	vst v0  }
.Ltmp0:
0xd: {  	[tilespmem:s8+$0x50] =	vst v0;
	(pc) =	sbr.rel @p0 .LBB2_1-.Ltmp0, $4  }
0xe: {  	[tilespmem:s8+$0x40] =	vst v0  }
0xf: {  	[tilespmem:s8+$0x30] =	vst v0  }
0x10: {  	[tilespmem:s8+$0x20] =	vst v0  }
0x11: {  	[tilespmem:s8+$0x10] =	vst v0  }
0x12: {  	s13 =	stileid.u32  }
0x13: {  	s0 =	smul.u32 $0x2C, s13  }
0x14: {  	s2 =	smin.u32 s13, $0x5  }
0x15: {  	s0 =	sadd.s32 s2, s0  }
0x16: {  	p0 =	slt.u32 s13, $0x5;
	s6 =	smul.u32 $0xF0, s0;
	s0 =	simm.s32 $0x2A30  }
0x17: {  	s0 =	simm.s32 @!p0 $0x2940  }
0x18: {  	s0 =	sadd.s32 s0, s6  }
0x19: {  	s7 =	smin.u32 s0, $0x29810  }
0x1a: {  	s0 =	ssub.s32 s7, s6  }
0x1b: {  	p0 =	sgt.s32 s0, $0x0  }
0x1c: {  	s0 =	simm.s32 @!p0 $0x0  }
0x1d: {  	s31 =	smulhi.u32 $0x88888889, s0  }
0x1e: {  	s30 =	simm.s32 $0x2;
	s9 =	simm.s32 $0x7;
	s10 =	simm.s32 $0x8  }
0x1f: {  	s19 =	simm.s32 $0x0;
	s15 =	simm.s32 $0xA;
	s2 =	sshrl.u32 s31, $0x7  }
0x20: {  	s17 =	simm.s32 $0x0;
	s18 =	simm.s32 $0x0;
	s11 =	smul.u32 $0xF0, s2  }
.Ltmp1:
0x21: {  	[tilespmem:s8+$0x0] =	vst v0;
	v0 =	vimm.s32 $0xFFFFFFFF;
	[sflag:s30] =	ssyncpa.u1 $0x0;
	s13 =	sshll.u32 s13, $0x8;
	(pc) =	sbr.rel .LBB2_3-.Ltmp1, $4  }
0x22: {  	[tilespmem:$0xF208] =	vst v0;
	[sflag:s9] =	ssyncpa.u1 $0x0;
	p0 =	sne.s32 s0, s11;
	s0 =	simm.s32 $0x1  }
0x23: {  	[sflag:s10] =	ssyncpa.u1 $0x0;
	s10 =	simm.s32 $0x9;
	s0 =	simm.s32 @!p0 $0x0  }
0x24: {  	[sflag:s10] =	ssyncpa.u1 $0x0;
	s16 =	smov.u32 s6;
	s12 =	sadd.s32 s0, s2  }
0x25: {  	v0 =	vlaneseq.u32;
	s11 =	simm.s32 $0x1;
	p0 =	por $0x0, $0x0;
	s14 =	sadd.s32 $0x1, s12  }
.LBB2_18:
0x26: {  	s0 =	sshrl.u32 s28, $0x2  }
.LBB2_20:
0x27: {  	_ =	swait.ge [sflag:s15], s0  }
0x28: {  	s31 =	ssub.s32 $0x0, s0;
	v1 =	vmov s21;
	vm0 =	veq.s32 v0, $0x0;
	[sflag:s15] =	ssyncset.done $0x0  }
0x29: {  	vm15 =	veq.s32 v0, $0x2;
	v1 =	vsel vm0, s26, v1;
	[sflag:s15] =	ssyncadd.s32 s31  }
0x2a: {  	v1 =	vsel vm15, s19, v1;
	[sflag:s15] =	ssyncpa.u1 $0x1  }
0x2b: {  	[tilespmem:$0xF208] =	vst v1  }
.LBB2_21:
0x2c: {  	s0 =	sadd.s32 $0xF0, s16  }
0x2d: {  	s2 =	smov.u32 s6;
	p1 =	slt.s32 s0, s7  }
0x2e: {  	s2 =	smov.u32 @p1 s0;
	p1 =	sne.s32 s18, s14  }
.Ltmp2:
0x2f: {  	_ = 	snop;
	(pc) =	sbr.rel @!p1 .LBB2_22-.Ltmp2, $3  }
0x30: {  	_ =	sdelay $0x1  }
0x31: {  	s19 =	smov.u32 s17;
	s31 =	sadd.s32 $0x1, s18;
	s17 =	smov.u32 s16  }
0x32: {  	p0 =	por !p0, !p0;
	s18 =	smov.u32 s31;
	s16 =	smov.u32 s2  }
.LBB2_3:
0x33: {  	p1 =	sge.u32 s18, s12  }
0x34: {  	s0 =	smulhi.u32 @!p1 $0xAAAAAAAB, s18  }
0x35: {  	s2 =	smov.u32 s16;
	p2 =	sgt.s32 @!p1 s16, $0x29720  }
0x36: {  	s20 =	sshra.s32 @!p1 s16, $0x1F;
	p2 =	por !p2, p1;
	s0 =	sshrl.u32 @!p1 s0, $0x1  }
0x37: {  	s20 =	sand.u32 @!p1 s20, s16;
	s2 =	simm.s32 @p2 $0x29720;
	s0 =	smul.u32 @!p1 $0x3, s0  }
0x38: {  	s2 =	ssub.s32 @!p1 s2, s20  }
0x39: {  	s2 =	sadd.s32 @!p1 $0xFFFD68E0, s2;
	s0 =	ssub.s32 @!p1 s18, s0  }
0x3a: {  	s20 =	sshll.u32 @!p1 s2, $0x2;
	p2 =	sgt.s32 @!p1 s2, $0xEF;
	s0 =	smul.u32 @!p1 $0x3C0, s0  }
0x3b: {  	s21 =	sand.u32 @!p1 $0x7, s16;
	s2 =	ssub.s32 @!p1 $0x3C0, s20;
	p2 =	por !p2, p1  }
0x3c: {  	s20 =	sshrl.u32 @!p1 s16, $0x3;
	s2 =	sshrl.u32 @!p1 s2, $0x2;
	s0 =	sshrl.u32 @!p1 s0, $0x2  }
0x3d: {  	s20 =	sadd.s32 @!p1 s5, s20;
	s2 =	simm.s32 @!p2 $0x0;
	s0 =	sadd.s32 @!p1 $0x10238, s0  }
0x3e: {  	[tilespmem:s0], [sflag:$0x8] =	stream.linear.gather @!p1 [hbm4b:s20+s21], s2, $0x38;
	[tilespmem:$0x1F6E8] =	vst v63  }
0x3f: {  	s0 =	sadd.s32 $0xFFFFFFFF, s18  }
0x40: {  	p1 =	sge.u32 s0, s12  }
0x41: {  	p2 =	sgt.s32 @!p1 s17, $0x29720  }
0x42: {  	s2 =	smov.u32 s17;
	s20 =	sshra.s32 @!p1 s17, $0x1F;
	p2 =	por !p2, p1  }
0x43: {  	s20 =	sand.u32 @!p1 s20, s17;
	s2 =	simm.s32 @p2 $0x29720  }
0x44: {  	s2 =	ssub.s32 @!p1 s2, s20  }
0x45: {  	s2 =	sadd.s32 @!p1 $0xFFFD68E0, s2  }
0x46: {  	s21 =	sand.u32 @!p1 $0x1, s0;
	s20 =	sshll.u32 @!p1 s2, $0x2  }
0x47: {  	p2 =	sgt.s32 @!p1 s2, $0xEF;
	s2 =	ssub.s32 @!p1 $0x3C0, s20;
	s20 =	smulhi.u32 @!p1 $0xAAAAAAAB, s0  }
0x48: {  	s23 =	smul.u32 @!p1 $0x3C0, s21;
	p2 =	por !p2, p1;
	s2 =	sshrl.u32 @!p1 s2, $0x2  }
0x49: {  	s22 =	simm.s32 @!p1 $0x8;
	s2 =	simm.s32 @!p2 $0x0;
	s20 =	sshrl.u32 @!p1 s20, $0x1  }
0x4a: {  	s23 =	sshrl.u32 @!p1 s23, $0x2;
	_ =	swait.ge @!p1 [sflag:s22], s2;
	s20 =	smul.u32 @!p1 $0x3, s20  }
0x4b: {  	s23 =	sor.u32 @!p1 $0x10508, s23;
	s24 =	ssub.s32 @!p1 $0x0, s2;
	[sflag:s22] =	ssyncset.done @!p1 $0x0  }
0x4c: {  	[sflag:s22] =	ssyncadd.s32 @!p1 s24;
	s22 =	sshrl.u32 @!p1 s17, $0x3;
	s0 =	ssub.s32 @!p1 s0, s20  }
0x4d: {  	s24 =	sand.u32 @!p1 $0x7, s17;
	s22 =	sadd.s32 @!p1 s3, s22;
	s0 =	smul.u32 @!p1 $0x3C0, s0  }
0x4e: {  	[tilespmem:s23], [sflag:$0x9] =	stream.linear.gather @!p1 [hbm4b:s22+s24], s2, $0x38;
	[tilespmem:$0x1F6E8] =	vst v63  }
0x4f: {  	s20 =	ssub.s32 @!p1 $0x29810, s17;
	s2 =	smul.u32 @!p1 $0x1E000, s21  }
0x50: {  	p2 =	slt.s32 @!p1 s20, $0xF0  }
0x51: {  	p2 =	por !p2, p1;
	s0 =	sshrl.u32 @!p1 s0, $0x2;
	s2 =	sshrl.u32 @!p1 s2, $0x2  }
0x52: {  	s20 =	simm.s32 @p2 $0xF0;
	s0 =	sadd.s32 @!p1 $0x10238, s0;
	s2 =	sor.u32 @!p1 $0x106E8, s2  }
0x53: {  	[tilespmem:s2], [sflag:$0x7] =	stream.indirect.gather @!p1 [hbm4b:s4+s20], $0x80, s0, s20, $0xb8;
	[tilespmem:$0x1F6E8] =	vst v63  }
0x54: {  	p1 =	slt.u32 s18, $0x2  }
.Ltmp3:
0x55: {  	_ = 	snop;
	(pc) =	sbr.rel @p1 .LBB2_21-.Ltmp3, $1  }
0x56: {  	_ =	sdelay $0x3  }
0x57: {  	p1 =	sgt.s32 s19, $0x29720;
	s0 =	smov.u32 s19  }
0x58: {  	s2 =	sshra.s32 s19, $0x1F;
	s20 =	ssub.s32 $0x29810, s19;
	s0 =	simm.s32 @!p1 $0x29720  }
0x59: {  	s2 =	sand.u32 s2, s19;
	p1 =	slt.s32 s20, $0xF0;
	s21 =	smov.u32 s20  }
0x5a: {  	s0 =	ssub.s32 s0, s2;
	s21 =	simm.s32 @!p1 $0xF0  }
0x5b: {  	s0 =	sadd.s32 $0xFFFD68E0, s0;
	s28 =	sshll.u32 s21, $0x7  }
0x5c: {  	s29 =	sshll.u32 s0, $0x2;
	s2 =	sand.u32 $0x3FFFFF80, s28  }
0x5d: {  	p1 =	sgt.s32 s0, $0xEF;
	s30 =	ssub.s32 $0x3C0, s29;
	_ =	swait.ge [sflag:s9], s2  }
0x5e: {  	s2 =	ssub.s32 $0x0, s2;
	[sflag:s9] =	ssyncset.done $0x0;
	s0 =	sshrl.u32 s30, $0x2  }
0x5f: {  	[sflag:s9] =	ssyncadd.s32 s2;
	s0 =	simm.s32 @p1 $0x0  }
0x60: {  	_ =	swait.ge [sflag:s10], s0  }
0x61: {  	s0 =	ssub.s32 $0x0, s0;
	[sflag:s10] =	ssyncset.done $0x0  }
0x62: {  	[sflag:s10] =	ssyncadd.s32 s0  }
0x63: {  	v1 =	vld [tilespmem:$0xF208];
	_ =	sdelay $0x4  }
0x64: {  	(v2sf) =	vpush v1, $0x0  }
0x65: {  	(v2sf) =	vpush v1, $0x1  }
0x66: {  	(v2sf) =	vpush v1, $0x2;
	_ =	sdelay $0x3  }
0x67: {  	s0 =	sadd.s32 $0xF0, s19  }
0x68: {  	p1 =	slt.s32 s7, s0  }
0x69: {  	s0 =	smov.u32 @p1 s7;
	p1 =	sgt.s32 s20, $0x0  }
0x6a: {  	s23 =	ssub.s32 s0, s19;
	s20 =	simm.s32 @!p1 $0x0  }
0x6b: {  	p1 =	slt.s32 s20, s23  }
0x6c: {  	s23 =	smov.u32 @p1 s20  }
0x6d: {  	s22 =	simm.s32 $0x1;
	p1 =	slt.s32 s23, $0x1  }
.Ltmp4:
0x6e: {  	s22 =	simm.s32 @!p0 $0x0;
	(pc) =	sbr.rel @p1 .LBB2_8-.Ltmp4, $4  }
0x6f: {  	s31 =	smul.u32 $0x3C0, s22  }
0x70: {  	s24 =	spop (v2sf)  }
0x71: {  	s0 =	sshrl.u32 s31, $0x2;
	s26 =	spop (v2sf)  }
0x72: {  	s20 =	sor.u32 $0x10508, s0;
	s19 =	spop (v2sf)  }
0x73: {  	s0 =	smin.u32 s23, $0x10  }
0x74: {  	v1 =	vmov s0  }
0x75: {  	p2 =	sgt.s32 s23, $0x10;
	vm1 =	vgt.u32 v1, v0  }
.Ltmp5:
0x76: {  	_ = 	snop;
	(pc) =	sbr.rel @!p2 .LBB2_7-.Ltmp5, $2  }
0x77: {  	_ =	sdelay $0x2  }
0x78: {  	s25 =	simm.s32 $0x10;
	s28 =	sadd.s32 $0xFFFFFFF0, s23;
	s21 =	smov.u32 s20;
	vm0 =	vmmov vm1  }
.LBB2_6:
0x79: {  	s0 =	smin.u32 s28, $0x10;
	s25 =	sadd.s32 $0x10, s25;
	v1 =	vld.msk [tilespmem:s21+$0x0 ss:$0x1], vm1  }
0x7a: {  	v2 =	vmov s0;
	p2 =	slt.s32 s25, s23  }
0x7b: {  	vm1 =	vgt.u32 v2, v0  }
.Ltmp6:
0x7c: {  	(pc) =	sbr.rel @p2 .LBB2_6-.Ltmp6, $3  }
0x7d: {  	_ =	sdelay $0x1  }
0x7e: {  	v1 =	vshll.u32 v1, $0x4  }
0x7f: {  	s28 =	sadd.s32 $0xFFFFFFF0, s28;
	[tilespmem:s21+$0x0] =	vst.msk vm0, v1;
	s21 =	sadd.s32 $0x10, s21;
	vm0 =	vmmov vm1  }
.LBB2_7:
0x80: {  	_ =	sdelay $0x4  }
0x81: {  	v1 =	vld.msk [tilespmem:s21+$0x0 ss:$0x1], vm1;
	_ =	sdelay $0x4  }
0x82: {  	v1 =	vshll.u32 v1, $0x4  }
0x83: {  	[tilespmem:s21+$0x0] =	vst.msk vm0, v1  }
.LBB2_8:
0x84: {  	s0 =	sand.u32 $0x1, s18  }
0x85: {  	s0 =	smul.u32 $0xF0, s0  }
0x86: {  	p2 =	sne.s32 s26, $0xFFFFFFFF  }
0x87: {  	v1 =	vld.msk @!p2 [tilespmem:s0+$0x10508], $0x1;
	_ =	sdelay $0x4  }
0x88: {  	(v2sf) =	vpush @!p2 v1, $0x0;
	_ =	sdelay $0xc  }
.Ltmp7:
0x89: {  	_ = 	snop;
	(pc) =	sbr.rel @p1 .LBB2_19-.Ltmp7, $4  }
0x8a: {  	_ = 	snop  }
0x8b: {  	s25 =	spop @!p2 (v2sf)  }
0x8c: {  	s19 =	simm.s32 @!p2 $0x0;
	s21 =	smov.u32 s25  }
0x8d: {  	[sflag:s15] =	ssyncpa.u1 $0x0;
	s25 =	smov.u32 @p2 s24;
	s21 =	smov.u32 @p2 s26  }
0x8e: {  	v1 =	vld.msk [tilespmem:s20+$0x0], $0x1;
	_ =	sdelay $0x4  }
0x8f: {  	(v2sf) =	vpush v1, $0x0;
	_ =	sdelay $0xe  }
0x90: {  	s0 =	smul.u32 $0x1E000, s22;
	s29 =	spop (v2sf)  }
0x91: {  	s23 =	ssub.s32 $0x0, s23;
	p1 =	seq.s32 s25, s29  }
0x92: {  	s26 =	sadd.s32 $0x1, s23;
	s0 =	sshrl.u32 s0, $0x2;
	p2 =	sgt.s32 @!p1 s25, $0x0  }
0x93: {  	s22 =	sor.u32 $0x10728, s0;
	s0 =	smov.u32 s25;
	p2 =	por !p2, p1  }
0x94: {  	s0 =	simm.s32 @p2 $0x0;
	p2 =	seq.s32 s26, $0x0  }
.Ltmp8:
0x95: {  	_ = 	snop;
	(pc) =	sbr.rel @p2 .LBB2_11-.Ltmp8, $4  }
0x96: {  	_ = 	snop  }
0x97: {  	s24 =	simm.s32 $0x0;
	s28 =	sadd.s32 $0x1, s20;
	s0 =	smin.u32 @!p1 s0, $0x270F0  }
0x98: {  	s30 =	simm.s32 @!p1 $0x1;
	s31 =	simm.s32 @!p1 $0x7988;
	s2 =	sand.u32 @!p1 $0x3FFF8, s0  }
0x99: {  	s30 =	smov.u32 @p1 s24;
	s0 =	sand.u32 @!p1 $0x7, s0;
	s2 =	sadd.s32 @!p1 s1, s2  }
.LBB2_10:
0x9a: {  	s8 =	smov.u32 s30  }
0x9b: {  	[tilespmem:s31], [sflag:$0x2] =	stream.linear.gather @!p1 [hbm4b:s2+s0], $0x80, $0x38;
	[tilespmem:$0x1F6E8] =	vst v63  }
0x9c: {  	s26 =	sadd.s32 $0x1, s26;
	s0 =	smov.u32 s29;
	v1 =	vld.msk [tilespmem:s28+$0x0], $0x1  }
0x9d: {  	p2 =	seq.s32 s26, $0x0;
	_ =	sdelay $0x3  }
0x9e: {  	(v2sf) =	vpush v1, $0x0;
	_ =	sdelay $0xe  }
0x9f: {  	s29 =	spop (v2sf)  }
0xa0: {  	p1 =	seq.s32 s0, s29  }
0xa1: {  	p3 =	sgt.s32 @!p1 s0, $0x0;
	s2 =	sshll.u32 @!p1 s30, $0x9;
	s30 =	sadd.s32 @!p1 $0x1, s30  }
.Ltmp9:
0xa2: {  	p3 =	por !p3, p1;
	s2 =	sshra.s32 @!p1 s2, $0x2;
	(pc) =	sbr.rel @!p2 .LBB2_10-.Ltmp9, $4  }
0xa3: {  	s30 =	smov.u32 @p1 s8;
	s0 =	simm.s32 @p3 $0x0;
	s31 =	sadd.s32 @!p1 $0x7988, s2  }
0xa4: {  	s0 =	smin.u32 @!p1 s0, $0x270F0  }
0xa5: {  	s2 =	sand.u32 @!p1 $0x3FFF8, s0;
	s0 =	sand.u32 @!p1 $0x7, s0  }
0xa6: {  	s28 =	sadd.s32 $0x1, s28;
	s2 =	sadd.s32 @!p1 s1, s2  }
.LBB2_11:
0xa7: {  	[tilespmem:s31], [sflag:$0x2] =	stream.linear.gather @!p1 [hbm4b:s2+s0], $0x80, $0x38;
	[tilespmem:$0x1F6E8] =	vst v63  }
.Ltmp10:
0xa8: {  	s30 =	sshll.u32 s30, $0x7;
	(pc) =	sbr.rel .LBB2_12-.Ltmp10, $4  }
0xa9: {  	s31 =	simm.s32 $0x2;
	s0 =	sand.u32 $0x3FFFFF80, s30  }
0xaa: {  	_ =	swait.ge [sflag:s31], s0  }
0xab: {  	s0 =	ssub.s32 $0x0, s0;
	[sflag:s31] =	ssyncset.done $0x0  }
0xac: {  	s28 =	simm.s32 $0x0;
	[sflag:s31] =	ssyncadd.s32 s0  }
.LBB2_13:
0xad: {  	v1 =	vld [tilespmem:s22+$0xFFFFFFC0];
	_ =	sdelay $0x3  }
0xae: {  	s0 =	sshra.s32 s0, $0x2  }
0xaf: {  	[tilespmem:s0+$0x108] =	vst.add.f32.msk $0xffff, v1  }
0xb0: {  	v1 =	vld [tilespmem:s22+$0xFFFFFFD0];
	_ =	sdelay $0x4  }
0xb1: {  	[tilespmem:s0+$0x118] =	vst.add.f32.msk $0xffff, v1  }
0xb2: {  	v1 =	vld [tilespmem:s22+$0xFFFFFFE0];
	_ =	sdelay $0x4  }
0xb3: {  	[tilespmem:s0+$0x128] =	vst.add.f32.msk $0xffff, v1  }
0xb4: {  	v1 =	vld [tilespmem:s22+$0xFFFFFFF0];
	_ =	sdelay $0x4  }
0xb5: {  	[tilespmem:s0+$0x138] =	vst.add.f32.msk $0xffff, v1  }
0xb6: {  	v1 =	vld [tilespmem:s22+$0x0];
	_ =	sdelay $0x4  }
0xb7: {  	[tilespmem:s0+$0x148] =	vst.add.f32.msk $0xffff, v1  }
0xb8: {  	v1 =	vld [tilespmem:s22+$0x10];
	_ =	sdelay $0x4  }
0xb9: {  	[tilespmem:s0+$0x158] =	vst.add.f32.msk $0xffff, v1  }
0xba: {  	v1 =	vld [tilespmem:s22+$0x20];
	_ =	sdelay $0x4  }
0xbb: {  	[tilespmem:s0+$0x168] =	vst.add.f32.msk $0xffff, v1  }
0xbc: {  	v1 =	vld [tilespmem:s22+$0x30];
	_ =	sdelay $0x4  }
0xbd: {  	[tilespmem:s0+$0x178] =	vst.add.f32.msk $0xffff, v1  }
.LBB2_17:
0xbe: {  	s23 =	sadd.s32 $0x1, s23  }
0xbf: {  	p1 =	seq.s32 s23, $0x0  }
.Ltmp11:
0xc0: {  	_ = 	snop;
	(pc) =	sbr.rel @p1 .LBB2_18-.Ltmp11, $2  }
0xc1: {  	_ =	sdelay $0x2  }
0xc2: {  	s20 =	sadd.s32 $0x1, s20;
	s22 =	sadd.s32 $0x80, s22;
	s25 =	smov.u32 s26  }
.LBB2_12:
0xc3: {  	v1 =	vld.msk [tilespmem:s20+$0x0], $0x1;
	_ =	sdelay $0x4  }
0xc4: {  	(v2sf) =	vpush v1, $0x0;
	_ =	sdelay $0xe  }
0xc5: {  	s26 =	spop (v2sf)  }
0xc6: {  	p1 =	sne.s32 s25, s26  }
.Ltmp12:
0xc7: {  	_ = 	snop;
	(pc) =	sbr.rel @!p1 .LBB2_13-.Ltmp12, $2  }
0xc8: {  	_ =	sdelay $0x2  }
0xc9: {  	s0 =	sshll.u32 s19, $0x9  }
0xca: {  	p1 =	seq.s32 s25, s21  }
.Ltmp13:
0xcb: {  	_ = 	snop;
	(pc) =	sbr.rel @!p1 .LBB2_15-.Ltmp13, $1  }
0xcc: {  	_ =	sdelay $0x3  }
0xcd: {  	s0 =	sshra.s32 s0, $0x2  }
.Ltmp14:
0xce: {  	s0 =	sadd.s32 $0x108, s0;
	(pc) =	sbr.rel .LBB2_16-.Ltmp14, $4  }
0xcf: {  	[spmem:s13] =	stream.linear.scatter [tilespmem:s0], [sflag:$0x1], $0x80, $0x38;
	[tilespmem:$0x1F6E8] =	vst v63  }
0xd0: {  	_ =	swait.ge [sflag:s11], $0x80  }
0xd1: {  	[sflag:s11] =	ssyncset.done $0x0  }
0xd2: {  	[sflag:s11] =	ssyncadd.s32 $0xFFFFFF80  }
.LBB2_15:
0xd3: {  	s2 =	sshll.u32 s24, $0x9  }
0xd4: {  	s2 =	sshra.s32 s2, $0x2  }
0xd5: {  	v1 =	vld [tilespmem:s2+$0x7988];
	_ =	sdelay $0x3  }
0xd6: {  	s0 =	sshra.s32 s0, $0x2  }
0xd7: {  	[tilespmem:s0+$0x108] =	vst.add.f32.msk $0xffff, v1  }
0xd8: {  	v1 =	vld [tilespmem:s2+$0x7998];
	_ =	sdelay $0x4  }
0xd9: {  	[tilespmem:s0+$0x118] =	vst.add.f32.msk $0xffff, v1  }
0xda: {  	v1 =	vld [tilespmem:s2+$0x79A8];
	_ =	sdelay $0x4  }
0xdb: {  	[tilespmem:s0+$0x128] =	vst.add.f32.msk $0xffff, v1  }
0xdc: {  	v1 =	vld [tilespmem:s2+$0x79B8];
	_ =	sdelay $0x4  }
0xdd: {  	[tilespmem:s0+$0x138] =	vst.add.f32.msk $0xffff, v1  }
0xde: {  	v1 =	vld [tilespmem:s2+$0x79C8];
	_ =	sdelay $0x4  }
0xdf: {  	[tilespmem:s0+$0x148] =	vst.add.f32.msk $0xffff, v1  }
0xe0: {  	v1 =	vld [tilespmem:s2+$0x79D8];
	_ =	sdelay $0x4  }
0xe1: {  	[tilespmem:s0+$0x158] =	vst.add.f32.msk $0xffff, v1  }
0xe2: {  	v1 =	vld [tilespmem:s2+$0x79E8];
	_ =	sdelay $0x4  }
0xe3: {  	[tilespmem:s0+$0x168] =	vst.add.f32.msk $0xffff, v1  }
0xe4: {  	v1 =	vld [tilespmem:s2+$0x79F8];
	_ =	sdelay $0x2  }
0xe5: {  	p1 =	sgt.u32 s25, $0x270F0  }
0xe6: {  	s2 =	sand.u32 @!p1 $0x3FFF8, s25  }
0xe7: {  	s8 =	sadd.s32 $0x108, s0;
	[tilespmem:s0+$0x178] =	vst.add.f32.msk $0xffff, v1;
	s0 =	sadd.s32 @!p1 s1, s2;
	s2 =	sand.u32 @!p1 $0x7, s25  }
0xe8: {  	[hbm4b:s0+s2] =	stream.linear.scatter @!p1 [tilespmem:s8], [sflag:$0xA], $0x80, $0x38;
	[tilespmem:$0x1F6E8] =	vst v63  }
0xe9: {  	s0 =	simm.s32 $0x0  }
0xea: {  	s0 =	simm.s32 @!p1 $0x200  }
0xeb: {  	s28 =	sadd.s32 s0, s28  }
.LBB2_16:
0xec: {  	s0 =	sadd.s32 $0x1, s19  }
0xed: {  	s2 =	smulhi.u32 $0x88888889, s0;
	_ =	sdelay $0x1  }
0xee: {  	v1 =	vld [tilespmem:s22+$0xFFFFFFC0];
	s2 =	sshrl.u32 s2, $0x7  }
0xef: {  	s2 =	smul.u32 $0xF0, s2;
	_ =	sdelay $0x1  }
0xf0: {  	s19 =	ssub.s32 s0, s2  }
0xf1: {  	s0 =	sshll.u32 s19, $0x7  }
0xf2: {  	[tilespmem:s0+$0x108] =	vst v1  }
0xf3: {  	v1 =	vld [tilespmem:s22+$0xFFFFFFD0];
	_ =	sdelay $0x4  }
0xf4: {  	[tilespmem:s0+$0x118] =	vst v1  }
0xf5: {  	v1 =	vld [tilespmem:s22+$0xFFFFFFE0];
	_ =	sdelay $0x4  }
0xf6: {  	[tilespmem:s0+$0x128] =	vst v1  }
0xf7: {  	v1 =	vld [tilespmem:s22+$0xFFFFFFF0];
	_ =	sdelay $0x4  }
0xf8: {  	[tilespmem:s0+$0x138] =	vst v1  }
0xf9: {  	v1 =	vld [tilespmem:s22+$0x0];
	_ =	sdelay $0x4  }
0xfa: {  	[tilespmem:s0+$0x148] =	vst v1  }
0xfb: {  	v1 =	vld [tilespmem:s22+$0x10];
	_ =	sdelay $0x4  }
0xfc: {  	[tilespmem:s0+$0x158] =	vst v1  }
0xfd: {  	v1 =	vld [tilespmem:s22+$0x20];
	_ =	sdelay $0x4  }
0xfe: {  	[tilespmem:s0+$0x168] =	vst v1  }
0xff: {  	v1 =	vld [tilespmem:s22+$0x30]  }
.Ltmp15:
0x100: {  	_ = 	snop;
	(pc) =	sbr.rel .LBB2_17-.Ltmp15, $2  }
0x101: {  	_ =	sdelay $0x2  }
0x102: {  	s24 =	sadd.s32 $0x1, s24;
	[tilespmem:s0+$0x178] =	vst v1  }
.LBB2_19:
.Ltmp16:
0x103: {  	(pc) =	sbr.rel .LBB2_20-.Ltmp16, $4  }
0x104: {  	_ = 	snop  }
0x105: {  	s0 =	simm.s32 $0x2  }
0x106: {  	_ =	swait.ge [sflag:s0], $0x0  }
0x107: {  	s26 =	smov.u32 s25;
	[sflag:s0] =	ssyncset.done $0x0;
	s0 =	simm.s32 $0x0  }
.LBB2_22:
0x108: {  	_ =	sfence.sel $0x180000  }
0x109: {  	s0 =	simm.s32 $0x7;
	[bflag:$0x0] =	sbarrier.arrive $0xFFFF  }
0x10a: {  	s25 =	simm.s32 $0x8;
	[sflag:s0] =	ssyncpa.u1 $0x1  }
0x10b: {  	s26 =	simm.s32 $0x9;
	[sflag:s25] =	ssyncpa.u1 $0x1  }
0x10c: {  	s28 =	simm.s32 $0x2;
	[sflag:s26] =	ssyncpa.u1 $0x1  }
0x10d: {  	[sflag:s28] =	ssyncpa.u1 $0x1  }
0x10e: {  	v0 =	vld [tilespmem:$0xF208];
	_ =	sdelay $0x4  }
0x10f: {  	(v2sf) =	vpush v0, $0x0  }
0x110: {  	(v2sf) =	vpush v0, $0x1;
	_ =	sdelay $0x1  }
0x111: {  	(v2sf) =	vpush v0, $0x2;
	_ =	sdelay $0xb  }
0x112: {  	s0 =	spop (v2sf)  }
0x113: {  	s2 =	spop (v2sf)  }
0x114: {  	s3 =	smov.u32 s0;
	p0 =	sne.s32 s0, s2  }
0x115: {  	s4 =	spop (v2sf);
	s3 =	simm.s32 @!p0 $0xFFFFFFFF  }
0x116: {  	v2 =	vimm.s32 $0x1;
	v3 =	vlaneseq.u32;
	p0 =	seq.s32 s4, $0xFFFFFFFF;
	v1 =	vmov s3  }
0x117: {  	s7 =	stileid.u32;
	v0 =	vperm.xlane v0, v2;
	p1 =	sne.s32 @!p0 s0, s2;
	v1 =	vperm.xlane v1, v3  }
0x118: {  	vm0 =	vcmask $0x3F04;
	s6 =	simm.s32 $0xF208;
	s0 =	simm.s32 @!p0 $0x1;
	p1 =	por !p1, p0  }
0x119: {  	s3 =	sshll.u32 s7, $0x1;
	s2 =	sshll.u32 @!p0 s4, $0x9;
	s0 =	simm.s32 @p1 $0x0;
	v0 =	vsel vm0, v1, v0  }
0x11a: {  	s5 =	sor.u32 $0x1000, s3;
	s2 =	sshra.s32 @!p0 s2, $0x2;
	s0 =	sor.u32 @!p0 s0, s3;
	[tilespmem:$0xF208] =	vst v0  }
0x11b: {  	[spmem:s5] =	stream.linear.scatter [tilespmem:s6], [sflag:$0x1], $0x2, $0x38;
	[tilespmem:$0x1F6E8] =	vst v63  }
0x11c: {  	s2 =	sadd.s32 @!p0 $0x108, s2;
	s0 =	sshll.u32 @!p0 s0, $0x7  }
0x11d: {  	[spmem:s0] =	stream.linear.scatter @!p0 [tilespmem:s2], [sflag:$0x1], $0x80, $0x38;
	[tilespmem:$0x1F6E8] =	vst v63  }
0x11e: {  	s0 =	simm.s32 @!p0 $0x82  }
0x11f: {  	s3 =	simm.s32 $0x1;
	s0 =	simm.s32 @p0 $0x2  }
0x120: {  	_ =	swait.ge [sflag:s3], s0  }
0x121: {  	s0 =	ssub.s32 $0x0, s0;
	[sflag:s3] =	ssyncset.done $0x0  }
0x122: {  	[sflag:s3] =	ssyncadd.s32 s0  }
0x123: {  	_ =	sfence.stream.spmem  }
0x124: {  	s29 =	simm.s32 $0x3;
	[bflag:$0x0] =	sbarrier.arrive $0xFFFF  }
0x125: {  	s30 =	simm.s32 $0x4;
	[sflag:s29] =	ssyncpa.u1 $0x1  }
0x126: {  	s31 =	simm.s32 $0x3C;
	[sflag:s30] =	ssyncpa.u1 $0x1  }
0x127: {  	p0 =	sne.s32 s7, $0x0;
	[sflag:s31] =	ssyncpa.u1 $0x1  }
0x128: {  	_ =	sfence @p0  }
0x129: {  	[sflag:s3] =	ssyncpa.u1 @p0 $0x1  }
0x12a: {  	_ =	strace @p0 $0x9000004A  }
0x12b: {  	[bflag:$0x2] =	sbarrier.arrive @p0 $0xFFFF  }
0x12c: {  	_ =	shalt @p0  }
.LBB2_23:
0x12d: {  	_ =	sfence.stream.spmem;
	s0 =	simm.s32 $0x5  }
0x12e: {  	s2 =	simm.s32 $0x1000;
	s3 =	simm.s32 $0xF218;
	[sflag:s0] =	ssyncpa.u1 $0x0  }
0x12f: {  	[tilespmem:s3], [sflag:$0x5] =	stream.linear.gather [spmem:s2], $0x20, $0x38;
	[tilespmem:$0x1F6E8] =	vst v63  }
0x130: {  	s30 =	simm.s32 $0xF238;
	s2 =	simm.s32 $0x0  }
0x131: {  	[tilespmem:s30], [sflag:$0x5] =	stream.linear.gather [spmem:s2], $0x1000, $0x38;
	[tilespmem:$0x1F6E8] =	vst v63  }
.Ltmp17:
0x132: {  	_ = 	snop;
	(pc) =	sbr.rel .LBB2_24-.Ltmp17, $4  }
0x133: {  	_ =	swait.ge [sflag:s0], $0x1020  }
0x134: {  	[sflag:s0] =	ssyncset.done $0x0  }
0x135: {  	s31 =	simm.s32 $0x6;
	[sflag:s0] =	ssyncadd.s32 $0xFFFFEFE0  }
0x136: {  	s3 =	simm.s32 $0x0;
	[sflag:s31] =	ssyncpa.u1 $0x0  }
.LBB2_30:
0x137: {  	p0 =	slt.u32 s4, $0x270F1  }
0x138: {  	s0 =	sand.u32 @p0 $0x3FFF8, s4  }
0x139: {  	s4 =	sand.u32 @p0 $0x7, s4;
	s5 =	simm.s32 @p0 $0xF188;
	s0 =	sadd.s32 @p0 s1, s0  }
0x13a: {  	[tilespmem:s5], [sflag:$0x6] =	stream.linear.gather @p0 [hbm4b:s0+s4], $0x80, $0x38;
	[tilespmem:$0x1F6E8] =	vst v63  }
0x13b: {  	s0 =	simm.s32 @p0 $0x6  }
0x13c: {  	_ =	swait.ge @p0 [sflag:s0], $0x80  }
0x13d: {  	[sflag:s0] =	ssyncset.done @p0 $0x0  }
0x13e: {  	[sflag:s0] =	ssyncadd.s32 @p0 $0xFFFFFF80  }
0x13f: {  	v1 =	vld @p0 [tilespmem:$0xF188];
	_ =	sdelay $0x2  }
0x140: {  	s0 =	sshll.u32 @p0 s3, $0x9  }
0x141: {  	s4 =	sshrl.u32 @p0 s0, $0x2  }
0x142: {  	[tilespmem:s4+$0xF238] =	vst.add.f32.msk @p0 $0xffff, v1  }
0x143: {  	v1 =	vld @p0 [tilespmem:$0xF198];
	_ =	sdelay $0x4  }
0x144: {  	[tilespmem:s4+$0xF248] =	vst.add.f32.msk @p0 $0xffff, v1  }
0x145: {  	v1 =	vld @p0 [tilespmem:$0xF1A8];
	_ =	sdelay $0x4  }
0x146: {  	[tilespmem:s4+$0xF258] =	vst.add.f32.msk @p0 $0xffff, v1  }
0x147: {  	v1 =	vld @p0 [tilespmem:$0xF1B8];
	_ =	sdelay $0x4  }
0x148: {  	[tilespmem:s4+$0xF268] =	vst.add.f32.msk @p0 $0xffff, v1  }
0x149: {  	v1 =	vld @p0 [tilespmem:$0xF1C8];
	_ =	sdelay $0x4  }
0x14a: {  	[tilespmem:s4+$0xF278] =	vst.add.f32.msk @p0 $0xffff, v1  }
0x14b: {  	v1 =	vld @p0 [tilespmem:$0xF1D8];
	_ =	sdelay $0x4  }
0x14c: {  	[tilespmem:s4+$0xF288] =	vst.add.f32.msk @p0 $0xffff, v1  }
0x14d: {  	v1 =	vld @p0 [tilespmem:$0xF1E8];
	_ =	sdelay $0x4  }
0x14e: {  	[tilespmem:s4+$0xF298] =	vst.add.f32.msk @p0 $0xffff, v1  }
0x14f: {  	v1 =	vld @p0 [tilespmem:$0xF1F8];
	_ =	sdelay $0x3  }
0x150: {  	s5 =	sshll.u32 @!p0 s3, $0x9  }
0x151: {  	s5 =	smov.u32 @p0 s0;
	[tilespmem:s4+$0xF2A8] =	vst.add.f32.msk @p0 $0xffff, v1  }
0x152: {  	s0 =	sshrl.u32 s5, $0x2;
	[tilespmem:s2+$0xF218] =	vst.msk $0x1, v0  }
0x153: {  	v0 =	vld [tilespmem:s0+$0xF238];
	_ =	sdelay $0x2  }
0x154: {  	s31 =	sshll.u32 s2, $0x9  }
0x155: {  	s4 =	sshra.s32 s31, $0x2  }
0x156: {  	[tilespmem:s4+$0xF238] =	vst v0  }
0x157: {  	v0 =	vld [tilespmem:s0+$0xF248];
	_ =	sdelay $0x4  }
0x158: {  	[tilespmem:s4+$0xF248] =	vst v0  }
0x159: {  	v0 =	vld [tilespmem:s0+$0xF258];
	_ =	sdelay $0x4  }
0x15a: {  	[tilespmem:s4+$0xF258] =	vst v0  }
0x15b: {  	v0 =	vld [tilespmem:s0+$0xF268];
	_ =	sdelay $0x4  }
0x15c: {  	[tilespmem:s4+$0xF268] =	vst v0  }
0x15d: {  	v0 =	vld [tilespmem:s0+$0xF278];
	_ =	sdelay $0x4  }
0x15e: {  	[tilespmem:s4+$0xF278] =	vst v0  }
0x15f: {  	v0 =	vld [tilespmem:s0+$0xF288];
	_ =	sdelay $0x4  }
0x160: {  	[tilespmem:s4+$0xF288] =	vst v0  }
0x161: {  	v0 =	vld [tilespmem:s0+$0xF298];
	_ =	sdelay $0x4  }
0x162: {  	[tilespmem:s4+$0xF298] =	vst v0  }
0x163: {  	v0 =	vld [tilespmem:s0+$0xF2A8];
	_ =	sdelay $0x4  }
0x164: {  	s2 =	sadd.s32 $0x1, s2;
	[tilespmem:s4+$0xF2A8] =	vst v0  }
.LBB2_31:
0x165: {  	s3 =	sadd.s32 $0x1, s3  }
0x166: {  	p0 =	sne.s32 s3, $0x20  }
.Ltmp18:
0x167: {  	_ = 	snop;
	(pc) =	sbr.rel @!p0 .LBB2_32-.Ltmp18, $1  }
0x168: {  	_ =	sdelay $0x3  }
.LBB2_24:
0x169: {  	v0 =	vld.msk [tilespmem:s3+$0xF218], $0x1;
	_ =	sdelay $0x4  }
0x16a: {  	(v2sf) =	vpush v0, $0x0;
	_ =	sdelay $0xe  }
0x16b: {  	s4 =	spop (v2sf)  }
0x16c: {  	p0 =	seq.s32 s4, $0xFFFFFFFF  }
.Ltmp19:
0x16d: {  	_ = 	snop;
	(pc) =	sbr.rel @p0 .LBB2_31-.Ltmp19, $1  }
0x16e: {  	_ =	sdelay $0x3  }
0x16f: {  	p0 =	slt.s32 s2, $0x1  }
.Ltmp20:
0x170: {  	_ = 	snop;
	(pc) =	sbr.rel @p0 .LBB2_30-.Ltmp20, $1  }
0x171: {  	_ =	sdelay $0x3  }
0x172: {  	s5 =	simm.s32 $0xF218;
	p0 =	por $0x0, $0x0  }
0x173: {  	v1 =	vld.msk @!p0 [tilespmem:s5+$0x0], $0x1;
	_ =	sdelay $0x4  }
0x174: {  	(v2sf) =	vpush @!p0 v1, $0x0;
	_ =	sdelay $0xd  }
0x175: {  	p2 =	sne.s32 s2, $0x1  }
.Ltmp21:
0x176: {  	s0 =	spop @!p0 (v2sf);
	(pc) =	sbr.rel @!p2 .LBB2_28-.Ltmp21, $4  }
0x177: {  	p1 =	seq.s32 @!p0 s4, s0  }
0x178: {  	s6 =	simm.s32 $0x0;
	p1 =	por !p1, p0  }
0x179: {  	s0 =	simm.s32 $0xFFFFFFFF;
	s6 =	simm.s32 @p1 $0xFFFFFFFF  }
0x17a: {  	s7 =	simm.s32 $0x1;
	s6 =	smov.u32 @p0 s0  }
.LBB2_27:
0x17b: {  	s0 =	smov.u32 s6;
	p0 =	sne.s32 s6, $0xFFFFFFFF  }
0x17c: {  	s5 =	sadd.s32 $0x1, s5;
	s6 =	smov.u32 s7;
	s7 =	sadd.s32 $0x1, s7  }
0x17d: {  	p1 =	sne.s32 s2, s7;
	v1 =	vld.msk @!p0 [tilespmem:s5+$0x0], $0x1;
	_ =	sdelay $0x4  }
0x17e: {  	(v2sf) =	vpush @!p0 v1, $0x0;
	_ =	sdelay $0xe  }
.Ltmp22:
0x17f: {  	s8 =	spop @!p0 (v2sf);
	(pc) =	sbr.rel @p1 .LBB2_27-.Ltmp22, $4  }
0x180: {  	p2 =	seq.s32 @!p0 s4, s8  }
0x181: {  	p2 =	por !p2, p0  }
0x182: {  	s6 =	simm.s32 @p2 $0xFFFFFFFF  }
0x183: {  	s6 =	smov.u32 @p0 s0  }
.LBB2_28:
0x184: {  	p0 =	seq.s32 s6, $0xFFFFFFFF  }
.Ltmp23:
0x185: {  	_ = 	snop;
	(pc) =	sbr.rel @p0 .LBB2_30-.Ltmp23, $1  }
0x186: {  	_ =	sdelay $0x3  }
0x187: {  	s0 =	sshll.u32 s3, $0x7  }
0x188: {  	s0 =	sand.u32 $0x3FFFFF80, s0  }
0x189: {  	v0 =	vld [tilespmem:s0+$0xF238];
	_ =	sdelay $0x2  }
0x18a: {  	s4 =	sshll.u32 s6, $0x9  }
0x18b: {  	s4 =	sshra.s32 s4, $0x2  }
0x18c: {  	[tilespmem:s4+$0xF238] =	vst.add.f32.msk $0xffff, v0  }
0x18d: {  	v0 =	vld [tilespmem:s0+$0xF248];
	_ =	sdelay $0x4  }
0x18e: {  	[tilespmem:s4+$0xF248] =	vst.add.f32.msk $0xffff, v0  }
0x18f: {  	v0 =	vld [tilespmem:s0+$0xF258];
	_ =	sdelay $0x4  }
0x190: {  	[tilespmem:s4+$0xF258] =	vst.add.f32.msk $0xffff, v0  }
0x191: {  	v0 =	vld [tilespmem:s0+$0xF268];
	_ =	sdelay $0x4  }
0x192: {  	[tilespmem:s4+$0xF268] =	vst.add.f32.msk $0xffff, v0  }
0x193: {  	v0 =	vld [tilespmem:s0+$0xF278];
	_ =	sdelay $0x4  }
0x194: {  	[tilespmem:s4+$0xF278] =	vst.add.f32.msk $0xffff, v0  }
0x195: {  	v0 =	vld [tilespmem:s0+$0xF288];
	_ =	sdelay $0x4  }
0x196: {  	[tilespmem:s4+$0xF288] =	vst.add.f32.msk $0xffff, v0  }
0x197: {  	v0 =	vld [tilespmem:s0+$0xF298];
	_ =	sdelay $0x4  }
0x198: {  	[tilespmem:s4+$0xF298] =	vst.add.f32.msk $0xffff, v0  }
0x199: {  	v0 =	vld [tilespmem:s0+$0xF2A8]  }
.Ltmp24:
0x19a: {  	_ = 	snop;
	(pc) =	sbr.rel .LBB2_31-.Ltmp24, $2  }
0x19b: {  	_ =	sdelay $0x2  }
0x19c: {  	[tilespmem:s4+$0xF2A8] =	vst.add.f32.msk $0xffff, v0  }
.LBB2_32:
0x19d: {  	p0 =	slt.s32 s2, $0x1  }
.Ltmp25:
0x19e: {  	_ = 	snop;
	(pc) =	sbr.rel @p0 .LBB2_36-.Ltmp25, $3  }
0x19f: {  	_ =	sdelay $0x1  }
0x1a0: {  	s0 =	simm.s32 $0x6  }
0x1a1: {  	s3 =	simm.s32 $0x0;
	[sflag:s0] =	ssyncpa.u1 $0x1  }
0x1a2: {  	s0 =	simm.s32 $0xF218  }
0x1a3: {  	v0 =	vld.msk [tilespmem:s0+$0x0], $0x1;
	_ =	sdelay $0x4  }
0x1a4: {  	(v2sf) =	vpush v0, $0x0;
	_ =	sdelay $0xd  }
0x1a5: {  	s2 =	sadd.s32 $0xFFFFFFFF, s2  }
0x1a6: {  	p1 =	sne.s32 s2, $0x0;
	s0 =	spop (v2sf)  }
.Ltmp26:
0x1a7: {  	p0 =	sgt.u32 s0, $0x270F0;
	(pc) =	sbr.rel @!p1 .LBB2_35-.Ltmp26, $4  }
0x1a8: {  	s4 =	simm.s32 $0xF238;
	s5 =	sand.u32 @!p0 $0x3FFF8, s0  }
0x1a9: {  	s6 =	simm.s32 $0x0;
	s0 =	sand.u32 @!p0 $0x7, s0;
	s5 =	sadd.s32 @!p0 s1, s5  }
0x1aa: {  	[hbm4b:s5+s0] =	stream.linear.scatter @!p0 [tilespmem:s4], [sflag:$0x5], $0x80, $0x38;
	[tilespmem:$0x1F6E8] =	vst v63  }
0x1ab: {  	s6 =	simm.s32 @!p0 $0x200;
	s5 =	simm.s32 $0xF219  }
.LBB2_34:
0x1ac: {  	v0 =	vld.msk [tilespmem:s5+$0x0], $0x1;
	s2 =	sadd.s32 $0xFFFFFFFF, s2;
	s3 =	sadd.s32 s3, s6  }
0x1ad: {  	p0 =	sne.s32 s2, $0x0;
	_ =	sdelay $0x3  }
0x1ae: {  	(v2sf) =	vpush v0, $0x0;
	_ =	sdelay $0xe  }
.Ltmp27:
0x1af: {  	s0 =	spop (v2sf);
	(pc) =	sbr.rel @p0 .LBB2_34-.Ltmp27, $4  }
0x1b0: {  	s6 =	simm.s32 $0x0;
	p1 =	sgt.u32 s0, $0x270F0  }
0x1b1: {  	s4 =	sadd.s32 $0x80, s4;
	s6 =	simm.s32 @!p1 $0x200;
	s7 =	sand.u32 @!p1 $0x3FFF8, s0  }
0x1b2: {  	s5 =	sadd.s32 $0x1, s5;
	s0 =	sand.u32 @!p1 $0x7, s0;
	s7 =	sadd.s32 @!p1 s1, s7  }
0x1b3: {  	[hbm4b:s7+s0] =	stream.linear.scatter @!p1 [tilespmem:s4], [sflag:$0x5], $0x80, $0x38;
	[tilespmem:$0x1F6E8] =	vst v63  }
.LBB2_35:
0x1b4: {  	s0 =	sadd.s32 s3, s6  }
0x1b5: {  	s3 =	sshrl.u32 s0, $0x2  }
.LBB2_36:
0x1b6: {  	s0 =	simm.s32 $0x5  }
0x1b7: {  	_ =	swait.ge [sflag:s0], s3  }
0x1b8: {  	s1 =	ssub.s32 $0x0, s3;
	[sflag:s0] =	ssyncset.done $0x0  }
0x1b9: {  	[sflag:s0] =	ssyncadd.s32 s1  }
0x1ba: {  	[sflag:s0] =	ssyncpa.u1 $0x1  }
0x1bb: {  	s30 =	simm.s32 $0x1;
	_ =	sfence  }
0x1bc: {  	[sflag:s30] =	ssyncpa.u1 $0x1  }
0x1bd: {  	_ =	strace $0x9000004A  }
0x1be: {  	[bflag:$0x2] =	sbarrier.arrive $0xFFFF  }
0x1bf: {  	s31 =	rddreg [dreg:$0x1]  }
0x1c0: {  	s0 =	sadd.s32 $0x100000, s31  }
0x1c1: {  	[sflag:s0] =	ssyncadd.tile.s32 $0x1;
	_ =	shalt  }
.Lfunc_end2:
_tile_overlayer_lowered:
.L_overlay_start_2:
0x1c2: {  	(tag) =	ssettag $0x2  }
0x1c3: {  	s0 =	rddreg [dreg:$0x0];
	s2 =	stileid.u32  }
0x1c4: {  	s1 =	rddreg [dreg:$0x1];
	p0 =	sne.s32 s2, $0x0  }
0x1c5: {  	s3 =	rddreg [dreg:$0x2];
	[bflag:$0x3] =	sbarrier.arrive $0xFFFF;
	s2 =	simm.s32 @!p0 $0x1C01  }
0x1c6: {  	[timem:s3], [sflag:s2] =	dma.local @!p0 [hbm:s0], s1  }
0x1c7: {  	s0 =	simm.s32 @!p0 $0x1  }
0x1c8: {  	_ =	swait.ge @!p0 [sflag:s0], s1  }
0x1c9: {  	s1 =	ssub.s32 @!p0 $0x0, s1;
	[sflag:s0] =	ssyncset.done @!p0 $0x0  }
0x1ca: {  	[sflag:s0] =	ssyncadd.s32 @!p0 s1  }
0x1cb: {  	[bflag:$0x3] =	sbarrier.arrive $0xFFFF  }
0x1cc: {  	_ =	shalt  }

// kernel: scatter_offload_async_start.2
scs
__scs_entry_jumppad:
0x0: {  	(pc) =	sbr.rel $0x88, $3  }
0x1: {  	(tag) =	ssettag $0x0;
	lr =	simm.s32 $0x1  }
0x2: {  	[smem:$0x3F8A] =	sst lr;
	_ =	strace $0xD0000000  }
0x3: {  	_ = 	snop  }
0x4: {  	_ = 	snop  }
0x5: {  	_ = 	snop  }
0x6: {  	_ = 	snop  }
0x7: {  	_ = 	snop  }
__scs_overlays_trampoline_lowered:
0x8: {  	[smem:$0x3F99] =	sst s0  }
0x9: {  	[smem:$0x3F9A] =	sst s1  }
0xa: {  	[smem:$0x3F9B] =	sst s2  }
0xb: {  	[smem:$0x3F9C] =	sst s3  }
0xc: {  	[smem:$0x3F9D] =	sst s4  }
0xd: {  	[smem:$0x3F9E] =	sst s5  }
0xe: {  	[smem:$0x3F9F] =	sst s6  }
0xf: {  	[smem:$0x3FA0] =	sst s7  }
0x10: {  	[smem:$0x3FA1] =	sst s8  }
0x11: {  	[smem:$0x3FA2] =	sst s9;
	s0 =	simm.s32 @!p0 $0x0  }
0x12: {  	s1 =	sld [smem:$0x3F88];
	s0 =	simm.s32 @p0 $0x1  }
0x13: {  	[smem:$0x3FA3] =	sst s0;
	s0 =	simm.s32 @!p1 $0x0  }
0x14: {  	s2 =	sld [smem:$0x3F87];
	s0 =	simm.s32 @p1 $0x1  }
0x15: {  	[smem:$0x3FA4] =	sst s0;
	s0 =	simm.s32 @!p2 $0x0  }
0x16: {  	s3 =	sld [smem:$0x3FDB];
	s0 =	simm.s32 @p2 $0x1  }
0x17: {  	s4 =	simm.s32 $0x1BF5;
	[smem:$0x3FA6] =	sst s0  }
0x18: {  	s0 =	sld [smem:$0x3F89];
	_ =	swait.ge [sflag:s4], $0x0  }
0x19: {  	s7 =	sld [smem:$0x3F8A]  }
0x1a: {  	s8 =	sadd.s32 $0xFFFFE003, lr  }
0x1b: {  	s9 =	sadd.s32 $0xFFFFFEF7, lr;
	s5 =	simm.s32 $0xFFFFFFFF;
	p2 =	slt.u32 s8, $0xFFFFF086  }
0x1c: {  	p1 =	slt.u32 s9, $0xF7A;
	s5 =	simm.s32 @!p2 $0x0  }
0x1d: {  	s5 =	simm.s32 @p1 $0x1;
	p0 =	seq.s32 s7, s2  }
0x1e: {  	s7 =	smul.u32 @!p0 $0xF7A, s2;
	p2 =	seq.s32 @!p0 s5, $0x0  }
0x1f: {  	s9 =	smul.u32 $0xF7A, s1;
	s8 =	simm.s32 @!p0 $0x1BF5;
	p2 =	por !p2, p0  }
0x20: {  	[sflag:s8] =	ssyncset.s32 @!p0 $0xFFFFF086;
	s6 =	sadd.s32 @!p0 s3, s7;
	s7 =	simm.s32 @!p0 $0x108  }
0x21: {  	s3 =	sadd.s32 s3, s9;
	s6 =	sadd.s32 @!p0 $0x88, s6;
	s7 =	simm.s32 @p2 $0x1082  }
0x22: {  	[simem:s7], [sflag:s8] =	dma.local @!p0 [hbm:s6], $0xF7A  }
0x23: {  	s9 =	sor.u32 $0xD0000000, s2;
	s6 =	simm.s32 $0x108;
	_ =	swait.ge @!p0 [sflag:s8], $0x0  }
0x24: {  	s3 =	sadd.s32 $0x88, s3;
	s6 =	simm.s32 @!p1 $0x1082;
	[sflag:s4] =	ssyncset.s32 $0xFFFFF086  }
0x25: {  	[simem:s6], [sflag:s4] =	dma.local [hbm:s3], $0xF7A  }
0x26: {  	[smem:$0x3F8A] =	sst s1;
	(tag) =	ssettag s2;
	_ =	strace s9  }
0x27: {  	s1 =	sld [smem:$0x3F9A]  }
0x28: {  	s2 =	sld [smem:$0x3F9B]  }
0x29: {  	s4 =	sld [smem:$0x3F9D]  }
0x2a: {  	p0 =	seq.s32 s5, $0x0;
	s5 =	sld [smem:$0x3F9E]  }
0x2b: {  	s6 =	sld [smem:$0x3F9F]  }
0x2c: {  	s7 =	sld [smem:$0x3FA0]  }
0x2d: {  	s3 =	simm.s32 $0x108;
	s8 =	sld [smem:$0x3FA1]  }
0x2e: {  	s3 =	simm.s32 @!p0 $0x1082;
	s9 =	sld [smem:$0x3FA2]  }
0x2f: {  	lr =	sadd.s32 s0, s3;
	s0 =	sld [smem:$0x3F99]  }
0x30: {  	s3 =	sld [smem:$0x3F9C]  }
0x31: {  	[smem:$0x3FA5] =	sst s10  }
0x32: {  	s10 =	sld [smem:$0x3FA3];
	_ =	sdelay $0x3  }
0x33: {  	p0 =	seq.s32 s10, $0x1;
	s10 =	sld [smem:$0x3FA5];
	_ =	sdelay $0x3  }
0x34: {  	[smem:$0x3FA5] =	sst s10  }
0x35: {  	s10 =	sld [smem:$0x3FA4];
	_ =	sdelay $0x3  }
0x36: {  	p1 =	seq.s32 s10, $0x1;
	s10 =	sld [smem:$0x3FA5];
	_ =	sdelay $0x3  }
0x37: {  	[smem:$0x3FA5] =	sst s10  }
0x38: {  	s10 =	sld [smem:$0x3FA6]  }
0x39: {  	_ = 	snop;
	(pc) =	sbr.ind lr, $3  }
0x3a: {  	_ = 	snop  }
0x3b: {  	_ = 	snop  }
0x3c: {  	p2 =	seq.s32 s10, $0x1;
	s10 =	sld [smem:$0x3FA5]  }
0x3d: {  	_ =	shalt  }
0x3e: {  	_ =	shalt  }
0x3f: {  	_ =	shalt  }
0x40: {  	_ =	shalt  }
0x41: {  	_ =	shalt  }
0x42: {  	_ =	shalt  }
0x43: {  	_ =	shalt  }
0x44: {  	_ =	shalt  }
0x45: {  	_ =	shalt  }
0x46: {  	_ =	shalt  }
0x47: {  	_ =	shalt  }
0x48: {  	_ =	shalt  }
0x49: {  	_ =	shalt  }
0x4a: {  	_ =	shalt  }
0x4b: {  	_ =	shalt  }
0x4c: {  	_ =	shalt  }
0x4d: {  	_ =	shalt  }
0x4e: {  	_ =	shalt  }
0x4f: {  	_ =	shalt  }
0x50: {  	_ =	shalt  }
0x51: {  	_ =	shalt  }
0x52: {  	_ =	shalt  }
0x53: {  	_ =	shalt  }
0x54: {  	_ =	shalt  }
0x55: {  	_ =	shalt  }
0x56: {  	_ =	shalt  }
0x57: {  	_ =	shalt  }
0x58: {  	_ =	shalt  }
0x59: {  	_ =	shalt  }
0x5a: {  	_ =	shalt  }
0x5b: {  	_ =	shalt  }
0x5c: {  	_ =	shalt  }
0x5d: {  	_ =	shalt  }
0x5e: {  	_ =	shalt  }
0x5f: {  	_ =	shalt  }
0x60: {  	_ =	shalt  }
0x61: {  	_ =	shalt  }
0x62: {  	_ =	shalt  }
0x63: {  	_ =	shalt  }
0x64: {  	_ =	shalt  }
0x65: {  	_ =	shalt  }
0x66: {  	_ =	shalt  }
0x67: {  	_ =	shalt  }
0x68: {  	_ =	shalt  }
0x69: {  	_ =	shalt  }
0x6a: {  	_ =	shalt  }
0x6b: {  	_ =	shalt  }
0x6c: {  	_ =	shalt  }
0x6d: {  	_ =	shalt  }
0x6e: {  	_ =	shalt  }
0x6f: {  	_ =	shalt  }
0x70: {  	_ =	shalt  }
0x71: {  	_ =	shalt  }
0x72: {  	_ =	shalt  }
0x73: {  	_ =	shalt  }
0x74: {  	_ =	shalt  }
0x75: {  	_ =	shalt  }
0x76: {  	_ =	shalt  }
0x77: {  	_ =	shalt  }
0x78: {  	_ =	shalt  }
0x79: {  	_ =	shalt  }
0x7a: {  	_ =	shalt  }
0x7b: {  	_ =	shalt  }
0x7c: {  	_ =	shalt  }
0x7d: {  	_ =	shalt  }
0x7e: {  	_ =	shalt  }
0x7f: {  	_ =	shalt  }
0x80: {  	_ =	shalt  }
0x81: {  	_ =	shalt  }
0x82: {  	_ =	shalt  }
0x83: {  	_ =	shalt  }
0x84: {  	_ =	shalt  }
0x85: {  	_ =	shalt  }
0x86: {  	_ =	shalt  }
0x87: {  	_ =	shalt  }
.Lfunc_end0:
.L_simem_size_0:
called_computation.2_lowered:
.L_overlay_start_0:
0x88: {  	s0 =	sld [smem:$0x3FD9]  }
0x89: {  	s1 =	sld [smem:$0x3FFE];
	_ =	sdelay $0x3  }
0x8a: {  	s0 =	sadd.s32 s1, s0  }
0x8b: {  	[smem:$0x3FB1] =	sst s0  }
0x8c: {  	_ = 	snop  }
0x8d: {  	(tm) =	ssettm $0x1  }
0x8e: {  	s15 =	sld [smem:$0x3FFB];
	_ =	sdelay $0x3  }
0x8f: {  	_ =	strace s15  }
0x90: {  	s0 =	sld [smem:$0x3FFC];
	_ =	sdelay $0x3  }
0x91: {  	_ =	strace s0  }
0x92: {  	s0 =	sld [smem:$0x3FFD];
	_ =	sdelay $0x3  }
0x93: {  	_ =	strace s0  }
0x94: {  	_ =	strace $0x8FFFFFFF  }
0x95: {  	s16 =	sld [smem:$0x3FDB];
	_ =	sdelay $0x1  }
0x96: {  	s17 =	simm.s32 $_scs_section_size  }
0x97: {  	s2 =	simm.s32 $_size__tile_overlayer_lowered;
	s3 =	simm.s32 $_tile_overlayer_lowered  }
0x98: {  	s20 =	simm.s32 $0x1BFF;
	s19 =	sshll.u32 s3, $0x1;
	s0 =	sadd.s32 s17, s16  }
0x99: {  	s4 =	simm.s32 $0x0;
	s18 =	sshll.u32 s2, $0x1;
	s2 =	sadd.s32 s19, s0  }
0x9a: {  	[timem:s4], [sflag:s20] =	dma.local [hbm:s2], s18  }
0x9b: {  	_ =	swait.ge [sflag:s20], s18  }
0x9c: {  	s1 =	ssub.s32 $0x0, s18;
	[sflag:s20] =	ssyncset.done $0x0  }
0x9d: {  	[sflag:s20] =	ssyncadd.s32 s1;
	_ =	sdelay $0x1  }
0x9e: {  	s21 =	simm.s32 $0x1B8B  }
0x9f: {  	_ =	swait.ge [sflag:s21], $0x1  }
0xa0: {  	[sflag:s21] =	ssyncset.done $0x0  }
0xa1: {  	s23 =	simm.s32 $0x1B8E;
	s22 =	sld [smem:$0x3FFE];
	[sflag:s21] =	ssyncadd.s32 $0xFFFFFFFF  }
0xa2: {  	s24 =	simm.s32 $execute0_lowered;
	[smem:$0x3FD2] =	sst s23  }
0xa3: {  	s2 =	sshll.u32 s24, $0x1;
	_ =	strace $0x8000004C;
	[dreg:$0x1] =	wrdreg $0xFFFFFFFF  }
0xa4: {  	s25 =	simm.s32 $_size_execute0_lowered;
	s0 =	sadd.s32 s0, s2;
	[dreg:$0x0] =	wrdreg $0x0  }
0xa5: {  	s2 =	sshll.u32 s25, $0x1;
	[dreg:$0x2] =	wrdreg s0  }
0xa6: {  	[dreg:$0x3] =	wrdreg s2  }
0xa7: {  	[dreg:$0x4] =	wrdreg $0xC0  }
0xa8: {  	_ =	task [dreg:s4], $0x5FFFF  }
0xa9: {  	[dreg:$0x1] =	wrdreg $0xFFFFFFFF  }
0xaa: {  	[dreg:$0x0] =	wrdreg $0x60  }
0xab: {  	[dreg:$0x2] =	wrdreg s22  }
0xac: {  	[dreg:$0x3] =	wrdreg $0x9  }
0xad: {  	_ =	task.clear_ibuf [dreg:s4], $0x4FFFF;
	_ =	strace $0x9000004C  }
0xae: {  	s26 =	simm.s32 $0x9;
	_ =	strace $0x8000004E  }
0xaf: {  	_ =	swait.ge [sflag:s26], $0x1  }
0xb0: {  	[sflag:s26] =	ssyncadd.s32 $0xFFFFFFFF  }
0xb1: {  	_ =	strace $0x9000004E  }
0xb2: {  	_ =	sfence  }
0xb3: {  	s28 =	sld [smem:$0x0];
	_ =	sdelay $0x1  }
0xb4: {  	s29 =	srdreg.scid  }
0xb5: {  	s30 =	sshll.u32 s29, $0xD;
	s31 =	sshrl.u32 s29, $0x2  }
0xb6: {  	s1 =	sand.u32 $0x1, s29;
	s2 =	sand.u32 $0x4000, s30;
	s0 =	sadd.s32 s31, s28  }
0xb7: {  	s1 =	sor.u32 s2, s1;
	s0 =	sshll.u32 s0, $0x11  }
0xb8: {  	s0 =	sor.u32 s0, s1  }
0xb9: {  	s0 =	sadd.s32 $0x8F2B, s0  }
0xba: {  	[sflag:s0] =	ssyncadd.remote.s32 $0x1  }
0xbb: {  	_ =	sfence.sel $0xFFFF  }
0xbc: {  	[dreg:$0x0] =	wrdreg $0xFFFFFFFF;
	(pc) =	sbr.abs _section_cstart, $3  }
0xbd: {  	[dreg:$0x1] =	wrdreg $0xFFFFFFFF  }
0xbe: {  	_ =	task.clear_ibuf [dreg:s4], $0x2FFFF;
	_ =	strace $0x9FFFFFFF  }
0xbf: {  	(tm) =	ssettm $0x7FFFFFFF  }
tec
execute0_lowered:
.L_overlay_start_1:
0x0: {  	(tag) =	ssettag $0x1  }
0x1: {  	s0 =	rddreg [dreg:$0x0];
	_ =	strace $0x8000004D;
	s1 =	simm.s32 $0x1  }
0x2: {  	s8 =	simm.s32 $0x108;
	v0 =	vimm.s32 $0x0;
	[sflag:s1] =	ssyncpa.u1 $0x0  }
0x3: {  	[tilespmem:s8+$0x70] =	vst v0  }
0x4: {  	[tilespmem:s8+$0x60] =	vst v0  }
0x5: {  	[tilespmem:s8+$0x50] =	vst v0  }
0x6: {  	[tilespmem:s8+$0x40] =	vst v0  }
0x7: {  	[tilespmem:s8+$0x30] =	vst v0  }
0x8: {  	s2 =	simm.s32 $0x40;
	s1 =	sadd.s32 $0x2E0000, s0;
	[tilespmem:s8+$0x20] =	vst v0  }
0x9: {  	s3 =	sadd.s32 $0x16400, s0;
	s4 =	sadd.s32 $0x47E00, s0;
	s5 =	sadd.s32 $0x1B800, s0;
	[tilespmem:s8+$0x10] =	vst v0  }
.LBB2_1:
0xa: {  	s2 =	sadd.s32 $0x40, s2;
	[tilespmem:s8+$0x0] =	vst v0;
	s8 =	sadd.s32 $0x80, s8  }
0xb: {  	p0 =	slt.u32 s2, $0x3C40;
	[tilespmem:s8+$0x70] =	vst v0  }
0xc: {  	[tilespmem:s8+$0x60] =	vst v0  }
.Ltmp0:
0xd: {  	[tilespmem:s8+$0x50] =	vst v0;
	(pc) =	sbr.rel @p0 .LBB2_1-.Ltmp0, $4  }
0xe: {  	[tilespmem:s8+$0x40] =	vst v0  }
0xf: {  	[tilespmem:s8+$0x30] =	vst v0  }
0x10: {  	[tilespmem:s8+$0x20] =	vst v0  }
0x11: {  	[tilespmem:s8+$0x10] =	vst v0  }
0x12: {  	s13 =	stileid.u32  }
0x13: {  	s0 =	smul.u32 $0x2C, s13  }
0x14: {  	s2 =	smin.u32 s13, $0x5  }
0x15: {  	s0 =	sadd.s32 s2, s0  }
0x16: {  	p0 =	slt.u32 s13, $0x5;
	s6 =	smul.u32 $0xF0, s0;
	s0 =	simm.s32 $0x2A30  }
0x17: {  	s0 =	simm.s32 @!p0 $0x2940  }
0x18: {  	s0 =	sadd.s32 s0, s6  }
0x19: {  	s7 =	smin.u32 s0, $0x29810  }
0x1a: {  	s0 =	ssub.s32 s7, s6  }
0x1b: {  	p0 =	sgt.s32 s0, $0x0  }
0x1c: {  	s0 =	simm.s32 @!p0 $0x0  }
0x1d: {  	s31 =	smulhi.u32 $0x88888889, s0  }
0x1e: {  	s30 =	simm.s32 $0x2;
	s9 =	simm.s32 $0x7;
	s10 =	simm.s32 $0x8  }
0x1f: {  	s19 =	simm.s32 $0x0;
	s15 =	simm.s32 $0xA;
	s2 =	sshrl.u32 s31, $0x7  }
0x20: {  	s17 =	simm.s32 $0x0;
	s18 =	simm.s32 $0x0;
	s11 =	smul.u32 $0xF0, s2  }
.Ltmp1:
0x21: {  	[tilespmem:s8+$0x0] =	vst v0;
	v0 =	vimm.s32 $0xFFFFFFFF;
	[sflag:s30] =	ssyncpa.u1 $0x0;
	s13 =	sshll.u32 s13, $0x8;
	(pc) =	sbr.rel .LBB2_3-.Ltmp1, $4  }
0x22: {  	[tilespmem:$0xF208] =	vst v0;
	[sflag:s9] =	ssyncpa.u1 $0x0;
	p0 =	sne.s32 s0, s11;
	s0 =	simm.s32 $0x1  }
0x23: {  	[sflag:s10] =	ssyncpa.u1 $0x0;
	s10 =	simm.s32 $0x9;
	s0 =	simm.s32 @!p0 $0x0  }
0x24: {  	[sflag:s10] =	ssyncpa.u1 $0x0;
	s16 =	smov.u32 s6;
	s12 =	sadd.s32 s0, s2  }
0x25: {  	v0 =	vlaneseq.u32;
	s11 =	simm.s32 $0x1;
	p0 =	por $0x0, $0x0;
	s14 =	sadd.s32 $0x1, s12  }
.LBB2_18:
0x26: {  	s0 =	sshrl.u32 s28, $0x2  }
.LBB2_20:
0x27: {  	_ =	swait.ge [sflag:s15], s0  }
0x28: {  	s31 =	ssub.s32 $0x0, s0;
	v1 =	vmov s21;
	vm0 =	veq.s32 v0, $0x0;
	[sflag:s15] =	ssyncset.done $0x0  }
0x29: {  	vm15 =	veq.s32 v0, $0x2;
	v1 =	vsel vm0, s26, v1;
	[sflag:s15] =	ssyncadd.s32 s31  }
0x2a: {  	v1 =	vsel vm15, s19, v1;
	[sflag:s15] =	ssyncpa.u1 $0x1  }
0x2b: {  	[tilespmem:$0xF208] =	vst v1  }
.LBB2_21:
0x2c: {  	s0 =	sadd.s32 $0xF0, s16  }
0x2d: {  	s2 =	smov.u32 s6;
	p1 =	slt.s32 s0, s7  }
0x2e: {  	s2 =	smov.u32 @p1 s0;
	p1 =	sne.s32 s18, s14  }
.Ltmp2:
0x2f: {  	_ = 	snop;
	(pc) =	sbr.rel @!p1 .LBB2_22-.Ltmp2, $3  }
0x30: {  	_ =	sdelay $0x1  }
0x31: {  	s19 =	smov.u32 s17;
	s31 =	sadd.s32 $0x1, s18;
	s17 =	smov.u32 s16  }
0x32: {  	p0 =	por !p0, !p0;
	s18 =	smov.u32 s31;
	s16 =	smov.u32 s2  }
.LBB2_3:
0x33: {  	p1 =	sge.u32 s18, s12  }
0x34: {  	s0 =	smulhi.u32 @!p1 $0xAAAAAAAB, s18  }
0x35: {  	s2 =	smov.u32 s16;
	p2 =	sgt.s32 @!p1 s16, $0x29720  }
0x36: {  	s20 =	sshra.s32 @!p1 s16, $0x1F;
	p2 =	por !p2, p1;
	s0 =	sshrl.u32 @!p1 s0, $0x1  }
0x37: {  	s20 =	sand.u32 @!p1 s20, s16;
	s2 =	simm.s32 @p2 $0x29720;
	s0 =	smul.u32 @!p1 $0x3, s0  }
0x38: {  	s2 =	ssub.s32 @!p1 s2, s20  }
0x39: {  	s2 =	sadd.s32 @!p1 $0xFFFD68E0, s2;
	s0 =	ssub.s32 @!p1 s18, s0  }
0x3a: {  	s20 =	sshll.u32 @!p1 s2, $0x2;
	p2 =	sgt.s32 @!p1 s2, $0xEF;
	s0 =	smul.u32 @!p1 $0x3C0, s0  }
0x3b: {  	s21 =	sand.u32 @!p1 $0x7, s16;
	s2 =	ssub.s32 @!p1 $0x3C0, s20;
	p2 =	por !p2, p1  }
0x3c: {  	s20 =	sshrl.u32 @!p1 s16, $0x3;
	s2 =	sshrl.u32 @!p1 s2, $0x2;
	s0 =	sshrl.u32 @!p1 s0, $0x2  }
0x3d: {  	s20 =	sadd.s32 @!p1 s5, s20;
	s2 =	simm.s32 @!p2 $0x0;
	s0 =	sadd.s32 @!p1 $0x10238, s0  }
0x3e: {  	[tilespmem:s0], [sflag:$0x8] =	stream.linear.gather @!p1 [hbm4b:s20+s21], s2, $0x38;
	[tilespmem:$0x1F6E8] =	vst v63  }
0x3f: {  	s0 =	sadd.s32 $0xFFFFFFFF, s18  }
0x40: {  	p1 =	sge.u32 s0, s12  }
0x41: {  	p2 =	sgt.s32 @!p1 s17, $0x29720  }
0x42: {  	s2 =	smov.u32 s17;
	s20 =	sshra.s32 @!p1 s17, $0x1F;
	p2 =	por !p2, p1  }
0x43: {  	s20 =	sand.u32 @!p1 s20, s17;
	s2 =	simm.s32 @p2 $0x29720  }
0x44: {  	s2 =	ssub.s32 @!p1 s2, s20  }
0x45: {  	s2 =	sadd.s32 @!p1 $0xFFFD68E0, s2  }
0x46: {  	s21 =	sand.u32 @!p1 $0x1, s0;
	s20 =	sshll.u32 @!p1 s2, $0x2  }
0x47: {  	p2 =	sgt.s32 @!p1 s2, $0xEF;
	s2 =	ssub.s32 @!p1 $0x3C0, s20;
	s20 =	smulhi.u32 @!p1 $0xAAAAAAAB, s0  }
0x48: {  	s23 =	smul.u32 @!p1 $0x3C0, s21;
	p2 =	por !p2, p1;
	s2 =	sshrl.u32 @!p1 s2, $0x2  }
0x49: {  	s22 =	simm.s32 @!p1 $0x8;
	s2 =	simm.s32 @!p2 $0x0;
	s20 =	sshrl.u32 @!p1 s20, $0x1  }
0x4a: {  	s23 =	sshrl.u32 @!p1 s23, $0x2;
	_ =	swait.ge @!p1 [sflag:s22], s2;
	s20 =	smul.u32 @!p1 $0x3, s20  }
0x4b: {  	s23 =	sor.u32 @!p1 $0x10508, s23;
	s24 =	ssub.s32 @!p1 $0x0, s2;
	[sflag:s22] =	ssyncset.done @!p1 $0x0  }
0x4c: {  	[sflag:s22] =	ssyncadd.s32 @!p1 s24;
	s22 =	sshrl.u32 @!p1 s17, $0x3;
	s0 =	ssub.s32 @!p1 s0, s20  }
0x4d: {  	s24 =	sand.u32 @!p1 $0x7, s17;
	s22 =	sadd.s32 @!p1 s3, s22;
	s0 =	smul.u32 @!p1 $0x3C0, s0  }
0x4e: {  	[tilespmem:s23], [sflag:$0x9] =	stream.linear.gather @!p1 [hbm4b:s22+s24], s2, $0x38;
	[tilespmem:$0x1F6E8] =	vst v63  }
0x4f: {  	s20 =	ssub.s32 @!p1 $0x29810, s17;
	s2 =	smul.u32 @!p1 $0x1E000, s21  }
0x50: {  	p2 =	slt.s32 @!p1 s20, $0xF0  }
0x51: {  	p2 =	por !p2, p1;
	s0 =	sshrl.u32 @!p1 s0, $0x2;
	s2 =	sshrl.u32 @!p1 s2, $0x2  }
0x52: {  	s20 =	simm.s32 @p2 $0xF0;
	s0 =	sadd.s32 @!p1 $0x10238, s0;
	s2 =	sor.u32 @!p1 $0x106E8, s2  }
0x53: {  	[tilespmem:s2], [sflag:$0x7] =	stream.indirect.gather @!p1 [hbm4b:s4+s20], $0x80, s0, s20, $0xb8;
	[tilespmem:$0x1F6E8] =	vst v63  }
0x54: {  	p1 =	slt.u32 s18, $0x2  }
.Ltmp3:
0x55: {  	_ = 	snop;
	(pc) =	sbr.rel @p1 .LBB2_21-.Ltmp3, $1  }
0x56: {  	_ =	sdelay $0x3  }
0x57: {  	p1 =	sgt.s32 s19, $0x29720;
	s0 =	smov.u32 s19  }
0x58: {  	s2 =	sshra.s32 s19, $0x1F;
	s20 =	ssub.s32 $0x29810, s19;
	s0 =	simm.s32 @!p1 $0x29720  }
0x59: {  	s2 =	sand.u32 s2, s19;
	p1 =	slt.s32 s20, $0xF0;
	s21 =	smov.u32 s20  }
0x5a: {  	s0 =	ssub.s32 s0, s2;
	s21 =	simm.s32 @!p1 $0xF0  }
0x5b: {  	s0 =	sadd.s32 $0xFFFD68E0, s0;
	s28 =	sshll.u32 s21, $0x7  }
0x5c: {  	s29 =	sshll.u32 s0, $0x2;
	s2 =	sand.u32 $0x3FFFFF80, s28  }
0x5d: {  	p1 =	sgt.s32 s0, $0xEF;
	s30 =	ssub.s32 $0x3C0, s29;
	_ =	swait.ge [sflag:s9], s2  }
0x5e: {  	s2 =	ssub.s32 $0x0, s2;
	[sflag:s9] =	ssyncset.done $0x0;
	s0 =	sshrl.u32 s30, $0x2  }
0x5f: {  	[sflag:s9] =	ssyncadd.s32 s2;
	s0 =	simm.s32 @p1 $0x0  }
0x60: {  	_ =	swait.ge [sflag:s10], s0  }
0x61: {  	s0 =	ssub.s32 $0x0, s0;
	[sflag:s10] =	ssyncset.done $0x0  }
0x62: {  	[sflag:s10] =	ssyncadd.s32 s0  }
0x63: {  	v1 =	vld [tilespmem:$0xF208];
	_ =	sdelay $0x4  }
0x64: {  	(v2sf) =	vpush v1, $0x0  }
0x65: {  	(v2sf) =	vpush v1, $0x1  }
0x66: {  	(v2sf) =	vpush v1, $0x2;
	_ =	sdelay $0x3  }
0x67: {  	s0 =	sadd.s32 $0xF0, s19  }
0x68: {  	p1 =	slt.s32 s7, s0  }
0x69: {  	s0 =	smov.u32 @p1 s7;
	p1 =	sgt.s32 s20, $0x0  }
0x6a: {  	s23 =	ssub.s32 s0, s19;
	s20 =	simm.s32 @!p1 $0x0  }
0x6b: {  	p1 =	slt.s32 s20, s23  }
0x6c: {  	s23 =	smov.u32 @p1 s20  }
0x6d: {  	s22 =	simm.s32 $0x1;
	p1 =	slt.s32 s23, $0x1  }
.Ltmp4:
0x6e: {  	s22 =	simm.s32 @!p0 $0x0;
	(pc) =	sbr.rel @p1 .LBB2_8-.Ltmp4, $4  }
0x6f: {  	s31 =	smul.u32 $0x3C0, s22  }
0x70: {  	s24 =	spop (v2sf)  }
0x71: {  	s0 =	sshrl.u32 s31, $0x2;
	s26 =	spop (v2sf)  }
0x72: {  	s20 =	sor.u32 $0x10508, s0;
	s19 =	spop (v2sf)  }
0x73: {  	s0 =	smin.u32 s23, $0x10  }
0x74: {  	v1 =	vmov s0  }
0x75: {  	p2 =	sgt.s32 s23, $0x10;
	vm1 =	vgt.u32 v1, v0  }
.Ltmp5:
0x76: {  	_ = 	snop;
	(pc) =	sbr.rel @!p2 .LBB2_7-.Ltmp5, $2  }
0x77: {  	_ =	sdelay $0x2  }
0x78: {  	s25 =	simm.s32 $0x10;
	s28 =	sadd.s32 $0xFFFFFFF0, s23;
	s21 =	smov.u32 s20;
	vm0 =	vmmov vm1  }
.LBB2_6:
0x79: {  	s0 =	smin.u32 s28, $0x10;
	s25 =	sadd.s32 $0x10, s25;
	v1 =	vld.msk [tilespmem:s21+$0x0 ss:$0x1], vm1  }
0x7a: {  	v2 =	vmov s0;
	p2 =	slt.s32 s25, s23  }
0x7b: {  	vm1 =	vgt.u32 v2, v0  }
.Ltmp6:
0x7c: {  	(pc) =	sbr.rel @p2 .LBB2_6-.Ltmp6, $3  }
0x7d: {  	_ =	sdelay $0x1  }
0x7e: {  	v1 =	vshll.u32 v1, $0x4  }
0x7f: {  	s28 =	sadd.s32 $0xFFFFFFF0, s28;
	[tilespmem:s21+$0x0] =	vst.msk vm0, v1;
	s21 =	sadd.s32 $0x10, s21;
	vm0 =	vmmov vm1  }
.LBB2_7:
0x80: {  	_ =	sdelay $0x4  }
0x81: {  	v1 =	vld.msk [tilespmem:s21+$0x0 ss:$0x1], vm1;
	_ =	sdelay $0x4  }
0x82: {  	v1 =	vshll.u32 v1, $0x4  }
0x83: {  	[tilespmem:s21+$0x0] =	vst.msk vm0, v1  }
.LBB2_8:
0x84: {  	s0 =	sand.u32 $0x1, s18  }
0x85: {  	s0 =	smul.u32 $0xF0, s0  }
0x86: {  	p2 =	sne.s32 s26, $0xFFFFFFFF  }
0x87: {  	v1 =	vld.msk @!p2 [tilespmem:s0+$0x10508], $0x1;
	_ =	sdelay $0x4  }
0x88: {  	(v2sf) =	vpush @!p2 v1, $0x0;
	_ =	sdelay $0xc  }
.Ltmp7:
0x89: {  	_ = 	snop;
	(pc) =	sbr.rel @p1 .LBB2_19-.Ltmp7, $4  }
0x8a: {  	_ = 	snop  }
0x8b: {  	s25 =	spop @!p2 (v2sf)  }
0x8c: {  	s19 =	simm.s32 @!p2 $0x0;
	s21 =	smov.u32 s25  }
0x8d: {  	[sflag:s15] =	ssyncpa.u1 $0x0;
	s25 =	smov.u32 @p2 s24;
	s21 =	smov.u32 @p2 s26  }
0x8e: {  	v1 =	vld.msk [tilespmem:s20+$0x0], $0x1;
	_ =	sdelay $0x4  }
0x8f: {  	(v2sf) =	vpush v1, $0x0;
	_ =	sdelay $0xe  }
0x90: {  	s0 =	smul.u32 $0x1E000, s22;
	s29 =	spop (v2sf)  }
0x91: {  	s23 =	ssub.s32 $0x0, s23;
	p1 =	seq.s32 s25, s29  }
0x92: {  	s26 =	sadd.s32 $0x1, s23;
	s0 =	sshrl.u32 s0, $0x2;
	p2 =	sgt.s32 @!p1 s25, $0x0  }
0x93: {  	s22 =	sor.u32 $0x10728, s0;
	s0 =	smov.u32 s25;
	p2 =	por !p2, p1  }
0x94: {  	s0 =	simm.s32 @p2 $0x0;
	p2 =	seq.s32 s26, $0x0  }
.Ltmp8:
0x95: {  	_ = 	snop;
	(pc) =	sbr.rel @p2 .LBB2_11-.Ltmp8, $4  }
0x96: {  	_ = 	snop  }
0x97: {  	s24 =	simm.s32 $0x0;
	s28 =	sadd.s32 $0x1, s20;
	s0 =	smin.u32 @!p1 s0, $0x270F0  }
0x98: {  	s30 =	simm.s32 @!p1 $0x1;
	s31 =	simm.s32 @!p1 $0x7988;
	s2 =	sand.u32 @!p1 $0x3FFF8, s0  }
0x99: {  	s30 =	smov.u32 @p1 s24;
	s0 =	sand.u32 @!p1 $0x7, s0;
	s2 =	sadd.s32 @!p1 s1, s2  }
.LBB2_10:
0x9a: {  	s8 =	smov.u32 s30  }
0x9b: {  	[tilespmem:s31], [sflag:$0x2] =	stream.linear.gather @!p1 [hbm4b:s2+s0], $0x80, $0x38;
	[tilespmem:$0x1F6E8] =	vst v63  }
0x9c: {  	s26 =	sadd.s32 $0x1, s26;
	s0 =	smov.u32 s29;
	v1 =	vld.msk [tilespmem:s28+$0x0], $0x1  }
0x9d: {  	p2 =	seq.s32 s26, $0x0;
	_ =	sdelay $0x3  }
0x9e: {  	(v2sf) =	vpush v1, $0x0;
	_ =	sdelay $0xe  }
0x9f: {  	s29 =	spop (v2sf)  }
0xa0: {  	p1 =	seq.s32 s0, s29  }
0xa1: {  	p3 =	sgt.s32 @!p1 s0, $0x0;
	s2 =	sshll.u32 @!p1 s30, $0x9;
	s30 =	sadd.s32 @!p1 $0x1, s30  }
.Ltmp9:
0xa2: {  	p3 =	por !p3, p1;
	s2 =	sshra.s32 @!p1 s2, $0x2;
	(pc) =	sbr.rel @!p2 .LBB2_10-.Ltmp9, $4  }
0xa3: {  	s30 =	smov.u32 @p1 s8;
	s0 =	simm.s32 @p3 $0x0;
	s31 =	sadd.s32 @!p1 $0x7988, s2  }
0xa4: {  	s0 =	smin.u32 @!p1 s0, $0x270F0  }
0xa5: {  	s2 =	sand.u32 @!p1 $0x3FFF8, s0;
	s0 =	sand.u32 @!p1 $0x7, s0  }
0xa6: {  	s28 =	sadd.s32 $0x1, s28;
	s2 =	sadd.s32 @!p1 s1, s2  }
.LBB2_11:
0xa7: {  	[tilespmem:s31], [sflag:$0x2] =	stream.linear.gather @!p1 [hbm4b:s2+s0], $0x80, $0x38;
	[tilespmem:$0x1F6E8] =	vst v63  }
.Ltmp10:
0xa8: {  	s30 =	sshll.u32 s30, $0x7;
	(pc) =	sbr.rel .LBB2_12-.Ltmp10, $4  }
0xa9: {  	s31 =	simm.s32 $0x2;
	s0 =	sand.u32 $0x3FFFFF80, s30  }
0xaa: {  	_ =	swait.ge [sflag:s31], s0  }
0xab: {  	s0 =	ssub.s32 $0x0, s0;
	[sflag:s31] =	ssyncset.done $0x0  }
0xac: {  	s28 =	simm.s32 $0x0;
	[sflag:s31] =	ssyncadd.s32 s0  }
.LBB2_13:
0xad: {  	v1 =	vld [tilespmem:s22+$0xFFFFFFC0];
	_ =	sdelay $0x3  }
0xae: {  	s0 =	sshra.s32 s0, $0x2  }
0xaf: {  	[tilespmem:s0+$0x108] =	vst.add.f32.msk $0xffff, v1  }
0xb0: {  	v1 =	vld [tilespmem:s22+$0xFFFFFFD0];
	_ =	sdelay $0x4  }
0xb1: {  	[tilespmem:s0+$0x118] =	vst.add.f32.msk $0xffff, v1  }
0xb2: {  	v1 =	vld [tilespmem:s22+$0xFFFFFFE0];
	_ =	sdelay $0x4  }
0xb3: {  	[tilespmem:s0+$0x128] =	vst.add.f32.msk $0xffff, v1  }
0xb4: {  	v1 =	vld [tilespmem:s22+$0xFFFFFFF0];
	_ =	sdelay $0x4  }
0xb5: {  	[tilespmem:s0+$0x138] =	vst.add.f32.msk $0xffff, v1  }
0xb6: {  	v1 =	vld [tilespmem:s22+$0x0];
	_ =	sdelay $0x4  }
0xb7: {  	[tilespmem:s0+$0x148] =	vst.add.f32.msk $0xffff, v1  }
0xb8: {  	v1 =	vld [tilespmem:s22+$0x10];
	_ =	sdelay $0x4  }
0xb9: {  	[tilespmem:s0+$0x158] =	vst.add.f32.msk $0xffff, v1  }
0xba: {  	v1 =	vld [tilespmem:s22+$0x20];
	_ =	sdelay $0x4  }
0xbb: {  	[tilespmem:s0+$0x168] =	vst.add.f32.msk $0xffff, v1  }
0xbc: {  	v1 =	vld [tilespmem:s22+$0x30];
	_ =	sdelay $0x4  }
0xbd: {  	[tilespmem:s0+$0x178] =	vst.add.f32.msk $0xffff, v1  }
.LBB2_17:
0xbe: {  	s23 =	sadd.s32 $0x1, s23  }
0xbf: {  	p1 =	seq.s32 s23, $0x0  }
.Ltmp11:
0xc0: {  	_ = 	snop;
	(pc) =	sbr.rel @p1 .LBB2_18-.Ltmp11, $2  }
0xc1: {  	_ =	sdelay $0x2  }
0xc2: {  	s20 =	sadd.s32 $0x1, s20;
	s22 =	sadd.s32 $0x80, s22;
	s25 =	smov.u32 s26  }
.LBB2_12:
0xc3: {  	v1 =	vld.msk [tilespmem:s20+$0x0], $0x1;
	_ =	sdelay $0x4  }
0xc4: {  	(v2sf) =	vpush v1, $0x0;
	_ =	sdelay $0xe  }
0xc5: {  	s26 =	spop (v2sf)  }
0xc6: {  	p1 =	sne.s32 s25, s26  }
.Ltmp12:
0xc7: {  	_ = 	snop;
	(pc) =	sbr.rel @!p1 .LBB2_13-.Ltmp12, $2  }
0xc8: {  	_ =	sdelay $0x2  }
0xc9: {  	s0 =	sshll.u32 s19, $0x9  }
0xca: {  	p1 =	seq.s32 s25, s21  }
.Ltmp13:
0xcb: {  	_ = 	snop;
	(pc) =	sbr.rel @!p1 .LBB2_15-.Ltmp13, $1  }
0xcc: {  	_ =	sdelay $0x3  }
0xcd: {  	s0 =	sshra.s32 s0, $0x2  }
.Ltmp14:
0xce: {  	s0 =	sadd.s32 $0x108, s0;
	(pc) =	sbr.rel .LBB2_16-.Ltmp14, $4  }
0xcf: {  	[spmem:s13] =	stream.linear.scatter [tilespmem:s0], [sflag:$0x1], $0x80, $0x38;
	[tilespmem:$0x1F6E8] =	vst v63  }
0xd0: {  	_ =	swait.ge [sflag:s11], $0x80  }
0xd1: {  	[sflag:s11] =	ssyncset.done $0x0  }
0xd2: {  	[sflag:s11] =	ssyncadd.s32 $0xFFFFFF80  }
.LBB2_15:
0xd3: {  	s2 =	sshll.u32 s24, $0x9  }
0xd4: {  	s2 =	sshra.s32 s2, $0x2  }
0xd5: {  	v1 =	vld [tilespmem:s2+$0x7988];
	_ =	sdelay $0x3  }
0xd6: {  	s0 =	sshra.s32 s0, $0x2  }
0xd7: {  	[tilespmem:s0+$0x108] =	vst.add.f32.msk $0xffff, v1  }
0xd8: {  	v1 =	vld [tilespmem:s2+$0x7998];
	_ =	sdelay $0x4  }
0xd9: {  	[tilespmem:s0+$0x118] =	vst.add.f32.msk $0xffff, v1  }
0xda: {  	v1 =	vld [tilespmem:s2+$0x79A8];
	_ =	sdelay $0x4  }
0xdb: {  	[tilespmem:s0+$0x128] =	vst.add.f32.msk $0xffff, v1  }
0xdc: {  	v1 =	vld [tilespmem:s2+$0x79B8];
	_ =	sdelay $0x4  }
0xdd: {  	[tilespmem:s0+$0x138] =	vst.add.f32.msk $0xffff, v1  }
0xde: {  	v1 =	vld [tilespmem:s2+$0x79C8];
	_ =	sdelay $0x4  }
0xdf: {  	[tilespmem:s0+$0x148] =	vst.add.f32.msk $0xffff, v1  }
0xe0: {  	v1 =	vld [tilespmem:s2+$0x79D8];
	_ =	sdelay $0x4  }
0xe1: {  	[tilespmem:s0+$0x158] =	vst.add.f32.msk $0xffff, v1  }
0xe2: {  	v1 =	vld [tilespmem:s2+$0x79E8];
	_ =	sdelay $0x4  }
0xe3: {  	[tilespmem:s0+$0x168] =	vst.add.f32.msk $0xffff, v1  }
0xe4: {  	v1 =	vld [tilespmem:s2+$0x79F8];
	_ =	sdelay $0x2  }
0xe5: {  	p1 =	sgt.u32 s25, $0x270F0  }
0xe6: {  	s2 =	sand.u32 @!p1 $0x3FFF8, s25  }
0xe7: {  	s8 =	sadd.s32 $0x108, s0;
	[tilespmem:s0+$0x178] =	vst.add.f32.msk $0xffff, v1;
	s0 =	sadd.s32 @!p1 s1, s2;
	s2 =	sand.u32 @!p1 $0x7, s25  }
0xe8: {  	[hbm4b:s0+s2] =	stream.linear.scatter @!p1 [tilespmem:s8], [sflag:$0xA], $0x80, $0x38;
	[tilespmem:$0x1F6E8] =	vst v63  }
0xe9: {  	s0 =	simm.s32 $0x0  }
0xea: {  	s0 =	simm.s32 @!p1 $0x200  }
0xeb: {  	s28 =	sadd.s32 s0, s28  }
.LBB2_16:
0xec: {  	s0 =	sadd.s32 $0x1, s19  }
0xed: {  	s2 =	smulhi.u32 $0x88888889, s0;
	_ =	sdelay $0x1  }
0xee: {  	v1 =	vld [tilespmem:s22+$0xFFFFFFC0];
	s2 =	sshrl.u32 s2, $0x7  }
0xef: {  	s2 =	smul.u32 $0xF0, s2;
	_ =	sdelay $0x1  }
0xf0: {  	s19 =	ssub.s32 s0, s2  }
0xf1: {  	s0 =	sshll.u32 s19, $0x7  }
0xf2: {  	[tilespmem:s0+$0x108] =	vst v1  }
0xf3: {  	v1 =	vld [tilespmem:s22+$0xFFFFFFD0];
	_ =	sdelay $0x4  }
0xf4: {  	[tilespmem:s0+$0x118] =	vst v1  }
0xf5: {  	v1 =	vld [tilespmem:s22+$0xFFFFFFE0];
	_ =	sdelay $0x4  }
0xf6: {  	[tilespmem:s0+$0x128] =	vst v1  }
0xf7: {  	v1 =	vld [tilespmem:s22+$0xFFFFFFF0];
	_ =	sdelay $0x4  }
0xf8: {  	[tilespmem:s0+$0x138] =	vst v1  }
0xf9: {  	v1 =	vld [tilespmem:s22+$0x0];
	_ =	sdelay $0x4  }
0xfa: {  	[tilespmem:s0+$0x148] =	vst v1  }
0xfb: {  	v1 =	vld [tilespmem:s22+$0x10];
	_ =	sdelay $0x4  }
0xfc: {  	[tilespmem:s0+$0x158] =	vst v1  }
0xfd: {  	v1 =	vld [tilespmem:s22+$0x20];
	_ =	sdelay $0x4  }
0xfe: {  	[tilespmem:s0+$0x168] =	vst v1  }
0xff: {  	v1 =	vld [tilespmem:s22+$0x30]  }
.Ltmp15:
0x100: {  	_ = 	snop;
	(pc) =	sbr.rel .LBB2_17-.Ltmp15, $2  }
0x101: {  	_ =	sdelay $0x2  }
0x102: {  	s24 =	sadd.s32 $0x1, s24;
	[tilespmem:s0+$0x178] =	vst v1  }
.LBB2_19:
.Ltmp16:
0x103: {  	(pc) =	sbr.rel .LBB2_20-.Ltmp16, $4  }
0x104: {  	_ = 	snop  }
0x105: {  	s0 =	simm.s32 $0x2  }
0x106: {  	_ =	swait.ge [sflag:s0], $0x0  }
0x107: {  	s26 =	smov.u32 s25;
	[sflag:s0] =	ssyncset.done $0x0;
	s0 =	simm.s32 $0x0  }
.LBB2_22:
0x108: {  	_ =	sfence.sel $0x180000  }
0x109: {  	s0 =	simm.s32 $0x7;
	[bflag:$0x0] =	sbarrier.arrive $0xFFFF  }
0x10a: {  	s25 =	simm.s32 $0x8;
	[sflag:s0] =	ssyncpa.u1 $0x1  }
0x10b: {  	s26 =	simm.s32 $0x9;
	[sflag:s25] =	ssyncpa.u1 $0x1  }
0x10c: {  	s28 =	simm.s32 $0x2;
	[sflag:s26] =	ssyncpa.u1 $0x1  }
0x10d: {  	[sflag:s28] =	ssyncpa.u1 $0x1  }
0x10e: {  	v0 =	vld [tilespmem:$0xF208];
	_ =	sdelay $0x4  }
0x10f: {  	(v2sf) =	vpush v0, $0x0  }
0x110: {  	(v2sf) =	vpush v0, $0x1;
	_ =	sdelay $0x1  }
0x111: {  	(v2sf) =	vpush v0, $0x2;
	_ =	sdelay $0xb  }
0x112: {  	s0 =	spop (v2sf)  }
0x113: {  	s2 =	spop (v2sf)  }
0x114: {  	s3 =	smov.u32 s0;
	p0 =	sne.s32 s0, s2  }
0x115: {  	s4 =	spop (v2sf);
	s3 =	simm.s32 @!p0 $0xFFFFFFFF  }
0x116: {  	v2 =	vimm.s32 $0x1;
	v3 =	vlaneseq.u32;
	p0 =	seq.s32 s4, $0xFFFFFFFF;
	v1 =	vmov s3  }
0x117: {  	s7 =	stileid.u32;
	v0 =	vperm.xlane v0, v2;
	p1 =	sne.s32 @!p0 s0, s2;
	v1 =	vperm.xlane v1, v3  }
0x118: {  	vm0 =	vcmask $0x3F04;
	s6 =	simm.s32 $0xF208;
	s0 =	simm.s32 @!p0 $0x1;
	p1 =	por !p1, p0  }
0x119: {  	s3 =	sshll.u32 s7, $0x1;
	s2 =	sshll.u32 @!p0 s4, $0x9;
	s0 =	simm.s32 @p1 $0x0;
	v0 =	vsel vm0, v1, v0  }
0x11a: {  	s5 =	sor.u32 $0x1000, s3;
	s2 =	sshra.s32 @!p0 s2, $0x2;
	s0 =	sor.u32 @!p0 s0, s3;
	[tilespmem:$0xF208] =	vst v0  }
0x11b: {  	[spmem:s5] =	stream.linear.scatter [tilespmem:s6], [sflag:$0x1], $0x2, $0x38;
	[tilespmem:$0x1F6E8] =	vst v63  }
0x11c: {  	s2 =	sadd.s32 @!p0 $0x108, s2;
	s0 =	sshll.u32 @!p0 s0, $0x7  }
0x11d: {  	[spmem:s0] =	stream.linear.scatter @!p0 [tilespmem:s2], [sflag:$0x1], $0x80, $0x38;
	[tilespmem:$0x1F6E8] =	vst v63  }
0x11e: {  	s0 =	simm.s32 @!p0 $0x82  }
0x11f: {  	s3 =	simm.s32 $0x1;
	s0 =	simm.s32 @p0 $0x2  }
0x120: {  	_ =	swait.ge [sflag:s3], s0  }
0x121: {  	s0 =	ssub.s32 $0x0, s0;
	[sflag:s3] =	ssyncset.done $0x0  }
0x122: {  	[sflag:s3] =	ssyncadd.s32 s0  }
0x123: {  	_ =	sfence.stream.spmem  }
0x124: {  	s29 =	simm.s32 $0x3;
	[bflag:$0x0] =	sbarrier.arrive $0xFFFF  }
0x125: {  	s30 =	simm.s32 $0x4;
	[sflag:s29] =	ssyncpa.u1 $0x1  }
0x126: {  	s31 =	simm.s32 $0x3C;
	[sflag:s30] =	ssyncpa.u1 $0x1  }
0x127: {  	p0 =	sne.s32 s7, $0x0;
	[sflag:s31] =	ssyncpa.u1 $0x1  }
0x128: {  	_ =	sfence @p0  }
0x129: {  	[sflag:s3] =	ssyncpa.u1 @p0 $0x1  }
0x12a: {  	_ =	strace @p0 $0x9000004D  }
0x12b: {  	[bflag:$0x2] =	sbarrier.arrive @p0 $0xFFFF  }
0x12c: {  	_ =	shalt @p0  }
.LBB2_23:
0x12d: {  	_ =	sfence.stream.spmem;
	s0 =	simm.s32 $0x5  }
0x12e: {  	s2 =	simm.s32 $0x1000;
	s3 =	simm.s32 $0xF218;
	[sflag:s0] =	ssyncpa.u1 $0x0  }
0x12f: {  	[tilespmem:s3], [sflag:$0x5] =	stream.linear.gather [spmem:s2], $0x20, $0x38;
	[tilespmem:$0x1F6E8] =	vst v63  }
0x130: {  	s30 =	simm.s32 $0xF238;
	s2 =	simm.s32 $0x0  }
0x131: {  	[tilespmem:s30], [sflag:$0x5] =	stream.linear.gather [spmem:s2], $0x1000, $0x38;
	[tilespmem:$0x1F6E8] =	vst v63  }
.Ltmp17:
0x132: {  	_ = 	snop;
	(pc) =	sbr.rel .LBB2_24-.Ltmp17, $4  }
0x133: {  	_ =	swait.ge [sflag:s0], $0x1020  }
0x134: {  	[sflag:s0] =	ssyncset.done $0x0  }
0x135: {  	s31 =	simm.s32 $0x6;
	[sflag:s0] =	ssyncadd.s32 $0xFFFFEFE0  }
0x136: {  	s3 =	simm.s32 $0x0;
	[sflag:s31] =	ssyncpa.u1 $0x0  }
.LBB2_30:
0x137: {  	p0 =	slt.u32 s4, $0x270F1  }
0x138: {  	s0 =	sand.u32 @p0 $0x3FFF8, s4  }
0x139: {  	s4 =	sand.u32 @p0 $0x7, s4;
	s5 =	simm.s32 @p0 $0xF188;
	s0 =	sadd.s32 @p0 s1, s0  }
0x13a: {  	[tilespmem:s5], [sflag:$0x6] =	stream.linear.gather @p0 [hbm4b:s0+s4], $0x80, $0x38;
	[tilespmem:$0x1F6E8] =	vst v63  }
0x13b: {  	s0 =	simm.s32 @p0 $0x6  }
0x13c: {  	_ =	swait.ge @p0 [sflag:s0], $0x80  }
0x13d: {  	[sflag:s0] =	ssyncset.done @p0 $0x0  }
0x13e: {  	[sflag:s0] =	ssyncadd.s32 @p0 $0xFFFFFF80  }
0x13f: {  	v1 =	vld @p0 [tilespmem:$0xF188];
	_ =	sdelay $0x2  }
0x140: {  	s0 =	sshll.u32 @p0 s3, $0x9  }
0x141: {  	s4 =	sshrl.u32 @p0 s0, $0x2  }
0x142: {  	[tilespmem:s4+$0xF238] =	vst.add.f32.msk @p0 $0xffff, v1  }
0x143: {  	v1 =	vld @p0 [tilespmem:$0xF198];
	_ =	sdelay $0x4  }
0x144: {  	[tilespmem:s4+$0xF248] =	vst.add.f32.msk @p0 $0xffff, v1  }
0x145: {  	v1 =	vld @p0 [tilespmem:$0xF1A8];
	_ =	sdelay $0x4  }
0x146: {  	[tilespmem:s4+$0xF258] =	vst.add.f32.msk @p0 $0xffff, v1  }
0x147: {  	v1 =	vld @p0 [tilespmem:$0xF1B8];
	_ =	sdelay $0x4  }
0x148: {  	[tilespmem:s4+$0xF268] =	vst.add.f32.msk @p0 $0xffff, v1  }
0x149: {  	v1 =	vld @p0 [tilespmem:$0xF1C8];
	_ =	sdelay $0x4  }
0x14a: {  	[tilespmem:s4+$0xF278] =	vst.add.f32.msk @p0 $0xffff, v1  }
0x14b: {  	v1 =	vld @p0 [tilespmem:$0xF1D8];
	_ =	sdelay $0x4  }
0x14c: {  	[tilespmem:s4+$0xF288] =	vst.add.f32.msk @p0 $0xffff, v1  }
0x14d: {  	v1 =	vld @p0 [tilespmem:$0xF1E8];
	_ =	sdelay $0x4  }
0x14e: {  	[tilespmem:s4+$0xF298] =	vst.add.f32.msk @p0 $0xffff, v1  }
0x14f: {  	v1 =	vld @p0 [tilespmem:$0xF1F8];
	_ =	sdelay $0x3  }
0x150: {  	s5 =	sshll.u32 @!p0 s3, $0x9  }
0x151: {  	s5 =	smov.u32 @p0 s0;
	[tilespmem:s4+$0xF2A8] =	vst.add.f32.msk @p0 $0xffff, v1  }
0x152: {  	s0 =	sshrl.u32 s5, $0x2;
	[tilespmem:s2+$0xF218] =	vst.msk $0x1, v0  }
0x153: {  	v0 =	vld [tilespmem:s0+$0xF238];
	_ =	sdelay $0x2  }
0x154: {  	s31 =	sshll.u32 s2, $0x9  }
0x155: {  	s4 =	sshra.s32 s31, $0x2  }
0x156: {  	[tilespmem:s4+$0xF238] =	vst v0  }
0x157: {  	v0 =	vld [tilespmem:s0+$0xF248];
	_ =	sdelay $0x4  }
0x158: {  	[tilespmem:s4+$0xF248] =	vst v0  }
0x159: {  	v0 =	vld [tilespmem:s0+$0xF258];
	_ =	sdelay $0x4  }
0x15a: {  	[tilespmem:s4+$0xF258] =	vst v0  }
0x15b: {  	v0 =	vld [tilespmem:s0+$0xF268];
	_ =	sdelay $0x4  }
0x15c: {  	[tilespmem:s4+$0xF268] =	vst v0  }
0x15d: {  	v0 =	vld [tilespmem:s0+$0xF278];
	_ =	sdelay $0x4  }
0x15e: {  	[tilespmem:s4+$0xF278] =	vst v0  }
0x15f: {  	v0 =	vld [tilespmem:s0+$0xF288];
	_ =	sdelay $0x4  }
0x160: {  	[tilespmem:s4+$0xF288] =	vst v0  }
0x161: {  	v0 =	vld [tilespmem:s0+$0xF298];
	_ =	sdelay $0x4  }
0x162: {  	[tilespmem:s4+$0xF298] =	vst v0  }
0x163: {  	v0 =	vld [tilespmem:s0+$0xF2A8];
	_ =	sdelay $0x4  }
0x164: {  	s2 =	sadd.s32 $0x1, s2;
	[tilespmem:s4+$0xF2A8] =	vst v0  }
.LBB2_31:
0x165: {  	s3 =	sadd.s32 $0x1, s3  }
0x166: {  	p0 =	sne.s32 s3, $0x20  }
.Ltmp18:
0x167: {  	_ = 	snop;
	(pc) =	sbr.rel @!p0 .LBB2_32-.Ltmp18, $1  }
0x168: {  	_ =	sdelay $0x3  }
.LBB2_24:
0x169: {  	v0 =	vld.msk [tilespmem:s3+$0xF218], $0x1;
	_ =	sdelay $0x4  }
0x16a: {  	(v2sf) =	vpush v0, $0x0;
	_ =	sdelay $0xe  }
0x16b: {  	s4 =	spop (v2sf)  }
0x16c: {  	p0 =	seq.s32 s4, $0xFFFFFFFF  }
.Ltmp19:
0x16d: {  	_ = 	snop;
	(pc) =	sbr.rel @p0 .LBB2_31-.Ltmp19, $1  }
0x16e: {  	_ =	sdelay $0x3  }
0x16f: {  	p0 =	slt.s32 s2, $0x1  }
.Ltmp20:
0x170: {  	_ = 	snop;
	(pc) =	sbr.rel @p0 .LBB2_30-.Ltmp20, $1  }
0x171: {  	_ =	sdelay $0x3  }
0x172: {  	s5 =	simm.s32 $0xF218;
	p0 =	por $0x0, $0x0  }
0x173: {  	v1 =	vld.msk @!p0 [tilespmem:s5+$0x0], $0x1;
	_ =	sdelay $0x4  }
0x174: {  	(v2sf) =	vpush @!p0 v1, $0x0;
	_ =	sdelay $0xd  }
0x175: {  	p2 =	sne.s32 s2, $0x1  }
.Ltmp21:
0x176: {  	s0 =	spop @!p0 (v2sf);
	(pc) =	sbr.rel @!p2 .LBB2_28-.Ltmp21, $4  }
0x177: {  	p1 =	seq.s32 @!p0 s4, s0  }
0x178: {  	s6 =	simm.s32 $0x0;
	p1 =	por !p1, p0  }
0x179: {  	s0 =	simm.s32 $0xFFFFFFFF;
	s6 =	simm.s32 @p1 $0xFFFFFFFF  }
0x17a: {  	s7 =	simm.s32 $0x1;
	s6 =	smov.u32 @p0 s0  }
.LBB2_27:
0x17b: {  	s0 =	smov.u32 s6;
	p0 =	sne.s32 s6, $0xFFFFFFFF  }
0x17c: {  	s5 =	sadd.s32 $0x1, s5;
	s6 =	smov.u32 s7;
	s7 =	sadd.s32 $0x1, s7  }
0x17d: {  	p1 =	sne.s32 s2, s7;
	v1 =	vld.msk @!p0 [tilespmem:s5+$0x0], $0x1;
	_ =	sdelay $0x4  }
0x17e: {  	(v2sf) =	vpush @!p0 v1, $0x0;
	_ =	sdelay $0xe  }
.Ltmp22:
0x17f: {  	s8 =	spop @!p0 (v2sf);
	(pc) =	sbr.rel @p1 .LBB2_27-.Ltmp22, $4  }
0x180: {  	p2 =	seq.s32 @!p0 s4, s8  }
0x181: {  	p2 =	por !p2, p0  }
0x182: {  	s6 =	simm.s32 @p2 $0xFFFFFFFF  }
0x183: {  	s6 =	smov.u32 @p0 s0  }
.LBB2_28:
0x184: {  	p0 =	seq.s32 s6, $0xFFFFFFFF  }
.Ltmp23:
0x185: {  	_ = 	snop;
	(pc) =	sbr.rel @p0 .LBB2_30-.Ltmp23, $1  }
0x186: {  	_ =	sdelay $0x3  }
0x187: {  	s0 =	sshll.u32 s3, $0x7  }
0x188: {  	s0 =	sand.u32 $0x3FFFFF80, s0  }
0x189: {  	v0 =	vld [tilespmem:s0+$0xF238];
	_ =	sdelay $0x2  }
0x18a: {  	s4 =	sshll.u32 s6, $0x9  }
0x18b: {  	s4 =	sshra.s32 s4, $0x2  }
0x18c: {  	[tilespmem:s4+$0xF238] =	vst.add.f32.msk $0xffff, v0  }
0x18d: {  	v0 =	vld [tilespmem:s0+$0xF248];
	_ =	sdelay $0x4  }
0x18e: {  	[tilespmem:s4+$0xF248] =	vst.add.f32.msk $0xffff, v0  }
0x18f: {  	v0 =	vld [tilespmem:s0+$0xF258];
	_ =	sdelay $0x4  }
0x190: {  	[tilespmem:s4+$0xF258] =	vst.add.f32.msk $0xffff, v0  }
0x191: {  	v0 =	vld [tilespmem:s0+$0xF268];
	_ =	sdelay $0x4  }
0x192: {  	[tilespmem:s4+$0xF268] =	vst.add.f32.msk $0xffff, v0  }
0x193: {  	v0 =	vld [tilespmem:s0+$0xF278];
	_ =	sdelay $0x4  }
0x194: {  	[tilespmem:s4+$0xF278] =	vst.add.f32.msk $0xffff, v0  }
0x195: {  	v0 =	vld [tilespmem:s0+$0xF288];
	_ =	sdelay $0x4  }
0x196: {  	[tilespmem:s4+$0xF288] =	vst.add.f32.msk $0xffff, v0  }
0x197: {  	v0 =	vld [tilespmem:s0+$0xF298];
	_ =	sdelay $0x4  }
0x198: {  	[tilespmem:s4+$0xF298] =	vst.add.f32.msk $0xffff, v0  }
0x199: {  	v0 =	vld [tilespmem:s0+$0xF2A8]  }
.Ltmp24:
0x19a: {  	_ = 	snop;
	(pc) =	sbr.rel .LBB2_31-.Ltmp24, $2  }
0x19b: {  	_ =	sdelay $0x2  }
0x19c: {  	[tilespmem:s4+$0xF2A8] =	vst.add.f32.msk $0xffff, v0  }
.LBB2_32:
0x19d: {  	p0 =	slt.s32 s2, $0x1  }
.Ltmp25:
0x19e: {  	_ = 	snop;
	(pc) =	sbr.rel @p0 .LBB2_36-.Ltmp25, $3  }
0x19f: {  	_ =	sdelay $0x1  }
0x1a0: {  	s0 =	simm.s32 $0x6  }
0x1a1: {  	s3 =	simm.s32 $0x0;
	[sflag:s0] =	ssyncpa.u1 $0x1  }
0x1a2: {  	s0 =	simm.s32 $0xF218  }
0x1a3: {  	v0 =	vld.msk [tilespmem:s0+$0x0], $0x1;
	_ =	sdelay $0x4  }
0x1a4: {  	(v2sf) =	vpush v0, $0x0;
	_ =	sdelay $0xd  }
0x1a5: {  	s2 =	sadd.s32 $0xFFFFFFFF, s2  }
0x1a6: {  	p1 =	sne.s32 s2, $0x0;
	s0 =	spop (v2sf)  }
.Ltmp26:
0x1a7: {  	p0 =	sgt.u32 s0, $0x270F0;
	(pc) =	sbr.rel @!p1 .LBB2_35-.Ltmp26, $4  }
0x1a8: {  	s4 =	simm.s32 $0xF238;
	s5 =	sand.u32 @!p0 $0x3FFF8, s0  }
0x1a9: {  	s6 =	simm.s32 $0x0;
	s0 =	sand.u32 @!p0 $0x7, s0;
	s5 =	sadd.s32 @!p0 s1, s5  }
0x1aa: {  	[hbm4b:s5+s0] =	stream.linear.scatter @!p0 [tilespmem:s4], [sflag:$0x5], $0x80, $0x38;
	[tilespmem:$0x1F6E8] =	vst v63  }
0x1ab: {  	s6 =	simm.s32 @!p0 $0x200;
	s5 =	simm.s32 $0xF219  }
.LBB2_34:
0x1ac: {  	v0 =	vld.msk [tilespmem:s5+$0x0], $0x1;
	s2 =	sadd.s32 $0xFFFFFFFF, s2;
	s3 =	sadd.s32 s3, s6  }
0x1ad: {  	p0 =	sne.s32 s2, $0x0;
	_ =	sdelay $0x3  }
0x1ae: {  	(v2sf) =	vpush v0, $0x0;
	_ =	sdelay $0xe  }
.Ltmp27:
0x1af: {  	s0 =	spop (v2sf);
	(pc) =	sbr.rel @p0 .LBB2_34-.Ltmp27, $4  }
0x1b0: {  	s6 =	simm.s32 $0x0;
	p1 =	sgt.u32 s0, $0x270F0  }
0x1b1: {  	s4 =	sadd.s32 $0x80, s4;
	s6 =	simm.s32 @!p1 $0x200;
	s7 =	sand.u32 @!p1 $0x3FFF8, s0  }
0x1b2: {  	s5 =	sadd.s32 $0x1, s5;
	s0 =	sand.u32 @!p1 $0x7, s0;
	s7 =	sadd.s32 @!p1 s1, s7  }
0x1b3: {  	[hbm4b:s7+s0] =	stream.linear.scatter @!p1 [tilespmem:s4], [sflag:$0x5], $0x80, $0x38;
	[tilespmem:$0x1F6E8] =	vst v63  }
.LBB2_35:
0x1b4: {  	s0 =	sadd.s32 s3, s6  }
0x1b5: {  	s3 =	sshrl.u32 s0, $0x2  }
.LBB2_36:
0x1b6: {  	s0 =	simm.s32 $0x5  }
0x1b7: {  	_ =	swait.ge [sflag:s0], s3  }
0x1b8: {  	s1 =	ssub.s32 $0x0, s3;
	[sflag:s0] =	ssyncset.done $0x0  }
0x1b9: {  	[sflag:s0] =	ssyncadd.s32 s1  }
0x1ba: {  	[sflag:s0] =	ssyncpa.u1 $0x1  }
0x1bb: {  	s30 =	simm.s32 $0x1;
	_ =	sfence  }
0x1bc: {  	[sflag:s30] =	ssyncpa.u1 $0x1  }
0x1bd: {  	_ =	strace $0x9000004D  }
0x1be: {  	[bflag:$0x2] =	sbarrier.arrive $0xFFFF  }
0x1bf: {  	s31 =	rddreg [dreg:$0x1]  }
0x1c0: {  	s0 =	sadd.s32 $0x100000, s31  }
0x1c1: {  	[sflag:s0] =	ssyncadd.tile.s32 $0x1;
	_ =	shalt  }
.Lfunc_end2:
_tile_overlayer_lowered:
.L_overlay_start_2:
0x1c2: {  	(tag) =	ssettag $0x2  }
0x1c3: {  	s0 =	rddreg [dreg:$0x0];
	s2 =	stileid.u32  }
0x1c4: {  	s1 =	rddreg [dreg:$0x1];
	p0 =	sne.s32 s2, $0x0  }
0x1c5: {  	s3 =	rddreg [dreg:$0x2];
	[bflag:$0x3] =	sbarrier.arrive $0xFFFF;
	s2 =	simm.s32 @!p0 $0x1C01  }
0x1c6: {  	[timem:s3], [sflag:s2] =	dma.local @!p0 [hbm:s0], s1  }
0x1c7: {  	s0 =	simm.s32 @!p0 $0x1  }
0x1c8: {  	_ =	swait.ge @!p0 [sflag:s0], s1  }
0x1c9: {  	s1 =	ssub.s32 @!p0 $0x0, s1;
	[sflag:s0] =	ssyncset.done @!p0 $0x0  }
0x1ca: {  	[sflag:s0] =	ssyncadd.s32 @!p0 s1  }
0x1cb: {  	[bflag:$0x3] =	sbarrier.arrive $0xFFFF  }
0x1cc: {  	_ =	shalt  }

// kernel: scatter_offload_async_start.3
scs
__scs_entry_jumppad:
0x0: {  	(pc) =	sbr.rel $0x88, $3  }
0x1: {  	(tag) =	ssettag $0x0;
	lr =	simm.s32 $0x1  }
0x2: {  	[smem:$0x3F8A] =	sst lr;
	_ =	strace $0xD0000000  }
0x3: {  	_ = 	snop  }
0x4: {  	_ = 	snop  }
0x5: {  	_ = 	snop  }
0x6: {  	_ = 	snop  }
0x7: {  	_ = 	snop  }
__scs_overlays_trampoline_lowered:
0x8: {  	[smem:$0x3F99] =	sst s0  }
0x9: {  	[smem:$0x3F9A] =	sst s1  }
0xa: {  	[smem:$0x3F9B] =	sst s2  }
0xb: {  	[smem:$0x3F9C] =	sst s3  }
0xc: {  	[smem:$0x3F9D] =	sst s4  }
0xd: {  	[smem:$0x3F9E] =	sst s5  }
0xe: {  	[smem:$0x3F9F] =	sst s6  }
0xf: {  	[smem:$0x3FA0] =	sst s7  }
0x10: {  	[smem:$0x3FA1] =	sst s8  }
0x11: {  	[smem:$0x3FA2] =	sst s9;
	s0 =	simm.s32 @!p0 $0x0  }
0x12: {  	s1 =	sld [smem:$0x3F88];
	s0 =	simm.s32 @p0 $0x1  }
0x13: {  	[smem:$0x3FA3] =	sst s0;
	s0 =	simm.s32 @!p1 $0x0  }
0x14: {  	s2 =	sld [smem:$0x3F87];
	s0 =	simm.s32 @p1 $0x1  }
0x15: {  	[smem:$0x3FA4] =	sst s0;
	s0 =	simm.s32 @!p2 $0x0  }
0x16: {  	s3 =	sld [smem:$0x3FDB];
	s0 =	simm.s32 @p2 $0x1  }
0x17: {  	s4 =	simm.s32 $0x1BF5;
	[smem:$0x3FA6] =	sst s0  }
0x18: {  	s0 =	sld [smem:$0x3F89];
	_ =	swait.ge [sflag:s4], $0x0  }
0x19: {  	s7 =	sld [smem:$0x3F8A]  }
0x1a: {  	s8 =	sadd.s32 $0xFFFFE003, lr  }
0x1b: {  	s9 =	sadd.s32 $0xFFFFFEF7, lr;
	s5 =	simm.s32 $0xFFFFFFFF;
	p2 =	slt.u32 s8, $0xFFFFF086  }
0x1c: {  	p1 =	slt.u32 s9, $0xF7A;
	s5 =	simm.s32 @!p2 $0x0  }
0x1d: {  	s5 =	simm.s32 @p1 $0x1;
	p0 =	seq.s32 s7, s2  }
0x1e: {  	s7 =	smul.u32 @!p0 $0xF7A, s2;
	p2 =	seq.s32 @!p0 s5, $0x0  }
0x1f: {  	s9 =	smul.u32 $0xF7A, s1;
	s8 =	simm.s32 @!p0 $0x1BF5;
	p2 =	por !p2, p0  }
0x20: {  	[sflag:s8] =	ssyncset.s32 @!p0 $0xFFFFF086;
	s6 =	sadd.s32 @!p0 s3, s7;
	s7 =	simm.s32 @!p0 $0x108  }
0x21: {  	s3 =	sadd.s32 s3, s9;
	s6 =	sadd.s32 @!p0 $0x88, s6;
	s7 =	simm.s32 @p2 $0x1082  }
0x22: {  	[simem:s7], [sflag:s8] =	dma.local @!p0 [hbm:s6], $0xF7A  }
0x23: {  	s9 =	sor.u32 $0xD0000000, s2;
	s6 =	simm.s32 $0x108;
	_ =	swait.ge @!p0 [sflag:s8], $0x0  }
0x24: {  	s3 =	sadd.s32 $0x88, s3;
	s6 =	simm.s32 @!p1 $0x1082;
	[sflag:s4] =	ssyncset.s32 $0xFFFFF086  }
0x25: {  	[simem:s6], [sflag:s4] =	dma.local [hbm:s3], $0xF7A  }
0x26: {  	[smem:$0x3F8A] =	sst s1;
	(tag) =	ssettag s2;
	_ =	strace s9  }
0x27: {  	s1 =	sld [smem:$0x3F9A]  }
0x28: {  	s2 =	sld [smem:$0x3F9B]  }
0x29: {  	s4 =	sld [smem:$0x3F9D]  }
0x2a: {  	p0 =	seq.s32 s5, $0x0;
	s5 =	sld [smem:$0x3F9E]  }
0x2b: {  	s6 =	sld [smem:$0x3F9F]  }
0x2c: {  	s7 =	sld [smem:$0x3FA0]  }
0x2d: {  	s3 =	simm.s32 $0x108;
	s8 =	sld [smem:$0x3FA1]  }
0x2e: {  	s3 =	simm.s32 @!p0 $0x1082;
	s9 =	sld [smem:$0x3FA2]  }
0x2f: {  	lr =	sadd.s32 s0, s3;
	s0 =	sld [smem:$0x3F99]  }
0x30: {  	s3 =	sld [smem:$0x3F9C]  }
0x31: {  	[smem:$0x3FA5] =	sst s10  }
0x32: {  	s10 =	sld [smem:$0x3FA3];
	_ =	sdelay $0x3  }
0x33: {  	p0 =	seq.s32 s10, $0x1;
	s10 =	sld [smem:$0x3FA5];
	_ =	sdelay $0x3  }
0x34: {  	[smem:$0x3FA5] =	sst s10  }
0x35: {  	s10 =	sld [smem:$0x3FA4];
	_ =	sdelay $0x3  }
0x36: {  	p1 =	seq.s32 s10, $0x1;
	s10 =	sld [smem:$0x3FA5];
	_ =	sdelay $0x3  }
0x37: {  	[smem:$0x3FA5] =	sst s10  }
0x38: {  	s10 =	sld [smem:$0x3FA6]  }
0x39: {  	_ = 	snop;
	(pc) =	sbr.ind lr, $3  }
0x3a: {  	_ = 	snop  }
0x3b: {  	_ = 	snop  }
0x3c: {  	p2 =	seq.s32 s10, $0x1;
	s10 =	sld [smem:$0x3FA5]  }
0x3d: {  	_ =	shalt  }
0x3e: {  	_ =	shalt  }
0x3f: {  	_ =	shalt  }
0x40: {  	_ =	shalt  }
0x41: {  	_ =	shalt  }
0x42: {  	_ =	shalt  }
0x43: {  	_ =	shalt  }
0x44: {  	_ =	shalt  }
0x45: {  	_ =	shalt  }
0x46: {  	_ =	shalt  }
0x47: {  	_ =	shalt  }
0x48: {  	_ =	shalt  }
0x49: {  	_ =	shalt  }
0x4a: {  	_ =	shalt  }
0x4b: {  	_ =	shalt  }
0x4c: {  	_ =	shalt  }
0x4d: {  	_ =	shalt  }
0x4e: {  	_ =	shalt  }
0x4f: {  	_ =	shalt  }
0x50: {  	_ =	shalt  }
0x51: {  	_ =	shalt  }
0x52: {  	_ =	shalt  }
0x53: {  	_ =	shalt  }
0x54: {  	_ =	shalt  }
0x55: {  	_ =	shalt  }
0x56: {  	_ =	shalt  }
0x57: {  	_ =	shalt  }
0x58: {  	_ =	shalt  }
0x59: {  	_ =	shalt  }
0x5a: {  	_ =	shalt  }
0x5b: {  	_ =	shalt  }
0x5c: {  	_ =	shalt  }
0x5d: {  	_ =	shalt  }
0x5e: {  	_ =	shalt  }
0x5f: {  	_ =	shalt  }
0x60: {  	_ =	shalt  }
0x61: {  	_ =	shalt  }
0x62: {  	_ =	shalt  }
0x63: {  	_ =	shalt  }
0x64: {  	_ =	shalt  }
0x65: {  	_ =	shalt  }
0x66: {  	_ =	shalt  }
0x67: {  	_ =	shalt  }
0x68: {  	_ =	shalt  }
0x69: {  	_ =	shalt  }
0x6a: {  	_ =	shalt  }
0x6b: {  	_ =	shalt  }
0x6c: {  	_ =	shalt  }
0x6d: {  	_ =	shalt  }
0x6e: {  	_ =	shalt  }
0x6f: {  	_ =	shalt  }
0x70: {  	_ =	shalt  }
0x71: {  	_ =	shalt  }
0x72: {  	_ =	shalt  }
0x73: {  	_ =	shalt  }
0x74: {  	_ =	shalt  }
0x75: {  	_ =	shalt  }
0x76: {  	_ =	shalt  }
0x77: {  	_ =	shalt  }
0x78: {  	_ =	shalt  }
0x79: {  	_ =	shalt  }
0x7a: {  	_ =	shalt  }
0x7b: {  	_ =	shalt  }
0x7c: {  	_ =	shalt  }
0x7d: {  	_ =	shalt  }
0x7e: {  	_ =	shalt  }
0x7f: {  	_ =	shalt  }
0x80: {  	_ =	shalt  }
0x81: {  	_ =	shalt  }
0x82: {  	_ =	shalt  }
0x83: {  	_ =	shalt  }
0x84: {  	_ =	shalt  }
0x85: {  	_ =	shalt  }
0x86: {  	_ =	shalt  }
0x87: {  	_ =	shalt  }
.Lfunc_end0:
.L_simem_size_0:
called_computation.3_lowered:
.L_overlay_start_0:
0x88: {  	s0 =	sld [smem:$0x3FD9]  }
0x89: {  	s1 =	sld [smem:$0x3FFE];
	_ =	sdelay $0x3  }
0x8a: {  	s0 =	sadd.s32 s1, s0  }
0x8b: {  	[smem:$0x3FB1] =	sst s0  }
0x8c: {  	_ = 	snop  }
0x8d: {  	(tm) =	ssettm $0x1  }
0x8e: {  	s15 =	sld [smem:$0x3FFB];
	_ =	sdelay $0x3  }
0x8f: {  	_ =	strace s15  }
0x90: {  	s0 =	sld [smem:$0x3FFC];
	_ =	sdelay $0x3  }
0x91: {  	_ =	strace s0  }
0x92: {  	s0 =	sld [smem:$0x3FFD];
	_ =	sdelay $0x3  }
0x93: {  	_ =	strace s0  }
0x94: {  	_ =	strace $0x8FFFFFFF  }
0x95: {  	s16 =	sld [smem:$0x3FDB];
	_ =	sdelay $0x1  }
0x96: {  	s17 =	simm.s32 $_scs_section_size  }
0x97: {  	s2 =	simm.s32 $_size__tile_overlayer_lowered;
	s3 =	simm.s32 $_tile_overlayer_lowered  }
0x98: {  	s20 =	simm.s32 $0x1BFF;
	s19 =	sshll.u32 s3, $0x1;
	s0 =	sadd.s32 s17, s16  }
0x99: {  	s4 =	simm.s32 $0x0;
	s18 =	sshll.u32 s2, $0x1;
	s2 =	sadd.s32 s19, s0  }
0x9a: {  	[timem:s4], [sflag:s20] =	dma.local [hbm:s2], s18  }
0x9b: {  	_ =	swait.ge [sflag:s20], s18  }
0x9c: {  	s1 =	ssub.s32 $0x0, s18;
	[sflag:s20] =	ssyncset.done $0x0  }
0x9d: {  	[sflag:s20] =	ssyncadd.s32 s1;
	_ =	sdelay $0x1  }
0x9e: {  	s21 =	simm.s32 $0x1B8B  }
0x9f: {  	_ =	swait.ge [sflag:s21], $0x1  }
0xa0: {  	[sflag:s21] =	ssyncset.done $0x0  }
0xa1: {  	s23 =	simm.s32 $0x1B8E;
	s22 =	sld [smem:$0x3FFE];
	[sflag:s21] =	ssyncadd.s32 $0xFFFFFFFF  }
0xa2: {  	s24 =	simm.s32 $execute0_lowered;
	[smem:$0x3FD2] =	sst s23  }
0xa3: {  	s2 =	sshll.u32 s24, $0x1;
	_ =	strace $0x8000004F;
	[dreg:$0x1] =	wrdreg $0xFFFFFFFF  }
0xa4: {  	s25 =	simm.s32 $_size_execute0_lowered;
	s0 =	sadd.s32 s0, s2;
	[dreg:$0x0] =	wrdreg $0x0  }
0xa5: {  	s2 =	sshll.u32 s25, $0x1;
	[dreg:$0x2] =	wrdreg s0  }
0xa6: {  	[dreg:$0x3] =	wrdreg s2  }
0xa7: {  	[dreg:$0x4] =	wrdreg $0xC0  }
0xa8: {  	_ =	task [dreg:s4], $0x5FFFF  }
0xa9: {  	[dreg:$0x1] =	wrdreg $0xFFFFFFFF  }
0xaa: {  	[dreg:$0x0] =	wrdreg $0x60  }
0xab: {  	[dreg:$0x2] =	wrdreg s22  }
0xac: {  	[dreg:$0x3] =	wrdreg $0x9  }
0xad: {  	_ =	task.clear_ibuf [dreg:s4], $0x4FFFF;
	_ =	strace $0x9000004F  }
0xae: {  	s26 =	simm.s32 $0x9;
	_ =	strace $0x80000051  }
0xaf: {  	_ =	swait.ge [sflag:s26], $0x1  }
0xb0: {  	[sflag:s26] =	ssyncadd.s32 $0xFFFFFFFF  }
0xb1: {  	_ =	strace $0x90000051  }
0xb2: {  	_ =	sfence  }
0xb3: {  	s28 =	sld [smem:$0x0];
	_ =	sdelay $0x1  }
0xb4: {  	s29 =	srdreg.scid  }
0xb5: {  	s30 =	sshll.u32 s29, $0xD;
	s31 =	sshrl.u32 s29, $0x2  }
0xb6: {  	s1 =	sand.u32 $0x1, s29;
	s2 =	sand.u32 $0x4000, s30;
	s0 =	sadd.s32 s31, s28  }
0xb7: {  	s1 =	sor.u32 s2, s1;
	s0 =	sshll.u32 s0, $0x11  }
0xb8: {  	s0 =	sor.u32 s0, s1  }
0xb9: {  	s0 =	sadd.s32 $0x8F2B, s0  }
0xba: {  	[sflag:s0] =	ssyncadd.remote.s32 $0x1  }
0xbb: {  	_ =	sfence.sel $0xFFFF  }
0xbc: {  	[dreg:$0x0] =	wrdreg $0xFFFFFFFF;
	(pc) =	sbr.abs _section_cstart, $3  }
0xbd: {  	[dreg:$0x1] =	wrdreg $0xFFFFFFFF  }
0xbe: {  	_ =	task.clear_ibuf [dreg:s4], $0x2FFFF;
	_ =	strace $0x9FFFFFFF  }
0xbf: {  	(tm) =	ssettm $0x7FFFFFFF  }
tec
execute0_lowered:
.L_overlay_start_1:
0x0: {  	(tag) =	ssettag $0x1  }
0x1: {  	s0 =	rddreg [dreg:$0x0];
	_ =	strace $0x80000050;
	s1 =	simm.s32 $0x1  }
0x2: {  	s8 =	simm.s32 $0x88;
	v0 =	vimm.s32 $0x0;
	[sflag:s1] =	ssyncpa.u1 $0x0  }
0x3: {  	[tilespmem:s8+$0x30] =	vst v0  }
0x4: {  	s1 =	sadd.s32 $0x2B8E00, s0;
	s3 =	sadd.s32 $0x16400, s0;
	[tilespmem:s8+$0x20] =	vst v0  }
0x5: {  	s4 =	sadd.s32 $0x20C00, s0;
	s5 =	sadd.s32 $0x1B800, s0;
	s0 =	simm.s32 $0x40;
	[tilespmem:s8+$0x10] =	vst v0  }
.LBB2_1:
0x6: {  	s0 =	sadd.s32 $0x40, s0  }
0x7: {  	[tilespmem:s8+$0x0] =	vst v0;
	s8 =	sadd.s32 $0x40, s8;
	p0 =	slt.u32 s0, $0x5040  }
.Ltmp0:
0x8: {  	(pc) =	sbr.rel @p0 .LBB2_1-.Ltmp0, $4  }
0x9: {  	_ = 	snop  }
0xa: {  	[tilespmem:s8+$0x30] =	vst v0  }
0xb: {  	[tilespmem:s8+$0x20] =	vst v0  }
0xc: {  	[tilespmem:s8+$0x10] =	vst v0  }
0xd: {  	s9 =	stileid.u32  }
0xe: {  	s0 =	smul.u32 $0x21, s9  }
0xf: {  	s2 =	smin.u32 s9, $0x4  }
0x10: {  	s0 =	sadd.s32 s2, s0  }
0x11: {  	p0 =	slt.u32 s9, $0x4;
	s6 =	smul.u32 $0x140, s0;
	s0 =	simm.s32 $0x2A80  }
0x12: {  	s0 =	simm.s32 @!p0 $0x2940  }
0x13: {  	s0 =	sadd.s32 s0, s6  }
0x14: {  	s7 =	smin.u32 s0, $0x29810  }
0x15: {  	s0 =	ssub.s32 s7, s6  }
0x16: {  	p0 =	sgt.s32 s0, $0x0  }
0x17: {  	s0 =	simm.s32 @!p0 $0x0  }
0x18: {  	s29 =	simm.s32 $0x2;
	s10 =	simm.s32 $0x7;
	s28 =	smulhi.u32 $0x66666667, s0  }
0x19: {  	s31 =	simm.s32 $0x8;
	s11 =	simm.s32 $0x1;
	s15 =	simm.s32 $0x0  }
0x1a: {  	p1 =	por $0x0, $0x0;
	s16 =	simm.s32 $0xA;
	s2 =	sshrl.u32 s28, $0x7  }
0x1b: {  	s20 =	simm.s32 $0x0;
	s17 =	simm.s32 $0x0;
	s30 =	smul.u32 $0x140, s2  }
.Ltmp1:
0x1c: {  	[tilespmem:s8+$0x0] =	vst v0;
	v0 =	vimm.s32 $0xFFFFFFFF;
	s19 =	simm.s32 $0x0;
	[sflag:s29] =	ssyncpa.u1 $0x0;
	(pc) =	sbr.rel .LBB2_3-.Ltmp1, $4  }
0x1d: {  	[tilespmem:$0xA108] =	vst v0;
	[sflag:s10] =	ssyncpa.u1 $0x0;
	p0 =	sne.s32 s0, s30;
	s0 =	simm.s32 $0x1  }
0x1e: {  	s10 =	simm.s32 $0x9;
	[sflag:s31] =	ssyncpa.u1 $0x0;
	s0 =	simm.s32 @!p0 $0x0  }
0x1f: {  	s13 =	sshll.u32 s9, $0x7;
	[sflag:s10] =	ssyncpa.u1 $0x0;
	s12 =	sadd.s32 s0, s2  }
0x20: {  	v0 =	vlaneseq.u32;
	s18 =	smov.u32 s6;
	p0 =	por $0x1, $0x1;
	s14 =	sadd.s32 $0x1, s12  }
.LBB2_24:
0x21: {  	s0 =	sshrl.u32 s29, $0x2  }
.LBB2_26:
0x22: {  	_ =	swait.ge [sflag:s16], s0  }
0x23: {  	s31 =	ssub.s32 $0x0, s0;
	v1 =	vmov s22;
	vm0 =	veq.s32 v0, $0x0;
	[sflag:s16] =	ssyncset.done $0x0  }
0x24: {  	vm15 =	veq.s32 v0, $0x2;
	v1 =	vsel vm0, s28, v1;
	[sflag:s16] =	ssyncadd.s32 s31  }
0x25: {  	v1 =	vsel vm15, s20, v1;
	[sflag:s16] =	ssyncpa.u1 $0x1  }
0x26: {  	[tilespmem:$0xA108] =	vst v1  }
.LBB2_27:
0x27: {  	s0 =	sadd.s32 $0x140, s18  }
0x28: {  	s2 =	smov.u32 s6;
	p2 =	slt.s32 s0, s7  }
0x29: {  	s2 =	smov.u32 @p2 s0;
	p2 =	sne.s32 s19, s14  }
.Ltmp2:
0x2a: {  	_ = 	snop;
	(pc) =	sbr.rel @!p2 .LBB2_28-.Ltmp2, $4  }
0x2b: {  	_ = 	snop  }
0x2c: {  	s20 =	smov.u32 s17  }
0x2d: {  	s31 =	sadd.s32 $0x1, s19;
	s17 =	smov.u32 s18;
	p0 =	por !p0, !p0  }
0x2e: {  	p1 =	por !p1, !p1;
	s19 =	smov.u32 s31;
	s18 =	smov.u32 s2  }
.LBB2_3:
0x2f: {  	p2 =	sge.u32 s19, s12  }
0x30: {  	s0 =	smulhi.u32 @!p2 $0xAAAAAAAB, s19  }
0x31: {  	s2 =	smov.u32 s18;
	p3 =	sgt.s32 @!p2 s18, $0x296D0  }
0x32: {  	s8 =	sshra.s32 @!p2 s18, $0x1F;
	p3 =	por !p3, p2;
	s0 =	sshrl.u32 @!p2 s0, $0x1  }
0x33: {  	s8 =	sand.u32 @!p2 s8, s18;
	s2 =	simm.s32 @p3 $0x296D0;
	s0 =	smul.u32 @!p2 $0x3, s0  }
0x34: {  	s2 =	ssub.s32 @!p2 s2, s8  }
0x35: {  	s22 =	sadd.s32 $0xFFFFFFFF, s19;
	s2 =	sadd.s32 @!p2 $0xFFFD6930, s2;
	s0 =	ssub.s32 @!p2 s19, s0  }
0x36: {  	s8 =	sshll.u32 @!p2 s2, $0x2;
	p3 =	sgt.s32 @!p2 s2, $0x13F;
	s0 =	smul.u32 @!p2 $0x500, s0  }
0x37: {  	s21 =	sand.u32 @!p2 $0x7, s18;
	s2 =	ssub.s32 @!p2 $0x500, s8;
	p3 =	por !p3, p2  }
0x38: {  	s8 =	sshrl.u32 @!p2 s18, $0x3;
	s2 =	sshrl.u32 @!p2 s2, $0x2;
	s0 =	sshrl.u32 @!p2 s0, $0x2  }
0x39: {  	s8 =	sadd.s32 @!p2 s5, s8;
	s2 =	simm.s32 @!p3 $0x0;
	s0 =	sadd.s32 @!p2 $0xA938, s0  }
0x3a: {  	[tilespmem:s0], [sflag:$0x8] =	stream.linear.gather @!p2 [hbm4b:s8+s21], s2, $0x38;
	[tilespmem:$0x1EF78] =	vst v63  }
0x3b: {  	p2 =	sge.u32 s22, s12  }
0x3c: {  	p3 =	sgt.s32 @!p2 s17, $0x296D0  }
0x3d: {  	s0 =	smov.u32 s17;
	s2 =	sshra.s32 @!p2 s17, $0x1F;
	p3 =	por !p3, p2  }
0x3e: {  	s2 =	sand.u32 @!p2 s2, s17;
	s0 =	simm.s32 @p3 $0x296D0  }
0x3f: {  	s0 =	ssub.s32 @!p2 s0, s2  }
0x40: {  	s0 =	sadd.s32 @!p2 $0xFFFD6930, s0  }
0x41: {  	s2 =	sshll.u32 @!p2 s0, $0x2  }
0x42: {  	p3 =	sgt.s32 @!p2 s0, $0x13F;
	s0 =	ssub.s32 @!p2 $0x500, s2  }
0x43: {  	p3 =	por !p3, p2;
	s0 =	sshrl.u32 @!p2 s0, $0x2  }
0x44: {  	s8 =	simm.s32 @!p2 $0x8;
	s2 =	sand.u32 @!p2 $0x1, s22;
	s0 =	simm.s32 @!p3 $0x0  }
0x45: {  	s2 =	smul.u32 @!p2 $0x500, s2;
	_ =	swait.ge @!p2 [sflag:s8], s0  }
0x46: {  	s21 =	ssub.s32 @!p2 $0x0, s0;
	[sflag:s8] =	ssyncset.done @!p2 $0x0  }
0x47: {  	s2 =	sshrl.u32 @!p2 s2, $0x2;
	[sflag:s8] =	ssyncadd.s32 @!p2 s21;
	s8 =	sshrl.u32 @!p2 s17, $0x3  }
0x48: {  	s2 =	sadd.s32 @!p2 $0xACF8, s2;
	s21 =	sand.u32 @!p2 $0x7, s17;
	s8 =	sadd.s32 @!p2 s3, s8  }
0x49: {  	[tilespmem:s2], [sflag:$0x9] =	stream.linear.gather @!p2 [hbm4b:s8+s21], s0, $0x38;
	[tilespmem:$0x1EF78] =	vst v63  }
0x4a: {  	s21 =	ssub.s32 @!p2 $0x29810, s17  }
0x4b: {  	p3 =	slt.s32 @!p2 s21, $0x1  }
0x4c: {  	p3 =	por p2, p3  }
.Ltmp3:
0x4d: {  	_ = 	snop;
	(pc) =	sbr.rel @p3 .LBB2_9-.Ltmp3, $1  }
0x4e: {  	_ =	sdelay $0x3  }
0x4f: {  	s0 =	smulhi.u32 $0xAAAAAAAB, s22;
	_ =	sdelay $0x1  }
0x50: {  	s0 =	sshrl.u32 s0, $0x1  }
0x51: {  	s0 =	smul.u32 $0x3, s0;
	_ =	sdelay $0x1  }
0x52: {  	s0 =	ssub.s32 s22, s0  }
0x53: {  	s2 =	simm.s32 $0x1;
	s0 =	smul.u32 $0x500, s0  }
.Ltmp4:
0x54: {  	s2 =	simm.s32 @!p0 $0x0;
	(pc) =	sbr.rel .LBB2_6-.Ltmp4, $4  }
0x55: {  	s2 =	smul.u32 $0x28000, s2  }
0x56: {  	p3 =	slt.s32 @!p2 s21, $0x140;
	s0 =	sshrl.u32 s0, $0x2  }
0x57: {  	p2 =	por !p3, p2;
	s2 =	sshrl.u32 s2, $0x2;
	s0 =	sadd.s32 $0xA938, s0  }
0x58: {  	s23 =	simm.s32 $0x0;
	s21 =	simm.s32 @p2 $0x140;
	s22 =	sadd.s32 $0xAF78, s2;
	v1 =	vmov s0  }
.LBB2_5:
0x59: {  	p2 =	sge.s32 s23, s21  }
.Ltmp5:
0x5a: {  	_ = 	snop;
	(pc) =	sbr.rel @p2 .LBB2_9-.Ltmp5, $2  }
0x5b: {  	_ =	sdelay $0x2  }
0x5c: {  	s22 =	sadd.s32 $0x800, s22  }
.LBB2_6:
0x5d: {  	p2 =	sle.s32 s21, s23  }
.Ltmp6:
0x5e: {  	_ = 	snop;
	(pc) =	sbr.rel @p2 .LBB2_5-.Ltmp6, $2  }
0x5f: {  	_ =	sdelay $0x2  }
0x60: {  	s24 =	smov.u32 s23;
	s23 =	sadd.s32 $0x10, s23  }
0x61: {  	s0 =	ssub.s32 s21, s24  }
0x62: {  	p2 =	slt.s32 s0, $0x10  }
0x63: {  	s0 =	simm.s32 @!p2 $0x10  }
0x64: {  	v2 =	vmov s0  }
0x65: {  	vm0 =	vgt.s32 v2, v0;
	_ =	sdelay $0x5  }
0x66: {  	v2 =	vld.idx.msk [tilespmem:v1+s24+$0x0 ss:$0x1], vm0;
	_ =	sdelay $0x2  }
0x67: {  	p2 =	slt.s32 s23, s21;
	s0 =	smov.u32 s21  }
0x68: {  	s2 =	smov.u32 s22;
	s25 =	simm.s32 $0x0;
	s0 =	smov.u32 @p2 s23  }
.LBB2_8:
0x69: {  	(v2sf) =	vpush v2, s25;
	_ =	sdelay $0xc  }
0x6a: {  	s25 =	sadd.s32 $0x1, s25  }
0x6b: {  	s31 =	sadd.s32 s25, s24  }
0x6c: {  	p2 =	slt.s32 s31, s0;
	s8 =	spop (v2sf)  }
.Ltmp7:
0x6d: {  	s8 =	sshll.u32 s8, $0x4;
	(pc) =	sbr.rel @p2 .LBB2_8-.Ltmp7, $4  }
0x6e: {  	s8 =	sand.u32 $0x1FFFFFF0, s8  }
0x6f: {  	s8 =	sadd.s32 s4, s8  }
0x70: {  	[tilespmem:s2], [sflag:$0x7] =	stream.linear.gather [hbm4b:s8+s15], $0x40, $0x38;
	[tilespmem:$0x1EF78] =	vst v63  }
0x71: {  	s2 =	sadd.s32 $0x80, s2  }
.Ltmp8:
0x72: {  	_ = 	snop;
	(pc) =	sbr.rel .LBB2_5-.Ltmp8, $1  }
0x73: {  	_ =	sdelay $0x3  }
.LBB2_9:
0x74: {  	p2 =	slt.u32 s19, $0x2  }
.Ltmp9:
0x75: {  	_ = 	snop;
	(pc) =	sbr.rel @p2 .LBB2_27-.Ltmp9, $1  }
0x76: {  	_ =	sdelay $0x3  }
0x77: {  	p2 =	sgt.s32 s20, $0x296D0;
	s0 =	smov.u32 s20  }
0x78: {  	s2 =	sshra.s32 s20, $0x1F;
	s8 =	ssub.s32 $0x29810, s20;
	s0 =	simm.s32 @!p2 $0x296D0  }
0x79: {  	s2 =	sand.u32 s2, s20;
	p2 =	slt.s32 s8, $0x140;
	s21 =	smov.u32 s8  }
0x7a: {  	s0 =	ssub.s32 s0, s2;
	s21 =	simm.s32 @!p2 $0x140  }
0x7b: {  	s0 =	sadd.s32 $0xFFFD6930, s0;
	s26 =	sshll.u32 s21, $0x6  }
0x7c: {  	s9 =	simm.s32 $0x7;
	s29 =	sshll.u32 s0, $0x2;
	s2 =	sand.u32 $0x3FFFFFC0, s26  }
0x7d: {  	p2 =	sgt.s32 s0, $0x13F;
	s30 =	ssub.s32 $0x500, s29;
	_ =	swait.ge [sflag:s9], s2  }
0x7e: {  	s2 =	ssub.s32 $0x0, s2;
	[sflag:s9] =	ssyncset.done $0x0;
	s0 =	sshrl.u32 s30, $0x2  }
0x7f: {  	[sflag:s9] =	ssyncadd.s32 s2;
	s0 =	simm.s32 @p2 $0x0  }
0x80: {  	_ =	swait.ge [sflag:s10], s0  }
0x81: {  	s0 =	ssub.s32 $0x0, s0;
	[sflag:s10] =	ssyncset.done $0x0  }
0x82: {  	[sflag:s10] =	ssyncadd.s32 s0  }
0x83: {  	v1 =	vld [tilespmem:$0xA108];
	_ =	sdelay $0x4  }
0x84: {  	(v2sf) =	vpush v1, $0x0  }
0x85: {  	(v2sf) =	vpush v1, $0x1  }
0x86: {  	(v2sf) =	vpush v1, $0x2;
	_ =	sdelay $0x3  }
0x87: {  	s0 =	sadd.s32 $0x140, s20  }
0x88: {  	p2 =	slt.s32 s7, s0  }
0x89: {  	s0 =	smov.u32 @p2 s7;
	p2 =	sgt.s32 s8, $0x0  }
0x8a: {  	s24 =	ssub.s32 s0, s20;
	s8 =	simm.s32 @!p2 $0x0  }
0x8b: {  	p2 =	slt.s32 s8, s24  }
0x8c: {  	s24 =	smov.u32 @p2 s8  }
0x8d: {  	s23 =	simm.s32 $0x1;
	p2 =	slt.s32 s24, $0x1  }
.Ltmp10:
0x8e: {  	s23 =	simm.s32 @!p1 $0x0;
	(pc) =	sbr.rel @p2 .LBB2_14-.Ltmp10, $4  }
0x8f: {  	s31 =	smul.u32 $0x500, s23  }
0x90: {  	s25 =	spop (v2sf)  }
0x91: {  	s0 =	sshrl.u32 s31, $0x2;
	s28 =	spop (v2sf)  }
0x92: {  	s21 =	sadd.s32 $0xACF8, s0;
	s20 =	spop (v2sf)  }
0x93: {  	s0 =	smin.u32 s24, $0x10  }
0x94: {  	v1 =	vmov s0  }
0x95: {  	p3 =	sgt.s32 s24, $0x10;
	vm1 =	vgt.u32 v1, v0  }
.Ltmp11:
0x96: {  	_ = 	snop;
	(pc) =	sbr.rel @!p3 .LBB2_13-.Ltmp11, $2  }
0x97: {  	_ =	sdelay $0x2  }
0x98: {  	s26 =	simm.s32 $0x10;
	s29 =	sadd.s32 $0xFFFFFFF0, s24;
	s22 =	smov.u32 s21;
	vm0 =	vmmov vm1  }
.LBB2_12:
0x99: {  	s0 =	smin.u32 s29, $0x10;
	s26 =	sadd.s32 $0x10, s26;
	v1 =	vld.msk [tilespmem:s22+$0x0 ss:$0x1], vm1  }
0x9a: {  	v2 =	vmov s0;
	p3 =	slt.s32 s26, s24  }
0x9b: {  	vm1 =	vgt.u32 v2, v0  }
.Ltmp12:
0x9c: {  	(pc) =	sbr.rel @p3 .LBB2_12-.Ltmp12, $3  }
0x9d: {  	_ =	sdelay $0x1  }
0x9e: {  	v1 =	vshll.u32 v1, $0x4  }
0x9f: {  	s29 =	sadd.s32 $0xFFFFFFF0, s29;
	[tilespmem:s22+$0x0] =	vst.msk vm0, v1;
	s22 =	sadd.s32 $0x10, s22;
	vm0 =	vmmov vm1  }
.LBB2_13:
0xa0: {  	_ =	sdelay $0x4  }
0xa1: {  	v1 =	vld.msk [tilespmem:s22+$0x0 ss:$0x1], vm1;
	_ =	sdelay $0x4  }
0xa2: {  	v1 =	vshll.u32 v1, $0x4  }
0xa3: {  	[tilespmem:s22+$0x0] =	vst.msk vm0, v1  }
.LBB2_14:
0xa4: {  	s0 =	sand.u32 $0x1, s19  }
0xa5: {  	s0 =	smul.u32 $0x140, s0  }
0xa6: {  	p3 =	sne.s32 s28, $0xFFFFFFFF  }
0xa7: {  	v1 =	vld.msk @!p3 [tilespmem:s0+$0xACF8], $0x1;
	_ =	sdelay $0x4  }
0xa8: {  	(v2sf) =	vpush @!p3 v1, $0x0;
	_ =	sdelay $0xc  }
.Ltmp13:
0xa9: {  	_ = 	snop;
	(pc) =	sbr.rel @p2 .LBB2_25-.Ltmp13, $4  }
0xaa: {  	_ = 	snop  }
0xab: {  	s26 =	spop @!p3 (v2sf)  }
0xac: {  	s20 =	simm.s32 @!p3 $0x0;
	s22 =	smov.u32 s26  }
0xad: {  	[sflag:s16] =	ssyncpa.u1 $0x0;
	s26 =	smov.u32 @p3 s25;
	s22 =	smov.u32 @p3 s28  }
0xae: {  	v1 =	vld.msk [tilespmem:s21+$0x0], $0x1;
	_ =	sdelay $0x4  }
0xaf: {  	(v2sf) =	vpush v1, $0x0;
	_ =	sdelay $0xe  }
0xb0: {  	s0 =	smul.u32 $0x28000, s23;
	s30 =	spop (v2sf)  }
0xb1: {  	s24 =	ssub.s32 $0x0, s24;
	p2 =	seq.s32 s26, s30  }
0xb2: {  	s28 =	sadd.s32 $0x1, s24;
	s0 =	sshrl.u32 s0, $0x2;
	p3 =	sgt.s32 @!p2 s26, $0x0  }
0xb3: {  	s23 =	sadd.s32 $0xAF98, s0;
	s0 =	smov.u32 s26;
	p3 =	por !p3, p2  }
0xb4: {  	s0 =	simm.s32 @p3 $0x0;
	p3 =	seq.s32 s28, $0x0  }
.Ltmp14:
0xb5: {  	_ = 	snop;
	(pc) =	sbr.rel @p3 .LBB2_17-.Ltmp14, $4  }
0xb6: {  	_ = 	snop  }
0xb7: {  	s25 =	simm.s32 $0x0;
	s31 =	simm.s32 @!p2 $0x1;
	s2 =	smin.u32 @!p2 s0, $0x270F8  }
0xb8: {  	s29 =	sadd.s32 $0x1, s21;
	s31 =	smov.u32 @p2 s25;
	s8 =	sand.u32 @!p2 $0x3FFF8, s2  }
0xb9: {  	s0 =	simm.s32 @!p2 $0x50C8;
	s2 =	sand.u32 @!p2 $0x7, s2;
	s8 =	sadd.s32 @!p2 s1, s8  }
.LBB2_16:
0xba: {  	s9 =	smov.u32 s31  }
0xbb: {  	[tilespmem:s0], [sflag:$0x2] =	stream.linear.gather @!p2 [hbm4b:s8+s2], $0x40, $0x38;
	[tilespmem:$0x1EF78] =	vst v63  }
0xbc: {  	s28 =	sadd.s32 $0x1, s28;
	s2 =	smov.u32 s30;
	v1 =	vld.msk [tilespmem:s29+$0x0], $0x1  }
0xbd: {  	p3 =	seq.s32 s28, $0x0;
	_ =	sdelay $0x3  }
0xbe: {  	(v2sf) =	vpush v1, $0x0;
	_ =	sdelay $0xe  }
0xbf: {  	s30 =	spop (v2sf)  }
0xc0: {  	p2 =	seq.s32 s2, s30  }
0xc1: {  	p4 =	sgt.s32 @!p2 s2, $0x0;
	s0 =	sshll.u32 @!p2 s31, $0x8;
	s31 =	sadd.s32 @!p2 $0x1, s31  }
.Ltmp15:
0xc2: {  	p4 =	por !p4, p2;
	s0 =	sshra.s32 @!p2 s0, $0x2;
	(pc) =	sbr.rel @!p3 .LBB2_16-.Ltmp15, $4  }
0xc3: {  	s31 =	smov.u32 @p2 s9;
	s2 =	simm.s32 @p4 $0x0;
	s0 =	sadd.s32 @!p2 $0x50C8, s0  }
0xc4: {  	s2 =	smin.u32 @!p2 s2, $0x270F8  }
0xc5: {  	s8 =	sand.u32 @!p2 $0x3FFF8, s2;
	s2 =	sand.u32 @!p2 $0x7, s2  }
0xc6: {  	s29 =	sadd.s32 $0x1, s29;
	s8 =	sadd.s32 @!p2 s1, s8  }
.LBB2_17:
0xc7: {  	[tilespmem:s0], [sflag:$0x2] =	stream.linear.gather @!p2 [hbm4b:s8+s2], $0x40, $0x38;
	[tilespmem:$0x1EF78] =	vst v63  }
.Ltmp16:
0xc8: {  	s30 =	sshll.u32 s31, $0x6;
	(pc) =	sbr.rel .LBB2_18-.Ltmp16, $4  }
0xc9: {  	s31 =	simm.s32 $0x2;
	s0 =	sand.u32 $0x3FFFFFC0, s30  }
0xca: {  	_ =	swait.ge [sflag:s31], s0  }
0xcb: {  	s0 =	ssub.s32 $0x0, s0;
	[sflag:s31] =	ssyncset.done $0x0  }
0xcc: {  	s29 =	simm.s32 $0x0;
	[sflag:s31] =	ssyncadd.s32 s0  }
.LBB2_19:
0xcd: {  	v1 =	vld [tilespmem:s23+$0xFFFFFFE0];
	_ =	sdelay $0x4  }
0xce: {  	[tilespmem:s30+$0x88] =	vst.add.f32.msk $0xffff, v1  }
0xcf: {  	v1 =	vld [tilespmem:s23+$0xFFFFFFF0];
	_ =	sdelay $0x4  }
0xd0: {  	[tilespmem:s30+$0x98] =	vst.add.f32.msk $0xffff, v1  }
0xd1: {  	v1 =	vld [tilespmem:s23+$0x0];
	_ =	sdelay $0x4  }
0xd2: {  	[tilespmem:s30+$0xA8] =	vst.add.f32.msk $0xffff, v1  }
0xd3: {  	v1 =	vld [tilespmem:s23+$0x10];
	_ =	sdelay $0x4  }
0xd4: {  	[tilespmem:s30+$0xB8] =	vst.add.f32.msk $0xffff, v1  }
.LBB2_23:
0xd5: {  	s24 =	sadd.s32 $0x1, s24  }
0xd6: {  	p2 =	seq.s32 s24, $0x0  }
.Ltmp17:
0xd7: {  	_ = 	snop;
	(pc) =	sbr.rel @p2 .LBB2_24-.Ltmp17, $2  }
0xd8: {  	_ =	sdelay $0x2  }
0xd9: {  	s23 =	sadd.s32 $0x80, s23;
	s21 =	sadd.s32 $0x1, s21;
	s26 =	smov.u32 s28  }
.LBB2_18:
0xda: {  	v1 =	vld.msk [tilespmem:s21+$0x0], $0x1;
	_ =	sdelay $0x4  }
0xdb: {  	(v2sf) =	vpush v1, $0x0;
	_ =	sdelay $0xe  }
0xdc: {  	s28 =	spop (v2sf)  }
0xdd: {  	p2 =	sne.s32 s26, s28  }
.Ltmp18:
0xde: {  	_ = 	snop;
	(pc) =	sbr.rel @!p2 .LBB2_19-.Ltmp18, $3  }
0xdf: {  	_ =	sdelay $0x1  }
0xe0: {  	s0 =	sshll.u32 s20, $0x8  }
0xe1: {  	s30 =	sshra.s32 s0, $0x2  }
0xe2: {  	p2 =	seq.s32 s26, s22  }
.Ltmp19:
0xe3: {  	_ = 	snop;
	(pc) =	sbr.rel @!p2 .LBB2_21-.Ltmp19, $1  }
0xe4: {  	_ =	sdelay $0x3  }
.Ltmp20:
0xe5: {  	s0 =	sadd.s32 $0x88, s30;
	(pc) =	sbr.rel .LBB2_22-.Ltmp20, $4  }
0xe6: {  	[spmem:s13] =	stream.linear.scatter [tilespmem:s0], [sflag:$0x1], $0x40, $0x38;
	[tilespmem:$0x1EF78] =	vst v63  }
0xe7: {  	_ =	swait.ge [sflag:s11], $0x40  }
0xe8: {  	[sflag:s11] =	ssyncset.done $0x0  }
0xe9: {  	[sflag:s11] =	ssyncadd.s32 $0xFFFFFFC0  }
.LBB2_21:
0xea: {  	s0 =	sshll.u32 s25, $0x8  }
0xeb: {  	s0 =	sshra.s32 s0, $0x2  }
0xec: {  	v1 =	vld [tilespmem:s0+$0x50C8];
	_ =	sdelay $0x4  }
0xed: {  	[tilespmem:s30+$0x88] =	vst.add.f32.msk $0xffff, v1  }
0xee: {  	v1 =	vld [tilespmem:s0+$0x50D8];
	_ =	sdelay $0x4  }
0xef: {  	[tilespmem:s30+$0x98] =	vst.add.f32.msk $0xffff, v1  }
0xf0: {  	v1 =	vld [tilespmem:s0+$0x50E8];
	_ =	sdelay $0x4  }
0xf1: {  	[tilespmem:s30+$0xA8] =	vst.add.f32.msk $0xffff, v1  }
0xf2: {  	v1 =	vld [tilespmem:s0+$0x50F8];
	_ =	sdelay $0x2  }
0xf3: {  	p2 =	sgt.u32 s26, $0x270F8  }
0xf4: {  	s0 =	sand.u32 @!p2 $0x3FFF8, s26  }
0xf5: {  	s2 =	sadd.s32 $0x88, s30;
	s8 =	sand.u32 @!p2 $0x7, s26;
	s0 =	sadd.s32 @!p2 s1, s0;
	[tilespmem:s30+$0xB8] =	vst.add.f32.msk $0xffff, v1  }
0xf6: {  	[hbm4b:s0+s8] =	stream.linear.scatter @!p2 [tilespmem:s2], [sflag:$0xA], $0x40, $0x38;
	[tilespmem:$0x1EF78] =	vst v63  }
0xf7: {  	s0 =	simm.s32 $0x0  }
0xf8: {  	s0 =	simm.s32 @!p2 $0x100  }
0xf9: {  	s29 =	sadd.s32 s0, s29  }
.LBB2_22:
0xfa: {  	s0 =	sadd.s32 $0x1, s20  }
0xfb: {  	s2 =	smulhi.u32 $0xCCCCCCCD, s0;
	_ =	sdelay $0x1  }
0xfc: {  	v1 =	vld [tilespmem:s23+$0xFFFFFFE0];
	s2 =	sshrl.u32 s2, $0x8  }
0xfd: {  	s2 =	smul.u32 $0x140, s2;
	_ =	sdelay $0x1  }
0xfe: {  	s20 =	ssub.s32 s0, s2  }
0xff: {  	s0 =	sshll.u32 s20, $0x6  }
0x100: {  	[tilespmem:s0+$0x88] =	vst v1  }
0x101: {  	v1 =	vld [tilespmem:s23+$0xFFFFFFF0];
	_ =	sdelay $0x4  }
0x102: {  	[tilespmem:s0+$0x98] =	vst v1  }
0x103: {  	v1 =	vld [tilespmem:s23+$0x0];
	_ =	sdelay $0x4  }
0x104: {  	[tilespmem:s0+$0xA8] =	vst v1  }
0x105: {  	v1 =	vld [tilespmem:s23+$0x10]  }
.Ltmp21:
0x106: {  	_ = 	snop;
	(pc) =	sbr.rel .LBB2_23-.Ltmp21, $2  }
0x107: {  	_ =	sdelay $0x2  }
0x108: {  	s25 =	sadd.s32 $0x1, s25;
	[tilespmem:s0+$0xB8] =	vst v1  }
.LBB2_25:
.Ltmp22:
0x109: {  	(pc) =	sbr.rel .LBB2_26-.Ltmp22, $4  }
0x10a: {  	_ = 	snop  }
0x10b: {  	s0 =	simm.s32 $0x2  }
0x10c: {  	_ =	swait.ge [sflag:s0], $0x0  }
0x10d: {  	s28 =	smov.u32 s26;
	[sflag:s0] =	ssyncset.done $0x0;
	s0 =	simm.s32 $0x0  }
.LBB2_28:
0x10e: {  	_ =	sfence.sel $0x180000  }
0x10f: {  	s0 =	simm.s32 $0x7;
	[bflag:$0x0] =	sbarrier.arrive $0xFFFF  }
0x110: {  	s25 =	simm.s32 $0x8;
	[sflag:s0] =	ssyncpa.u1 $0x1  }
0x111: {  	s26 =	simm.s32 $0x9;
	[sflag:s25] =	ssyncpa.u1 $0x1  }
0x112: {  	s28 =	simm.s32 $0x2;
	[sflag:s26] =	ssyncpa.u1 $0x1  }
0x113: {  	[sflag:s28] =	ssyncpa.u1 $0x1  }
0x114: {  	v0 =	vld [tilespmem:$0xA108];
	_ =	sdelay $0x4  }
0x115: {  	(v2sf) =	vpush v0, $0x0  }
0x116: {  	(v2sf) =	vpush v0, $0x1;
	_ =	sdelay $0x1  }
0x117: {  	(v2sf) =	vpush v0, $0x2;
	_ =	sdelay $0xb  }
0x118: {  	s0 =	spop (v2sf)  }
0x119: {  	s2 =	spop (v2sf)  }
0x11a: {  	s3 =	smov.u32 s0;
	p0 =	sne.s32 s0, s2  }
0x11b: {  	s4 =	spop (v2sf);
	s3 =	simm.s32 @!p0 $0xFFFFFFFF  }
0x11c: {  	v2 =	vimm.s32 $0x1;
	v3 =	vlaneseq.u32;
	p0 =	seq.s32 s4, $0xFFFFFFFF;
	v1 =	vmov s3  }
0x11d: {  	s7 =	stileid.u32;
	v0 =	vperm.xlane v0, v2;
	p1 =	sne.s32 @!p0 s0, s2;
	v1 =	vperm.xlane v1, v3  }
0x11e: {  	vm0 =	vcmask $0x3F04;
	s6 =	simm.s32 $0xA108;
	s0 =	simm.s32 @!p0 $0x1;
	p1 =	por !p1, p0  }
0x11f: {  	s3 =	sshll.u32 s7, $0x1;
	s2 =	sshll.u32 @!p0 s4, $0x8;
	s0 =	simm.s32 @p1 $0x0;
	v0 =	vsel vm0, v1, v0  }
0x120: {  	s5 =	sor.u32 $0x800, s3;
	s2 =	sshra.s32 @!p0 s2, $0x2;
	s0 =	sor.u32 @!p0 s0, s3;
	[tilespmem:$0xA108] =	vst v0  }
0x121: {  	[spmem:s5] =	stream.linear.scatter [tilespmem:s6], [sflag:$0x1], $0x2, $0x38;
	[tilespmem:$0x1EF78] =	vst v63  }
0x122: {  	s2 =	sadd.s32 @!p0 $0x88, s2;
	s0 =	sshll.u32 @!p0 s0, $0x6  }
0x123: {  	[spmem:s0] =	stream.linear.scatter @!p0 [tilespmem:s2], [sflag:$0x1], $0x40, $0x38;
	[tilespmem:$0x1EF78] =	vst v63  }
0x124: {  	s2 =	simm.s32 @!p0 $0x42  }
0x125: {  	s0 =	simm.s32 $0x1;
	s2 =	simm.s32 @p0 $0x2  }
0x126: {  	_ =	swait.ge [sflag:s0], s2  }
0x127: {  	s2 =	ssub.s32 $0x0, s2;
	[sflag:s0] =	ssyncset.done $0x0  }
0x128: {  	[sflag:s0] =	ssyncadd.s32 s2  }
0x129: {  	_ =	sfence.stream.spmem  }
0x12a: {  	s29 =	simm.s32 $0x3;
	[bflag:$0x0] =	sbarrier.arrive $0xFFFF  }
0x12b: {  	s30 =	simm.s32 $0x4;
	[sflag:s29] =	ssyncpa.u1 $0x1  }
0x12c: {  	s31 =	simm.s32 $0x3C;
	[sflag:s30] =	ssyncpa.u1 $0x1  }
0x12d: {  	p0 =	sne.s32 s7, $0x0;
	[sflag:s31] =	ssyncpa.u1 $0x1  }
0x12e: {  	_ =	sfence @p0  }
0x12f: {  	[sflag:s0] =	ssyncpa.u1 @p0 $0x1  }
0x130: {  	_ =	strace @p0 $0x90000050  }
0x131: {  	[bflag:$0x2] =	sbarrier.arrive @p0 $0xFFFF  }
0x132: {  	_ =	shalt @p0  }
.LBB2_29:
0x133: {  	_ =	sfence.stream.spmem;
	s0 =	simm.s32 $0x5  }
0x134: {  	s2 =	simm.s32 $0x800;
	s3 =	simm.s32 $0xA118;
	[sflag:s0] =	ssyncpa.u1 $0x0  }
0x135: {  	[tilespmem:s3], [sflag:$0x5] =	stream.linear.gather [spmem:s2], $0x20, $0x38;
	[tilespmem:$0x1EF78] =	vst v63  }
0x136: {  	s30 =	simm.s32 $0xA138;
	s2 =	simm.s32 $0x0  }
0x137: {  	[tilespmem:s30], [sflag:$0x5] =	stream.linear.gather [spmem:s2], $0x800, $0x38;
	[tilespmem:$0x1EF78] =	vst v63  }
.Ltmp23:
0x138: {  	_ = 	snop;
	(pc) =	sbr.rel .LBB2_30-.Ltmp23, $4  }
0x139: {  	_ =	swait.ge [sflag:s0], $0x820  }
0x13a: {  	[sflag:s0] =	ssyncset.done $0x0  }
0x13b: {  	s31 =	simm.s32 $0x6;
	[sflag:s0] =	ssyncadd.s32 $0xFFFFF7E0  }
0x13c: {  	s3 =	simm.s32 $0x0;
	[sflag:s31] =	ssyncpa.u1 $0x0  }
.LBB2_36:
0x13d: {  	p0 =	slt.u32 s4, $0x270F9  }
0x13e: {  	s0 =	sand.u32 @p0 $0x3FFF8, s4  }
0x13f: {  	s4 =	sand.u32 @p0 $0x7, s4;
	s5 =	simm.s32 @p0 $0xA0C8;
	s0 =	sadd.s32 @p0 s1, s0  }
0x140: {  	[tilespmem:s5], [sflag:$0x6] =	stream.linear.gather @p0 [hbm4b:s0+s4], $0x40, $0x38;
	[tilespmem:$0x1EF78] =	vst v63  }
0x141: {  	s0 =	simm.s32 @p0 $0x6  }
0x142: {  	_ =	swait.ge @p0 [sflag:s0], $0x40  }
0x143: {  	[sflag:s0] =	ssyncset.done @p0 $0x0  }
0x144: {  	[sflag:s0] =	ssyncadd.s32 @p0 $0xFFFFFFC0  }
0x145: {  	v1 =	vld @p0 [tilespmem:$0xA0C8];
	_ =	sdelay $0x2  }
0x146: {  	s0 =	sshll.u32 @p0 s3, $0x8  }
0x147: {  	s4 =	sshrl.u32 @p0 s0, $0x2  }
0x148: {  	[tilespmem:s4+$0xA138] =	vst.add.f32.msk @p0 $0xffff, v1  }
0x149: {  	v1 =	vld @p0 [tilespmem:$0xA0D8];
	_ =	sdelay $0x4  }
0x14a: {  	[tilespmem:s4+$0xA148] =	vst.add.f32.msk @p0 $0xffff, v1  }
0x14b: {  	v1 =	vld @p0 [tilespmem:$0xA0E8];
	_ =	sdelay $0x4  }
0x14c: {  	[tilespmem:s4+$0xA158] =	vst.add.f32.msk @p0 $0xffff, v1  }
0x14d: {  	v1 =	vld @p0 [tilespmem:$0xA0F8];
	_ =	sdelay $0x3  }
0x14e: {  	s5 =	sshll.u32 @!p0 s3, $0x8  }
0x14f: {  	s5 =	smov.u32 @p0 s0;
	[tilespmem:s4+$0xA168] =	vst.add.f32.msk @p0 $0xffff, v1  }
0x150: {  	s0 =	sshrl.u32 s5, $0x2;
	[tilespmem:s2+$0xA118] =	vst.msk $0x1, v0  }
0x151: {  	v0 =	vld [tilespmem:s0+$0xA138];
	_ =	sdelay $0x2  }
0x152: {  	s31 =	sshll.u32 s2, $0x8  }
0x153: {  	s4 =	sshra.s32 s31, $0x2  }
0x154: {  	[tilespmem:s4+$0xA138] =	vst v0  }
0x155: {  	v0 =	vld [tilespmem:s0+$0xA148];
	_ =	sdelay $0x4  }
0x156: {  	[tilespmem:s4+$0xA148] =	vst v0  }
0x157: {  	v0 =	vld [tilespmem:s0+$0xA158];
	_ =	sdelay $0x4  }
0x158: {  	[tilespmem:s4+$0xA158] =	vst v0  }
0x159: {  	v0 =	vld [tilespmem:s0+$0xA168];
	_ =	sdelay $0x4  }
0x15a: {  	s2 =	sadd.s32 $0x1, s2;
	[tilespmem:s4+$0xA168] =	vst v0  }
.LBB2_37:
0x15b: {  	s3 =	sadd.s32 $0x1, s3  }
0x15c: {  	p0 =	sne.s32 s3, $0x20  }
.Ltmp24:
0x15d: {  	_ = 	snop;
	(pc) =	sbr.rel @!p0 .LBB2_38-.Ltmp24, $1  }
0x15e: {  	_ =	sdelay $0x3  }
.LBB2_30:
0x15f: {  	v0 =	vld.msk [tilespmem:s3+$0xA118], $0x1;
	_ =	sdelay $0x4  }
0x160: {  	(v2sf) =	vpush v0, $0x0;
	_ =	sdelay $0xe  }
0x161: {  	s4 =	spop (v2sf)  }
0x162: {  	p0 =	seq.s32 s4, $0xFFFFFFFF  }
.Ltmp25:
0x163: {  	_ = 	snop;
	(pc) =	sbr.rel @p0 .LBB2_37-.Ltmp25, $1  }
0x164: {  	_ =	sdelay $0x3  }
0x165: {  	p0 =	slt.s32 s2, $0x1  }
.Ltmp26:
0x166: {  	_ = 	snop;
	(pc) =	sbr.rel @p0 .LBB2_36-.Ltmp26, $1  }
0x167: {  	_ =	sdelay $0x3  }
0x168: {  	s5 =	simm.s32 $0xA118;
	p0 =	por $0x0, $0x0  }
0x169: {  	v1 =	vld.msk @!p0 [tilespmem:s5+$0x0], $0x1;
	_ =	sdelay $0x4  }
0x16a: {  	(v2sf) =	vpush @!p0 v1, $0x0;
	_ =	sdelay $0xd  }
0x16b: {  	p2 =	sne.s32 s2, $0x1  }
.Ltmp27:
0x16c: {  	s0 =	spop @!p0 (v2sf);
	(pc) =	sbr.rel @!p2 .LBB2_34-.Ltmp27, $4  }
0x16d: {  	p1 =	seq.s32 @!p0 s4, s0  }
0x16e: {  	s6 =	simm.s32 $0x0;
	p1 =	por !p1, p0  }
0x16f: {  	s0 =	simm.s32 $0xFFFFFFFF;
	s6 =	simm.s32 @p1 $0xFFFFFFFF  }
0x170: {  	s7 =	simm.s32 $0x1;
	s6 =	smov.u32 @p0 s0  }
.LBB2_33:
0x171: {  	s0 =	smov.u32 s6;
	p0 =	sne.s32 s6, $0xFFFFFFFF  }
0x172: {  	s5 =	sadd.s32 $0x1, s5;
	s6 =	smov.u32 s7;
	s7 =	sadd.s32 $0x1, s7  }
0x173: {  	p1 =	sne.s32 s2, s7;
	v1 =	vld.msk @!p0 [tilespmem:s5+$0x0], $0x1;
	_ =	sdelay $0x4  }
0x174: {  	(v2sf) =	vpush @!p0 v1, $0x0;
	_ =	sdelay $0xe  }
.Ltmp28:
0x175: {  	s8 =	spop @!p0 (v2sf);
	(pc) =	sbr.rel @p1 .LBB2_33-.Ltmp28, $4  }
0x176: {  	p2 =	seq.s32 @!p0 s4, s8  }
0x177: {  	p2 =	por !p2, p0  }
0x178: {  	s6 =	simm.s32 @p2 $0xFFFFFFFF  }
0x179: {  	s6 =	smov.u32 @p0 s0  }
.LBB2_34:
0x17a: {  	p0 =	seq.s32 s6, $0xFFFFFFFF  }
.Ltmp29:
0x17b: {  	_ = 	snop;
	(pc) =	sbr.rel @p0 .LBB2_36-.Ltmp29, $1  }
0x17c: {  	_ =	sdelay $0x3  }
0x17d: {  	s0 =	sshll.u32 s3, $0x6  }
0x17e: {  	s0 =	sand.u32 $0x3FFFFFC0, s0  }
0x17f: {  	v0 =	vld [tilespmem:s0+$0xA138];
	_ =	sdelay $0x2  }
0x180: {  	s4 =	sshll.u32 s6, $0x8  }
0x181: {  	s4 =	sshra.s32 s4, $0x2  }
0x182: {  	[tilespmem:s4+$0xA138] =	vst.add.f32.msk $0xffff, v0  }
0x183: {  	v0 =	vld [tilespmem:s0+$0xA148];
	_ =	sdelay $0x4  }
0x184: {  	[tilespmem:s4+$0xA148] =	vst.add.f32.msk $0xffff, v0  }
0x185: {  	v0 =	vld [tilespmem:s0+$0xA158];
	_ =	sdelay $0x4  }
0x186: {  	[tilespmem:s4+$0xA158] =	vst.add.f32.msk $0xffff, v0  }
0x187: {  	v0 =	vld [tilespmem:s0+$0xA168]  }
.Ltmp30:
0x188: {  	_ = 	snop;
	(pc) =	sbr.rel .LBB2_37-.Ltmp30, $2  }
0x189: {  	_ =	sdelay $0x2  }
0x18a: {  	[tilespmem:s4+$0xA168] =	vst.add.f32.msk $0xffff, v0  }
.LBB2_38:
0x18b: {  	p0 =	slt.s32 s2, $0x1  }
.Ltmp31:
0x18c: {  	_ = 	snop;
	(pc) =	sbr.rel @p0 .LBB2_42-.Ltmp31, $3  }
0x18d: {  	_ =	sdelay $0x1  }
0x18e: {  	s0 =	simm.s32 $0x6  }
0x18f: {  	s3 =	simm.s32 $0x0;
	[sflag:s0] =	ssyncpa.u1 $0x1  }
0x190: {  	s0 =	simm.s32 $0xA118  }
0x191: {  	v0 =	vld.msk [tilespmem:s0+$0x0], $0x1;
	_ =	sdelay $0x4  }
0x192: {  	(v2sf) =	vpush v0, $0x0;
	_ =	sdelay $0xe  }
0x193: {  	s2 =	sadd.s32 $0xFFFFFFFF, s2;
	s0 =	spop (v2sf)  }
0x194: {  	p1 =	sne.s32 s2, $0x0;
	p0 =	sgt.u32 s0, $0x270F8  }
.Ltmp32:
0x195: {  	s5 =	sand.u32 @!p0 $0x3FFF8, s0;
	(pc) =	sbr.rel @!p1 .LBB2_41-.Ltmp32, $4  }
0x196: {  	s4 =	simm.s32 $0xA138;
	s0 =	sand.u32 @!p0 $0x7, s0;
	s5 =	sadd.s32 @!p0 s1, s5  }
0x197: {  	[hbm4b:s5+s0] =	stream.linear.scatter @!p0 [tilespmem:s4], [sflag:$0x5], $0x40, $0x38;
	[tilespmem:$0x1EF78] =	vst v63  }
0x198: {  	s0 =	simm.s32 $0x0  }
0x199: {  	s5 =	simm.s32 $0xA119;
	s0 =	simm.s32 @!p0 $0x100  }
.LBB2_40:
0x19a: {  	v0 =	vld.msk [tilespmem:s5+$0x0], $0x1;
	s2 =	sadd.s32 $0xFFFFFFFF, s2;
	s3 =	sadd.s32 s3, s0  }
0x19b: {  	p0 =	sne.s32 s2, $0x0;
	_ =	sdelay $0x3  }
0x19c: {  	(v2sf) =	vpush v0, $0x0;
	_ =	sdelay $0xe  }
.Ltmp33:
0x19d: {  	s6 =	spop (v2sf);
	(pc) =	sbr.rel @p0 .LBB2_40-.Ltmp33, $4  }
0x19e: {  	s0 =	simm.s32 $0x0;
	p1 =	sgt.u32 s6, $0x270F8  }
0x19f: {  	s4 =	sadd.s32 $0x40, s4;
	s0 =	simm.s32 @!p1 $0x100;
	s7 =	sand.u32 @!p1 $0x3FFF8, s6  }
0x1a0: {  	s5 =	sadd.s32 $0x1, s5;
	s6 =	sand.u32 @!p1 $0x7, s6;
	s7 =	sadd.s32 @!p1 s1, s7  }
0x1a1: {  	[hbm4b:s7+s6] =	stream.linear.scatter @!p1 [tilespmem:s4], [sflag:$0x5], $0x40, $0x38;
	[tilespmem:$0x1EF78] =	vst v63  }
.LBB2_41:
0x1a2: {  	s0 =	sadd.s32 s3, s0  }
0x1a3: {  	s3 =	sshrl.u32 s0, $0x2  }
.LBB2_42:
0x1a4: {  	s0 =	simm.s32 $0x5  }
0x1a5: {  	_ =	swait.ge [sflag:s0], s3  }
0x1a6: {  	s1 =	ssub.s32 $0x0, s3;
	[sflag:s0] =	ssyncset.done $0x0  }
0x1a7: {  	[sflag:s0] =	ssyncadd.s32 s1  }
0x1a8: {  	[sflag:s0] =	ssyncpa.u1 $0x1  }
0x1a9: {  	s30 =	simm.s32 $0x1;
	_ =	sfence  }
0x1aa: {  	[sflag:s30] =	ssyncpa.u1 $0x1  }
0x1ab: {  	_ =	strace $0x90000050  }
0x1ac: {  	[bflag:$0x2] =	sbarrier.arrive $0xFFFF  }
0x1ad: {  	s31 =	rddreg [dreg:$0x1]  }
0x1ae: {  	s0 =	sadd.s32 $0x100000, s31  }
0x1af: {  	[sflag:s0] =	ssyncadd.tile.s32 $0x1;
	_ =	shalt  }
.Lfunc_end2:
_tile_overlayer_lowered:
.L_overlay_start_2:
0x1b0: {  	(tag) =	ssettag $0x2  }
0x1b1: {  	s0 =	rddreg [dreg:$0x0];
	s2 =	stileid.u32  }
0x1b2: {  	s1 =	rddreg [dreg:$0x1];
	p0 =	sne.s32 s2, $0x0  }
0x1b3: {  	s3 =	rddreg [dreg:$0x2];
	[bflag:$0x3] =	sbarrier.arrive $0xFFFF;
	s2 =	simm.s32 @!p0 $0x1C01  }
0x1b4: {  	[timem:s3], [sflag:s2] =	dma.local @!p0 [hbm:s0], s1  }
0x1b5: {  	s0 =	simm.s32 @!p0 $0x1  }
0x1b6: {  	_ =	swait.ge @!p0 [sflag:s0], s1  }
0x1b7: {  	s1 =	ssub.s32 @!p0 $0x0, s1;
	[sflag:s0] =	ssyncset.done @!p0 $0x0  }
0x1b8: {  	[sflag:s0] =	ssyncadd.s32 @!p0 s1  }
0x1b9: {  	[bflag:$0x3] =	sbarrier.arrive $0xFFFF  }
0x1ba: {  	_ =	shalt  }

// kernel: scatter_offload_async_start
scs
__scs_entry_jumppad:
0x0: {  	(pc) =	sbr.rel $0x88, $3  }
0x1: {  	(tag) =	ssettag $0x0;
	lr =	simm.s32 $0x1  }
0x2: {  	[smem:$0x3F8A] =	sst lr;
	_ =	strace $0xD0000000  }
0x3: {  	_ = 	snop  }
0x4: {  	_ = 	snop  }
0x5: {  	_ = 	snop  }
0x6: {  	_ = 	snop  }
0x7: {  	_ = 	snop  }
__scs_overlays_trampoline_lowered:
0x8: {  	[smem:$0x3F99] =	sst s0  }
0x9: {  	[smem:$0x3F9A] =	sst s1  }
0xa: {  	[smem:$0x3F9B] =	sst s2  }
0xb: {  	[smem:$0x3F9C] =	sst s3  }
0xc: {  	[smem:$0x3F9D] =	sst s4  }
0xd: {  	[smem:$0x3F9E] =	sst s5  }
0xe: {  	[smem:$0x3F9F] =	sst s6  }
0xf: {  	[smem:$0x3FA0] =	sst s7  }
0x10: {  	[smem:$0x3FA1] =	sst s8  }
0x11: {  	[smem:$0x3FA2] =	sst s9;
	s0 =	simm.s32 @!p0 $0x0  }
0x12: {  	s1 =	sld [smem:$0x3F88];
	s0 =	simm.s32 @p0 $0x1  }
0x13: {  	[smem:$0x3FA3] =	sst s0;
	s0 =	simm.s32 @!p1 $0x0  }
0x14: {  	s2 =	sld [smem:$0x3F87];
	s0 =	simm.s32 @p1 $0x1  }
0x15: {  	[smem:$0x3FA4] =	sst s0;
	s0 =	simm.s32 @!p2 $0x0  }
0x16: {  	s3 =	sld [smem:$0x3FDB];
	s0 =	simm.s32 @p2 $0x1  }
0x17: {  	s4 =	simm.s32 $0x1BF5;
	[smem:$0x3FA6] =	sst s0  }
0x18: {  	s0 =	sld [smem:$0x3F89];
	_ =	swait.ge [sflag:s4], $0x0  }
0x19: {  	s7 =	sld [smem:$0x3F8A]  }
0x1a: {  	s8 =	sadd.s32 $0xFFFFE003, lr  }
0x1b: {  	s9 =	sadd.s32 $0xFFFFFEF7, lr;
	s5 =	simm.s32 $0xFFFFFFFF;
	p2 =	slt.u32 s8, $0xFFFFF086  }
0x1c: {  	p1 =	slt.u32 s9, $0xF7A;
	s5 =	simm.s32 @!p2 $0x0  }
0x1d: {  	s5 =	simm.s32 @p1 $0x1;
	p0 =	seq.s32 s7, s2  }
0x1e: {  	s7 =	smul.u32 @!p0 $0xF7A, s2;
	p2 =	seq.s32 @!p0 s5, $0x0  }
0x1f: {  	s9 =	smul.u32 $0xF7A, s1;
	s8 =	simm.s32 @!p0 $0x1BF5;
	p2 =	por !p2, p0  }
0x20: {  	[sflag:s8] =	ssyncset.s32 @!p0 $0xFFFFF086;
	s6 =	sadd.s32 @!p0 s3, s7;
	s7 =	simm.s32 @!p0 $0x108  }
0x21: {  	s3 =	sadd.s32 s3, s9;
	s6 =	sadd.s32 @!p0 $0x88, s6;
	s7 =	simm.s32 @p2 $0x1082  }
0x22: {  	[simem:s7], [sflag:s8] =	dma.local @!p0 [hbm:s6], $0xF7A  }
0x23: {  	s9 =	sor.u32 $0xD0000000, s2;
	s6 =	simm.s32 $0x108;
	_ =	swait.ge @!p0 [sflag:s8], $0x0  }
0x24: {  	s3 =	sadd.s32 $0x88, s3;
	s6 =	simm.s32 @!p1 $0x1082;
	[sflag:s4] =	ssyncset.s32 $0xFFFFF086  }
0x25: {  	[simem:s6], [sflag:s4] =	dma.local [hbm:s3], $0xF7A  }
0x26: {  	[smem:$0x3F8A] =	sst s1;
	(tag) =	ssettag s2;
	_ =	strace s9  }
0x27: {  	s1 =	sld [smem:$0x3F9A]  }
0x28: {  	s2 =	sld [smem:$0x3F9B]  }
0x29: {  	s4 =	sld [smem:$0x3F9D]  }
0x2a: {  	p0 =	seq.s32 s5, $0x0;
	s5 =	sld [smem:$0x3F9E]  }
0x2b: {  	s6 =	sld [smem:$0x3F9F]  }
0x2c: {  	s7 =	sld [smem:$0x3FA0]  }
0x2d: {  	s3 =	simm.s32 $0x108;
	s8 =	sld [smem:$0x3FA1]  }
0x2e: {  	s3 =	simm.s32 @!p0 $0x1082;
	s9 =	sld [smem:$0x3FA2]  }
0x2f: {  	lr =	sadd.s32 s0, s3;
	s0 =	sld [smem:$0x3F99]  }
0x30: {  	s3 =	sld [smem:$0x3F9C]  }
0x31: {  	[smem:$0x3FA5] =	sst s10  }
0x32: {  	s10 =	sld [smem:$0x3FA3];
	_ =	sdelay $0x3  }
0x33: {  	p0 =	seq.s32 s10, $0x1;
	s10 =	sld [smem:$0x3FA5];
	_ =	sdelay $0x3  }
0x34: {  	[smem:$0x3FA5] =	sst s10  }
0x35: {  	s10 =	sld [smem:$0x3FA4];
	_ =	sdelay $0x3  }
0x36: {  	p1 =	seq.s32 s10, $0x1;
	s10 =	sld [smem:$0x3FA5];
	_ =	sdelay $0x3  }
0x37: {  	[smem:$0x3FA5] =	sst s10  }
0x38: {  	s10 =	sld [smem:$0x3FA6]  }
0x39: {  	_ = 	snop;
	(pc) =	sbr.ind lr, $3  }
0x3a: {  	_ = 	snop  }
0x3b: {  	_ = 	snop  }
0x3c: {  	p2 =	seq.s32 s10, $0x1;
	s10 =	sld [smem:$0x3FA5]  }
0x3d: {  	_ =	shalt  }
0x3e: {  	_ =	shalt  }
0x3f: {  	_ =	shalt  }
0x40: {  	_ =	shalt  }
0x41: {  	_ =	shalt  }
0x42: {  	_ =	shalt  }
0x43: {  	_ =	shalt  }
0x44: {  	_ =	shalt  }
0x45: {  	_ =	shalt  }
0x46: {  	_ =	shalt  }
0x47: {  	_ =	shalt  }
0x48: {  	_ =	shalt  }
0x49: {  	_ =	shalt  }
0x4a: {  	_ =	shalt  }
0x4b: {  	_ =	shalt  }
0x4c: {  	_ =	shalt  }
0x4d: {  	_ =	shalt  }
0x4e: {  	_ =	shalt  }
0x4f: {  	_ =	shalt  }
0x50: {  	_ =	shalt  }
0x51: {  	_ =	shalt  }
0x52: {  	_ =	shalt  }
0x53: {  	_ =	shalt  }
0x54: {  	_ =	shalt  }
0x55: {  	_ =	shalt  }
0x56: {  	_ =	shalt  }
0x57: {  	_ =	shalt  }
0x58: {  	_ =	shalt  }
0x59: {  	_ =	shalt  }
0x5a: {  	_ =	shalt  }
0x5b: {  	_ =	shalt  }
0x5c: {  	_ =	shalt  }
0x5d: {  	_ =	shalt  }
0x5e: {  	_ =	shalt  }
0x5f: {  	_ =	shalt  }
0x60: {  	_ =	shalt  }
0x61: {  	_ =	shalt  }
0x62: {  	_ =	shalt  }
0x63: {  	_ =	shalt  }
0x64: {  	_ =	shalt  }
0x65: {  	_ =	shalt  }
0x66: {  	_ =	shalt  }
0x67: {  	_ =	shalt  }
0x68: {  	_ =	shalt  }
0x69: {  	_ =	shalt  }
0x6a: {  	_ =	shalt  }
0x6b: {  	_ =	shalt  }
0x6c: {  	_ =	shalt  }
0x6d: {  	_ =	shalt  }
0x6e: {  	_ =	shalt  }
0x6f: {  	_ =	shalt  }
0x70: {  	_ =	shalt  }
0x71: {  	_ =	shalt  }
0x72: {  	_ =	shalt  }
0x73: {  	_ =	shalt  }
0x74: {  	_ =	shalt  }
0x75: {  	_ =	shalt  }
0x76: {  	_ =	shalt  }
0x77: {  	_ =	shalt  }
0x78: {  	_ =	shalt  }
0x79: {  	_ =	shalt  }
0x7a: {  	_ =	shalt  }
0x7b: {  	_ =	shalt  }
0x7c: {  	_ =	shalt  }
0x7d: {  	_ =	shalt  }
0x7e: {  	_ =	shalt  }
0x7f: {  	_ =	shalt  }
0x80: {  	_ =	shalt  }
0x81: {  	_ =	shalt  }
0x82: {  	_ =	shalt  }
0x83: {  	_ =	shalt  }
0x84: {  	_ =	shalt  }
0x85: {  	_ =	shalt  }
0x86: {  	_ =	shalt  }
0x87: {  	_ =	shalt  }
.Lfunc_end0:
.L_simem_size_0:
called_computation_lowered:
.L_overlay_start_0:
0x88: {  	s0 =	sld [smem:$0x3FD9]  }
0x89: {  	s1 =	sld [smem:$0x3FFE];
	_ =	sdelay $0x3  }
0x8a: {  	s0 =	sadd.s32 s1, s0  }
0x8b: {  	[smem:$0x3FB1] =	sst s0  }
0x8c: {  	_ = 	snop  }
0x8d: {  	(tm) =	ssettm $0x1  }
0x8e: {  	s15 =	sld [smem:$0x3FFB];
	_ =	sdelay $0x3  }
0x8f: {  	_ =	strace s15  }
0x90: {  	s0 =	sld [smem:$0x3FFC];
	_ =	sdelay $0x3  }
0x91: {  	_ =	strace s0  }
0x92: {  	s0 =	sld [smem:$0x3FFD];
	_ =	sdelay $0x3  }
0x93: {  	_ =	strace s0  }
0x94: {  	_ =	strace $0x8FFFFFFF  }
0x95: {  	s16 =	sld [smem:$0x3FDB];
	_ =	sdelay $0x1  }
0x96: {  	s17 =	simm.s32 $_scs_section_size  }
0x97: {  	s2 =	simm.s32 $_size__tile_overlayer_lowered;
	s3 =	simm.s32 $_tile_overlayer_lowered  }
0x98: {  	s20 =	simm.s32 $0x1BFF;
	s19 =	sshll.u32 s3, $0x1;
	s0 =	sadd.s32 s17, s16  }
0x99: {  	s4 =	simm.s32 $0x0;
	s18 =	sshll.u32 s2, $0x1;
	s2 =	sadd.s32 s19, s0  }
0x9a: {  	[timem:s4], [sflag:s20] =	dma.local [hbm:s2], s18  }
0x9b: {  	_ =	swait.ge [sflag:s20], s18  }
0x9c: {  	s1 =	ssub.s32 $0x0, s18;
	[sflag:s20] =	ssyncset.done $0x0  }
0x9d: {  	[sflag:s20] =	ssyncadd.s32 s1;
	_ =	sdelay $0x1  }
0x9e: {  	s21 =	simm.s32 $0x1B8B  }
0x9f: {  	_ =	swait.ge [sflag:s21], $0x1  }
0xa0: {  	[sflag:s21] =	ssyncset.done $0x0  }
0xa1: {  	s23 =	simm.s32 $0x1B8E;
	s22 =	sld [smem:$0x3FFE];
	[sflag:s21] =	ssyncadd.s32 $0xFFFFFFFF  }
0xa2: {  	s24 =	simm.s32 $execute0_lowered;
	[smem:$0x3FD2] =	sst s23  }
0xa3: {  	s2 =	sshll.u32 s24, $0x1;
	_ =	strace $0x80000046;
	[dreg:$0x1] =	wrdreg $0xFFFFFFFF  }
0xa4: {  	s25 =	simm.s32 $_size_execute0_lowered;
	s0 =	sadd.s32 s0, s2;
	[dreg:$0x0] =	wrdreg $0x0  }
0xa5: {  	s2 =	sshll.u32 s25, $0x1;
	[dreg:$0x2] =	wrdreg s0  }
0xa6: {  	[dreg:$0x3] =	wrdreg s2  }
0xa7: {  	[dreg:$0x4] =	wrdreg $0xC0  }
0xa8: {  	_ =	task [dreg:s4], $0x5FFFF  }
0xa9: {  	[dreg:$0x1] =	wrdreg $0xFFFFFFFF  }
0xaa: {  	[dreg:$0x0] =	wrdreg $0x60  }
0xab: {  	[dreg:$0x2] =	wrdreg s22  }
0xac: {  	[dreg:$0x3] =	wrdreg $0x9  }
0xad: {  	_ =	task.clear_ibuf [dreg:s4], $0x4FFFF;
	_ =	strace $0x90000046  }
0xae: {  	s26 =	simm.s32 $0x9;
	_ =	strace $0x80000048  }
0xaf: {  	_ =	swait.ge [sflag:s26], $0x1  }
0xb0: {  	[sflag:s26] =	ssyncadd.s32 $0xFFFFFFFF  }
0xb1: {  	_ =	strace $0x90000048  }
0xb2: {  	_ =	sfence  }
0xb3: {  	s28 =	sld [smem:$0x0];
	_ =	sdelay $0x1  }
0xb4: {  	s29 =	srdreg.scid  }
0xb5: {  	s30 =	sshll.u32 s29, $0xD;
	s31 =	sshrl.u32 s29, $0x2  }
0xb6: {  	s1 =	sand.u32 $0x1, s29;
	s2 =	sand.u32 $0x4000, s30;
	s0 =	sadd.s32 s31, s28  }
0xb7: {  	s1 =	sor.u32 s2, s1;
	s0 =	sshll.u32 s0, $0x11  }
0xb8: {  	s0 =	sor.u32 s0, s1  }
0xb9: {  	s0 =	sadd.s32 $0x8F2B, s0  }
0xba: {  	[sflag:s0] =	ssyncadd.remote.s32 $0x1  }
0xbb: {  	_ =	sfence.sel $0xFFFF  }
0xbc: {  	[dreg:$0x0] =	wrdreg $0xFFFFFFFF;
	(pc) =	sbr.abs _section_cstart, $3  }
0xbd: {  	[dreg:$0x1] =	wrdreg $0xFFFFFFFF  }
0xbe: {  	_ =	task.clear_ibuf [dreg:s4], $0x2FFFF;
	_ =	strace $0x9FFFFFFF  }
0xbf: {  	(tm) =	ssettm $0x7FFFFFFF  }
tec
execute0_lowered:
.L_overlay_start_1:
0x0: {  	(tag) =	ssettag $0x1  }
0x1: {  	s0 =	rddreg [dreg:$0x0]  }
0x2: {  	s6 =	stileid.u32;
	_ =	strace $0x80000047;
	s2 =	simm.s32 $0x1  }
0x3: {  	v1 =	vimm.s32 $0xFFFFFFFF;
	s1 =	smin.u32 s6, $0x9;
	[sflag:s2] =	ssyncpa.u1 $0x0  }
0x4: {  	s1 =	sadd.s32 s6, s1;
	[tilespmem:$0x10] =	vst v1  }
0x5: {  	v0 =	vimm.f32 $0.0e+00;
	p0 =	slt.u32 s6, $0x9;
	[tilespmem:$0x20] =	vst v1;
	s3 =	smul.u32 $0x1A90, s1;
	s1 =	simm.s32 $0x3520  }
0x6: {  	[tilespmem:$0x30] =	vst v0;
	s1 =	simm.s32 @!p0 $0x1A90  }
0x7: {  	[tilespmem:$0x40] =	vst v0;
	s1 =	sadd.s32 s1, s3  }
0x8: {  	[tilespmem:$0x50] =	vst v0;
	s4 =	smin.u32 s1, $0x29810  }
0x9: {  	s7 =	simm.s32 $0x2;
	[tilespmem:$0x60] =	vst v1;
	s9 =	ssub.s32 s4, s3  }
0xa: {  	s8 =	simm.s32 $0x8;
	s31 =	simm.s32 $0x9;
	[tilespmem:$0x70] =	vst v1;
	p0 =	sgt.s32 s9, $0x0  }
0xb: {  	s16 =	simm.s32 $0x0;
	s17 =	simm.s32 $0xF0;
	[tilespmem:$0x80] =	vst v1;
	s9 =	simm.s32 @!p0 $0x0  }
0xc: {  	s18 =	simm.s32 $0xFFFFFFFF;
	s19 =	simm.s32 $0xFFFFCBE0;
	v1 =	vimm.s32 $0x0;
	[tilespmem:$0xB0] =	vst v0;
	s5 =	smulhi.u32 $0x134679AD, s9  }
0xd: {  	s20 =	simm.s32 $0xFFFFFFFE;
	s21 =	simm.s32 $0xF;
	s25 =	simm.s32 $0x0;
	[tilespmem:$0x90] =	vst v1  }
0xe: {  	[tilespmem:$0xA0] =	vst v1;
	[sflag:s7] =	ssyncpa.u1 $0x0;
	s7 =	simm.s32 $0x7;
	s10 =	sshrl.u32 s5, $0x9  }
0xf: {  	s24 =	simm.s32 $0x0;
	[sflag:s7] =	ssyncpa.u1 $0x0;
	s11 =	smul.u32 $0x1A90, s10  }
0x10: {  	s14 =	sshllo.u32 s6, $0x1;
	[sflag:s8] =	ssyncpa.u1 $0x0;
	s23 =	smov.u32 s3  }
.Ltmp0:
0x11: {  	s1 =	sadd.s32 $0x47E00, s0;
	p0 =	sne.s32 s9, s11;
	(pc) =	sbr.rel .LBB2_1-.Ltmp0, $4  }
0x12: {  	s5 =	sadd.s32 $0x1400, s0;
	s0 =	sadd.s32 $0x6800, s0;
	s2 =	simm.s32 @!p0 $0x0  }
0x13: {  	[sflag:s31] =	ssyncpa.u1 $0x0;
	[dreg:$0x2] =	wrdreg s0;
	s9 =	sadd.s32 s2, s10  }
0x14: {  	vm0 =	vmmov $0xffff;
	v2 =	vlaneseq.u32;
	p0 =	por $0x0, $0x0;
	s10 =	sshll.u32 s6, $0x1;
	s11 =	sadd.s32 $0x1, s9  }
0x15: {  	vm1 =	vmxor vm1, vm1;
	vm2 =	vmmov $0x1;
	vm3 =	vcmask $0x3F3C;
	s12 =	sadd.s32 $0x2, s9;
	s13 =	sor.u32 $0x81, s10;
	s15 =	sor.u32 $0x80, s10  }
.LBB2_9:
0x16: {  	p1 =	slt.u32 s24, $0x3  }
0x17: {  	s0 =	simm.s32 @!p1 $0x2  }
0x18: {  	_ =	swait.ge @!p1 [sflag:s0], $0x1A90  }
0x19: {  	[sflag:s0] =	ssyncset.done @!p1 $0x0  }
0x1a: {  	[sflag:s0] =	ssyncadd.s32 @!p1 $0xFFFFE570;
	s0 =	simm.s32 @!p1 $0x9  }
0x1b: {  	_ =	swait.ge @!p1 [sflag:s0], $0x10  }
0x1c: {  	[sflag:s0] =	ssyncset.done @!p1 $0x0  }
0x1d: {  	[sflag:s0] =	ssyncadd.s32 @!p1 $0xFFFFFFF0;
	p1 =	sne.s32 s24, s12  }
.Ltmp1:
0x1e: {  	s2 =	sadd.s32 $0x1A90, s23;
	(pc) =	sbr.rel @!p1 .LBB2_10-.Ltmp1, $4  }
0x1f: {  	s6 =	smov.u32 s3;
	s31 =	sadd.s32 $0x1, s24;
	s17 =	sadd.s32 $0x1A90, s17  }
0x20: {  	s18 =	sadd.s32 $0x1, s18;
	s25 =	smov.u32 s23;
	p2 =	slt.s32 s2, s4  }
0x21: {  	p0 =	por !p0, !p0;
	s19 =	sadd.s32 $0x1A90, s19;
	s6 =	smov.u32 @p2 s2  }
0x22: {  	s20 =	sadd.s32 $0x1, s20;
	s23 =	smov.u32 s6;
	s24 =	smov.u32 s31  }
.LBB2_1:
0x23: {  	p1 =	sge.u32 s24, s9  }
0x24: {  	s0 =	smulhi.u32 @!p1 $0xAAAAAAAB, s24;
	_ =	sdelay $0x1  }
0x25: {  	s0 =	sshrl.u32 @!p1 s0, $0x1  }
0x26: {  	s0 =	smul.u32 @!p1 $0x3, s0;
	_ =	sdelay $0x1  }
0x27: {  	s0 =	ssub.s32 @!p1 s24, s0  }
0x28: {  	s0 =	smul.u32 @!p1 $0x6A40, s0;
	_ =	sdelay $0x1  }
0x29: {  	s2 =	sshrl.u32 @!p1 s23, $0x3;
	s0 =	sshrl.u32 @!p1 s0, $0x2  }
0x2a: {  	s22 =	sand.u32 @!p1 $0x7, s23;
	s2 =	sadd.s32 @!p1 s5, s2;
	s0 =	sadd.s32 @!p1 $0x100, s0  }
0x2b: {  	[tilespmem:s0], [sflag:$0x7] =	stream.linear.gather @!p1 [hbm4b:s2+s22], $0x1A90, $0x38;
	[tilespmem:$0xF030] =	vst v63  }
0x2c: {  	s0 =	sadd.s32 $0xFFFFFFFF, s24  }
0x2d: {  	p1 =	sge.u32 s0, s9  }
.Ltmp2:
0x2e: {  	_ = 	snop;
	(pc) =	sbr.rel @p1 .LBB2_5-.Ltmp2, $1  }
0x2f: {  	_ =	sdelay $0x3  }
0x30: {  	s2 =	smulhi.u32 $0xAAAAAAAB, s0;
	_ =	sdelay $0x1  }
0x31: {  	s2 =	sshrl.u32 s2, $0x1  }
0x32: {  	s2 =	smul.u32 $0x3, s2;
	_ =	sdelay $0x1  }
0x33: {  	s2 =	ssub.s32 s0, s2  }
0x34: {  	s2 =	smul.u32 $0x6A40, s2  }
0x35: {  	_ =	swait.ge [sflag:s7], $0x1A90  }
0x36: {  	[sflag:s7] =	ssyncset.done $0x0;
	s2 =	sshrl.u32 s2, $0x2  }
0x37: {  	[sflag:s7] =	ssyncadd.s32 $0xFFFFE570;
	(ifvalue) =	ssetifvalue $0xFFFFFFFF;
	v3 =	vld.msk [tilespmem:s2+$0x100 ss:$0x1], $0xffff;
	_ =	sdelay $0x2  }
0x38: {  	s30 =	smulhi.u32 $0xAAAAAAAB, s18;
	p1 =	sne.s32 s24, $0x1  }
0x39: {  	v4 =	vimm.s32 @!p1 $0x0  }
0x3a: {  	s2 =	sshrl.u32 s30, $0x1;
	v4 =	vperm.xlane @!p1 v3, v4  }
0x3b: {  	s22 =	sshll.u32 s24, $0x4;
	s2 =	smul.u32 $0xFFFEC140, s2;
	vm4 =	vlt.u32 v3, $0x2800  }
0x3c: {  	s22 =	sand.u32 $0x10, s22;
	v3 =	vnsel vm4, $0xFFFFFFFE, v3;
	vm4 =	vlt.u32 @!p1 v4, $0x2800  }
0x3d: {  	s2 =	sshra.s32 s2, $0x2;
	[tilespmem:s22+$0x60] =	vst v3;
	v3 =	vnsel @!p1 vm4, $0xFFFFFFFE, v4  }
0x3e: {  	s28 =	sadd.s32 s2, s17;
	[tilespmem:$0x80] =	vst @!p1 v3  }
0x3f: {  	v3 =	vld.msk [tilespmem:s28+$0x0 ss:$0x1], $0xffff;
	_ =	sdelay $0x4  }
0x40: {  	(xrf1) =	vunique.msk.u32 $0xffff, v3;
	_ =	sdelay $0xd  }
0x41: {  	v4 =	vimm.s32 $0xFFFFFFFF;
	v5, _, _ =	vpop (xrf1)  }
0x42: {  	vm5 =	vne.s32 v3, v4;
	vm4 =	veq.s32 v5, v2  }
0x43: {  	vm6 =	vlt.u32 v3, $0x2800;
	vm4 =	vmand vm5, vm4  }
0x44: {  	vm4 =	vmand vm6, vm4  }
0x45: {  	v4 =	vnsel vm4, $0xFFFFFFFF, v3  }
0x46: {  	s31 =	sand.u32 $0x1, s0  }
0x47: {  	s0 =	simm.s32 $0x1A90;
	p1 =	seq.s32 s31, $0x1  }
0x48: {  	s0 =	simm.s32 @!p1 $0x0  }
0x49: {  	s26 =	sadd.s32 $0x6B30, s0;
	(ifvalue) =	ssetifvalue $0xFFFFFFFF  }
0x4a: {  	v3 =	vperm.xlane v3, v1;
	[tilespmem:s26], [sflag:$0x8] =	stream.indirect_vreg.gather [hbm4b:s1+s16], $0x1, v4, vm0, $0x4038;
	v4 =	vnsel vm6, $0xFFFFFFFE, v4;
	[tilespmem:$0xF030] =	vst v63  }
0x4b: {  	s2 =	simm.s32 $0x0;
	s22 =	sadd.s32 $0xFFFFFFF0, s28;
	[tilespmem:s28+$0x0] =	vst v4  }
.LBB2_3:
0x4c: {  	v4 =	vld.msk [tilespmem:s22+$0x0 ss:$0x1], $0xffff;
	s2 =	sadd.s32 $0x10, s2;
	v5 =	vmov v3;
	s28 =	smov.u32 s22  }
0x4d: {  	p1 =	slt.u32 s2, $0x1A80;
	_ =	sdelay $0x4  }
0x4e: {  	v3 =	vperm.xlane v4, v1;
	(xrf1) =	vunique.msk.u32 $0xffff, v4;
	_ =	sdelay $0xd  }
0x4f: {  	v6, _, _ =	vpop (xrf1)  }
0x50: {  	vm5 =	vne.s32 v4, v5;
	vm4 =	veq.s32 v6, v2  }
0x51: {  	vm6 =	vlt.u32 v4, $0x2800;
	vm4 =	vmand vm5, vm4  }
0x52: {  	vm4 =	vmand vm6, vm4  }
0x53: {  	v4 =	vnsel vm4, $0xFFFFFFFF, v4  }
.Ltmp3:
0x54: {  	v5 =	vnsel vm6, $0xFFFFFFFE, v4;
	(pc) =	sbr.rel @p1 .LBB2_3-.Ltmp3, $3  }
0x55: {  	_ =	sdelay $0x1  }
0x56: {  	s22 =	sadd.s32 $0xFFFFFFF0, s22;
	s26 =	sadd.s32 $0xFFFFFFF0, s26;
	(ifvalue) =	ssetifvalue $0xFFFFFFFF  }
0x57: {  	[tilespmem:s26], [sflag:$0x8] =	stream.indirect_vreg.gather [hbm4b:s1+s16], $0x1, v4, vm0, $0x4038;
	[tilespmem:s28+$0x0] =	vst v5  }
0x58: {  	s2 =	sshrl.u32 s25, $0x3;
	s6 =	rddreg [dreg:$0x2]  }
0x59: {  	s0 =	sadd.s32 $0x85D0, s0;
	s2 =	sadd.s32 s6, s2  }
0x5a: {  	[tilespmem:s0], [sflag:$0x8] =	stream.linear.gather [hbm:s2], $0x1A90, $0x38;
	[tilespmem:$0xF030] =	vst v63  }
.LBB2_5:
0x5b: {  	p1 =	slt.u32 s24, $0x2  }
0x5c: {  	p2 =	sge.u32 @!p1 s24, s12  }
0x5d: {  	p1 =	por p1, p2  }
.Ltmp4:
0x5e: {  	_ = 	snop;
	(pc) =	sbr.rel @p1 .LBB2_9-.Ltmp4, $1  }
0x5f: {  	_ =	sdelay $0x3  }
0x60: {  	s0 =	sadd.s32 $0xFFFFFFFE, s24  }
0x61: {  	s2 =	smulhi.u32 $0xAAAAAAAB, s0;
	_ =	sdelay $0x1  }
0x62: {  	s2 =	sshrl.u32 s2, $0x1  }
0x63: {  	s2 =	smul.u32 $0x3, s2;
	_ =	sdelay $0x1  }
0x64: {  	s0 =	ssub.s32 s0, s2  }
0x65: {  	_ =	swait.ge [sflag:s8], $0x3520;
	s0 =	smul.u32 $0x1A90, s0  }
0x66: {  	p1 =	sne.s32 s24, s11;
	[sflag:s8] =	ssyncset.done $0x0  }
0x67: {  	[sflag:s8] =	ssyncadd.s32 $0xFFFFCAE0;
	s2 =	sadd.s32 @!p1 $0x1B8F, s0  }
0x68: {  	[spmem:s13] =	stream.linear.scatter @!p1 [tilespmem:s2], [sflag:$0x1], $0x1, $0x38;
	[tilespmem:$0xF030] =	vst v63  }
0x69: {  	s2 =	simm.s32 @!p1 $0x1  }
0x6a: {  	_ =	swait.ge @!p1 [sflag:s2], $0x1  }
0x6b: {  	s22 =	sshll.u32 s24, $0x4;
	[sflag:s2] =	ssyncset.done @!p1 $0x0  }
0x6c: {  	s25 =	sand.u32 $0x10, s22;
	[sflag:s2] =	ssyncadd.s32 @!p1 $0xFFFFFFFF  }
0x6d: {  	s2 =	sxor.u32 $0x10, s25;
	v4 =	vld [tilespmem:s25+$0x10]  }
0x6e: {  	v5 =	vld [tilespmem:s2+$0x60]  }
0x6f: {  	v3 =	vld [tilespmem:$0x80];
	_ =	sdelay $0x2  }
0x70: {  	(v2sf) =	vpush v4, $0x0  }
0x71: {  	(v2sf) =	vpush v5, $0x0  }
0x72: {  	(v2sf) =	vpush v3, $0x0;
	_ =	sdelay $0xc  }
0x73: {  	s6 =	spop (v2sf)  }
0x74: {  	s28 =	spop (v2sf)  }
0x75: {  	s26 =	spop (v2sf)  }
0x76: {  	p2 =	seq.s32 s6, s28;
	p3 =	seq.s32 s26, s6  }
0x77: {  	p3 =	por p2, p3  }
0x78: {  	s6 =	sand.u32 $0x1, s24;
	v4 =	vpsel p3, $0xFFFFFFFF, v4  }
0x79: {  	s28 =	smul.u32 $0x1A90, s6;
	[tilespmem:s25+$0x10] =	vst.msk $0x1, v4  }
0x7a: {  	v4 =	vld [tilespmem:$0x30]  }
0x7b: {  	v5 =	vld [tilespmem:s28+$0x85D0]  }
0x7c: {  	v6 =	vld [tilespmem:s25+$0x40];
	_ =	sdelay $0x3  }
0x7d: {  	vm4 =	vmmov vm1;
	v5 =	vadd.f32 v5, v4  }
0x7e: {  	vm5 =	vmmov vm2;
	vm4 =	vmmov @p2 vm2;
	v4 =	vadd.f32 v6, v4  }
0x7f: {  	s22 =	sshll.u32 s6, $0x4;
	vm5 =	vmmov @p3 vm1;
	[tilespmem:s28+$0x85D0] =	vst.msk vm4, v5  }
0x80: {  	[tilespmem:s22+$0xF010] =	vst.msk vm5, v4  }
0x81: {  	v4 =	vld [tilespmem:s28+$0x6B30];
	_ =	sdelay $0x3  }
0x82: {  	v5 =	vimm.f32 $0.0e+00  }
0x83: {  	v4 =	vshift.insert v4, v5, s21  }
0x84: {  	s29 =	sor.u32 $0x40, s2  }
0x85: {  	[tilespmem:s29+$0x0] =	vst.msk $0x1, v4  }
0x86: {  	[tilespmem:s28+$0x6B3F] =	vst.msk $0x1, v5  }
0x87: {  	v4 =	vld [tilespmem:s0+$0x1B80];
	_ =	sdelay $0x1  }
0x88: {  	s29 =	smulhi.u32 $0xAAAAAAAB, s20;
	s0 =	simm.s32 $0x1  }
0x89: {  	s0 =	simm.s32 @!p0 $0x0  }
0x8a: {  	s29 =	sshrl.u32 s29, $0x1;
	s0 =	smul.u32 $0x6A40, s0  }
0x8b: {  	s29 =	smul.u32 $0xFFFEC140, s29;
	v4 =	vshift.insert v4, v1, s21  }
0x8c: {  	s0 =	sshrl.u32 s0, $0x2  }
0x8d: {  	s29 =	sshra.s32 s29, $0x2;
	s30 =	sadd.s32 $0x85D0, s0;
	[tilespmem:s2+$0x10] =	vst.msk $0x1, v4  }
0x8e: {  	s6 =	sadd.s32 s29, s19;
	v6 =	vld [tilespmem:s30+$0x0]  }
0x8f: {  	v7 =	vld [tilespmem:s6+$0x0];
	_ =	sdelay $0x3  }
0x90: {  	v5 =	vadd.f32 v6, v5  }
0x91: {  	vm4 =	vne.s32 v7, $0xFFFFFFFF  }
0x92: {  	(xrf2) =	vadd.seg.scan.f32 vm4, v5;
	_ =	sdelay $0x3  }
0x93: {  	s31 =	sadd.s32 $0x50B0, s0;
	v5 =	vperm.xlane v4, v1  }
0x94: {  	v6 =	vld [tilespmem:s31+$0x0]  }
0x95: {  	vm5 =	veq.s32 v7, v3;
	vm6 =	veq.s32 v7, v5  }
0x96: {  	vm7 =	vgt.u32 v7, $0xFFFFFFFD;
	vm6 =	vmor vm6, vm5  }
0x97: {  	vm6 =	vmor vm6, vm7  }
0x98: {  	v9 =	vld [tilespmem:$0xA0];
	v7 =	vsel vm6, $0xFFFFFFFF, v7  }
0x99: {  	v10 =	vld [tilespmem:$0x90];
	v6 =	vsel vm5, $0x0, v6;
	v8, _, _ =	vpop (xrf2)  }
0x9a: {  	v6 =	vadd.f32 v8, v6  }
0x9b: {  	s0 =	sadd.s32 $0xBAF0, s0  }
0x9c: {  	vm4 =	vmand vm4, vm3;
	[tilespmem:s0+$0x0] =	vst v6;
	(ifvalue) =	ssetifvalue $0xFFFFFFFF  }
0x9d: {  	vm6 =	veq.s32 v9, $0x1;
	[hbm4b:s1+s16] =	stream.indirect_vreg.scatter [tilespmem:s0], [sflag:$0x2], $0x1, v7, vm0, $0x4038;
	v7 =	vsel vm4, $0x0, v8;
	[tilespmem:$0xF030] =	vst v63  }
0x9e: {  	s29 =	sadd.s32 $0xF010, s22;
	s22 =	sadd.s32 $0x10, s6;
	s2 =	simm.s32 $0x0;
	vm4 =	vmor vm6, vm5;
	v6 =	vsel vm5, v8, v10;
	v7 =	vshift.insert v7, v0, s21  }
.LBB2_7:
0x9f: {  	v8 =	vld [tilespmem:s22+$0x0];
	s30 =	sadd.s32 $0x10, s30  }
0xa0: {  	s31 =	sadd.s32 $0x10, s31;
	v9 =	vld [tilespmem:s30+$0x0]  }
0xa1: {  	s2 =	sadd.s32 $0x10, s2;
	v10 =	vld [tilespmem:s31+$0x0]  }
0xa2: {  	p2 =	slt.u32 s2, $0x1A80;
	_ =	sdelay $0x2  }
0xa3: {  	v7 =	vadd.f32 v9, v7  }
0xa4: {  	vm5 =	vne.s32 v8, $0xFFFFFFFF  }
0xa5: {  	vm6 =	vmand vm5, vm3;
	(xrf2) =	vadd.seg.scan.f32 vm5, v7;
	_ =	sdelay $0x5  }
0xa6: {  	vm7 =	veq.s32 v8, v5;
	vm5 =	veq.s32 v8, v3  }
0xa7: {  	vm8 =	vgt.u32 v8, $0xFFFFFFFD;
	vm4 =	vmor vm4, vm5;
	vm7 =	vmor vm7, vm5  }
0xa8: {  	vm7 =	vmor vm7, vm8  }
0xa9: {  	v8 =	vsel vm7, $0xFFFFFFFF, v8  }
.Ltmp5:
0xaa: {  	v7 =	vsel vm5, $0x0, v10;
	v9, _, _ =	vpop (xrf2);
	(pc) =	sbr.rel @p2 .LBB2_7-.Ltmp5, $4  }
0xab: {  	v6 =	vsel vm5, v9, v6;
	v10 =	vadd.f32 v9, v7;
	v7 =	vsel vm6, $0x0, v9  }
0xac: {  	s0 =	sadd.s32 $0x10, s0;
	v7 =	vshift.insert v7, v0, s21  }
0xad: {  	s22 =	sadd.s32 $0x10, s22;
	[tilespmem:s0+$0x0] =	vst v10;
	(ifvalue) =	ssetifvalue $0xFFFFFFFF  }
0xae: {  	[hbm4b:s1+s16] =	stream.indirect_vreg.scatter [tilespmem:s0], [sflag:$0x2], $0x1, v8, vm0, $0x4038;
	[tilespmem:$0xF030] =	vst v63  }
0xaf: {  	v3 =	vld [tilespmem:s28+$0xD570];
	_ =	sdelay $0x4  }
0xb0: {  	v3 =	vshift.insert v3, v0, s21  }
0xb1: {  	s0 =	simm.s32 $0x30  }
0xb2: {  	[tilespmem:s0+$0x0] =	vst.msk $0x1, v3  }
0xb3: {  	v3 =	vsel vm4, $0x1, v1;
	[tilespmem:$0x90] =	vst v6  }
0xb4: {  	s0 =	sadd.s32 @!p1 $0xD57F, s28;
	[tilespmem:$0xA0] =	vst v3  }
0xb5: {  	[spmem:s14] =	stream.linear.scatter @!p1 [tilespmem:s0], [sflag:$0x1], $0x1, $0x38;
	[tilespmem:$0xF030] =	vst v63  }
0xb6: {  	s0 =	simm.s32 @!p1 $0x1  }
0xb7: {  	v3 =	vmctz.xlane @!p1 vm4;
	_ =	swait.ge @!p1 [sflag:s0], $0x1  }
0xb8: {  	(v2sf) =	vpush @!p1 v4, $0x0  }
0xb9: {  	(v2sf) =	vpush @!p1 v3, $0x0;
	_ =	sdelay $0xd  }
0xba: {  	s2 =	spop @!p1 (v2sf)  }
0xbb: {  	s6 =	spop @!p1 (v2sf)  }
0xbc: {  	p2 =	sne.s32 @!p1 s26, s2;
	p3 =	slt.s32 @!p1 s6, $0xF  }
0xbd: {  	[sflag:s0] =	ssyncset.done @!p1 $0x0;
	p2 =	por p2, p1;
	p3 =	por !p3, p1  }
0xbe: {  	[sflag:s0] =	ssyncadd.s32 @!p1 $0xFFFFFFFF;
	v3 =	vimm.s32 @!p2 $0xFFFFFFFF;
	s6 =	simm.s32 @p3 $0xF  }
0xbf: {  	[tilespmem:$0x80] =	vst @!p2 v3;
	s2 =	sadd.s32 @!p1 $0x90, s6  }
0xc0: {  	[spmem:s10] =	stream.linear.scatter @!p1 [tilespmem:s2], [sflag:$0x1], $0x1, $0x38;
	[tilespmem:$0xF030] =	vst v63  }
0xc1: {  	_ =	swait.ge @!p1 [sflag:s0], $0x1  }
0xc2: {  	[sflag:s0] =	ssyncset.done @!p1 $0x0  }
0xc3: {  	s2 =	simm.s32 @!p1 $0x80;
	[sflag:s0] =	ssyncadd.s32 @!p1 $0xFFFFFFFF  }
0xc4: {  	[spmem:s15] =	stream.linear.scatter @!p1 [tilespmem:s2], [sflag:$0x1], $0x1, $0x38;
	[tilespmem:$0xF030] =	vst v63  }
0xc5: {  	_ =	swait.ge @!p1 [sflag:s0], $0x1  }
0xc6: {  	[sflag:s0] =	ssyncset.done @!p1 $0x0  }
0xc7: {  	[sflag:s0] =	ssyncadd.s32 @!p1 $0xFFFFFFFF;
	(ifvalue) =	ssetifvalue $0xFFFFFFFF;
	v3 =	vld [tilespmem:s25+$0x10];
	_ =	sdelay $0x3  }
.Ltmp6:
0xc8: {  	_ = 	snop;
	(pc) =	sbr.rel .LBB2_9-.Ltmp6, $3  }
0xc9: {  	_ =	sdelay $0x1  }
0xca: {  	(ifvalue) =	ssetifvalue $0xFFFFFFFF  }
0xcb: {  	[hbm4b:s1+s16] =	stream.indirect_vreg.scatter [tilespmem:s29], [sflag:$0x9], $0x1, v3, vm0, $0x4038;
	[tilespmem:$0xF030] =	vst v63  }
.LBB2_10:
0xcc: {  	_ =	sfence.sel $0x180000  }
0xcd: {  	s0 =	simm.s32 $0x7;
	[bflag:$0x0] =	sbarrier.arrive $0xFFFF  }
0xce: {  	s26 =	simm.s32 $0x8;
	[sflag:s0] =	ssyncpa.u1 $0x1  }
0xcf: {  	s28 =	simm.s32 $0x9;
	[sflag:s26] =	ssyncpa.u1 $0x1  }
0xd0: {  	[sflag:s28] =	ssyncpa.u1 $0x1  }
0xd1: {  	_ =	sfence.stream.spmem  }
0xd2: {  	s29 =	simm.s32 $0x3;
	[bflag:$0x0] =	sbarrier.arrive $0xFFFF  }
0xd3: {  	s30 =	simm.s32 $0x4;
	[sflag:s29] =	ssyncpa.u1 $0x1  }
0xd4: {  	s31 =	simm.s32 $0x3C;
	s2 =	stileid.u32;
	[sflag:s30] =	ssyncpa.u1 $0x1  }
0xd5: {  	p0 =	sne.s32 s2, $0x0;
	[sflag:s31] =	ssyncpa.u1 $0x1  }
0xd6: {  	s0 =	simm.s32 @p0 $0x1;
	_ =	sfence @p0  }
0xd7: {  	[sflag:s0] =	ssyncpa.u1 @p0 $0x1;
	s0 =	simm.s32 @p0 $0x2  }
0xd8: {  	[sflag:s0] =	ssyncpa.u1 @p0 $0x1  }
0xd9: {  	_ =	strace @p0 $0x90000047  }
0xda: {  	[bflag:$0x2] =	sbarrier.arrive @p0 $0xFFFF  }
0xdb: {  	_ =	shalt @p0  }
.LBB2_11:
0xdc: {  	_ =	sfence.stream.spmem;
	s0 =	simm.s32 $0x5  }
0xdd: {  	s2 =	simm.s32 $0x80;
	s3 =	simm.s32 $0xC0;
	[sflag:s0] =	ssyncpa.u1 $0x0  }
0xde: {  	[tilespmem:s3], [sflag:$0x5] =	stream.linear.gather [spmem:s2], $0x20, $0x38;
	[tilespmem:$0xF030] =	vst v63  }
0xdf: {  	s2 =	simm.s32 $0x0;
	s3 =	simm.s32 $0xE0  }
0xe0: {  	[tilespmem:s3], [sflag:$0x5] =	stream.linear.gather [spmem:s2], $0x20, $0x38;
	[tilespmem:$0xF030] =	vst v63  }
.Ltmp7:
0xe1: {  	_ = 	snop;
	(pc) =	sbr.rel .LBB2_12-.Ltmp7, $4  }
0xe2: {  	_ =	swait.ge [sflag:s0], $0x40  }
0xe3: {  	[sflag:s0] =	ssyncset.done $0x0  }
0xe4: {  	s31 =	simm.s32 $0x6;
	[sflag:s0] =	ssyncadd.s32 $0xFFFFFFC0  }
0xe5: {  	s4 =	simm.s32 $0x0;
	[sflag:s31] =	ssyncpa.u1 $0x0  }
.LBB2_17:
0xe6: {  	p0 =	sgt.u32 s5, $0x27FF  }
0xe7: {  	s0 =	sshrl.u32 @!p0 s5, $0x3  }
0xe8: {  	s5 =	sand.u32 @!p0 $0x7, s5;
	s6 =	simm.s32 @!p0 $0xB0;
	s0 =	sadd.s32 @!p0 s1, s0  }
0xe9: {  	[tilespmem:s6], [sflag:$0x6] =	stream.linear.gather @!p0 [hbm4b:s0+s5], $0x1, $0x38;
	[tilespmem:$0xF030] =	vst v63  }
0xea: {  	s0 =	simm.s32 @!p0 $0x6  }
0xeb: {  	_ =	swait.ge @!p0 [sflag:s0], $0x1  }
0xec: {  	[sflag:s0] =	ssyncset.done @!p0 $0x0  }
0xed: {  	[sflag:s0] =	ssyncadd.s32 @!p0 $0xFFFFFFFF  }
0xee: {  	v2 =	vmov @!p0 s4;
	v1 =	vld.msk @!p0 [tilespmem:$0xB0], $0x1;
	_ =	sdelay $0x3  }
0xef: {  	s0 =	simm.s32 @!p0 $0xE0  }
0xf0: {  	[tilespmem:v2+s0+$0x0], v1 =	vst.idx.ret.add.f32.msk @!p0 $0x1, v1  }
0xf1: {  	[tilespmem:s2+$0xC0] =	vst.msk $0x1, v0  }
0xf2: {  	v0 =	vld.msk [tilespmem:s4+$0xE0], $0x1;
	_ =	sdelay $0x4  }
0xf3: {  	[tilespmem:s2+$0xE0] =	vst.msk $0x1, v0;
	s2 =	sadd.s32 $0x1, s2  }
.LBB2_19:
0xf4: {  	s4 =	sadd.s32 $0x1, s4  }
0xf5: {  	p0 =	sne.s32 s4, $0x20  }
.Ltmp8:
0xf6: {  	_ = 	snop;
	(pc) =	sbr.rel @!p0 .LBB2_20-.Ltmp8, $1  }
0xf7: {  	_ =	sdelay $0x3  }
.LBB2_12:
0xf8: {  	v0 =	vld.msk [tilespmem:s4+$0xC0], $0x1;
	_ =	sdelay $0x4  }
0xf9: {  	(v2sf) =	vpush v0, $0x0;
	_ =	sdelay $0xe  }
0xfa: {  	s5 =	spop (v2sf)  }
0xfb: {  	p0 =	seq.s32 s5, $0xFFFFFFFF  }
.Ltmp9:
0xfc: {  	_ = 	snop;
	(pc) =	sbr.rel @p0 .LBB2_19-.Ltmp9, $1  }
0xfd: {  	_ =	sdelay $0x3  }
0xfe: {  	p0 =	slt.s32 s2, $0x1  }
.Ltmp10:
0xff: {  	_ = 	snop;
	(pc) =	sbr.rel @p0 .LBB2_17-.Ltmp10, $1  }
0x100: {  	_ =	sdelay $0x3  }
0x101: {  	s0 =	simm.s32 $0xC0;
	p0 =	por $0x0, $0x0  }
0x102: {  	v1 =	vld.msk @!p0 [tilespmem:s0+$0x0], $0x1;
	_ =	sdelay $0x4  }
0x103: {  	(v2sf) =	vpush @!p0 v1, $0x0;
	_ =	sdelay $0xd  }
0x104: {  	p2 =	sne.s32 s2, $0x1  }
.Ltmp11:
0x105: {  	s6 =	spop @!p0 (v2sf);
	(pc) =	sbr.rel @!p2 .LBB2_16-.Ltmp11, $4  }
0x106: {  	p1 =	seq.s32 @!p0 s5, s6  }
0x107: {  	s6 =	simm.s32 $0x0;
	p1 =	por !p1, p0  }
0x108: {  	s8 =	simm.s32 $0xFFFFFFFF;
	s6 =	simm.s32 @p1 $0xFFFFFFFF  }
0x109: {  	s7 =	simm.s32 $0x1;
	s6 =	smov.u32 @p0 s8  }
.LBB2_15:
0x10a: {  	s8 =	smov.u32 s6;
	p0 =	sne.s32 s6, $0xFFFFFFFF  }
0x10b: {  	s0 =	sadd.s32 $0x1, s0;
	s6 =	smov.u32 s7;
	s7 =	sadd.s32 $0x1, s7  }
0x10c: {  	p1 =	sne.s32 s2, s7;
	v1 =	vld.msk @!p0 [tilespmem:s0+$0x0], $0x1;
	_ =	sdelay $0x4  }
0x10d: {  	(v2sf) =	vpush @!p0 v1, $0x0;
	_ =	sdelay $0xe  }
.Ltmp12:
0x10e: {  	s9 =	spop @!p0 (v2sf);
	(pc) =	sbr.rel @p1 .LBB2_15-.Ltmp12, $4  }
0x10f: {  	p2 =	seq.s32 @!p0 s5, s9  }
0x110: {  	p2 =	por !p2, p0  }
0x111: {  	s6 =	simm.s32 @p2 $0xFFFFFFFF  }
0x112: {  	s6 =	smov.u32 @p0 s8  }
.LBB2_16:
0x113: {  	p0 =	sne.s32 s6, $0xFFFFFFFF  }
.Ltmp13:
0x114: {  	_ = 	snop;
	(pc) =	sbr.rel @!p0 .LBB2_17-.Ltmp13, $1  }
0x115: {  	_ =	sdelay $0x3  }
0x116: {  	v0 =	vld.msk [tilespmem:s4+$0xE0], $0x1;
	v1 =	vmov s6  }
.Ltmp14:
0x117: {  	_ = 	snop;
	(pc) =	sbr.rel .LBB2_19-.Ltmp14, $2  }
0x118: {  	_ =	sdelay $0x2  }
0x119: {  	[tilespmem:v1+s3+$0x0], v0 =	vst.idx.ret.add.f32.msk $0x1, v0  }
.LBB2_20:
0x11a: {  	p0 =	slt.s32 s2, $0x1  }
.Ltmp15:
0x11b: {  	_ = 	snop;
	(pc) =	sbr.rel @p0 .LBB2_24-.Ltmp15, $3  }
0x11c: {  	_ =	sdelay $0x1  }
0x11d: {  	s0 =	simm.s32 $0x6  }
0x11e: {  	s3 =	simm.s32 $0x0;
	[sflag:s0] =	ssyncpa.u1 $0x1  }
0x11f: {  	s0 =	simm.s32 $0xC0  }
0x120: {  	v0 =	vld.msk [tilespmem:s0+$0x0], $0x1;
	_ =	sdelay $0x4  }
0x121: {  	(v2sf) =	vpush v0, $0x0;
	_ =	sdelay $0xe  }
0x122: {  	s2 =	sadd.s32 $0xFFFFFFFF, s2;
	s4 =	spop (v2sf)  }
0x123: {  	p1 =	sne.s32 s2, $0x0;
	p0 =	sgt.u32 s4, $0x27FF  }
.Ltmp16:
0x124: {  	s5 =	sshrl.u32 @!p0 s4, $0x3;
	(pc) =	sbr.rel @!p1 .LBB2_23-.Ltmp16, $4  }
0x125: {  	s0 =	simm.s32 $0xE0;
	s4 =	sand.u32 @!p0 $0x7, s4;
	s5 =	sadd.s32 @!p0 s1, s5  }
0x126: {  	[hbm4b:s5+s4] =	stream.linear.scatter @!p0 [tilespmem:s0], [sflag:$0x5], $0x1, $0x38;
	[tilespmem:$0xF030] =	vst v63  }
0x127: {  	s5 =	simm.s32 $0x0  }
0x128: {  	s4 =	simm.s32 $0xC1;
	s5 =	simm.s32 @!p0 $0x4  }
.LBB2_22:
0x129: {  	v0 =	vld.msk [tilespmem:s4+$0x0], $0x1;
	s2 =	sadd.s32 $0xFFFFFFFF, s2;
	s3 =	sadd.s32 s3, s5  }
0x12a: {  	p0 =	sne.s32 s2, $0x0;
	_ =	sdelay $0x3  }
0x12b: {  	(v2sf) =	vpush v0, $0x0;
	_ =	sdelay $0xe  }
.Ltmp17:
0x12c: {  	s6 =	spop (v2sf);
	(pc) =	sbr.rel @p0 .LBB2_22-.Ltmp17, $4  }
0x12d: {  	s5 =	simm.s32 $0x0;
	p1 =	sgt.u32 s6, $0x27FF  }
0x12e: {  	s0 =	sadd.s32 $0x1, s0;
	s5 =	simm.s32 @!p1 $0x4;
	s7 =	sshrl.u32 @!p1 s6, $0x3  }
0x12f: {  	s4 =	sadd.s32 $0x1, s4;
	s6 =	sand.u32 @!p1 $0x7, s6;
	s7 =	sadd.s32 @!p1 s1, s7  }
0x130: {  	[hbm4b:s7+s6] =	stream.linear.scatter @!p1 [tilespmem:s0], [sflag:$0x5], $0x1, $0x38;
	[tilespmem:$0xF030] =	vst v63  }
.LBB2_23:
0x131: {  	s0 =	sadd.s32 s3, s5  }
0x132: {  	s3 =	sshrl.u32 s0, $0x2  }
.LBB2_24:
0x133: {  	s0 =	simm.s32 $0x5  }
0x134: {  	_ =	swait.ge [sflag:s0], s3  }
0x135: {  	s1 =	ssub.s32 $0x0, s3;
	[sflag:s0] =	ssyncset.done $0x0  }
0x136: {  	[sflag:s0] =	ssyncadd.s32 s1  }
0x137: {  	[sflag:s0] =	ssyncpa.u1 $0x1  }
0x138: {  	s29 =	simm.s32 $0x1;
	_ =	sfence  }
0x139: {  	s30 =	simm.s32 $0x2;
	[sflag:s29] =	ssyncpa.u1 $0x1  }
0x13a: {  	[sflag:s30] =	ssyncpa.u1 $0x1  }
0x13b: {  	_ =	strace $0x90000047  }
0x13c: {  	[bflag:$0x2] =	sbarrier.arrive $0xFFFF  }
0x13d: {  	s31 =	rddreg [dreg:$0x1]  }
0x13e: {  	s0 =	sadd.s32 $0x100000, s31  }
0x13f: {  	[sflag:s0] =	ssyncadd.tile.s32 $0x1;
	_ =	shalt  }
.Lfunc_end2:
_tile_overlayer_lowered:
.L_overlay_start_2:
0x140: {  	(tag) =	ssettag $0x2  }
0x141: {  	s0 =	rddreg [dreg:$0x0];
	s2 =	stileid.u32  }
0x142: {  	s1 =	rddreg [dreg:$0x1];
	p0 =	sne.s32 s2, $0x0  }
0x143: {  	s3 =	rddreg [dreg:$0x2];
	[bflag:$0x3] =	sbarrier.arrive $0xFFFF;
	s2 =	simm.s32 @!p0 $0x1C01  }
0x144: {  	[timem:s3], [sflag:s2] =	dma.local @!p0 [hbm:s0], s1  }
0x145: {  	s0 =	simm.s32 @!p0 $0x1  }
0x146: {  	_ =	swait.ge @!p0 [sflag:s0], s1  }
0x147: {  	s1 =	ssub.s32 @!p0 $0x0, s1;
	[sflag:s0] =	ssyncset.done @!p0 $0x0  }
0x148: {  	[sflag:s0] =	ssyncadd.s32 @!p0 s1  }
0x149: {  	[bflag:$0x3] =	sbarrier.arrive $0xFFFF  }
0x14a: {  	_ =	shalt  }

</sc_bundles>
